<compile_context>
chip_gen: v7x
topology: tpu7x:2x2x1
jax: 0.10.2.dev20260603
libtpu: 0.0.44.dev20260713+nightly
codegen_flags: <defaults>
</compile_context>

<pallas_src>
import functools

import jax
import jax.numpy as jnp
from jax import lax
from jax.experimental import pallas as pl
from jax.experimental.pallas import tpu as pltpu
from jax.experimental.pallas import tpu_sc as plsc

N_TOTAL = 6400000
NUM_SEG = 100000
LANES = 128
BLK = 20000
NBLK = N_TOTAL // BLK
NWORK = 32
KPER = NBLK // NWORK
W = 16384
WCH = 1024
SPAD = 116736
SEG_SLICE = SPAD // 16


def _sc_segment_partials(data, ids):
    mesh = plsc.VectorSubcoreMesh(core_axis_name="c", subcore_axis_name="s")

    @functools.partial(
        pl.kernel,
        out_type=jax.ShapeDtypeStruct((2, SPAD), jnp.float32),
        mesh=mesh,
        compiler_params=pltpu.CompilerParams(needs_layout_passes=False),
        scratch_types=[
            pltpu.VMEM((BLK,), jnp.float32),
            pltpu.VMEM((BLK,), jnp.float32),
            pltpu.VMEM((BLK,), jnp.int32),
            pltpu.VMEM((BLK,), jnp.int32),
            pltpu.VMEM((W,), jnp.float32),
            pltpu.VMEM((WCH,), jnp.int32),
            pltpu.VMEM_SHARED((SPAD,), jnp.float32),
            pltpu.SemaphoreType.DMA,
            pltpu.SemaphoreType.DMA,
        ],
    )
    def k(data_hbm, ids_hbm, out_hbm, dbuf0, dbuf1, ibuf0, ibuf1, lacc,
          ixbuf, sacc, sem0, sem1):
        c = lax.axis_index("c")
        s = lax.axis_index("s")
        w = c * 16 + s
        zero16 = jnp.zeros((16,), jnp.float32)
        iota16 = lax.iota(jnp.int32, 16)
        shift = jnp.minimum(iota16 + 1, 15)
        dbufs = (dbuf0, dbuf1)
        ibufs = (ibuf0, ibuf1)
        sems = (sem0, sem1)

        def issue_loads(kk):
            e0 = pl.multiple_of((w * KPER + kk) * BLK, 16)
            p = kk % 2
            pltpu.async_copy(data_hbm.at[pl.ds(e0, BLK)], dbufs[p], sems[p])
            pltpu.async_copy(ids_hbm.at[pl.ds(e0, BLK)], ibufs[p], sems[p])

        issue_loads(0)

        @plsc.parallel_loop(0, W // 16, unroll=8)
        def _(i):
            lacc[pl.ds(pl.multiple_of(i * 16, 16), 16)] = zero16

        pltpu.sync_copy(
            lacc.at[pl.ds(0, SEG_SLICE)],
            sacc.at[pl.ds(s * SEG_SLICE, SEG_SLICE)],
        )
        plsc.subcore_barrier()

        base = jnp.int32(0)
        last = jnp.int32(0)
        for kk in range(KPER):
            p = kk % 2
            dbuf, ibuf, sem = dbufs[p], ibufs[p], sems[p]
            pltpu.make_async_copy(
                data_hbm.at[pl.ds(0, BLK)], dbuf, sem
            ).wait()
            pltpu.make_async_copy(
                ids_hbm.at[pl.ds(0, BLK)], ibuf, sem
            ).wait()
            if kk + 1 < KPER:
                issue_loads(kk + 1)

            first = ibuf[pl.ds(0, 16)][0]
            last = ibuf[pl.ds(BLK - 16, 16)][15]
            if kk == 0:
                base = first
            fast = (last - base) < W
            base_ = base

            @pl.when(fast)
            def _():
                @plsc.parallel_loop(0, BLK // 16, unroll=6)
                def _(j):
                    j16 = pl.multiple_of(j * 16, 16)
                    dv = dbuf[pl.ds(j16, 16)]
                    iv = ibuf[pl.ds(j16, 16)]
                    pv = plsc.cumsum(dv)
                    ivs = iv - base_
                    ivn = ivs.at[shift].get(mode="promise_in_bounds")
                    change = ivs != ivn
                    m_end = change | (iota16 == 15)
                    plsc.addupdate_scatter(lacc, [ivs], pv, mask=m_end)
                    plsc.addupdate_scatter(lacc, [ivn], -pv, mask=change)

            @pl.when(jnp.logical_not(fast))
            def _():
                pltpu.sync_copy(dbuf, sacc.at[ibuf], add=True)

        span = last - base

        for ch in range(W // WCH):

            @pl.when(ch * WCH <= span)
            def _():
                @plsc.parallel_loop(0, WCH // 16, unroll=8)
                def _(i):
                    i16 = pl.multiple_of(i * 16, 16)
                    ixbuf[pl.ds(i16, 16)] = iota16 + (
                        base + ch * WCH + i * 16
                    )

                pltpu.sync_copy(
                    lacc.at[pl.ds(ch * WCH, WCH)], sacc.at[ixbuf], add=True
                )

        plsc.subcore_barrier()

        pltpu.sync_copy(
            sacc.at[pl.ds(s * SEG_SLICE, SEG_SLICE)],
            out_hbm.at[c, pl.ds(s * SEG_SLICE, SEG_SLICE)],
        )

    return k(data, ids)


def _tc_combine(partials):
    def body(x_ref, o_ref):
        o_ref[...] = x_ref[0, :NUM_SEG] + x_ref[1, :NUM_SEG]

    return pl.pallas_call(
        body,
        out_shape=jax.ShapeDtypeStruct((NUM_SEG,), jnp.float32),
    )(partials)


def kernel(data, segment_ids, num_segments):
    partials = _sc_segment_partials(data, segment_ids)
    return _tc_combine(partials)

# --- scband reference (transcript-rebuilt; emitter-appended) ---
"""Pipeline reference for scband-tensor-board-4423816315108 (READ-ONLY COPY).

The authoritative reference and input builder live on the scoring server;
editing this copy changes nothing except your own understanding.
"""

import jax, jax.numpy as jnp
import numpy as np

# Models the super-ko group-delta kernel inside TensorBoard._filter_super_ko_vectorized:
# per-stone Zobrist deltas are combined with an inclusive prefix scan, and per-group
# (CSR segment) values are extracted as prefix[end] (-) prefix[start]. The original uses
# XOR on int32 hashes; here the identical scan+CSR-boundary-diff structure is expressed
# over float data so the kernel is a standard differentiable segment reduce.

N = 6400000
S = 100000

def setup_inputs(seed: int = 0) -> dict:
    key = jax.random.key(seed)
    k1, k2 = jax.random.split(key)
    data = jax.random.normal(k1, (N,), dtype=jnp.float32)
    segment_ids = jnp.sort(jax.random.randint(k2, (N,), 0, S, dtype=jnp.int32))
    return {"data": data, "segment_ids": segment_ids, "num_segments": S}

def reference(data, segment_ids, num_segments):
    # build CSR pointers from sorted segment ids (mirrors stone_global_pointer)
    counts = jnp.bincount(segment_ids, length=S)
    ptr = jnp.concatenate([jnp.zeros((1,), counts.dtype), jnp.cumsum(counts)])
    ptr = ptr + (jnp.asarray(num_segments, ptr.dtype) * 0)
    # inclusive prefix scan over per-stone deltas (mirrors the log-step XOR prefix loop)
    prefix = jnp.concatenate([jnp.zeros((1,), data.dtype), jnp.cumsum(data)])
    # per-group delta = prefix[end_pos] combine-inverse prefix[start_pos-1]
    group_vals = prefix[ptr[1:]] - prefix[ptr[:-1]]
    return group_vals

if __name__ == "__main__":
    import jax
    _d = setup_inputs()
    print(jax.jit(kernel)(*tuple(_d.values())))

</pallas_src>

<mosaic_0001>
#map = affine_map<(d0, d1) -> (0)>
#map1 = affine_map<(d0, d1) -> (0, 0)>
module attributes {stable_mosaic.version = 14 : i64} {
  func.func @k(%arg0: i32, %arg1: i32, %arg2: memref<6400000xf32, #tpu.memory_space<hbm>>, %arg3: memref<6400000xi32, #tpu.memory_space<hbm>>, %arg4: memref<2x116736xf32, #tpu.memory_space<hbm>>, %arg5: memref<20000xf32, #tpu.memory_space<vmem>>, %arg6: memref<20000xf32, #tpu.memory_space<vmem>>, %arg7: memref<20000xi32, #tpu.memory_space<vmem>>, %arg8: memref<20000xi32, #tpu.memory_space<vmem>>, %arg9: memref<16384xf32, #tpu.memory_space<vmem>>, %arg10: memref<1024xi32, #tpu.memory_space<vmem>>, %arg11: memref<116736xf32, #tpu.memory_space<vmem_shared>>, %arg12: memref<!tpu.dma_semaphore, #tpu.memory_space<semaphore_mem>>, %arg13: memref<!tpu.dma_semaphore, #tpu.memory_space<semaphore_mem>>) attributes {dimension_semantics = [#tpu.dimension_semantics<core_parallel>, #tpu.dimension_semantics<subcore_parallel>], iteration_bounds = array<i64: 2, 16>, scalar_prefetch = 0 : i64, scratch_operands = 9 : i64, tpu.core_type = #tpu.core_type<sc_vector_subcore>, window_params = [{transform_indices = #map}, {transform_indices = #map}, {transform_indices = #map1}]} {
    %mul3A = arith.constant 16 : i32
    %mul3A_0 = arith.muli %arg0, %mul3A : i32
    %add3A = arith.addi %mul3A_0, %arg1 : i32
    %broadcast_in_dim3A = arith.constant 0.000000e+00 : f32
    %broadcast_in_dim3A_1 = vector.broadcast %broadcast_in_dim3A : f32 to vector<16xf32>
    %iota3A = tpu.iota {dimensions = array<i32: 0>} : vector<16xi32>
    %add3A_2 = arith.constant 1 : i32
    %add3A_3 = vector.broadcast %add3A_2 : i32 to vector<16xi32>
    %add3A_4 = arith.addi %iota3A, %add3A_3 : vector<16xi32>
    %min3A = arith.constant 15 : i32
    %min3A_5 = vector.broadcast %min3A : i32 to vector<16xi32>
    %min3A_6 = arith.minsi %add3A_4, %min3A_5 : vector<16xi32>
    %mul3A_7 = arith.constant 10 : i32
    %mul3A_8 = arith.muli %add3A, %mul3A_7 : i32
    %add3A_9 = arith.constant 0 : i32
    %add3A_10 = arith.addi %mul3A_8, %add3A_9 : i32
    %mul3A_11 = arith.constant 20000 : i32
    %mul3A_12 = arith.muli %add3A_10, %mul3A_11 : i32
    %multiple_of3A = tpu.assume_multiple %mul3A_12, 16 : i32
    %dma_start3A = tpu.memref_slice %arg2[%multiple_of3A] : memref<6400000xf32, #tpu.memory_space<hbm>> -> memref<20000xf32, #tpu.memory_space<hbm>>
    %dma_start3A_13 = tpu.memref_slice %arg2[%multiple_of3A] : memref<6400000xf32, #tpu.memory_space<hbm>> -> memref<20000xf32, #tpu.memory_space<hbm>>
    tpu.enqueue_dma source(%dma_start3A_13 : memref<20000xf32, #tpu.memory_space<hbm>>) target(%arg5 : memref<20000xf32, #tpu.memory_space<vmem>>) target_semaphore(%arg12 : memref<!tpu.dma_semaphore, #tpu.memory_space<semaphore_mem>>)
    %dma_start3A_14 = tpu.memref_slice %arg3[%multiple_of3A] : memref<6400000xi32, #tpu.memory_space<hbm>> -> memref<20000xi32, #tpu.memory_space<hbm>>
    %dma_start3A_15 = tpu.memref_slice %arg3[%multiple_of3A] : memref<6400000xi32, #tpu.memory_space<hbm>> -> memref<20000xi32, #tpu.memory_space<hbm>>
    tpu.enqueue_dma source(%dma_start3A_15 : memref<20000xi32, #tpu.memory_space<hbm>>) target(%arg7 : memref<20000xi32, #tpu.memory_space<vmem>>) target_semaphore(%arg12 : memref<!tpu.dma_semaphore, #tpu.memory_space<semaphore_mem>>)
    %parallel_loop3A = arith.constant 0 : i32
    %parallel_loop3A_16 = arith.constant 1024 : i32
    %parallel_loop3A_17 = arith.constant 1 : i32
    scf.for %parallel_loop3A_465 = %parallel_loop3A to %parallel_loop3A_16 step %parallel_loop3A_17  : i32 {
      %parallel_loop3A_466 = arith.constant 16 : i32
      %parallel_loop3A_467 = arith.muli %parallel_loop3A_465, %parallel_loop3A_466 : i32
      %parallel_loop3A_468 = tpu.assume_multiple %parallel_loop3A_467, 16 : i32
      %parallel_loop3A_469 = arith.index_cast %parallel_loop3A_468 : i32 to index
      %parallel_loop3A_470 = tpu.vector_load %arg9[%parallel_loop3A_469] {strides = array<i32>} : memref<16384xf32, #tpu.memory_space<vmem>>, vector<16xf32>,
      tpu.vector_store %arg9[%parallel_loop3A_469], %broadcast_in_dim3A_1 {strides = array<i32>} : memref<16384xf32, #tpu.memory_space<vmem>>, vector<16xf32>,
    } {sc.loop_unroll_factor = 8 : i64, sc.parallel_access}
    %mul3A_18 = arith.constant 7296 : i32
    %mul3A_19 = arith.muli %arg1, %mul3A_18 : i32
    "tpu.region"() ({
      %run_scoped3A = tpu.sem_alloc : memref<!tpu.dma_semaphore, #tpu.memory_space<semaphore_mem>>
      %dma_start3A_465 = arith.constant 0 : i32
      %dma_start3A_466 = tpu.memref_slice %arg9[%dma_start3A_465] : memref<16384xf32, #tpu.memory_space<vmem>> -> memref<7296xf32, #tpu.memory_space<vmem>>
      %dma_start3A_467 = tpu.memref_slice %arg11[%mul3A_19] : memref<116736xf32, #tpu.memory_space<vmem_shared>> -> memref<7296xf32, #tpu.memory_space<vmem_shared>>
      %dma_start3A_468 = tpu.memref_slice %arg11[%mul3A_19] : memref<116736xf32, #tpu.memory_space<vmem_shared>> -> memref<7296xf32, #tpu.memory_space<vmem_shared>>
      %dma_start3A_469 = arith.constant 0 : i32
      %dma_start3A_470 = tpu.memref_slice %arg9[%dma_start3A_469] : memref<16384xf32, #tpu.memory_space<vmem>> -> memref<7296xf32, #tpu.memory_space<vmem>>
      tpu.enqueue_dma source(%dma_start3A_470 : memref<7296xf32, #tpu.memory_space<vmem>>) target(%dma_start3A_468 : memref<7296xf32, #tpu.memory_space<vmem_shared>>) target_semaphore(%run_scoped3A : memref<!tpu.dma_semaphore, #tpu.memory_space<semaphore_mem>>)
      %dma_wait3A_471 = arith.constant 0 : i32
      %dma_wait3A_472 = tpu.memref_slice %arg9[%dma_wait3A_471] : memref<16384xf32, #tpu.memory_space<vmem>> -> memref<7296xf32, #tpu.memory_space<vmem>>
      %dma_wait3A_473 = tpu.memref_slice %arg11[%mul3A_19] : memref<116736xf32, #tpu.memory_space<vmem_shared>> -> memref<7296xf32, #tpu.memory_space<vmem_shared>>
      %dma_wait3A_474 = tpu.memref_slice %arg11[%mul3A_19] : memref<116736xf32, #tpu.memory_space<vmem_shared>> -> memref<7296xf32, #tpu.memory_space<vmem_shared>>
      %dma_wait3A_475 = arith.constant 0 : i32
      %dma_wait3A_476 = tpu.memref_slice %arg9[%dma_wait3A_475] : memref<16384xf32, #tpu.memory_space<vmem>> -> memref<7296xf32, #tpu.memory_space<vmem>>
      tpu.wait_dma2 semaphore(%run_scoped3A : memref<!tpu.dma_semaphore, #tpu.memory_space<semaphore_mem>>) src(%dma_wait3A_476 : memref<7296xf32, #tpu.memory_space<vmem>>) dst(%dma_wait3A_474 : memref<7296xf32, #tpu.memory_space<vmem_shared>>)
      tpu.yield
    }) : () -> ()
    %barrier3A = arith.constant 0 : index
    tpu.barrier barrier_id(%barrier3A)
    %dma_wait3A = arith.constant 0 : i32
    %dma_wait3A_20 = tpu.memref_slice %arg2[%dma_wait3A] : memref<6400000xf32, #tpu.memory_space<hbm>> -> memref<20000xf32, #tpu.memory_space<hbm>>
    %dma_wait3A_21 = arith.constant 0 : i32
    %dma_wait3A_22 = tpu.memref_slice %arg2[%dma_wait3A_21] : memref<6400000xf32, #tpu.memory_space<hbm>> -> memref<20000xf32, #tpu.memory_space<hbm>>
    tpu.wait_dma2 semaphore(%arg12 : memref<!tpu.dma_semaphore, #tpu.memory_space<semaphore_mem>>) src(%dma_wait3A_22 : memref<20000xf32, #tpu.memory_space<hbm>>) dst(%arg5 : memref<20000xf32, #tpu.memory_space<vmem>>)
    %dma_wait3A_23 = arith.constant 0 : i32
    %dma_wait3A_24 = tpu.memref_slice %arg3[%dma_wait3A_23] : memref<6400000xi32, #tpu.memory_space<hbm>> -> memref<20000xi32, #tpu.memory_space<hbm>>
    %dma_wait3A_25 = arith.constant 0 : i32
    %dma_wait3A_26 = tpu.memref_slice %arg3[%dma_wait3A_25] : memref<6400000xi32, #tpu.memory_space<hbm>> -> memref<20000xi32, #tpu.memory_space<hbm>>
    tpu.wait_dma2 semaphore(%arg12 : memref<!tpu.dma_semaphore, #tpu.memory_space<semaphore_mem>>) src(%dma_wait3A_26 : memref<20000xi32, #tpu.memory_space<hbm>>) dst(%arg7 : memref<20000xi32, #tpu.memory_space<vmem>>)
    %mul3A_27 = arith.constant 10 : i32
    %mul3A_28 = arith.muli %add3A, %mul3A_27 : i32
    %add3A_29 = arith.constant 1 : i32
    %add3A_30 = arith.addi %mul3A_28, %add3A_29 : i32
    %mul3A_31 = arith.constant 20000 : i32
    %mul3A_32 = arith.muli %add3A_30, %mul3A_31 : i32
    %multiple_of3A_33 = tpu.assume_multiple %mul3A_32, 16 : i32
    %dma_start3A_34 = tpu.memref_slice %arg2[%multiple_of3A_33] : memref<6400000xf32, #tpu.memory_space<hbm>> -> memref<20000xf32, #tpu.memory_space<hbm>>
    %dma_start3A_35 = tpu.memref_slice %arg2[%multiple_of3A_33] : memref<6400000xf32, #tpu.memory_space<hbm>> -> memref<20000xf32, #tpu.memory_space<hbm>>
    tpu.enqueue_dma source(%dma_start3A_35 : memref<20000xf32, #tpu.memory_space<hbm>>) target(%arg6 : memref<20000xf32, #tpu.memory_space<vmem>>) target_semaphore(%arg13 : memref<!tpu.dma_semaphore, #tpu.memory_space<semaphore_mem>>)
    %dma_start3A_36 = tpu.memref_slice %arg3[%multiple_of3A_33] : memref<6400000xi32, #tpu.memory_space<hbm>> -> memref<20000xi32, #tpu.memory_space<hbm>>
    %dma_start3A_37 = tpu.memref_slice %arg3[%multiple_of3A_33] : memref<6400000xi32, #tpu.memory_space<hbm>> -> memref<20000xi32, #tpu.memory_space<hbm>>
    tpu.enqueue_dma source(%dma_start3A_37 : memref<20000xi32, #tpu.memory_space<hbm>>) target(%arg8 : memref<20000xi32, #tpu.memory_space<vmem>>) target_semaphore(%arg13 : memref<!tpu.dma_semaphore, #tpu.memory_space<semaphore_mem>>)
    %get3A = arith.constant 0 : index
    %get3A_38 = tpu.vector_load %arg7[%get3A] {strides = array<i32>} : memref<20000xi32, #tpu.memory_space<vmem>>, vector<16xi32>,
    %slice3A = vector.extract_strided_slice %get3A_38 {offsets = [0], sizes = [1], strides = [1]} : vector<16xi32> to vector<1xi32>
    %squeeze3A = vector.extract %slice3A[0] : i32 from vector<1xi32>
    %get3A_39 = arith.constant 19984 : index
    %get3A_40 = tpu.vector_load %arg7[%get3A_39] {strides = array<i32>} : memref<20000xi32, #tpu.memory_space<vmem>>, vector<16xi32>,
    %slice3A_41 = vector.extract_strided_slice %get3A_40 {offsets = [15], sizes = [1], strides = [1]} : vector<16xi32> to vector<1xi32>
    %squeeze3A_42 = vector.extract %slice3A_41[0] : i32 from vector<1xi32>
    %sub3A = arith.subi %squeeze3A_42, %squeeze3A : i32
    %lt3A = arith.constant 16384 : i32
    %lt3A_43 = arith.cmpi slt, %sub3A, %lt3A : i32
    %convert_element_type3A = arith.extui %lt3A_43 : i1 to i32
    %cond3A = arith.constant 0 : i32
    %cond3A_44 = arith.cmpi ne, %convert_element_type3A, %cond3A : i32
    scf.if %cond3A_44 {
      %parallel_loop3A_465 = arith.constant 0 : i32
      %parallel_loop3A_466 = arith.constant 1250 : i32
      %parallel_loop3A_467 = arith.constant 1 : i32
      scf.for %parallel_loop3A_468 = %parallel_loop3A_465 to %parallel_loop3A_466 step %parallel_loop3A_467  : i32 {
        %parallel_loop3A_469 = arith.constant 16 : i32
        %parallel_loop3A_470 = arith.muli %parallel_loop3A_468, %parallel_loop3A_469 : i32
        %parallel_loop3A_471 = tpu.assume_multiple %parallel_loop3A_470, 16 : i32
        %parallel_loop3A_472 = arith.index_cast %parallel_loop3A_471 : i32 to index
        %parallel_loop3A_473 = tpu.vector_load %arg5[%parallel_loop3A_472] {strides = array<i32>} : memref<20000xf32, #tpu.memory_space<vmem>>, vector<16xf32>,
        %parallel_loop3A_474 = arith.index_cast %parallel_loop3A_471 : i32 to index
        %parallel_loop3A_475 = tpu.vector_load %arg7[%parallel_loop3A_474] {strides = array<i32>} : memref<20000xi32, #tpu.memory_space<vmem>>, vector<16xi32>,
        %parallel_loop3A_476 = arith.constant true
        %parallel_loop3A_477 = vector.broadcast %parallel_loop3A_476 : i1 to vector<16xi1>
        %parallel_loop3A_478 = tpu.scan <sum>, %parallel_loop3A_473 masked %parallel_loop3A_477 : vector<16xf32>, vector<16xi1> -> vector<16xf32>
        %parallel_loop3A_479 = vector.broadcast %squeeze3A : i32 to vector<16xi32>
        %parallel_loop3A_480 = arith.subi %parallel_loop3A_475, %parallel_loop3A_479 : vector<16xi32>
        %parallel_loop3A_481 = arith.constant 0 : i32
        %parallel_loop3A_482 = vector.broadcast %parallel_loop3A_481 : i32 to vector<16xi32>
        %parallel_loop3A_483 = arith.cmpi slt, %min3A_6, %parallel_loop3A_482 : vector<16xi32>
        %parallel_loop3A_484 = arith.constant 16 : i32
        %parallel_loop3A_485 = vector.broadcast %parallel_loop3A_484 : i32 to vector<16xi32>
        %parallel_loop3A_486 = arith.addi %min3A_6, %parallel_loop3A_485 : vector<16xi32>
        %parallel_loop3A_487 = arith.select %parallel_loop3A_483, %parallel_loop3A_486, %min3A_6 : vector<16xi1>, vector<16xi32>
        %parallel_loop3A_488 = vector.shape_cast %parallel_loop3A_487 : vector<16xi32> to vector<16x1xi32>
        %parallel_loop3A_489 = vector.shape_cast %parallel_loop3A_488 : vector<16x1xi32> to vector<16xi32>
        %parallel_loop3A_490 = tpu.dynamic_gather %parallel_loop3A_480[%parallel_loop3A_489] in [0] : vector<16xi32>, vector<16xi32> -> vector<16xi32>
        %parallel_loop3A_491 = arith.cmpi ne, %parallel_loop3A_480, %parallel_loop3A_490 : vector<16xi32>
        %parallel_loop3A_492 = arith.constant 15 : i32
        %parallel_loop3A_493 = vector.broadcast %parallel_loop3A_492 : i32 to vector<16xi32>
        %parallel_loop3A_494 = arith.cmpi eq, %iota3A, %parallel_loop3A_493 : vector<16xi32>
        %parallel_loop3A_495 = arith.ori %parallel_loop3A_491, %parallel_loop3A_494 : vector<16xi1>
        tpu.vector_store_idx %arg9[%parallel_loop3A_480], %parallel_loop3A_478 masked %parallel_loop3A_495 {add = true} : memref<16384xf32, #tpu.memory_space<vmem>>[vector<16xi32>], vector<16xf32>, vector<16xi1>
        %parallel_loop3A_496 = arith.constant 0.000000e+00 : f32
        %parallel_loop3A_497 = vector.broadcast %parallel_loop3A_496 : f32 to vector<16xf32>
        %parallel_loop3A_498 = arith.subf %parallel_loop3A_497, %parallel_loop3A_478 : vector<16xf32>
        tpu.vector_store_idx %arg9[%parallel_loop3A_490], %parallel_loop3A_498 masked %parallel_loop3A_491 {add = true} : memref<16384xf32, #tpu.memory_space<vmem>>[vector<16xi32>], vector<16xf32>, vector<16xi1>
      } {sc.loop_unroll_factor = 6 : i64, sc.parallel_access}
    } else {
    }
    %not3A = arith.constant true
    %not3A_45 = arith.xori %lt3A_43, %not3A : i1
    %convert_element_type3A_46 = arith.extui %not3A_45 : i1 to i32
    %cond3A_47 = arith.constant 0 : i32
    %cond3A_48 = arith.cmpi ne, %convert_element_type3A_46, %cond3A_47 : i32
    scf.if %cond3A_48 {
      "tpu.region"() ({
        %run_scoped3A = tpu.sem_alloc : memref<!tpu.dma_semaphore, #tpu.memory_space<semaphore_mem>>
        %dma_start3A_465 = arith.constant 0 : i32
        %dma_start3A_466 = tpu.memref_slice %arg11[%dma_start3A_465] : memref<116736xf32, #tpu.memory_space<vmem_shared>> -> memref<116736xf32, #tpu.memory_space<vmem_shared>>
        tpu.enqueue_indirect_dma source(%arg5 : memref<20000xf32, #tpu.memory_space<vmem>>) target(%dma_start3A_466 : memref<116736xf32, #tpu.memory_space<vmem_shared>>) offsets(%arg7 : memref<20000xi32, #tpu.memory_space<vmem>>) semaphore(%run_scoped3A : memref<!tpu.dma_semaphore, #tpu.memory_space<semaphore_mem>>) {add = true}
        %dma_wait3A_467 = arith.constant 0 : i32
        %dma_wait3A_468 = tpu.memref_slice %arg11[%dma_wait3A_467] : memref<116736xf32, #tpu.memory_space<vmem_shared>> -> memref<116736xf32, #tpu.memory_space<vmem_shared>>
        tpu.wait_indirect_dma semaphore(%run_scoped3A : memref<!tpu.dma_semaphore, #tpu.memory_space<semaphore_mem>>) src(%arg5 : memref<20000xf32, #tpu.memory_space<vmem>>) dst(%dma_wait3A_468 : memref<116736xf32, #tpu.memory_space<vmem_shared>>)
        tpu.yield
      }) : () -> ()
    } else {
    }
    %dma_wait3A_49 = arith.constant 0 : i32
    %dma_wait3A_50 = tpu.memref_slice %arg2[%dma_wait3A_49] : memref<6400000xf32, #tpu.memory_space<hbm>> -> memref<20000xf32, #tpu.memory_space<hbm>>
    %dma_wait3A_51 = arith.constant 0 : i32
    %dma_wait3A_52 = tpu.memref_slice %arg2[%dma_wait3A_51] : memref<6400000xf32, #tpu.memory_space<hbm>> -> memref<20000xf32, #tpu.memory_space<hbm>>
    tpu.wait_dma2 semaphore(%arg13 : memref<!tpu.dma_semaphore, #tpu.memory_space<semaphore_mem>>) src(%dma_wait3A_52 : memref<20000xf32, #tpu.memory_space<hbm>>) dst(%arg6 : memref<20000xf32, #tpu.memory_space<vmem>>)
    %dma_wait3A_53 = arith.constant 0 : i32
    %dma_wait3A_54 = tpu.memref_slice %arg3[%dma_wait3A_53] : memref<6400000xi32, #tpu.memory_space<hbm>> -> memref<20000xi32, #tpu.memory_space<hbm>>
    %dma_wait3A_55 = arith.constant 0 : i32
    %dma_wait3A_56 = tpu.memref_slice %arg3[%dma_wait3A_55] : memref<6400000xi32, #tpu.memory_space<hbm>> -> memref<20000xi32, #tpu.memory_space<hbm>>
    tpu.wait_dma2 semaphore(%arg13 : memref<!tpu.dma_semaphore, #tpu.memory_space<semaphore_mem>>) src(%dma_wait3A_56 : memref<20000xi32, #tpu.memory_space<hbm>>) dst(%arg8 : memref<20000xi32, #tpu.memory_space<vmem>>)
    %mul3A_57 = arith.constant 10 : i32
    %mul3A_58 = arith.muli %add3A, %mul3A_57 : i32
    %add3A_59 = arith.constant 2 : i32
    %add3A_60 = arith.addi %mul3A_58, %add3A_59 : i32
    %mul3A_61 = arith.constant 20000 : i32
    %mul3A_62 = arith.muli %add3A_60, %mul3A_61 : i32
    %multiple_of3A_63 = tpu.assume_multiple %mul3A_62, 16 : i32
    %dma_start3A_64 = tpu.memref_slice %arg2[%multiple_of3A_63] : memref<6400000xf32, #tpu.memory_space<hbm>> -> memref<20000xf32, #tpu.memory_space<hbm>>
    %dma_start3A_65 = tpu.memref_slice %arg2[%multiple_of3A_63] : memref<6400000xf32, #tpu.memory_space<hbm>> -> memref<20000xf32, #tpu.memory_space<hbm>>
    tpu.enqueue_dma source(%dma_start3A_65 : memref<20000xf32, #tpu.memory_space<hbm>>) target(%arg5 : memref<20000xf32, #tpu.memory_space<vmem>>) target_semaphore(%arg12 : memref<!tpu.dma_semaphore, #tpu.memory_space<semaphore_mem>>)
    %dma_start3A_66 = tpu.memref_slice %arg3[%multiple_of3A_63] : memref<6400000xi32, #tpu.memory_space<hbm>> -> memref<20000xi32, #tpu.memory_space<hbm>>
    %dma_start3A_67 = tpu.memref_slice %arg3[%multiple_of3A_63] : memref<6400000xi32, #tpu.memory_space<hbm>> -> memref<20000xi32, #tpu.memory_space<hbm>>
    tpu.enqueue_dma source(%dma_start3A_67 : memref<20000xi32, #tpu.memory_space<hbm>>) target(%arg7 : memref<20000xi32, #tpu.memory_space<vmem>>) target_semaphore(%arg12 : memref<!tpu.dma_semaphore, #tpu.memory_space<semaphore_mem>>)
    %get3A_68 = arith.constant 0 : index
    %get3A_69 = tpu.vector_load %arg8[%get3A_68] {strides = array<i32>} : memref<20000xi32, #tpu.memory_space<vmem>>, vector<16xi32>,
    %slice3A_70 = vector.extract_strided_slice %get3A_69 {offsets = [0], sizes = [1], strides = [1]} : vector<16xi32> to vector<1xi32>
    %squeeze3A_71 = vector.extract %slice3A_70[0] : i32 from vector<1xi32>
    %get3A_72 = arith.constant 19984 : index
    %get3A_73 = tpu.vector_load %arg8[%get3A_72] {strides = array<i32>} : memref<20000xi32, #tpu.memory_space<vmem>>, vector<16xi32>,
    %slice3A_74 = vector.extract_strided_slice %get3A_73 {offsets = [15], sizes = [1], strides = [1]} : vector<16xi32> to vector<1xi32>
    %squeeze3A_75 = vector.extract %slice3A_74[0] : i32 from vector<1xi32>
    %sub3A_76 = arith.subi %squeeze3A_75, %squeeze3A : i32
    %lt3A_77 = arith.constant 16384 : i32
    %lt3A_78 = arith.cmpi slt, %sub3A_76, %lt3A_77 : i32
    %convert_element_type3A_79 = arith.extui %lt3A_78 : i1 to i32
    %cond3A_80 = arith.constant 0 : i32
    %cond3A_81 = arith.cmpi ne, %convert_element_type3A_79, %cond3A_80 : i32
    scf.if %cond3A_81 {
      %parallel_loop3A_465 = arith.constant 0 : i32
      %parallel_loop3A_466 = arith.constant 1250 : i32
      %parallel_loop3A_467 = arith.constant 1 : i32
      scf.for %parallel_loop3A_468 = %parallel_loop3A_465 to %parallel_loop3A_466 step %parallel_loop3A_467  : i32 {
        %parallel_loop3A_469 = arith.constant 16 : i32
        %parallel_loop3A_470 = arith.muli %parallel_loop3A_468, %parallel_loop3A_469 : i32
        %parallel_loop3A_471 = tpu.assume_multiple %parallel_loop3A_470, 16 : i32
        %parallel_loop3A_472 = arith.index_cast %parallel_loop3A_471 : i32 to index
        %parallel_loop3A_473 = tpu.vector_load %arg6[%parallel_loop3A_472] {strides = array<i32>} : memref<20000xf32, #tpu.memory_space<vmem>>, vector<16xf32>,
        %parallel_loop3A_474 = arith.index_cast %parallel_loop3A_471 : i32 to index
        %parallel_loop3A_475 = tpu.vector_load %arg8[%parallel_loop3A_474] {strides = array<i32>} : memref<20000xi32, #tpu.memory_space<vmem>>, vector<16xi32>,
        %parallel_loop3A_476 = arith.constant true
        %parallel_loop3A_477 = vector.broadcast %parallel_loop3A_476 : i1 to vector<16xi1>
        %parallel_loop3A_478 = tpu.scan <sum>, %parallel_loop3A_473 masked %parallel_loop3A_477 : vector<16xf32>, vector<16xi1> -> vector<16xf32>
        %parallel_loop3A_479 = vector.broadcast %squeeze3A : i32 to vector<16xi32>
        %parallel_loop3A_480 = arith.subi %parallel_loop3A_475, %parallel_loop3A_479 : vector<16xi32>
        %parallel_loop3A_481 = arith.constant 0 : i32
        %parallel_loop3A_482 = vector.broadcast %parallel_loop3A_481 : i32 to vector<16xi32>
        %parallel_loop3A_483 = arith.cmpi slt, %min3A_6, %parallel_loop3A_482 : vector<16xi32>
        %parallel_loop3A_484 = arith.constant 16 : i32
        %parallel_loop3A_485 = vector.broadcast %parallel_loop3A_484 : i32 to vector<16xi32>
        %parallel_loop3A_486 = arith.addi %min3A_6, %parallel_loop3A_485 : vector<16xi32>
        %parallel_loop3A_487 = arith.select %parallel_loop3A_483, %parallel_loop3A_486, %min3A_6 : vector<16xi1>, vector<16xi32>
        %parallel_loop3A_488 = vector.shape_cast %parallel_loop3A_487 : vector<16xi32> to vector<16x1xi32>
        %parallel_loop3A_489 = vector.shape_cast %parallel_loop3A_488 : vector<16x1xi32> to vector<16xi32>
        %parallel_loop3A_490 = tpu.dynamic_gather %parallel_loop3A_480[%parallel_loop3A_489] in [0] : vector<16xi32>, vector<16xi32> -> vector<16xi32>
        %parallel_loop3A_491 = arith.cmpi ne, %parallel_loop3A_480, %parallel_loop3A_490 : vector<16xi32>
        %parallel_loop3A_492 = arith.constant 15 : i32
        %parallel_loop3A_493 = vector.broadcast %parallel_loop3A_492 : i32 to vector<16xi32>
        %parallel_loop3A_494 = arith.cmpi eq, %iota3A, %parallel_loop3A_493 : vector<16xi32>
        %parallel_loop3A_495 = arith.ori %parallel_loop3A_491, %parallel_loop3A_494 : vector<16xi1>
        tpu.vector_store_idx %arg9[%parallel_loop3A_480], %parallel_loop3A_478 masked %parallel_loop3A_495 {add = true} : memref<16384xf32, #tpu.memory_space<vmem>>[vector<16xi32>], vector<16xf32>, vector<16xi1>
        %parallel_loop3A_496 = arith.constant 0.000000e+00 : f32
        %parallel_loop3A_497 = vector.broadcast %parallel_loop3A_496 : f32 to vector<16xf32>
        %parallel_loop3A_498 = arith.subf %parallel_loop3A_497, %parallel_loop3A_478 : vector<16xf32>
        tpu.vector_store_idx %arg9[%parallel_loop3A_490], %parallel_loop3A_498 masked %parallel_loop3A_491 {add = true} : memref<16384xf32, #tpu.memory_space<vmem>>[vector<16xi32>], vector<16xf32>, vector<16xi1>
      } {sc.loop_unroll_factor = 6 : i64, sc.parallel_access}
    } else {
    }
    %not3A_82 = arith.constant true
    %not3A_83 = arith.xori %lt3A_78, %not3A_82 : i1
    %convert_element_type3A_84 = arith.extui %not3A_83 : i1 to i32
    %cond3A_85 = arith.constant 0 : i32
    %cond3A_86 = arith.cmpi ne, %convert_element_type3A_84, %cond3A_85 : i32
    scf.if %cond3A_86 {
      "tpu.region"() ({
        %run_scoped3A = tpu.sem_alloc : memref<!tpu.dma_semaphore, #tpu.memory_space<semaphore_mem>>
        %dma_start3A_465 = arith.constant 0 : i32
        %dma_start3A_466 = tpu.memref_slice %arg11[%dma_start3A_465] : memref<116736xf32, #tpu.memory_space<vmem_shared>> -> memref<116736xf32, #tpu.memory_space<vmem_shared>>
        tpu.enqueue_indirect_dma source(%arg6 : memref<20000xf32, #tpu.memory_space<vmem>>) target(%dma_start3A_466 : memref<116736xf32, #tpu.memory_space<vmem_shared>>) offsets(%arg8 : memref<20000xi32, #tpu.memory_space<vmem>>) semaphore(%run_scoped3A : memref<!tpu.dma_semaphore, #tpu.memory_space<semaphore_mem>>) {add = true}
        %dma_wait3A_467 = arith.constant 0 : i32
        %dma_wait3A_468 = tpu.memref_slice %arg11[%dma_wait3A_467] : memref<116736xf32, #tpu.memory_space<vmem_shared>> -> memref<116736xf32, #tpu.memory_space<vmem_shared>>
        tpu.wait_indirect_dma semaphore(%run_scoped3A : memref<!tpu.dma_semaphore, #tpu.memory_space<semaphore_mem>>) src(%arg6 : memref<20000xf32, #tpu.memory_space<vmem>>) dst(%dma_wait3A_468 : memref<116736xf32, #tpu.memory_space<vmem_shared>>)
        tpu.yield
      }) : () -> ()
    } else {
    }
    %dma_wait3A_87 = arith.constant 0 : i32
    %dma_wait3A_88 = tpu.memref_slice %arg2[%dma_wait3A_87] : memref<6400000xf32, #tpu.memory_space<hbm>> -> memref<20000xf32, #tpu.memory_space<hbm>>
    %dma_wait3A_89 = arith.constant 0 : i32
    %dma_wait3A_90 = tpu.memref_slice %arg2[%dma_wait3A_89] : memref<6400000xf32, #tpu.memory_space<hbm>> -> memref<20000xf32, #tpu.memory_space<hbm>>
    tpu.wait_dma2 semaphore(%arg12 : memref<!tpu.dma_semaphore, #tpu.memory_space<semaphore_mem>>) src(%dma_wait3A_90 : memref<20000xf32, #tpu.memory_space<hbm>>) dst(%arg5 : memref<20000xf32, #tpu.memory_space<vmem>>)
    %dma_wait3A_91 = arith.constant 0 : i32
    %dma_wait3A_92 = tpu.memref_slice %arg3[%dma_wait3A_91] : memref<6400000xi32, #tpu.memory_space<hbm>> -> memref<20000xi32, #tpu.memory_space<hbm>>
    %dma_wait3A_93 = arith.constant 0 : i32
    %dma_wait3A_94 = tpu.memref_slice %arg3[%dma_wait3A_93] : memref<6400000xi32, #tpu.memory_space<hbm>> -> memref<20000xi32, #tpu.memory_space<hbm>>
    tpu.wait_dma2 semaphore(%arg12 : memref<!tpu.dma_semaphore, #tpu.memory_space<semaphore_mem>>) src(%dma_wait3A_94 : memref<20000xi32, #tpu.memory_space<hbm>>) dst(%arg7 : memref<20000xi32, #tpu.memory_space<vmem>>)
    %mul3A_95 = arith.constant 10 : i32
    %mul3A_96 = arith.muli %add3A, %mul3A_95 : i32
    %add3A_97 = arith.constant 3 : i32
    %add3A_98 = arith.addi %mul3A_96, %add3A_97 : i32
    %mul3A_99 = arith.constant 20000 : i32
    %mul3A_100 = arith.muli %add3A_98, %mul3A_99 : i32
    %multiple_of3A_101 = tpu.assume_multiple %mul3A_100, 16 : i32
    %dma_start3A_102 = tpu.memref_slice %arg2[%multiple_of3A_101] : memref<6400000xf32, #tpu.memory_space<hbm>> -> memref<20000xf32, #tpu.memory_space<hbm>>
    %dma_start3A_103 = tpu.memref_slice %arg2[%multiple_of3A_101] : memref<6400000xf32, #tpu.memory_space<hbm>> -> memref<20000xf32, #tpu.memory_space<hbm>>
    tpu.enqueue_dma source(%dma_start3A_103 : memref<20000xf32, #tpu.memory_space<hbm>>) target(%arg6 : memref<20000xf32, #tpu.memory_space<vmem>>) target_semaphore(%arg13 : memref<!tpu.dma_semaphore, #tpu.memory_space<semaphore_mem>>)
    %dma_start3A_104 = tpu.memref_slice %arg3[%multiple_of3A_101] : memref<6400000xi32, #tpu.memory_space<hbm>> -> memref<20000xi32, #tpu.memory_space<hbm>>
    %dma_start3A_105 = tpu.memref_slice %arg3[%multiple_of3A_101] : memref<6400000xi32, #tpu.memory_space<hbm>> -> memref<20000xi32, #tpu.memory_space<hbm>>
    tpu.enqueue_dma source(%dma_start3A_105 : memref<20000xi32, #tpu.memory_space<hbm>>) target(%arg8 : memref<20000xi32, #tpu.memory_space<vmem>>) target_semaphore(%arg13 : memref<!tpu.dma_semaphore, #tpu.memory_space<semaphore_mem>>)
    %get3A_106 = arith.constant 0 : index
    %get3A_107 = tpu.vector_load %arg7[%get3A_106] {strides = array<i32>} : memref<20000xi32, #tpu.memory_space<vmem>>, vector<16xi32>,
    %slice3A_108 = vector.extract_strided_slice %get3A_107 {offsets = [0], sizes = [1], strides = [1]} : vector<16xi32> to vector<1xi32>
    %squeeze3A_109 = vector.extract %slice3A_108[0] : i32 from vector<1xi32>
    %get3A_110 = arith.constant 19984 : index
    %get3A_111 = tpu.vector_load %arg7[%get3A_110] {strides = array<i32>} : memref<20000xi32, #tpu.memory_space<vmem>>, vector<16xi32>,
    %slice3A_112 = vector.extract_strided_slice %get3A_111 {offsets = [15], sizes = [1], strides = [1]} : vector<16xi32> to vector<1xi32>
    %squeeze3A_113 = vector.extract %slice3A_112[0] : i32 from vector<1xi32>
    %sub3A_114 = arith.subi %squeeze3A_113, %squeeze3A : i32
    %lt3A_115 = arith.constant 16384 : i32
    %lt3A_116 = arith.cmpi slt, %sub3A_114, %lt3A_115 : i32
    %convert_element_type3A_117 = arith.extui %lt3A_116 : i1 to i32
    %cond3A_118 = arith.constant 0 : i32
    %cond3A_119 = arith.cmpi ne, %convert_element_type3A_117, %cond3A_118 : i32
    scf.if %cond3A_119 {
      %parallel_loop3A_465 = arith.constant 0 : i32
      %parallel_loop3A_466 = arith.constant 1250 : i32
      %parallel_loop3A_467 = arith.constant 1 : i32
      scf.for %parallel_loop3A_468 = %parallel_loop3A_465 to %parallel_loop3A_466 step %parallel_loop3A_467  : i32 {
        %parallel_loop3A_469 = arith.constant 16 : i32
        %parallel_loop3A_470 = arith.muli %parallel_loop3A_468, %parallel_loop3A_469 : i32
        %parallel_loop3A_471 = tpu.assume_multiple %parallel_loop3A_470, 16 : i32
        %parallel_loop3A_472 = arith.index_cast %parallel_loop3A_471 : i32 to index
        %parallel_loop3A_473 = tpu.vector_load %arg5[%parallel_loop3A_472] {strides = array<i32>} : memref<20000xf32, #tpu.memory_space<vmem>>, vector<16xf32>,
        %parallel_loop3A_474 = arith.index_cast %parallel_loop3A_471 : i32 to index
        %parallel_loop3A_475 = tpu.vector_load %arg7[%parallel_loop3A_474] {strides = array<i32>} : memref<20000xi32, #tpu.memory_space<vmem>>, vector<16xi32>,
        %parallel_loop3A_476 = arith.constant true
        %parallel_loop3A_477 = vector.broadcast %parallel_loop3A_476 : i1 to vector<16xi1>
        %parallel_loop3A_478 = tpu.scan <sum>, %parallel_loop3A_473 masked %parallel_loop3A_477 : vector<16xf32>, vector<16xi1> -> vector<16xf32>
        %parallel_loop3A_479 = vector.broadcast %squeeze3A : i32 to vector<16xi32>
        %parallel_loop3A_480 = arith.subi %parallel_loop3A_475, %parallel_loop3A_479 : vector<16xi32>
        %parallel_loop3A_481 = arith.constant 0 : i32
        %parallel_loop3A_482 = vector.broadcast %parallel_loop3A_481 : i32 to vector<16xi32>
        %parallel_loop3A_483 = arith.cmpi slt, %min3A_6, %parallel_loop3A_482 : vector<16xi32>
        %parallel_loop3A_484 = arith.constant 16 : i32
        %parallel_loop3A_485 = vector.broadcast %parallel_loop3A_484 : i32 to vector<16xi32>
        %parallel_loop3A_486 = arith.addi %min3A_6, %parallel_loop3A_485 : vector<16xi32>
        %parallel_loop3A_487 = arith.select %parallel_loop3A_483, %parallel_loop3A_486, %min3A_6 : vector<16xi1>, vector<16xi32>
        %parallel_loop3A_488 = vector.shape_cast %parallel_loop3A_487 : vector<16xi32> to vector<16x1xi32>
        %parallel_loop3A_489 = vector.shape_cast %parallel_loop3A_488 : vector<16x1xi32> to vector<16xi32>
        %parallel_loop3A_490 = tpu.dynamic_gather %parallel_loop3A_480[%parallel_loop3A_489] in [0] : vector<16xi32>, vector<16xi32> -> vector<16xi32>
        %parallel_loop3A_491 = arith.cmpi ne, %parallel_loop3A_480, %parallel_loop3A_490 : vector<16xi32>
        %parallel_loop3A_492 = arith.constant 15 : i32
        %parallel_loop3A_493 = vector.broadcast %parallel_loop3A_492 : i32 to vector<16xi32>
        %parallel_loop3A_494 = arith.cmpi eq, %iota3A, %parallel_loop3A_493 : vector<16xi32>
        %parallel_loop3A_495 = arith.ori %parallel_loop3A_491, %parallel_loop3A_494 : vector<16xi1>
        tpu.vector_store_idx %arg9[%parallel_loop3A_480], %parallel_loop3A_478 masked %parallel_loop3A_495 {add = true} : memref<16384xf32, #tpu.memory_space<vmem>>[vector<16xi32>], vector<16xf32>, vector<16xi1>
        %parallel_loop3A_496 = arith.constant 0.000000e+00 : f32
        %parallel_loop3A_497 = vector.broadcast %parallel_loop3A_496 : f32 to vector<16xf32>
        %parallel_loop3A_498 = arith.subf %parallel_loop3A_497, %parallel_loop3A_478 : vector<16xf32>
        tpu.vector_store_idx %arg9[%parallel_loop3A_490], %parallel_loop3A_498 masked %parallel_loop3A_491 {add = true} : memref<16384xf32, #tpu.memory_space<vmem>>[vector<16xi32>], vector<16xf32>, vector<16xi1>
      } {sc.loop_unroll_factor = 6 : i64, sc.parallel_access}
    } else {
    }
    %not3A_120 = arith.constant true
    %not3A_121 = arith.xori %lt3A_116, %not3A_120 : i1
    %convert_element_type3A_122 = arith.extui %not3A_121 : i1 to i32
    %cond3A_123 = arith.constant 0 : i32
    %cond3A_124 = arith.cmpi ne, %convert_element_type3A_122, %cond3A_123 : i32
    scf.if %cond3A_124 {
      "tpu.region"() ({
        %run_scoped3A = tpu.sem_alloc : memref<!tpu.dma_semaphore, #tpu.memory_space<semaphore_mem>>
        %dma_start3A_465 = arith.constant 0 : i32
        %dma_start3A_466 = tpu.memref_slice %arg11[%dma_start3A_465] : memref<116736xf32, #tpu.memory_space<vmem_shared>> -> memref<116736xf32, #tpu.memory_space<vmem_shared>>
        tpu.enqueue_indirect_dma source(%arg5 : memref<20000xf32, #tpu.memory_space<vmem>>) target(%dma_start3A_466 : memref<116736xf32, #tpu.memory_space<vmem_shared>>) offsets(%arg7 : memref<20000xi32, #tpu.memory_space<vmem>>) semaphore(%run_scoped3A : memref<!tpu.dma_semaphore, #tpu.memory_space<semaphore_mem>>) {add = true}
        %dma_wait3A_467 = arith.constant 0 : i32
        %dma_wait3A_468 = tpu.memref_slice %arg11[%dma_wait3A_467] : memref<116736xf32, #tpu.memory_space<vmem_shared>> -> memref<116736xf32, #tpu.memory_space<vmem_shared>>
        tpu.wait_indirect_dma semaphore(%run_scoped3A : memref<!tpu.dma_semaphore, #tpu.memory_space<semaphore_mem>>) src(%arg5 : memref<20000xf32, #tpu.memory_space<vmem>>) dst(%dma_wait3A_468 : memref<116736xf32, #tpu.memory_space<vmem_shared>>)
        tpu.yield
      }) : () -> ()
    } else {
    }
    %dma_wait3A_125 = arith.constant 0 : i32
    %dma_wait3A_126 = tpu.memref_slice %arg2[%dma_wait3A_125] : memref<6400000xf32, #tpu.memory_space<hbm>> -> memref<20000xf32, #tpu.memory_space<hbm>>
    %dma_wait3A_127 = arith.constant 0 : i32
    %dma_wait3A_128 = tpu.memref_slice %arg2[%dma_wait3A_127] : memref<6400000xf32, #tpu.memory_space<hbm>> -> memref<20000xf32, #tpu.memory_space<hbm>>
    tpu.wait_dma2 semaphore(%arg13 : memref<!tpu.dma_semaphore, #tpu.memory_space<semaphore_mem>>) src(%dma_wait3A_128 : memref<20000xf32, #tpu.memory_space<hbm>>) dst(%arg6 : memref<20000xf32, #tpu.memory_space<vmem>>)
    %dma_wait3A_129 = arith.constant 0 : i32
    %dma_wait3A_130 = tpu.memref_slice %arg3[%dma_wait3A_129] : memref<6400000xi32, #tpu.memory_space<hbm>> -> memref<20000xi32, #tpu.memory_space<hbm>>
    %dma_wait3A_131 = arith.constant 0 : i32
    %dma_wait3A_132 = tpu.memref_slice %arg3[%dma_wait3A_131] : memref<6400000xi32, #tpu.memory_space<hbm>> -> memref<20000xi32, #tpu.memory_space<hbm>>
    tpu.wait_dma2 semaphore(%arg13 : memref<!tpu.dma_semaphore, #tpu.memory_space<semaphore_mem>>) src(%dma_wait3A_132 : memref<20000xi32, #tpu.memory_space<hbm>>) dst(%arg8 : memref<20000xi32, #tpu.memory_space<vmem>>)
    %mul3A_133 = arith.constant 10 : i32
    %mul3A_134 = arith.muli %add3A, %mul3A_133 : i32
    %add3A_135 = arith.constant 4 : i32
    %add3A_136 = arith.addi %mul3A_134, %add3A_135 : i32
    %mul3A_137 = arith.constant 20000 : i32
    %mul3A_138 = arith.muli %add3A_136, %mul3A_137 : i32
    %multiple_of3A_139 = tpu.assume_multiple %mul3A_138, 16 : i32
    %dma_start3A_140 = tpu.memref_slice %arg2[%multiple_of3A_139] : memref<6400000xf32, #tpu.memory_space<hbm>> -> memref<20000xf32, #tpu.memory_space<hbm>>
    %dma_start3A_141 = tpu.memref_slice %arg2[%multiple_of3A_139] : memref<6400000xf32, #tpu.memory_space<hbm>> -> memref<20000xf32, #tpu.memory_space<hbm>>
    tpu.enqueue_dma source(%dma_start3A_141 : memref<20000xf32, #tpu.memory_space<hbm>>) target(%arg5 : memref<20000xf32, #tpu.memory_space<vmem>>) target_semaphore(%arg12 : memref<!tpu.dma_semaphore, #tpu.memory_space<semaphore_mem>>)
    %dma_start3A_142 = tpu.memref_slice %arg3[%multiple_of3A_139] : memref<6400000xi32, #tpu.memory_space<hbm>> -> memref<20000xi32, #tpu.memory_space<hbm>>
    %dma_start3A_143 = tpu.memref_slice %arg3[%multiple_of3A_139] : memref<6400000xi32, #tpu.memory_space<hbm>> -> memref<20000xi32, #tpu.memory_space<hbm>>
    tpu.enqueue_dma source(%dma_start3A_143 : memref<20000xi32, #tpu.memory_space<hbm>>) target(%arg7 : memref<20000xi32, #tpu.memory_space<vmem>>) target_semaphore(%arg12 : memref<!tpu.dma_semaphore, #tpu.memory_space<semaphore_mem>>)
    %get3A_144 = arith.constant 0 : index
    %get3A_145 = tpu.vector_load %arg8[%get3A_144] {strides = array<i32>} : memref<20000xi32, #tpu.memory_space<vmem>>, vector<16xi32>,
    %slice3A_146 = vector.extract_strided_slice %get3A_145 {offsets = [0], sizes = [1], strides = [1]} : vector<16xi32> to vector<1xi32>
    %squeeze3A_147 = vector.extract %slice3A_146[0] : i32 from vector<1xi32>
    %get3A_148 = arith.constant 19984 : index
    %get3A_149 = tpu.vector_load %arg8[%get3A_148] {strides = array<i32>} : memref<20000xi32, #tpu.memory_space<vmem>>, vector<16xi32>,
    %slice3A_150 = vector.extract_strided_slice %get3A_149 {offsets = [15], sizes = [1], strides = [1]} : vector<16xi32> to vector<1xi32>
    %squeeze3A_151 = vector.extract %slice3A_150[0] : i32 from vector<1xi32>
    %sub3A_152 = arith.subi %squeeze3A_151, %squeeze3A : i32
    %lt3A_153 = arith.constant 16384 : i32
    %lt3A_154 = arith.cmpi slt, %sub3A_152, %lt3A_153 : i32
    %convert_element_type3A_155 = arith.extui %lt3A_154 : i1 to i32
    %cond3A_156 = arith.constant 0 : i32
    %cond3A_157 = arith.cmpi ne, %convert_element_type3A_155, %cond3A_156 : i32
    scf.if %cond3A_157 {
      %parallel_loop3A_465 = arith.constant 0 : i32
      %parallel_loop3A_466 = arith.constant 1250 : i32
      %parallel_loop3A_467 = arith.constant 1 : i32
      scf.for %parallel_loop3A_468 = %parallel_loop3A_465 to %parallel_loop3A_466 step %parallel_loop3A_467  : i32 {
        %parallel_loop3A_469 = arith.constant 16 : i32
        %parallel_loop3A_470 = arith.muli %parallel_loop3A_468, %parallel_loop3A_469 : i32
        %parallel_loop3A_471 = tpu.assume_multiple %parallel_loop3A_470, 16 : i32
        %parallel_loop3A_472 = arith.index_cast %parallel_loop3A_471 : i32 to index
        %parallel_loop3A_473 = tpu.vector_load %arg6[%parallel_loop3A_472] {strides = array<i32>} : memref<20000xf32, #tpu.memory_space<vmem>>, vector<16xf32>,
        %parallel_loop3A_474 = arith.index_cast %parallel_loop3A_471 : i32 to index
        %parallel_loop3A_475 = tpu.vector_load %arg8[%parallel_loop3A_474] {strides = array<i32>} : memref<20000xi32, #tpu.memory_space<vmem>>, vector<16xi32>,
        %parallel_loop3A_476 = arith.constant true
        %parallel_loop3A_477 = vector.broadcast %parallel_loop3A_476 : i1 to vector<16xi1>
        %parallel_loop3A_478 = tpu.scan <sum>, %parallel_loop3A_473 masked %parallel_loop3A_477 : vector<16xf32>, vector<16xi1> -> vector<16xf32>
        %parallel_loop3A_479 = vector.broadcast %squeeze3A : i32 to vector<16xi32>
        %parallel_loop3A_480 = arith.subi %parallel_loop3A_475, %parallel_loop3A_479 : vector<16xi32>
        %parallel_loop3A_481 = arith.constant 0 : i32
        %parallel_loop3A_482 = vector.broadcast %parallel_loop3A_481 : i32 to vector<16xi32>
        %parallel_loop3A_483 = arith.cmpi slt, %min3A_6, %parallel_loop3A_482 : vector<16xi32>
        %parallel_loop3A_484 = arith.constant 16 : i32
        %parallel_loop3A_485 = vector.broadcast %parallel_loop3A_484 : i32 to vector<16xi32>
        %parallel_loop3A_486 = arith.addi %min3A_6, %parallel_loop3A_485 : vector<16xi32>
        %parallel_loop3A_487 = arith.select %parallel_loop3A_483, %parallel_loop3A_486, %min3A_6 : vector<16xi1>, vector<16xi32>
        %parallel_loop3A_488 = vector.shape_cast %parallel_loop3A_487 : vector<16xi32> to vector<16x1xi32>
        %parallel_loop3A_489 = vector.shape_cast %parallel_loop3A_488 : vector<16x1xi32> to vector<16xi32>
        %parallel_loop3A_490 = tpu.dynamic_gather %parallel_loop3A_480[%parallel_loop3A_489] in [0] : vector<16xi32>, vector<16xi32> -> vector<16xi32>
        %parallel_loop3A_491 = arith.cmpi ne, %parallel_loop3A_480, %parallel_loop3A_490 : vector<16xi32>
        %parallel_loop3A_492 = arith.constant 15 : i32
        %parallel_loop3A_493 = vector.broadcast %parallel_loop3A_492 : i32 to vector<16xi32>
        %parallel_loop3A_494 = arith.cmpi eq, %iota3A, %parallel_loop3A_493 : vector<16xi32>
        %parallel_loop3A_495 = arith.ori %parallel_loop3A_491, %parallel_loop3A_494 : vector<16xi1>
        tpu.vector_store_idx %arg9[%parallel_loop3A_480], %parallel_loop3A_478 masked %parallel_loop3A_495 {add = true} : memref<16384xf32, #tpu.memory_space<vmem>>[vector<16xi32>], vector<16xf32>, vector<16xi1>
        %parallel_loop3A_496 = arith.constant 0.000000e+00 : f32
        %parallel_loop3A_497 = vector.broadcast %parallel_loop3A_496 : f32 to vector<16xf32>
        %parallel_loop3A_498 = arith.subf %parallel_loop3A_497, %parallel_loop3A_478 : vector<16xf32>
        tpu.vector_store_idx %arg9[%parallel_loop3A_490], %parallel_loop3A_498 masked %parallel_loop3A_491 {add = true} : memref<16384xf32, #tpu.memory_space<vmem>>[vector<16xi32>], vector<16xf32>, vector<16xi1>
      } {sc.loop_unroll_factor = 6 : i64, sc.parallel_access}
    } else {
    }
    %not3A_158 = arith.constant true
    %not3A_159 = arith.xori %lt3A_154, %not3A_158 : i1
    %convert_element_type3A_160 = arith.extui %not3A_159 : i1 to i32
    %cond3A_161 = arith.constant 0 : i32
    %cond3A_162 = arith.cmpi ne, %convert_element_type3A_160, %cond3A_161 : i32
    scf.if %cond3A_162 {
      "tpu.region"() ({
        %run_scoped3A = tpu.sem_alloc : memref<!tpu.dma_semaphore, #tpu.memory_space<semaphore_mem>>
        %dma_start3A_465 = arith.constant 0 : i32
        %dma_start3A_466 = tpu.memref_slice %arg11[%dma_start3A_465] : memref<116736xf32, #tpu.memory_space<vmem_shared>> -> memref<116736xf32, #tpu.memory_space<vmem_shared>>
        tpu.enqueue_indirect_dma source(%arg6 : memref<20000xf32, #tpu.memory_space<vmem>>) target(%dma_start3A_466 : memref<116736xf32, #tpu.memory_space<vmem_shared>>) offsets(%arg8 : memref<20000xi32, #tpu.memory_space<vmem>>) semaphore(%run_scoped3A : memref<!tpu.dma_semaphore, #tpu.memory_space<semaphore_mem>>) {add = true}
        %dma_wait3A_467 = arith.constant 0 : i32
        %dma_wait3A_468 = tpu.memref_slice %arg11[%dma_wait3A_467] : memref<116736xf32, #tpu.memory_space<vmem_shared>> -> memref<116736xf32, #tpu.memory_space<vmem_shared>>
        tpu.wait_indirect_dma semaphore(%run_scoped3A : memref<!tpu.dma_semaphore, #tpu.memory_space<semaphore_mem>>) src(%arg6 : memref<20000xf32, #tpu.memory_space<vmem>>) dst(%dma_wait3A_468 : memref<116736xf32, #tpu.memory_space<vmem_shared>>)
        tpu.yield
      }) : () -> ()
    } else {
    }
    %dma_wait3A_163 = arith.constant 0 : i32
    %dma_wait3A_164 = tpu.memref_slice %arg2[%dma_wait3A_163] : memref<6400000xf32, #tpu.memory_space<hbm>> -> memref<20000xf32, #tpu.memory_space<hbm>>
    %dma_wait3A_165 = arith.constant 0 : i32
    %dma_wait3A_166 = tpu.memref_slice %arg2[%dma_wait3A_165] : memref<6400000xf32, #tpu.memory_space<hbm>> -> memref<20000xf32, #tpu.memory_space<hbm>>
    tpu.wait_dma2 semaphore(%arg12 : memref<!tpu.dma_semaphore, #tpu.memory_space<semaphore_mem>>) src(%dma_wait3A_166 : memref<20000xf32, #tpu.memory_space<hbm>>) dst(%arg5 : memref<20000xf32, #tpu.memory_space<vmem>>)
    %dma_wait3A_167 = arith.constant 0 : i32
    %dma_wait3A_168 = tpu.memref_slice %arg3[%dma_wait3A_167] : memref<6400000xi32, #tpu.memory_space<hbm>> -> memref<20000xi32, #tpu.memory_space<hbm>>
    %dma_wait3A_169 = arith.constant 0 : i32
    %dma_wait3A_170 = tpu.memref_slice %arg3[%dma_wait3A_169] : memref<6400000xi32, #tpu.memory_space<hbm>> -> memref<20000xi32, #tpu.memory_space<hbm>>
    tpu.wait_dma2 semaphore(%arg12 : memref<!tpu.dma_semaphore, #tpu.memory_space<semaphore_mem>>) src(%dma_wait3A_170 : memref<20000xi32, #tpu.memory_space<hbm>>) dst(%arg7 : memref<20000xi32, #tpu.memory_space<vmem>>)
    %mul3A_171 = arith.constant 10 : i32
    %mul3A_172 = arith.muli %add3A, %mul3A_171 : i32
    %add3A_173 = arith.constant 5 : i32
    %add3A_174 = arith.addi %mul3A_172, %add3A_173 : i32
    %mul3A_175 = arith.constant 20000 : i32
    %mul3A_176 = arith.muli %add3A_174, %mul3A_175 : i32
    %multiple_of3A_177 = tpu.assume_multiple %mul3A_176, 16 : i32
    %dma_start3A_178 = tpu.memref_slice %arg2[%multiple_of3A_177] : memref<6400000xf32, #tpu.memory_space<hbm>> -> memref<20000xf32, #tpu.memory_space<hbm>>
    %dma_start3A_179 = tpu.memref_slice %arg2[%multiple_of3A_177] : memref<6400000xf32, #tpu.memory_space<hbm>> -> memref<20000xf32, #tpu.memory_space<hbm>>
    tpu.enqueue_dma source(%dma_start3A_179 : memref<20000xf32, #tpu.memory_space<hbm>>) target(%arg6 : memref<20000xf32, #tpu.memory_space<vmem>>) target_semaphore(%arg13 : memref<!tpu.dma_semaphore, #tpu.memory_space<semaphore_mem>>)
    %dma_start3A_180 = tpu.memref_slice %arg3[%multiple_of3A_177] : memref<6400000xi32, #tpu.memory_space<hbm>> -> memref<20000xi32, #tpu.memory_space<hbm>>
    %dma_start3A_181 = tpu.memref_slice %arg3[%multiple_of3A_177] : memref<6400000xi32, #tpu.memory_space<hbm>> -> memref<20000xi32, #tpu.memory_space<hbm>>
    tpu.enqueue_dma source(%dma_start3A_181 : memref<20000xi32, #tpu.memory_space<hbm>>) target(%arg8 : memref<20000xi32, #tpu.memory_space<vmem>>) target_semaphore(%arg13 : memref<!tpu.dma_semaphore, #tpu.memory_space<semaphore_mem>>)
    %get3A_182 = arith.constant 0 : index
    %get3A_183 = tpu.vector_load %arg7[%get3A_182] {strides = array<i32>} : memref<20000xi32, #tpu.memory_space<vmem>>, vector<16xi32>,
    %slice3A_184 = vector.extract_strided_slice %get3A_183 {offsets = [0], sizes = [1], strides = [1]} : vector<16xi32> to vector<1xi32>
    %squeeze3A_185 = vector.extract %slice3A_184[0] : i32 from vector<1xi32>
    %get3A_186 = arith.constant 19984 : index
    %get3A_187 = tpu.vector_load %arg7[%get3A_186] {strides = array<i32>} : memref<20000xi32, #tpu.memory_space<vmem>>, vector<16xi32>,
    %slice3A_188 = vector.extract_strided_slice %get3A_187 {offsets = [15], sizes = [1], strides = [1]} : vector<16xi32> to vector<1xi32>
    %squeeze3A_189 = vector.extract %slice3A_188[0] : i32 from vector<1xi32>
    %sub3A_190 = arith.subi %squeeze3A_189, %squeeze3A : i32
    %lt3A_191 = arith.constant 16384 : i32
    %lt3A_192 = arith.cmpi slt, %sub3A_190, %lt3A_191 : i32
    %convert_element_type3A_193 = arith.extui %lt3A_192 : i1 to i32
    %cond3A_194 = arith.constant 0 : i32
    %cond3A_195 = arith.cmpi ne, %convert_element_type3A_193, %cond3A_194 : i32
    scf.if %cond3A_195 {
      %parallel_loop3A_465 = arith.constant 0 : i32
      %parallel_loop3A_466 = arith.constant 1250 : i32
      %parallel_loop3A_467 = arith.constant 1 : i32
      scf.for %parallel_loop3A_468 = %parallel_loop3A_465 to %parallel_loop3A_466 step %parallel_loop3A_467  : i32 {
        %parallel_loop3A_469 = arith.constant 16 : i32
        %parallel_loop3A_470 = arith.muli %parallel_loop3A_468, %parallel_loop3A_469 : i32
        %parallel_loop3A_471 = tpu.assume_multiple %parallel_loop3A_470, 16 : i32
        %parallel_loop3A_472 = arith.index_cast %parallel_loop3A_471 : i32 to index
        %parallel_loop3A_473 = tpu.vector_load %arg5[%parallel_loop3A_472] {strides = array<i32>} : memref<20000xf32, #tpu.memory_space<vmem>>, vector<16xf32>,
        %parallel_loop3A_474 = arith.index_cast %parallel_loop3A_471 : i32 to index
        %parallel_loop3A_475 = tpu.vector_load %arg7[%parallel_loop3A_474] {strides = array<i32>} : memref<20000xi32, #tpu.memory_space<vmem>>, vector<16xi32>,
        %parallel_loop3A_476 = arith.constant true
        %parallel_loop3A_477 = vector.broadcast %parallel_loop3A_476 : i1 to vector<16xi1>
        %parallel_loop3A_478 = tpu.scan <sum>, %parallel_loop3A_473 masked %parallel_loop3A_477 : vector<16xf32>, vector<16xi1> -> vector<16xf32>
        %parallel_loop3A_479 = vector.broadcast %squeeze3A : i32 to vector<16xi32>
        %parallel_loop3A_480 = arith.subi %parallel_loop3A_475, %parallel_loop3A_479 : vector<16xi32>
        %parallel_loop3A_481 = arith.constant 0 : i32
        %parallel_loop3A_482 = vector.broadcast %parallel_loop3A_481 : i32 to vector<16xi32>
        %parallel_loop3A_483 = arith.cmpi slt, %min3A_6, %parallel_loop3A_482 : vector<16xi32>
        %parallel_loop3A_484 = arith.constant 16 : i32
        %parallel_loop3A_485 = vector.broadcast %parallel_loop3A_484 : i32 to vector<16xi32>
        %parallel_loop3A_486 = arith.addi %min3A_6, %parallel_loop3A_485 : vector<16xi32>
        %parallel_loop3A_487 = arith.select %parallel_loop3A_483, %parallel_loop3A_486, %min3A_6 : vector<16xi1>, vector<16xi32>
        %parallel_loop3A_488 = vector.shape_cast %parallel_loop3A_487 : vector<16xi32> to vector<16x1xi32>
        %parallel_loop3A_489 = vector.shape_cast %parallel_loop3A_488 : vector<16x1xi32> to vector<16xi32>
        %parallel_loop3A_490 = tpu.dynamic_gather %parallel_loop3A_480[%parallel_loop3A_489] in [0] : vector<16xi32>, vector<16xi32> -> vector<16xi32>
        %parallel_loop3A_491 = arith.cmpi ne, %parallel_loop3A_480, %parallel_loop3A_490 : vector<16xi32>
        %parallel_loop3A_492 = arith.constant 15 : i32
        %parallel_loop3A_493 = vector.broadcast %parallel_loop3A_492 : i32 to vector<16xi32>
        %parallel_loop3A_494 = arith.cmpi eq, %iota3A, %parallel_loop3A_493 : vector<16xi32>
        %parallel_loop3A_495 = arith.ori %parallel_loop3A_491, %parallel_loop3A_494 : vector<16xi1>
        tpu.vector_store_idx %arg9[%parallel_loop3A_480], %parallel_loop3A_478 masked %parallel_loop3A_495 {add = true} : memref<16384xf32, #tpu.memory_space<vmem>>[vector<16xi32>], vector<16xf32>, vector<16xi1>
        %parallel_loop3A_496 = arith.constant 0.000000e+00 : f32
        %parallel_loop3A_497 = vector.broadcast %parallel_loop3A_496 : f32 to vector<16xf32>
        %parallel_loop3A_498 = arith.subf %parallel_loop3A_497, %parallel_loop3A_478 : vector<16xf32>
        tpu.vector_store_idx %arg9[%parallel_loop3A_490], %parallel_loop3A_498 masked %parallel_loop3A_491 {add = true} : memref<16384xf32, #tpu.memory_space<vmem>>[vector<16xi32>], vector<16xf32>, vector<16xi1>
      } {sc.loop_unroll_factor = 6 : i64, sc.parallel_access}
    } else {
    }
    %not3A_196 = arith.constant true
    %not3A_197 = arith.xori %lt3A_192, %not3A_196 : i1
    %convert_element_type3A_198 = arith.extui %not3A_197 : i1 to i32
    %cond3A_199 = arith.constant 0 : i32
    %cond3A_200 = arith.cmpi ne, %convert_element_type3A_198, %cond3A_199 : i32
    scf.if %cond3A_200 {
      "tpu.region"() ({
        %run_scoped3A = tpu.sem_alloc : memref<!tpu.dma_semaphore, #tpu.memory_space<semaphore_mem>>
        %dma_start3A_465 = arith.constant 0 : i32
        %dma_start3A_466 = tpu.memref_slice %arg11[%dma_start3A_465] : memref<116736xf32, #tpu.memory_space<vmem_shared>> -> memref<116736xf32, #tpu.memory_space<vmem_shared>>
        tpu.enqueue_indirect_dma source(%arg5 : memref<20000xf32, #tpu.memory_space<vmem>>) target(%dma_start3A_466 : memref<116736xf32, #tpu.memory_space<vmem_shared>>) offsets(%arg7 : memref<20000xi32, #tpu.memory_space<vmem>>) semaphore(%run_scoped3A : memref<!tpu.dma_semaphore, #tpu.memory_space<semaphore_mem>>) {add = true}
        %dma_wait3A_467 = arith.constant 0 : i32
        %dma_wait3A_468 = tpu.memref_slice %arg11[%dma_wait3A_467] : memref<116736xf32, #tpu.memory_space<vmem_shared>> -> memref<116736xf32, #tpu.memory_space<vmem_shared>>
        tpu.wait_indirect_dma semaphore(%run_scoped3A : memref<!tpu.dma_semaphore, #tpu.memory_space<semaphore_mem>>) src(%arg5 : memref<20000xf32, #tpu.memory_space<vmem>>) dst(%dma_wait3A_468 : memref<116736xf32, #tpu.memory_space<vmem_shared>>)
        tpu.yield
      }) : () -> ()
    } else {
    }
    %dma_wait3A_201 = arith.constant 0 : i32
    %dma_wait3A_202 = tpu.memref_slice %arg2[%dma_wait3A_201] : memref<6400000xf32, #tpu.memory_space<hbm>> -> memref<20000xf32, #tpu.memory_space<hbm>>
    %dma_wait3A_203 = arith.constant 0 : i32
    %dma_wait3A_204 = tpu.memref_slice %arg2[%dma_wait3A_203] : memref<6400000xf32, #tpu.memory_space<hbm>> -> memref<20000xf32, #tpu.memory_space<hbm>>
    tpu.wait_dma2 semaphore(%arg13 : memref<!tpu.dma_semaphore, #tpu.memory_space<semaphore_mem>>) src(%dma_wait3A_204 : memref<20000xf32, #tpu.memory_space<hbm>>) dst(%arg6 : memref<20000xf32, #tpu.memory_space<vmem>>)
    %dma_wait3A_205 = arith.constant 0 : i32
    %dma_wait3A_206 = tpu.memref_slice %arg3[%dma_wait3A_205] : memref<6400000xi32, #tpu.memory_space<hbm>> -> memref<20000xi32, #tpu.memory_space<hbm>>
    %dma_wait3A_207 = arith.constant 0 : i32
    %dma_wait3A_208 = tpu.memref_slice %arg3[%dma_wait3A_207] : memref<6400000xi32, #tpu.memory_space<hbm>> -> memref<20000xi32, #tpu.memory_space<hbm>>
    tpu.wait_dma2 semaphore(%arg13 : memref<!tpu.dma_semaphore, #tpu.memory_space<semaphore_mem>>) src(%dma_wait3A_208 : memref<20000xi32, #tpu.memory_space<hbm>>) dst(%arg8 : memref<20000xi32, #tpu.memory_space<vmem>>)
    %mul3A_209 = arith.constant 10 : i32
    %mul3A_210 = arith.muli %add3A, %mul3A_209 : i32
    %add3A_211 = arith.constant 6 : i32
    %add3A_212 = arith.addi %mul3A_210, %add3A_211 : i32
    %mul3A_213 = arith.constant 20000 : i32
    %mul3A_214 = arith.muli %add3A_212, %mul3A_213 : i32
    %multiple_of3A_215 = tpu.assume_multiple %mul3A_214, 16 : i32
    %dma_start3A_216 = tpu.memref_slice %arg2[%multiple_of3A_215] : memref<6400000xf32, #tpu.memory_space<hbm>> -> memref<20000xf32, #tpu.memory_space<hbm>>
    %dma_start3A_217 = tpu.memref_slice %arg2[%multiple_of3A_215] : memref<6400000xf32, #tpu.memory_space<hbm>> -> memref<20000xf32, #tpu.memory_space<hbm>>
    tpu.enqueue_dma source(%dma_start3A_217 : memref<20000xf32, #tpu.memory_space<hbm>>) target(%arg5 : memref<20000xf32, #tpu.memory_space<vmem>>) target_semaphore(%arg12 : memref<!tpu.dma_semaphore, #tpu.memory_space<semaphore_mem>>)
    %dma_start3A_218 = tpu.memref_slice %arg3[%multiple_of3A_215] : memref<6400000xi32, #tpu.memory_space<hbm>> -> memref<20000xi32, #tpu.memory_space<hbm>>
    %dma_start3A_219 = tpu.memref_slice %arg3[%multiple_of3A_215] : memref<6400000xi32, #tpu.memory_space<hbm>> -> memref<20000xi32, #tpu.memory_space<hbm>>
    tpu.enqueue_dma source(%dma_start3A_219 : memref<20000xi32, #tpu.memory_space<hbm>>) target(%arg7 : memref<20000xi32, #tpu.memory_space<vmem>>) target_semaphore(%arg12 : memref<!tpu.dma_semaphore, #tpu.memory_space<semaphore_mem>>)
    %get3A_220 = arith.constant 0 : index
    %get3A_221 = tpu.vector_load %arg8[%get3A_220] {strides = array<i32>} : memref<20000xi32, #tpu.memory_space<vmem>>, vector<16xi32>,
    %slice3A_222 = vector.extract_strided_slice %get3A_221 {offsets = [0], sizes = [1], strides = [1]} : vector<16xi32> to vector<1xi32>
    %squeeze3A_223 = vector.extract %slice3A_222[0] : i32 from vector<1xi32>
    %get3A_224 = arith.constant 19984 : index
    %get3A_225 = tpu.vector_load %arg8[%get3A_224] {strides = array<i32>} : memref<20000xi32, #tpu.memory_space<vmem>>, vector<16xi32>,
    %slice3A_226 = vector.extract_strided_slice %get3A_225 {offsets = [15], sizes = [1], strides = [1]} : vector<16xi32> to vector<1xi32>
    %squeeze3A_227 = vector.extract %slice3A_226[0] : i32 from vector<1xi32>
    %sub3A_228 = arith.subi %squeeze3A_227, %squeeze3A : i32
    %lt3A_229 = arith.constant 16384 : i32
    %lt3A_230 = arith.cmpi slt, %sub3A_228, %lt3A_229 : i32
    %convert_element_type3A_231 = arith.extui %lt3A_230 : i1 to i32
    %cond3A_232 = arith.constant 0 : i32
    %cond3A_233 = arith.cmpi ne, %convert_element_type3A_231, %cond3A_232 : i32
    scf.if %cond3A_233 {
      %parallel_loop3A_465 = arith.constant 0 : i32
      %parallel_loop3A_466 = arith.constant 1250 : i32
      %parallel_loop3A_467 = arith.constant 1 : i32
      scf.for %parallel_loop3A_468 = %parallel_loop3A_465 to %parallel_loop3A_466 step %parallel_loop3A_467  : i32 {
        %parallel_loop3A_469 = arith.constant 16 : i32
        %parallel_loop3A_470 = arith.muli %parallel_loop3A_468, %parallel_loop3A_469 : i32
        %parallel_loop3A_471 = tpu.assume_multiple %parallel_loop3A_470, 16 : i32
        %parallel_loop3A_472 = arith.index_cast %parallel_loop3A_471 : i32 to index
        %parallel_loop3A_473 = tpu.vector_load %arg6[%parallel_loop3A_472] {strides = array<i32>} : memref<20000xf32, #tpu.memory_space<vmem>>, vector<16xf32>,
        %parallel_loop3A_474 = arith.index_cast %parallel_loop3A_471 : i32 to index
        %parallel_loop3A_475 = tpu.vector_load %arg8[%parallel_loop3A_474] {strides = array<i32>} : memref<20000xi32, #tpu.memory_space<vmem>>, vector<16xi32>,
        %parallel_loop3A_476 = arith.constant true
        %parallel_loop3A_477 = vector.broadcast %parallel_loop3A_476 : i1 to vector<16xi1>
        %parallel_loop3A_478 = tpu.scan <sum>, %parallel_loop3A_473 masked %parallel_loop3A_477 : vector<16xf32>, vector<16xi1> -> vector<16xf32>
        %parallel_loop3A_479 = vector.broadcast %squeeze3A : i32 to vector<16xi32>
        %parallel_loop3A_480 = arith.subi %parallel_loop3A_475, %parallel_loop3A_479 : vector<16xi32>
        %parallel_loop3A_481 = arith.constant 0 : i32
        %parallel_loop3A_482 = vector.broadcast %parallel_loop3A_481 : i32 to vector<16xi32>
        %parallel_loop3A_483 = arith.cmpi slt, %min3A_6, %parallel_loop3A_482 : vector<16xi32>
        %parallel_loop3A_484 = arith.constant 16 : i32
        %parallel_loop3A_485 = vector.broadcast %parallel_loop3A_484 : i32 to vector<16xi32>
        %parallel_loop3A_486 = arith.addi %min3A_6, %parallel_loop3A_485 : vector<16xi32>
        %parallel_loop3A_487 = arith.select %parallel_loop3A_483, %parallel_loop3A_486, %min3A_6 : vector<16xi1>, vector<16xi32>
        %parallel_loop3A_488 = vector.shape_cast %parallel_loop3A_487 : vector<16xi32> to vector<16x1xi32>
        %parallel_loop3A_489 = vector.shape_cast %parallel_loop3A_488 : vector<16x1xi32> to vector<16xi32>
        %parallel_loop3A_490 = tpu.dynamic_gather %parallel_loop3A_480[%parallel_loop3A_489] in [0] : vector<16xi32>, vector<16xi32> -> vector<16xi32>
        %parallel_loop3A_491 = arith.cmpi ne, %parallel_loop3A_480, %parallel_loop3A_490 : vector<16xi32>
        %parallel_loop3A_492 = arith.constant 15 : i32
        %parallel_loop3A_493 = vector.broadcast %parallel_loop3A_492 : i32 to vector<16xi32>
        %parallel_loop3A_494 = arith.cmpi eq, %iota3A, %parallel_loop3A_493 : vector<16xi32>
        %parallel_loop3A_495 = arith.ori %parallel_loop3A_491, %parallel_loop3A_494 : vector<16xi1>
        tpu.vector_store_idx %arg9[%parallel_loop3A_480], %parallel_loop3A_478 masked %parallel_loop3A_495 {add = true} : memref<16384xf32, #tpu.memory_space<vmem>>[vector<16xi32>], vector<16xf32>, vector<16xi1>
        %parallel_loop3A_496 = arith.constant 0.000000e+00 : f32
        %parallel_loop3A_497 = vector.broadcast %parallel_loop3A_496 : f32 to vector<16xf32>
        %parallel_loop3A_498 = arith.subf %parallel_loop3A_497, %parallel_loop3A_478 : vector<16xf32>
        tpu.vector_store_idx %arg9[%parallel_loop3A_490], %parallel_loop3A_498 masked %parallel_loop3A_491 {add = true} : memref<16384xf32, #tpu.memory_space<vmem>>[vector<16xi32>], vector<16xf32>, vector<16xi1>
      } {sc.loop_unroll_factor = 6 : i64, sc.parallel_access}
    } else {
    }
    %not3A_234 = arith.constant true
    %not3A_235 = arith.xori %lt3A_230, %not3A_234 : i1
    %convert_element_type3A_236 = arith.extui %not3A_235 : i1 to i32
    %cond3A_237 = arith.constant 0 : i32
    %cond3A_238 = arith.cmpi ne, %convert_element_type3A_236, %cond3A_237 : i32
    scf.if %cond3A_238 {
      "tpu.region"() ({
        %run_scoped3A = tpu.sem_alloc : memref<!tpu.dma_semaphore, #tpu.memory_space<semaphore_mem>>
        %dma_start3A_465 = arith.constant 0 : i32
        %dma_start3A_466 = tpu.memref_slice %arg11[%dma_start3A_465] : memref<116736xf32, #tpu.memory_space<vmem_shared>> -> memref<116736xf32, #tpu.memory_space<vmem_shared>>
        tpu.enqueue_indirect_dma source(%arg6 : memref<20000xf32, #tpu.memory_space<vmem>>) target(%dma_start3A_466 : memref<116736xf32, #tpu.memory_space<vmem_shared>>) offsets(%arg8 : memref<20000xi32, #tpu.memory_space<vmem>>) semaphore(%run_scoped3A : memref<!tpu.dma_semaphore, #tpu.memory_space<semaphore_mem>>) {add = true}
        %dma_wait3A_467 = arith.constant 0 : i32
        %dma_wait3A_468 = tpu.memref_slice %arg11[%dma_wait3A_467] : memref<116736xf32, #tpu.memory_space<vmem_shared>> -> memref<116736xf32, #tpu.memory_space<vmem_shared>>
        tpu.wait_indirect_dma semaphore(%run_scoped3A : memref<!tpu.dma_semaphore, #tpu.memory_space<semaphore_mem>>) src(%arg6 : memref<20000xf32, #tpu.memory_space<vmem>>) dst(%dma_wait3A_468 : memref<116736xf32, #tpu.memory_space<vmem_shared>>)
        tpu.yield
      }) : () -> ()
    } else {
    }
    %dma_wait3A_239 = arith.constant 0 : i32
    %dma_wait3A_240 = tpu.memref_slice %arg2[%dma_wait3A_239] : memref<6400000xf32, #tpu.memory_space<hbm>> -> memref<20000xf32, #tpu.memory_space<hbm>>
    %dma_wait3A_241 = arith.constant 0 : i32
    %dma_wait3A_242 = tpu.memref_slice %arg2[%dma_wait3A_241] : memref<6400000xf32, #tpu.memory_space<hbm>> -> memref<20000xf32, #tpu.memory_space<hbm>>
    tpu.wait_dma2 semaphore(%arg12 : memref<!tpu.dma_semaphore, #tpu.memory_space<semaphore_mem>>) src(%dma_wait3A_242 : memref<20000xf32, #tpu.memory_space<hbm>>) dst(%arg5 : memref<20000xf32, #tpu.memory_space<vmem>>)
    %dma_wait3A_243 = arith.constant 0 : i32
    %dma_wait3A_244 = tpu.memref_slice %arg3[%dma_wait3A_243] : memref<6400000xi32, #tpu.memory_space<hbm>> -> memref<20000xi32, #tpu.memory_space<hbm>>
    %dma_wait3A_245 = arith.constant 0 : i32
    %dma_wait3A_246 = tpu.memref_slice %arg3[%dma_wait3A_245] : memref<6400000xi32, #tpu.memory_space<hbm>> -> memref<20000xi32, #tpu.memory_space<hbm>>
    tpu.wait_dma2 semaphore(%arg12 : memref<!tpu.dma_semaphore, #tpu.memory_space<semaphore_mem>>) src(%dma_wait3A_246 : memref<20000xi32, #tpu.memory_space<hbm>>) dst(%arg7 : memref<20000xi32, #tpu.memory_space<vmem>>)
    %mul3A_247 = arith.constant 10 : i32
    %mul3A_248 = arith.muli %add3A, %mul3A_247 : i32
    %add3A_249 = arith.constant 7 : i32
    %add3A_250 = arith.addi %mul3A_248, %add3A_249 : i32
    %mul3A_251 = arith.constant 20000 : i32
    %mul3A_252 = arith.muli %add3A_250, %mul3A_251 : i32
    %multiple_of3A_253 = tpu.assume_multiple %mul3A_252, 16 : i32
    %dma_start3A_254 = tpu.memref_slice %arg2[%multiple_of3A_253] : memref<6400000xf32, #tpu.memory_space<hbm>> -> memref<20000xf32, #tpu.memory_space<hbm>>
    %dma_start3A_255 = tpu.memref_slice %arg2[%multiple_of3A_253] : memref<6400000xf32, #tpu.memory_space<hbm>> -> memref<20000xf32, #tpu.memory_space<hbm>>
    tpu.enqueue_dma source(%dma_start3A_255 : memref<20000xf32, #tpu.memory_space<hbm>>) target(%arg6 : memref<20000xf32, #tpu.memory_space<vmem>>) target_semaphore(%arg13 : memref<!tpu.dma_semaphore, #tpu.memory_space<semaphore_mem>>)
    %dma_start3A_256 = tpu.memref_slice %arg3[%multiple_of3A_253] : memref<6400000xi32, #tpu.memory_space<hbm>> -> memref<20000xi32, #tpu.memory_space<hbm>>
    %dma_start3A_257 = tpu.memref_slice %arg3[%multiple_of3A_253] : memref<6400000xi32, #tpu.memory_space<hbm>> -> memref<20000xi32, #tpu.memory_space<hbm>>
    tpu.enqueue_dma source(%dma_start3A_257 : memref<20000xi32, #tpu.memory_space<hbm>>) target(%arg8 : memref<20000xi32, #tpu.memory_space<vmem>>) target_semaphore(%arg13 : memref<!tpu.dma_semaphore, #tpu.memory_space<semaphore_mem>>)
    %get3A_258 = arith.constant 0 : index
    %get3A_259 = tpu.vector_load %arg7[%get3A_258] {strides = array<i32>} : memref<20000xi32, #tpu.memory_space<vmem>>, vector<16xi32>,
    %slice3A_260 = vector.extract_strided_slice %get3A_259 {offsets = [0], sizes = [1], strides = [1]} : vector<16xi32> to vector<1xi32>
    %squeeze3A_261 = vector.extract %slice3A_260[0] : i32 from vector<1xi32>
    %get3A_262 = arith.constant 19984 : index
    %get3A_263 = tpu.vector_load %arg7[%get3A_262] {strides = array<i32>} : memref<20000xi32, #tpu.memory_space<vmem>>, vector<16xi32>,
    %slice3A_264 = vector.extract_strided_slice %get3A_263 {offsets = [15], sizes = [1], strides = [1]} : vector<16xi32> to vector<1xi32>
    %squeeze3A_265 = vector.extract %slice3A_264[0] : i32 from vector<1xi32>
    %sub3A_266 = arith.subi %squeeze3A_265, %squeeze3A : i32
    %lt3A_267 = arith.constant 16384 : i32
    %lt3A_268 = arith.cmpi slt, %sub3A_266, %lt3A_267 : i32
    %convert_element_type3A_269 = arith.extui %lt3A_268 : i1 to i32
    %cond3A_270 = arith.constant 0 : i32
    %cond3A_271 = arith.cmpi ne, %convert_element_type3A_269, %cond3A_270 : i32
    scf.if %cond3A_271 {
      %parallel_loop3A_465 = arith.constant 0 : i32
      %parallel_loop3A_466 = arith.constant 1250 : i32
      %parallel_loop3A_467 = arith.constant 1 : i32
      scf.for %parallel_loop3A_468 = %parallel_loop3A_465 to %parallel_loop3A_466 step %parallel_loop3A_467  : i32 {
        %parallel_loop3A_469 = arith.constant 16 : i32
        %parallel_loop3A_470 = arith.muli %parallel_loop3A_468, %parallel_loop3A_469 : i32
        %parallel_loop3A_471 = tpu.assume_multiple %parallel_loop3A_470, 16 : i32
        %parallel_loop3A_472 = arith.index_cast %parallel_loop3A_471 : i32 to index
        %parallel_loop3A_473 = tpu.vector_load %arg5[%parallel_loop3A_472] {strides = array<i32>} : memref<20000xf32, #tpu.memory_space<vmem>>, vector<16xf32>,
        %parallel_loop3A_474 = arith.index_cast %parallel_loop3A_471 : i32 to index
        %parallel_loop3A_475 = tpu.vector_load %arg7[%parallel_loop3A_474] {strides = array<i32>} : memref<20000xi32, #tpu.memory_space<vmem>>, vector<16xi32>,
        %parallel_loop3A_476 = arith.constant true
        %parallel_loop3A_477 = vector.broadcast %parallel_loop3A_476 : i1 to vector<16xi1>
        %parallel_loop3A_478 = tpu.scan <sum>, %parallel_loop3A_473 masked %parallel_loop3A_477 : vector<16xf32>, vector<16xi1> -> vector<16xf32>
        %parallel_loop3A_479 = vector.broadcast %squeeze3A : i32 to vector<16xi32>
        %parallel_loop3A_480 = arith.subi %parallel_loop3A_475, %parallel_loop3A_479 : vector<16xi32>
        %parallel_loop3A_481 = arith.constant 0 : i32
        %parallel_loop3A_482 = vector.broadcast %parallel_loop3A_481 : i32 to vector<16xi32>
        %parallel_loop3A_483 = arith.cmpi slt, %min3A_6, %parallel_loop3A_482 : vector<16xi32>
        %parallel_loop3A_484 = arith.constant 16 : i32
        %parallel_loop3A_485 = vector.broadcast %parallel_loop3A_484 : i32 to vector<16xi32>
        %parallel_loop3A_486 = arith.addi %min3A_6, %parallel_loop3A_485 : vector<16xi32>
        %parallel_loop3A_487 = arith.select %parallel_loop3A_483, %parallel_loop3A_486, %min3A_6 : vector<16xi1>, vector<16xi32>
        %parallel_loop3A_488 = vector.shape_cast %parallel_loop3A_487 : vector<16xi32> to vector<16x1xi32>
        %parallel_loop3A_489 = vector.shape_cast %parallel_loop3A_488 : vector<16x1xi32> to vector<16xi32>
        %parallel_loop3A_490 = tpu.dynamic_gather %parallel_loop3A_480[%parallel_loop3A_489] in [0] : vector<16xi32>, vector<16xi32> -> vector<16xi32>
        %parallel_loop3A_491 = arith.cmpi ne, %parallel_loop3A_480, %parallel_loop3A_490 : vector<16xi32>
        %parallel_loop3A_492 = arith.constant 15 : i32
        %parallel_loop3A_493 = vector.broadcast %parallel_loop3A_492 : i32 to vector<16xi32>
        %parallel_loop3A_494 = arith.cmpi eq, %iota3A, %parallel_loop3A_493 : vector<16xi32>
        %parallel_loop3A_495 = arith.ori %parallel_loop3A_491, %parallel_loop3A_494 : vector<16xi1>
        tpu.vector_store_idx %arg9[%parallel_loop3A_480], %parallel_loop3A_478 masked %parallel_loop3A_495 {add = true} : memref<16384xf32, #tpu.memory_space<vmem>>[vector<16xi32>], vector<16xf32>, vector<16xi1>
        %parallel_loop3A_496 = arith.constant 0.000000e+00 : f32
        %parallel_loop3A_497 = vector.broadcast %parallel_loop3A_496 : f32 to vector<16xf32>
        %parallel_loop3A_498 = arith.subf %parallel_loop3A_497, %parallel_loop3A_478 : vector<16xf32>
        tpu.vector_store_idx %arg9[%parallel_loop3A_490], %parallel_loop3A_498 masked %parallel_loop3A_491 {add = true} : memref<16384xf32, #tpu.memory_space<vmem>>[vector<16xi32>], vector<16xf32>, vector<16xi1>
      } {sc.loop_unroll_factor = 6 : i64, sc.parallel_access}
    } else {
    }
    %not3A_272 = arith.constant true
    %not3A_273 = arith.xori %lt3A_268, %not3A_272 : i1
    %convert_element_type3A_274 = arith.extui %not3A_273 : i1 to i32
    %cond3A_275 = arith.constant 0 : i32
    %cond3A_276 = arith.cmpi ne, %convert_element_type3A_274, %cond3A_275 : i32
    scf.if %cond3A_276 {
      "tpu.region"() ({
        %run_scoped3A = tpu.sem_alloc : memref<!tpu.dma_semaphore, #tpu.memory_space<semaphore_mem>>
        %dma_start3A_465 = arith.constant 0 : i32
        %dma_start3A_466 = tpu.memref_slice %arg11[%dma_start3A_465] : memref<116736xf32, #tpu.memory_space<vmem_shared>> -> memref<116736xf32, #tpu.memory_space<vmem_shared>>
        tpu.enqueue_indirect_dma source(%arg5 : memref<20000xf32, #tpu.memory_space<vmem>>) target(%dma_start3A_466 : memref<116736xf32, #tpu.memory_space<vmem_shared>>) offsets(%arg7 : memref<20000xi32, #tpu.memory_space<vmem>>) semaphore(%run_scoped3A : memref<!tpu.dma_semaphore, #tpu.memory_space<semaphore_mem>>) {add = true}
        %dma_wait3A_467 = arith.constant 0 : i32
        %dma_wait3A_468 = tpu.memref_slice %arg11[%dma_wait3A_467] : memref<116736xf32, #tpu.memory_space<vmem_shared>> -> memref<116736xf32, #tpu.memory_space<vmem_shared>>
        tpu.wait_indirect_dma semaphore(%run_scoped3A : memref<!tpu.dma_semaphore, #tpu.memory_space<semaphore_mem>>) src(%arg5 : memref<20000xf32, #tpu.memory_space<vmem>>) dst(%dma_wait3A_468 : memref<116736xf32, #tpu.memory_space<vmem_shared>>)
        tpu.yield
      }) : () -> ()
    } else {
    }
    %dma_wait3A_277 = arith.constant 0 : i32
    %dma_wait3A_278 = tpu.memref_slice %arg2[%dma_wait3A_277] : memref<6400000xf32, #tpu.memory_space<hbm>> -> memref<20000xf32, #tpu.memory_space<hbm>>
    %dma_wait3A_279 = arith.constant 0 : i32
    %dma_wait3A_280 = tpu.memref_slice %arg2[%dma_wait3A_279] : memref<6400000xf32, #tpu.memory_space<hbm>> -> memref<20000xf32, #tpu.memory_space<hbm>>
    tpu.wait_dma2 semaphore(%arg13 : memref<!tpu.dma_semaphore, #tpu.memory_space<semaphore_mem>>) src(%dma_wait3A_280 : memref<20000xf32, #tpu.memory_space<hbm>>) dst(%arg6 : memref<20000xf32, #tpu.memory_space<vmem>>)
    %dma_wait3A_281 = arith.constant 0 : i32
    %dma_wait3A_282 = tpu.memref_slice %arg3[%dma_wait3A_281] : memref<6400000xi32, #tpu.memory_space<hbm>> -> memref<20000xi32, #tpu.memory_space<hbm>>
    %dma_wait3A_283 = arith.constant 0 : i32
    %dma_wait3A_284 = tpu.memref_slice %arg3[%dma_wait3A_283] : memref<6400000xi32, #tpu.memory_space<hbm>> -> memref<20000xi32, #tpu.memory_space<hbm>>
    tpu.wait_dma2 semaphore(%arg13 : memref<!tpu.dma_semaphore, #tpu.memory_space<semaphore_mem>>) src(%dma_wait3A_284 : memref<20000xi32, #tpu.memory_space<hbm>>) dst(%arg8 : memref<20000xi32, #tpu.memory_space<vmem>>)
    %mul3A_285 = arith.constant 10 : i32
    %mul3A_286 = arith.muli %add3A, %mul3A_285 : i32
    %add3A_287 = arith.constant 8 : i32
    %add3A_288 = arith.addi %mul3A_286, %add3A_287 : i32
    %mul3A_289 = arith.constant 20000 : i32
    %mul3A_290 = arith.muli %add3A_288, %mul3A_289 : i32
    %multiple_of3A_291 = tpu.assume_multiple %mul3A_290, 16 : i32
    %dma_start3A_292 = tpu.memref_slice %arg2[%multiple_of3A_291] : memref<6400000xf32, #tpu.memory_space<hbm>> -> memref<20000xf32, #tpu.memory_space<hbm>>
    %dma_start3A_293 = tpu.memref_slice %arg2[%multiple_of3A_291] : memref<6400000xf32, #tpu.memory_space<hbm>> -> memref<20000xf32, #tpu.memory_space<hbm>>
    tpu.enqueue_dma source(%dma_start3A_293 : memref<20000xf32, #tpu.memory_space<hbm>>) target(%arg5 : memref<20000xf32, #tpu.memory_space<vmem>>) target_semaphore(%arg12 : memref<!tpu.dma_semaphore, #tpu.memory_space<semaphore_mem>>)
    %dma_start3A_294 = tpu.memref_slice %arg3[%multiple_of3A_291] : memref<6400000xi32, #tpu.memory_space<hbm>> -> memref<20000xi32, #tpu.memory_space<hbm>>
    %dma_start3A_295 = tpu.memref_slice %arg3[%multiple_of3A_291] : memref<6400000xi32, #tpu.memory_space<hbm>> -> memref<20000xi32, #tpu.memory_space<hbm>>
    tpu.enqueue_dma source(%dma_start3A_295 : memref<20000xi32, #tpu.memory_space<hbm>>) target(%arg7 : memref<20000xi32, #tpu.memory_space<vmem>>) target_semaphore(%arg12 : memref<!tpu.dma_semaphore, #tpu.memory_space<semaphore_mem>>)
    %get3A_296 = arith.constant 0 : index
    %get3A_297 = tpu.vector_load %arg8[%get3A_296] {strides = array<i32>} : memref<20000xi32, #tpu.memory_space<vmem>>, vector<16xi32>,
    %slice3A_298 = vector.extract_strided_slice %get3A_297 {offsets = [0], sizes = [1], strides = [1]} : vector<16xi32> to vector<1xi32>
    %squeeze3A_299 = vector.extract %slice3A_298[0] : i32 from vector<1xi32>
    %get3A_300 = arith.constant 19984 : index
    %get3A_301 = tpu.vector_load %arg8[%get3A_300] {strides = array<i32>} : memref<20000xi32, #tpu.memory_space<vmem>>, vector<16xi32>,
    %slice3A_302 = vector.extract_strided_slice %get3A_301 {offsets = [15], sizes = [1], strides = [1]} : vector<16xi32> to vector<1xi32>
    %squeeze3A_303 = vector.extract %slice3A_302[0] : i32 from vector<1xi32>
    %sub3A_304 = arith.subi %squeeze3A_303, %squeeze3A : i32
    %lt3A_305 = arith.constant 16384 : i32
    %lt3A_306 = arith.cmpi slt, %sub3A_304, %lt3A_305 : i32
    %convert_element_type3A_307 = arith.extui %lt3A_306 : i1 to i32
    %cond3A_308 = arith.constant 0 : i32
    %cond3A_309 = arith.cmpi ne, %convert_element_type3A_307, %cond3A_308 : i32
    scf.if %cond3A_309 {
      %parallel_loop3A_465 = arith.constant 0 : i32
      %parallel_loop3A_466 = arith.constant 1250 : i32
      %parallel_loop3A_467 = arith.constant 1 : i32
      scf.for %parallel_loop3A_468 = %parallel_loop3A_465 to %parallel_loop3A_466 step %parallel_loop3A_467  : i32 {
        %parallel_loop3A_469 = arith.constant 16 : i32
        %parallel_loop3A_470 = arith.muli %parallel_loop3A_468, %parallel_loop3A_469 : i32
        %parallel_loop3A_471 = tpu.assume_multiple %parallel_loop3A_470, 16 : i32
        %parallel_loop3A_472 = arith.index_cast %parallel_loop3A_471 : i32 to index
        %parallel_loop3A_473 = tpu.vector_load %arg6[%parallel_loop3A_472] {strides = array<i32>} : memref<20000xf32, #tpu.memory_space<vmem>>, vector<16xf32>,
        %parallel_loop3A_474 = arith.index_cast %parallel_loop3A_471 : i32 to index
        %parallel_loop3A_475 = tpu.vector_load %arg8[%parallel_loop3A_474] {strides = array<i32>} : memref<20000xi32, #tpu.memory_space<vmem>>, vector<16xi32>,
        %parallel_loop3A_476 = arith.constant true
        %parallel_loop3A_477 = vector.broadcast %parallel_loop3A_476 : i1 to vector<16xi1>
        %parallel_loop3A_478 = tpu.scan <sum>, %parallel_loop3A_473 masked %parallel_loop3A_477 : vector<16xf32>, vector<16xi1> -> vector<16xf32>
        %parallel_loop3A_479 = vector.broadcast %squeeze3A : i32 to vector<16xi32>
        %parallel_loop3A_480 = arith.subi %parallel_loop3A_475, %parallel_loop3A_479 : vector<16xi32>
        %parallel_loop3A_481 = arith.constant 0 : i32
        %parallel_loop3A_482 = vector.broadcast %parallel_loop3A_481 : i32 to vector<16xi32>
        %parallel_loop3A_483 = arith.cmpi slt, %min3A_6, %parallel_loop3A_482 : vector<16xi32>
        %parallel_loop3A_484 = arith.constant 16 : i32
        %parallel_loop3A_485 = vector.broadcast %parallel_loop3A_484 : i32 to vector<16xi32>
        %parallel_loop3A_486 = arith.addi %min3A_6, %parallel_loop3A_485 : vector<16xi32>
        %parallel_loop3A_487 = arith.select %parallel_loop3A_483, %parallel_loop3A_486, %min3A_6 : vector<16xi1>, vector<16xi32>
        %parallel_loop3A_488 = vector.shape_cast %parallel_loop3A_487 : vector<16xi32> to vector<16x1xi32>
        %parallel_loop3A_489 = vector.shape_cast %parallel_loop3A_488 : vector<16x1xi32> to vector<16xi32>
        %parallel_loop3A_490 = tpu.dynamic_gather %parallel_loop3A_480[%parallel_loop3A_489] in [0] : vector<16xi32>, vector<16xi32> -> vector<16xi32>
        %parallel_loop3A_491 = arith.cmpi ne, %parallel_loop3A_480, %parallel_loop3A_490 : vector<16xi32>
        %parallel_loop3A_492 = arith.constant 15 : i32
        %parallel_loop3A_493 = vector.broadcast %parallel_loop3A_492 : i32 to vector<16xi32>
        %parallel_loop3A_494 = arith.cmpi eq, %iota3A, %parallel_loop3A_493 : vector<16xi32>
        %parallel_loop3A_495 = arith.ori %parallel_loop3A_491, %parallel_loop3A_494 : vector<16xi1>
        tpu.vector_store_idx %arg9[%parallel_loop3A_480], %parallel_loop3A_478 masked %parallel_loop3A_495 {add = true} : memref<16384xf32, #tpu.memory_space<vmem>>[vector<16xi32>], vector<16xf32>, vector<16xi1>
        %parallel_loop3A_496 = arith.constant 0.000000e+00 : f32
        %parallel_loop3A_497 = vector.broadcast %parallel_loop3A_496 : f32 to vector<16xf32>
        %parallel_loop3A_498 = arith.subf %parallel_loop3A_497, %parallel_loop3A_478 : vector<16xf32>
        tpu.vector_store_idx %arg9[%parallel_loop3A_490], %parallel_loop3A_498 masked %parallel_loop3A_491 {add = true} : memref<16384xf32, #tpu.memory_space<vmem>>[vector<16xi32>], vector<16xf32>, vector<16xi1>
      } {sc.loop_unroll_factor = 6 : i64, sc.parallel_access}
    } else {
    }
    %not3A_310 = arith.constant true
    %not3A_311 = arith.xori %lt3A_306, %not3A_310 : i1
    %convert_element_type3A_312 = arith.extui %not3A_311 : i1 to i32
    %cond3A_313 = arith.constant 0 : i32
    %cond3A_314 = arith.cmpi ne, %convert_element_type3A_312, %cond3A_313 : i32
    scf.if %cond3A_314 {
      "tpu.region"() ({
        %run_scoped3A = tpu.sem_alloc : memref<!tpu.dma_semaphore, #tpu.memory_space<semaphore_mem>>
        %dma_start3A_465 = arith.constant 0 : i32
        %dma_start3A_466 = tpu.memref_slice %arg11[%dma_start3A_465] : memref<116736xf32, #tpu.memory_space<vmem_shared>> -> memref<116736xf32, #tpu.memory_space<vmem_shared>>
        tpu.enqueue_indirect_dma source(%arg6 : memref<20000xf32, #tpu.memory_space<vmem>>) target(%dma_start3A_466 : memref<116736xf32, #tpu.memory_space<vmem_shared>>) offsets(%arg8 : memref<20000xi32, #tpu.memory_space<vmem>>) semaphore(%run_scoped3A : memref<!tpu.dma_semaphore, #tpu.memory_space<semaphore_mem>>) {add = true}
        %dma_wait3A_467 = arith.constant 0 : i32
        %dma_wait3A_468 = tpu.memref_slice %arg11[%dma_wait3A_467] : memref<116736xf32, #tpu.memory_space<vmem_shared>> -> memref<116736xf32, #tpu.memory_space<vmem_shared>>
        tpu.wait_indirect_dma semaphore(%run_scoped3A : memref<!tpu.dma_semaphore, #tpu.memory_space<semaphore_mem>>) src(%arg6 : memref<20000xf32, #tpu.memory_space<vmem>>) dst(%dma_wait3A_468 : memref<116736xf32, #tpu.memory_space<vmem_shared>>)
        tpu.yield
      }) : () -> ()
    } else {
    }
    %dma_wait3A_315 = arith.constant 0 : i32
    %dma_wait3A_316 = tpu.memref_slice %arg2[%dma_wait3A_315] : memref<6400000xf32, #tpu.memory_space<hbm>> -> memref<20000xf32, #tpu.memory_space<hbm>>
    %dma_wait3A_317 = arith.constant 0 : i32
    %dma_wait3A_318 = tpu.memref_slice %arg2[%dma_wait3A_317] : memref<6400000xf32, #tpu.memory_space<hbm>> -> memref<20000xf32, #tpu.memory_space<hbm>>
    tpu.wait_dma2 semaphore(%arg12 : memref<!tpu.dma_semaphore, #tpu.memory_space<semaphore_mem>>) src(%dma_wait3A_318 : memref<20000xf32, #tpu.memory_space<hbm>>) dst(%arg5 : memref<20000xf32, #tpu.memory_space<vmem>>)
    %dma_wait3A_319 = arith.constant 0 : i32
    %dma_wait3A_320 = tpu.memref_slice %arg3[%dma_wait3A_319] : memref<6400000xi32, #tpu.memory_space<hbm>> -> memref<20000xi32, #tpu.memory_space<hbm>>
    %dma_wait3A_321 = arith.constant 0 : i32
    %dma_wait3A_322 = tpu.memref_slice %arg3[%dma_wait3A_321] : memref<6400000xi32, #tpu.memory_space<hbm>> -> memref<20000xi32, #tpu.memory_space<hbm>>
    tpu.wait_dma2 semaphore(%arg12 : memref<!tpu.dma_semaphore, #tpu.memory_space<semaphore_mem>>) src(%dma_wait3A_322 : memref<20000xi32, #tpu.memory_space<hbm>>) dst(%arg7 : memref<20000xi32, #tpu.memory_space<vmem>>)
    %mul3A_323 = arith.constant 10 : i32
    %mul3A_324 = arith.muli %add3A, %mul3A_323 : i32
    %add3A_325 = arith.constant 9 : i32
    %add3A_326 = arith.addi %mul3A_324, %add3A_325 : i32
    %mul3A_327 = arith.constant 20000 : i32
    %mul3A_328 = arith.muli %add3A_326, %mul3A_327 : i32
    %multiple_of3A_329 = tpu.assume_multiple %mul3A_328, 16 : i32
    %dma_start3A_330 = tpu.memref_slice %arg2[%multiple_of3A_329] : memref<6400000xf32, #tpu.memory_space<hbm>> -> memref<20000xf32, #tpu.memory_space<hbm>>
    %dma_start3A_331 = tpu.memref_slice %arg2[%multiple_of3A_329] : memref<6400000xf32, #tpu.memory_space<hbm>> -> memref<20000xf32, #tpu.memory_space<hbm>>
    tpu.enqueue_dma source(%dma_start3A_331 : memref<20000xf32, #tpu.memory_space<hbm>>) target(%arg6 : memref<20000xf32, #tpu.memory_space<vmem>>) target_semaphore(%arg13 : memref<!tpu.dma_semaphore, #tpu.memory_space<semaphore_mem>>)
    %dma_start3A_332 = tpu.memref_slice %arg3[%multiple_of3A_329] : memref<6400000xi32, #tpu.memory_space<hbm>> -> memref<20000xi32, #tpu.memory_space<hbm>>
    %dma_start3A_333 = tpu.memref_slice %arg3[%multiple_of3A_329] : memref<6400000xi32, #tpu.memory_space<hbm>> -> memref<20000xi32, #tpu.memory_space<hbm>>
    tpu.enqueue_dma source(%dma_start3A_333 : memref<20000xi32, #tpu.memory_space<hbm>>) target(%arg8 : memref<20000xi32, #tpu.memory_space<vmem>>) target_semaphore(%arg13 : memref<!tpu.dma_semaphore, #tpu.memory_space<semaphore_mem>>)
    %get3A_334 = arith.constant 0 : index
    %get3A_335 = tpu.vector_load %arg7[%get3A_334] {strides = array<i32>} : memref<20000xi32, #tpu.memory_space<vmem>>, vector<16xi32>,
    %slice3A_336 = vector.extract_strided_slice %get3A_335 {offsets = [0], sizes = [1], strides = [1]} : vector<16xi32> to vector<1xi32>
    %squeeze3A_337 = vector.extract %slice3A_336[0] : i32 from vector<1xi32>
    %get3A_338 = arith.constant 19984 : index
    %get3A_339 = tpu.vector_load %arg7[%get3A_338] {strides = array<i32>} : memref<20000xi32, #tpu.memory_space<vmem>>, vector<16xi32>,
    %slice3A_340 = vector.extract_strided_slice %get3A_339 {offsets = [15], sizes = [1], strides = [1]} : vector<16xi32> to vector<1xi32>
    %squeeze3A_341 = vector.extract %slice3A_340[0] : i32 from vector<1xi32>
    %sub3A_342 = arith.subi %squeeze3A_341, %squeeze3A : i32
    %lt3A_343 = arith.constant 16384 : i32
    %lt3A_344 = arith.cmpi slt, %sub3A_342, %lt3A_343 : i32
    %convert_element_type3A_345 = arith.extui %lt3A_344 : i1 to i32
    %cond3A_346 = arith.constant 0 : i32
    %cond3A_347 = arith.cmpi ne, %convert_element_type3A_345, %cond3A_346 : i32
    scf.if %cond3A_347 {
      %parallel_loop3A_465 = arith.constant 0 : i32
      %parallel_loop3A_466 = arith.constant 1250 : i32
      %parallel_loop3A_467 = arith.constant 1 : i32
      scf.for %parallel_loop3A_468 = %parallel_loop3A_465 to %parallel_loop3A_466 step %parallel_loop3A_467  : i32 {
        %parallel_loop3A_469 = arith.constant 16 : i32
        %parallel_loop3A_470 = arith.muli %parallel_loop3A_468, %parallel_loop3A_469 : i32
        %parallel_loop3A_471 = tpu.assume_multiple %parallel_loop3A_470, 16 : i32
        %parallel_loop3A_472 = arith.index_cast %parallel_loop3A_471 : i32 to index
        %parallel_loop3A_473 = tpu.vector_load %arg5[%parallel_loop3A_472] {strides = array<i32>} : memref<20000xf32, #tpu.memory_space<vmem>>, vector<16xf32>,
        %parallel_loop3A_474 = arith.index_cast %parallel_loop3A_471 : i32 to index
        %parallel_loop3A_475 = tpu.vector_load %arg7[%parallel_loop3A_474] {strides = array<i32>} : memref<20000xi32, #tpu.memory_space<vmem>>, vector<16xi32>,
        %parallel_loop3A_476 = arith.constant true
        %parallel_loop3A_477 = vector.broadcast %parallel_loop3A_476 : i1 to vector<16xi1>
        %parallel_loop3A_478 = tpu.scan <sum>, %parallel_loop3A_473 masked %parallel_loop3A_477 : vector<16xf32>, vector<16xi1> -> vector<16xf32>
        %parallel_loop3A_479 = vector.broadcast %squeeze3A : i32 to vector<16xi32>
        %parallel_loop3A_480 = arith.subi %parallel_loop3A_475, %parallel_loop3A_479 : vector<16xi32>
        %parallel_loop3A_481 = arith.constant 0 : i32
        %parallel_loop3A_482 = vector.broadcast %parallel_loop3A_481 : i32 to vector<16xi32>
        %parallel_loop3A_483 = arith.cmpi slt, %min3A_6, %parallel_loop3A_482 : vector<16xi32>
        %parallel_loop3A_484 = arith.constant 16 : i32
        %parallel_loop3A_485 = vector.broadcast %parallel_loop3A_484 : i32 to vector<16xi32>
        %parallel_loop3A_486 = arith.addi %min3A_6, %parallel_loop3A_485 : vector<16xi32>
        %parallel_loop3A_487 = arith.select %parallel_loop3A_483, %parallel_loop3A_486, %min3A_6 : vector<16xi1>, vector<16xi32>
        %parallel_loop3A_488 = vector.shape_cast %parallel_loop3A_487 : vector<16xi32> to vector<16x1xi32>
        %parallel_loop3A_489 = vector.shape_cast %parallel_loop3A_488 : vector<16x1xi32> to vector<16xi32>
        %parallel_loop3A_490 = tpu.dynamic_gather %parallel_loop3A_480[%parallel_loop3A_489] in [0] : vector<16xi32>, vector<16xi32> -> vector<16xi32>
        %parallel_loop3A_491 = arith.cmpi ne, %parallel_loop3A_480, %parallel_loop3A_490 : vector<16xi32>
        %parallel_loop3A_492 = arith.constant 15 : i32
        %parallel_loop3A_493 = vector.broadcast %parallel_loop3A_492 : i32 to vector<16xi32>
        %parallel_loop3A_494 = arith.cmpi eq, %iota3A, %parallel_loop3A_493 : vector<16xi32>
        %parallel_loop3A_495 = arith.ori %parallel_loop3A_491, %parallel_loop3A_494 : vector<16xi1>
        tpu.vector_store_idx %arg9[%parallel_loop3A_480], %parallel_loop3A_478 masked %parallel_loop3A_495 {add = true} : memref<16384xf32, #tpu.memory_space<vmem>>[vector<16xi32>], vector<16xf32>, vector<16xi1>
        %parallel_loop3A_496 = arith.constant 0.000000e+00 : f32
        %parallel_loop3A_497 = vector.broadcast %parallel_loop3A_496 : f32 to vector<16xf32>
        %parallel_loop3A_498 = arith.subf %parallel_loop3A_497, %parallel_loop3A_478 : vector<16xf32>
        tpu.vector_store_idx %arg9[%parallel_loop3A_490], %parallel_loop3A_498 masked %parallel_loop3A_491 {add = true} : memref<16384xf32, #tpu.memory_space<vmem>>[vector<16xi32>], vector<16xf32>, vector<16xi1>
      } {sc.loop_unroll_factor = 6 : i64, sc.parallel_access}
    } else {
    }
    %not3A_348 = arith.constant true
    %not3A_349 = arith.xori %lt3A_344, %not3A_348 : i1
    %convert_element_type3A_350 = arith.extui %not3A_349 : i1 to i32
    %cond3A_351 = arith.constant 0 : i32
    %cond3A_352 = arith.cmpi ne, %convert_element_type3A_350, %cond3A_351 : i32
    scf.if %cond3A_352 {
      "tpu.region"() ({
        %run_scoped3A = tpu.sem_alloc : memref<!tpu.dma_semaphore, #tpu.memory_space<semaphore_mem>>
        %dma_start3A_465 = arith.constant 0 : i32
        %dma_start3A_466 = tpu.memref_slice %arg11[%dma_start3A_465] : memref<116736xf32, #tpu.memory_space<vmem_shared>> -> memref<116736xf32, #tpu.memory_space<vmem_shared>>
        tpu.enqueue_indirect_dma source(%arg5 : memref<20000xf32, #tpu.memory_space<vmem>>) target(%dma_start3A_466 : memref<116736xf32, #tpu.memory_space<vmem_shared>>) offsets(%arg7 : memref<20000xi32, #tpu.memory_space<vmem>>) semaphore(%run_scoped3A : memref<!tpu.dma_semaphore, #tpu.memory_space<semaphore_mem>>) {add = true}
        %dma_wait3A_467 = arith.constant 0 : i32
        %dma_wait3A_468 = tpu.memref_slice %arg11[%dma_wait3A_467] : memref<116736xf32, #tpu.memory_space<vmem_shared>> -> memref<116736xf32, #tpu.memory_space<vmem_shared>>
        tpu.wait_indirect_dma semaphore(%run_scoped3A : memref<!tpu.dma_semaphore, #tpu.memory_space<semaphore_mem>>) src(%arg5 : memref<20000xf32, #tpu.memory_space<vmem>>) dst(%dma_wait3A_468 : memref<116736xf32, #tpu.memory_space<vmem_shared>>)
        tpu.yield
      }) : () -> ()
    } else {
    }
    %dma_wait3A_353 = arith.constant 0 : i32
    %dma_wait3A_354 = tpu.memref_slice %arg2[%dma_wait3A_353] : memref<6400000xf32, #tpu.memory_space<hbm>> -> memref<20000xf32, #tpu.memory_space<hbm>>
    %dma_wait3A_355 = arith.constant 0 : i32
    %dma_wait3A_356 = tpu.memref_slice %arg2[%dma_wait3A_355] : memref<6400000xf32, #tpu.memory_space<hbm>> -> memref<20000xf32, #tpu.memory_space<hbm>>
    tpu.wait_dma2 semaphore(%arg13 : memref<!tpu.dma_semaphore, #tpu.memory_space<semaphore_mem>>) src(%dma_wait3A_356 : memref<20000xf32, #tpu.memory_space<hbm>>) dst(%arg6 : memref<20000xf32, #tpu.memory_space<vmem>>)
    %dma_wait3A_357 = arith.constant 0 : i32
    %dma_wait3A_358 = tpu.memref_slice %arg3[%dma_wait3A_357] : memref<6400000xi32, #tpu.memory_space<hbm>> -> memref<20000xi32, #tpu.memory_space<hbm>>
    %dma_wait3A_359 = arith.constant 0 : i32
    %dma_wait3A_360 = tpu.memref_slice %arg3[%dma_wait3A_359] : memref<6400000xi32, #tpu.memory_space<hbm>> -> memref<20000xi32, #tpu.memory_space<hbm>>
    tpu.wait_dma2 semaphore(%arg13 : memref<!tpu.dma_semaphore, #tpu.memory_space<semaphore_mem>>) src(%dma_wait3A_360 : memref<20000xi32, #tpu.memory_space<hbm>>) dst(%arg8 : memref<20000xi32, #tpu.memory_space<vmem>>)
    %get3A_361 = arith.constant 0 : index
    %get3A_362 = tpu.vector_load %arg8[%get3A_361] {strides = array<i32>} : memref<20000xi32, #tpu.memory_space<vmem>>, vector<16xi32>,
    %slice3A_363 = vector.extract_strided_slice %get3A_362 {offsets = [0], sizes = [1], strides = [1]} : vector<16xi32> to vector<1xi32>
    %squeeze3A_364 = vector.extract %slice3A_363[0] : i32 from vector<1xi32>
    %get3A_365 = arith.constant 19984 : index
    %get3A_366 = tpu.vector_load %arg8[%get3A_365] {strides = array<i32>} : memref<20000xi32, #tpu.memory_space<vmem>>, vector<16xi32>,
    %slice3A_367 = vector.extract_strided_slice %get3A_366 {offsets = [15], sizes = [1], strides = [1]} : vector<16xi32> to vector<1xi32>
    %squeeze3A_368 = vector.extract %slice3A_367[0] : i32 from vector<1xi32>
    %sub3A_369 = arith.subi %squeeze3A_368, %squeeze3A : i32
    %lt3A_370 = arith.constant 16384 : i32
    %lt3A_371 = arith.cmpi slt, %sub3A_369, %lt3A_370 : i32
    %convert_element_type3A_372 = arith.extui %lt3A_371 : i1 to i32
    %cond3A_373 = arith.constant 0 : i32
    %cond3A_374 = arith.cmpi ne, %convert_element_type3A_372, %cond3A_373 : i32
    scf.if %cond3A_374 {
      %parallel_loop3A_465 = arith.constant 0 : i32
      %parallel_loop3A_466 = arith.constant 1250 : i32
      %parallel_loop3A_467 = arith.constant 1 : i32
      scf.for %parallel_loop3A_468 = %parallel_loop3A_465 to %parallel_loop3A_466 step %parallel_loop3A_467  : i32 {
        %parallel_loop3A_469 = arith.constant 16 : i32
        %parallel_loop3A_470 = arith.muli %parallel_loop3A_468, %parallel_loop3A_469 : i32
        %parallel_loop3A_471 = tpu.assume_multiple %parallel_loop3A_470, 16 : i32
        %parallel_loop3A_472 = arith.index_cast %parallel_loop3A_471 : i32 to index
        %parallel_loop3A_473 = tpu.vector_load %arg6[%parallel_loop3A_472] {strides = array<i32>} : memref<20000xf32, #tpu.memory_space<vmem>>, vector<16xf32>,
        %parallel_loop3A_474 = arith.index_cast %parallel_loop3A_471 : i32 to index
        %parallel_loop3A_475 = tpu.vector_load %arg8[%parallel_loop3A_474] {strides = array<i32>} : memref<20000xi32, #tpu.memory_space<vmem>>, vector<16xi32>,
        %parallel_loop3A_476 = arith.constant true
        %parallel_loop3A_477 = vector.broadcast %parallel_loop3A_476 : i1 to vector<16xi1>
        %parallel_loop3A_478 = tpu.scan <sum>, %parallel_loop3A_473 masked %parallel_loop3A_477 : vector<16xf32>, vector<16xi1> -> vector<16xf32>
        %parallel_loop3A_479 = vector.broadcast %squeeze3A : i32 to vector<16xi32>
        %parallel_loop3A_480 = arith.subi %parallel_loop3A_475, %parallel_loop3A_479 : vector<16xi32>
        %parallel_loop3A_481 = arith.constant 0 : i32
        %parallel_loop3A_482 = vector.broadcast %parallel_loop3A_481 : i32 to vector<16xi32>
        %parallel_loop3A_483 = arith.cmpi slt, %min3A_6, %parallel_loop3A_482 : vector<16xi32>
        %parallel_loop3A_484 = arith.constant 16 : i32
        %parallel_loop3A_485 = vector.broadcast %parallel_loop3A_484 : i32 to vector<16xi32>
        %parallel_loop3A_486 = arith.addi %min3A_6, %parallel_loop3A_485 : vector<16xi32>
        %parallel_loop3A_487 = arith.select %parallel_loop3A_483, %parallel_loop3A_486, %min3A_6 : vector<16xi1>, vector<16xi32>
        %parallel_loop3A_488 = vector.shape_cast %parallel_loop3A_487 : vector<16xi32> to vector<16x1xi32>
        %parallel_loop3A_489 = vector.shape_cast %parallel_loop3A_488 : vector<16x1xi32> to vector<16xi32>
        %parallel_loop3A_490 = tpu.dynamic_gather %parallel_loop3A_480[%parallel_loop3A_489] in [0] : vector<16xi32>, vector<16xi32> -> vector<16xi32>
        %parallel_loop3A_491 = arith.cmpi ne, %parallel_loop3A_480, %parallel_loop3A_490 : vector<16xi32>
        %parallel_loop3A_492 = arith.constant 15 : i32
        %parallel_loop3A_493 = vector.broadcast %parallel_loop3A_492 : i32 to vector<16xi32>
        %parallel_loop3A_494 = arith.cmpi eq, %iota3A, %parallel_loop3A_493 : vector<16xi32>
        %parallel_loop3A_495 = arith.ori %parallel_loop3A_491, %parallel_loop3A_494 : vector<16xi1>
        tpu.vector_store_idx %arg9[%parallel_loop3A_480], %parallel_loop3A_478 masked %parallel_loop3A_495 {add = true} : memref<16384xf32, #tpu.memory_space<vmem>>[vector<16xi32>], vector<16xf32>, vector<16xi1>
        %parallel_loop3A_496 = arith.constant 0.000000e+00 : f32
        %parallel_loop3A_497 = vector.broadcast %parallel_loop3A_496 : f32 to vector<16xf32>
        %parallel_loop3A_498 = arith.subf %parallel_loop3A_497, %parallel_loop3A_478 : vector<16xf32>
        tpu.vector_store_idx %arg9[%parallel_loop3A_490], %parallel_loop3A_498 masked %parallel_loop3A_491 {add = true} : memref<16384xf32, #tpu.memory_space<vmem>>[vector<16xi32>], vector<16xf32>, vector<16xi1>
      } {sc.loop_unroll_factor = 6 : i64, sc.parallel_access}
    } else {
    }
    %not3A_375 = arith.constant true
    %not3A_376 = arith.xori %lt3A_371, %not3A_375 : i1
    %convert_element_type3A_377 = arith.extui %not3A_376 : i1 to i32
    %cond3A_378 = arith.constant 0 : i32
    %cond3A_379 = arith.cmpi ne, %convert_element_type3A_377, %cond3A_378 : i32
    scf.if %cond3A_379 {
      "tpu.region"() ({
        %run_scoped3A = tpu.sem_alloc : memref<!tpu.dma_semaphore, #tpu.memory_space<semaphore_mem>>
        %dma_start3A_465 = arith.constant 0 : i32
        %dma_start3A_466 = tpu.memref_slice %arg11[%dma_start3A_465] : memref<116736xf32, #tpu.memory_space<vmem_shared>> -> memref<116736xf32, #tpu.memory_space<vmem_shared>>
        tpu.enqueue_indirect_dma source(%arg6 : memref<20000xf32, #tpu.memory_space<vmem>>) target(%dma_start3A_466 : memref<116736xf32, #tpu.memory_space<vmem_shared>>) offsets(%arg8 : memref<20000xi32, #tpu.memory_space<vmem>>) semaphore(%run_scoped3A : memref<!tpu.dma_semaphore, #tpu.memory_space<semaphore_mem>>) {add = true}
        %dma_wait3A_467 = arith.constant 0 : i32
        %dma_wait3A_468 = tpu.memref_slice %arg11[%dma_wait3A_467] : memref<116736xf32, #tpu.memory_space<vmem_shared>> -> memref<116736xf32, #tpu.memory_space<vmem_shared>>
        tpu.wait_indirect_dma semaphore(%run_scoped3A : memref<!tpu.dma_semaphore, #tpu.memory_space<semaphore_mem>>) src(%arg6 : memref<20000xf32, #tpu.memory_space<vmem>>) dst(%dma_wait3A_468 : memref<116736xf32, #tpu.memory_space<vmem_shared>>)
        tpu.yield
      }) : () -> ()
    } else {
    }
    %sub3A_380 = arith.subi %squeeze3A_368, %squeeze3A : i32
    %ge3A = arith.constant 0 : i32
    %ge3A_381 = arith.cmpi sge, %sub3A_380, %ge3A : i32
    %convert_element_type3A_382 = arith.extui %ge3A_381 : i1 to i32
    %cond3A_383 = arith.constant 0 : i32
    %cond3A_384 = arith.cmpi ne, %convert_element_type3A_382, %cond3A_383 : i32
    scf.if %cond3A_384 {
      %parallel_loop3A_465 = arith.constant 0 : i32
      %parallel_loop3A_466 = arith.constant 64 : i32
      %parallel_loop3A_467 = arith.constant 1 : i32
      scf.for %parallel_loop3A_468 = %parallel_loop3A_465 to %parallel_loop3A_466 step %parallel_loop3A_467  : i32 {
        %parallel_loop3A_469 = arith.constant 16 : i32
        %parallel_loop3A_470 = arith.muli %parallel_loop3A_468, %parallel_loop3A_469 : i32
        %parallel_loop3A_471 = tpu.assume_multiple %parallel_loop3A_470, 16 : i32
        %parallel_loop3A_472 = arith.constant 0 : i32
        %parallel_loop3A_473 = arith.addi %squeeze3A, %parallel_loop3A_472 : i32
        %parallel_loop3A_474 = arith.constant 16 : i32
        %parallel_loop3A_475 = arith.muli %parallel_loop3A_468, %parallel_loop3A_474 : i32
        %parallel_loop3A_476 = arith.addi %parallel_loop3A_473, %parallel_loop3A_475 : i32
        %parallel_loop3A_477 = vector.broadcast %parallel_loop3A_476 : i32 to vector<16xi32>
        %parallel_loop3A_478 = arith.addi %iota3A, %parallel_loop3A_477 : vector<16xi32>
        %parallel_loop3A_479 = arith.index_cast %parallel_loop3A_471 : i32 to index
        %parallel_loop3A_480 = tpu.vector_load %arg10[%parallel_loop3A_479] {strides = array<i32>} : memref<1024xi32, #tpu.memory_space<vmem>>, vector<16xi32>,
        tpu.vector_store %arg10[%parallel_loop3A_479], %parallel_loop3A_478 {strides = array<i32>} : memref<1024xi32, #tpu.memory_space<vmem>>, vector<16xi32>,
      } {sc.loop_unroll_factor = 8 : i64, sc.parallel_access}
      "tpu.region"() ({
        %run_scoped3A = tpu.sem_alloc : memref<!tpu.dma_semaphore, #tpu.memory_space<semaphore_mem>>
        %dma_start3A_468 = arith.constant 0 : i32
        %dma_start3A_469 = tpu.memref_slice %arg9[%dma_start3A_468] : memref<16384xf32, #tpu.memory_space<vmem>> -> memref<1024xf32, #tpu.memory_space<vmem>>
        %dma_start3A_470 = arith.constant 0 : i32
        %dma_start3A_471 = tpu.memref_slice %arg11[%dma_start3A_470] : memref<116736xf32, #tpu.memory_space<vmem_shared>> -> memref<116736xf32, #tpu.memory_space<vmem_shared>>
        tpu.enqueue_indirect_dma source(%dma_start3A_469 : memref<1024xf32, #tpu.memory_space<vmem>>) target(%dma_start3A_471 : memref<116736xf32, #tpu.memory_space<vmem_shared>>) offsets(%arg10 : memref<1024xi32, #tpu.memory_space<vmem>>) semaphore(%run_scoped3A : memref<!tpu.dma_semaphore, #tpu.memory_space<semaphore_mem>>) {add = true}
        %dma_wait3A_472 = arith.constant 0 : i32
        %dma_wait3A_473 = tpu.memref_slice %arg9[%dma_wait3A_472] : memref<16384xf32, #tpu.memory_space<vmem>> -> memref<1024xf32, #tpu.memory_space<vmem>>
        %dma_wait3A_474 = arith.constant 0 : i32
        %dma_wait3A_475 = tpu.memref_slice %arg11[%dma_wait3A_474] : memref<116736xf32, #tpu.memory_space<vmem_shared>> -> memref<116736xf32, #tpu.memory_space<vmem_shared>>
        tpu.wait_indirect_dma semaphore(%run_scoped3A : memref<!tpu.dma_semaphore, #tpu.memory_space<semaphore_mem>>) src(%dma_wait3A_473 : memref<1024xf32, #tpu.memory_space<vmem>>) dst(%dma_wait3A_475 : memref<116736xf32, #tpu.memory_space<vmem_shared>>)
        tpu.yield
      }) : () -> ()
    } else {
    }
    %ge3A_385 = arith.constant 1024 : i32
    %ge3A_386 = arith.cmpi sge, %sub3A_380, %ge3A_385 : i32
    %convert_element_type3A_387 = arith.extui %ge3A_386 : i1 to i32
    %cond3A_388 = arith.constant 0 : i32
    %cond3A_389 = arith.cmpi ne, %convert_element_type3A_387, %cond3A_388 : i32
    scf.if %cond3A_389 {
      %parallel_loop3A_465 = arith.constant 0 : i32
      %parallel_loop3A_466 = arith.constant 64 : i32
      %parallel_loop3A_467 = arith.constant 1 : i32
      scf.for %parallel_loop3A_468 = %parallel_loop3A_465 to %parallel_loop3A_466 step %parallel_loop3A_467  : i32 {
        %parallel_loop3A_469 = arith.constant 16 : i32
        %parallel_loop3A_470 = arith.muli %parallel_loop3A_468, %parallel_loop3A_469 : i32
        %parallel_loop3A_471 = tpu.assume_multiple %parallel_loop3A_470, 16 : i32
        %parallel_loop3A_472 = arith.constant 1024 : i32
        %parallel_loop3A_473 = arith.addi %squeeze3A, %parallel_loop3A_472 : i32
        %parallel_loop3A_474 = arith.constant 16 : i32
        %parallel_loop3A_475 = arith.muli %parallel_loop3A_468, %parallel_loop3A_474 : i32
        %parallel_loop3A_476 = arith.addi %parallel_loop3A_473, %parallel_loop3A_475 : i32
        %parallel_loop3A_477 = vector.broadcast %parallel_loop3A_476 : i32 to vector<16xi32>
        %parallel_loop3A_478 = arith.addi %iota3A, %parallel_loop3A_477 : vector<16xi32>
        %parallel_loop3A_479 = arith.index_cast %parallel_loop3A_471 : i32 to index
        %parallel_loop3A_480 = tpu.vector_load %arg10[%parallel_loop3A_479] {strides = array<i32>} : memref<1024xi32, #tpu.memory_space<vmem>>, vector<16xi32>,
        tpu.vector_store %arg10[%parallel_loop3A_479], %parallel_loop3A_478 {strides = array<i32>} : memref<1024xi32, #tpu.memory_space<vmem>>, vector<16xi32>,
      } {sc.loop_unroll_factor = 8 : i64, sc.parallel_access}
      "tpu.region"() ({
        %run_scoped3A = tpu.sem_alloc : memref<!tpu.dma_semaphore, #tpu.memory_space<semaphore_mem>>
        %dma_start3A_468 = arith.constant 1024 : i32
        %dma_start3A_469 = tpu.memref_slice %arg9[%dma_start3A_468] : memref<16384xf32, #tpu.memory_space<vmem>> -> memref<1024xf32, #tpu.memory_space<vmem>>
        %dma_start3A_470 = arith.constant 0 : i32
        %dma_start3A_471 = tpu.memref_slice %arg11[%dma_start3A_470] : memref<116736xf32, #tpu.memory_space<vmem_shared>> -> memref<116736xf32, #tpu.memory_space<vmem_shared>>
        tpu.enqueue_indirect_dma source(%dma_start3A_469 : memref<1024xf32, #tpu.memory_space<vmem>>) target(%dma_start3A_471 : memref<116736xf32, #tpu.memory_space<vmem_shared>>) offsets(%arg10 : memref<1024xi32, #tpu.memory_space<vmem>>) semaphore(%run_scoped3A : memref<!tpu.dma_semaphore, #tpu.memory_space<semaphore_mem>>) {add = true}
        %dma_wait3A_472 = arith.constant 1024 : i32
        %dma_wait3A_473 = tpu.memref_slice %arg9[%dma_wait3A_472] : memref<16384xf32, #tpu.memory_space<vmem>> -> memref<1024xf32, #tpu.memory_space<vmem>>
        %dma_wait3A_474 = arith.constant 0 : i32
        %dma_wait3A_475 = tpu.memref_slice %arg11[%dma_wait3A_474] : memref<116736xf32, #tpu.memory_space<vmem_shared>> -> memref<116736xf32, #tpu.memory_space<vmem_shared>>
        tpu.wait_indirect_dma semaphore(%run_scoped3A : memref<!tpu.dma_semaphore, #tpu.memory_space<semaphore_mem>>) src(%dma_wait3A_473 : memref<1024xf32, #tpu.memory_space<vmem>>) dst(%dma_wait3A_475 : memref<116736xf32, #tpu.memory_space<vmem_shared>>)
        tpu.yield
      }) : () -> ()
    } else {
    }
    %ge3A_390 = arith.constant 2048 : i32
    %ge3A_391 = arith.cmpi sge, %sub3A_380, %ge3A_390 : i32
    %convert_element_type3A_392 = arith.extui %ge3A_391 : i1 to i32
    %cond3A_393 = arith.constant 0 : i32
    %cond3A_394 = arith.cmpi ne, %convert_element_type3A_392, %cond3A_393 : i32
    scf.if %cond3A_394 {
      %parallel_loop3A_465 = arith.constant 0 : i32
      %parallel_loop3A_466 = arith.constant 64 : i32
      %parallel_loop3A_467 = arith.constant 1 : i32
      scf.for %parallel_loop3A_468 = %parallel_loop3A_465 to %parallel_loop3A_466 step %parallel_loop3A_467  : i32 {
        %parallel_loop3A_469 = arith.constant 16 : i32
        %parallel_loop3A_470 = arith.muli %parallel_loop3A_468, %parallel_loop3A_469 : i32
        %parallel_loop3A_471 = tpu.assume_multiple %parallel_loop3A_470, 16 : i32
        %parallel_loop3A_472 = arith.constant 2048 : i32
        %parallel_loop3A_473 = arith.addi %squeeze3A, %parallel_loop3A_472 : i32
        %parallel_loop3A_474 = arith.constant 16 : i32
        %parallel_loop3A_475 = arith.muli %parallel_loop3A_468, %parallel_loop3A_474 : i32
        %parallel_loop3A_476 = arith.addi %parallel_loop3A_473, %parallel_loop3A_475 : i32
        %parallel_loop3A_477 = vector.broadcast %parallel_loop3A_476 : i32 to vector<16xi32>
        %parallel_loop3A_478 = arith.addi %iota3A, %parallel_loop3A_477 : vector<16xi32>
        %parallel_loop3A_479 = arith.index_cast %parallel_loop3A_471 : i32 to index
        %parallel_loop3A_480 = tpu.vector_load %arg10[%parallel_loop3A_479] {strides = array<i32>} : memref<1024xi32, #tpu.memory_space<vmem>>, vector<16xi32>,
        tpu.vector_store %arg10[%parallel_loop3A_479], %parallel_loop3A_478 {strides = array<i32>} : memref<1024xi32, #tpu.memory_space<vmem>>, vector<16xi32>,
      } {sc.loop_unroll_factor = 8 : i64, sc.parallel_access}
      "tpu.region"() ({
        %run_scoped3A = tpu.sem_alloc : memref<!tpu.dma_semaphore, #tpu.memory_space<semaphore_mem>>
        %dma_start3A_468 = arith.constant 2048 : i32
        %dma_start3A_469 = tpu.memref_slice %arg9[%dma_start3A_468] : memref<16384xf32, #tpu.memory_space<vmem>> -> memref<1024xf32, #tpu.memory_space<vmem>>
        %dma_start3A_470 = arith.constant 0 : i32
        %dma_start3A_471 = tpu.memref_slice %arg11[%dma_start3A_470] : memref<116736xf32, #tpu.memory_space<vmem_shared>> -> memref<116736xf32, #tpu.memory_space<vmem_shared>>
        tpu.enqueue_indirect_dma source(%dma_start3A_469 : memref<1024xf32, #tpu.memory_space<vmem>>) target(%dma_start3A_471 : memref<116736xf32, #tpu.memory_space<vmem_shared>>) offsets(%arg10 : memref<1024xi32, #tpu.memory_space<vmem>>) semaphore(%run_scoped3A : memref<!tpu.dma_semaphore, #tpu.memory_space<semaphore_mem>>) {add = true}
        %dma_wait3A_472 = arith.constant 2048 : i32
        %dma_wait3A_473 = tpu.memref_slice %arg9[%dma_wait3A_472] : memref<16384xf32, #tpu.memory_space<vmem>> -> memref<1024xf32, #tpu.memory_space<vmem>>
        %dma_wait3A_474 = arith.constant 0 : i32
        %dma_wait3A_475 = tpu.memref_slice %arg11[%dma_wait3A_474] : memref<116736xf32, #tpu.memory_space<vmem_shared>> -> memref<116736xf32, #tpu.memory_space<vmem_shared>>
        tpu.wait_indirect_dma semaphore(%run_scoped3A : memref<!tpu.dma_semaphore, #tpu.memory_space<semaphore_mem>>) src(%dma_wait3A_473 : memref<1024xf32, #tpu.memory_space<vmem>>) dst(%dma_wait3A_475 : memref<116736xf32, #tpu.memory_space<vmem_shared>>)
        tpu.yield
      }) : () -> ()
    } else {
    }
    %ge3A_395 = arith.constant 3072 : i32
    %ge3A_396 = arith.cmpi sge, %sub3A_380, %ge3A_395 : i32
    %convert_element_type3A_397 = arith.extui %ge3A_396 : i1 to i32
    %cond3A_398 = arith.constant 0 : i32
    %cond3A_399 = arith.cmpi ne, %convert_element_type3A_397, %cond3A_398 : i32
    scf.if %cond3A_399 {
      %parallel_loop3A_465 = arith.constant 0 : i32
      %parallel_loop3A_466 = arith.constant 64 : i32
      %parallel_loop3A_467 = arith.constant 1 : i32
      scf.for %parallel_loop3A_468 = %parallel_loop3A_465 to %parallel_loop3A_466 step %parallel_loop3A_467  : i32 {
        %parallel_loop3A_469 = arith.constant 16 : i32
        %parallel_loop3A_470 = arith.muli %parallel_loop3A_468, %parallel_loop3A_469 : i32
        %parallel_loop3A_471 = tpu.assume_multiple %parallel_loop3A_470, 16 : i32
        %parallel_loop3A_472 = arith.constant 3072 : i32
        %parallel_loop3A_473 = arith.addi %squeeze3A, %parallel_loop3A_472 : i32
        %parallel_loop3A_474 = arith.constant 16 : i32
        %parallel_loop3A_475 = arith.muli %parallel_loop3A_468, %parallel_loop3A_474 : i32
        %parallel_loop3A_476 = arith.addi %parallel_loop3A_473, %parallel_loop3A_475 : i32
        %parallel_loop3A_477 = vector.broadcast %parallel_loop3A_476 : i32 to vector<16xi32>
        %parallel_loop3A_478 = arith.addi %iota3A, %parallel_loop3A_477 : vector<16xi32>
        %parallel_loop3A_479 = arith.index_cast %parallel_loop3A_471 : i32 to index
        %parallel_loop3A_480 = tpu.vector_load %arg10[%parallel_loop3A_479] {strides = array<i32>} : memref<1024xi32, #tpu.memory_space<vmem>>, vector<16xi32>,
        tpu.vector_store %arg10[%parallel_loop3A_479], %parallel_loop3A_478 {strides = array<i32>} : memref<1024xi32, #tpu.memory_space<vmem>>, vector<16xi32>,
      } {sc.loop_unroll_factor = 8 : i64, sc.parallel_access}
      "tpu.region"() ({
        %run_scoped3A = tpu.sem_alloc : memref<!tpu.dma_semaphore, #tpu.memory_space<semaphore_mem>>
        %dma_start3A_468 = arith.constant 3072 : i32
        %dma_start3A_469 = tpu.memref_slice %arg9[%dma_start3A_468] : memref<16384xf32, #tpu.memory_space<vmem>> -> memref<1024xf32, #tpu.memory_space<vmem>>
        %dma_start3A_470 = arith.constant 0 : i32
        %dma_start3A_471 = tpu.memref_slice %arg11[%dma_start3A_470] : memref<116736xf32, #tpu.memory_space<vmem_shared>> -> memref<116736xf32, #tpu.memory_space<vmem_shared>>
        tpu.enqueue_indirect_dma source(%dma_start3A_469 : memref<1024xf32, #tpu.memory_space<vmem>>) target(%dma_start3A_471 : memref<116736xf32, #tpu.memory_space<vmem_shared>>) offsets(%arg10 : memref<1024xi32, #tpu.memory_space<vmem>>) semaphore(%run_scoped3A : memref<!tpu.dma_semaphore, #tpu.memory_space<semaphore_mem>>) {add = true}
        %dma_wait3A_472 = arith.constant 3072 : i32
        %dma_wait3A_473 = tpu.memref_slice %arg9[%dma_wait3A_472] : memref<16384xf32, #tpu.memory_space<vmem>> -> memref<1024xf32, #tpu.memory_space<vmem>>
        %dma_wait3A_474 = arith.constant 0 : i32
        %dma_wait3A_475 = tpu.memref_slice %arg11[%dma_wait3A_474] : memref<116736xf32, #tpu.memory_space<vmem_shared>> -> memref<116736xf32, #tpu.memory_space<vmem_shared>>
        tpu.wait_indirect_dma semaphore(%run_scoped3A : memref<!tpu.dma_semaphore, #tpu.memory_space<semaphore_mem>>) src(%dma_wait3A_473 : memref<1024xf32, #tpu.memory_space<vmem>>) dst(%dma_wait3A_475 : memref<116736xf32, #tpu.memory_space<vmem_shared>>)
        tpu.yield
      }) : () -> ()
    } else {
    }
    %ge3A_400 = arith.constant 4096 : i32
    %ge3A_401 = arith.cmpi sge, %sub3A_380, %ge3A_400 : i32
    %convert_element_type3A_402 = arith.extui %ge3A_401 : i1 to i32
    %cond3A_403 = arith.constant 0 : i32
    %cond3A_404 = arith.cmpi ne, %convert_element_type3A_402, %cond3A_403 : i32
    scf.if %cond3A_404 {
      %parallel_loop3A_465 = arith.constant 0 : i32
      %parallel_loop3A_466 = arith.constant 64 : i32
      %parallel_loop3A_467 = arith.constant 1 : i32
      scf.for %parallel_loop3A_468 = %parallel_loop3A_465 to %parallel_loop3A_466 step %parallel_loop3A_467  : i32 {
        %parallel_loop3A_469 = arith.constant 16 : i32
        %parallel_loop3A_470 = arith.muli %parallel_loop3A_468, %parallel_loop3A_469 : i32
        %parallel_loop3A_471 = tpu.assume_multiple %parallel_loop3A_470, 16 : i32
        %parallel_loop3A_472 = arith.constant 4096 : i32
        %parallel_loop3A_473 = arith.addi %squeeze3A, %parallel_loop3A_472 : i32
        %parallel_loop3A_474 = arith.constant 16 : i32
        %parallel_loop3A_475 = arith.muli %parallel_loop3A_468, %parallel_loop3A_474 : i32
        %parallel_loop3A_476 = arith.addi %parallel_loop3A_473, %parallel_loop3A_475 : i32
        %parallel_loop3A_477 = vector.broadcast %parallel_loop3A_476 : i32 to vector<16xi32>
        %parallel_loop3A_478 = arith.addi %iota3A, %parallel_loop3A_477 : vector<16xi32>
        %parallel_loop3A_479 = arith.index_cast %parallel_loop3A_471 : i32 to index
        %parallel_loop3A_480 = tpu.vector_load %arg10[%parallel_loop3A_479] {strides = array<i32>} : memref<1024xi32, #tpu.memory_space<vmem>>, vector<16xi32>,
        tpu.vector_store %arg10[%parallel_loop3A_479], %parallel_loop3A_478 {strides = array<i32>} : memref<1024xi32, #tpu.memory_space<vmem>>, vector<16xi32>,
      } {sc.loop_unroll_factor = 8 : i64, sc.parallel_access}
      "tpu.region"() ({
        %run_scoped3A = tpu.sem_alloc : memref<!tpu.dma_semaphore, #tpu.memory_space<semaphore_mem>>
        %dma_start3A_468 = arith.constant 4096 : i32
        %dma_start3A_469 = tpu.memref_slice %arg9[%dma_start3A_468] : memref<16384xf32, #tpu.memory_space<vmem>> -> memref<1024xf32, #tpu.memory_space<vmem>>
        %dma_start3A_470 = arith.constant 0 : i32
        %dma_start3A_471 = tpu.memref_slice %arg11[%dma_start3A_470] : memref<116736xf32, #tpu.memory_space<vmem_shared>> -> memref<116736xf32, #tpu.memory_space<vmem_shared>>
        tpu.enqueue_indirect_dma source(%dma_start3A_469 : memref<1024xf32, #tpu.memory_space<vmem>>) target(%dma_start3A_471 : memref<116736xf32, #tpu.memory_space<vmem_shared>>) offsets(%arg10 : memref<1024xi32, #tpu.memory_space<vmem>>) semaphore(%run_scoped3A : memref<!tpu.dma_semaphore, #tpu.memory_space<semaphore_mem>>) {add = true}
        %dma_wait3A_472 = arith.constant 4096 : i32
        %dma_wait3A_473 = tpu.memref_slice %arg9[%dma_wait3A_472] : memref<16384xf32, #tpu.memory_space<vmem>> -> memref<1024xf32, #tpu.memory_space<vmem>>
        %dma_wait3A_474 = arith.constant 0 : i32
        %dma_wait3A_475 = tpu.memref_slice %arg11[%dma_wait3A_474] : memref<116736xf32, #tpu.memory_space<vmem_shared>> -> memref<116736xf32, #tpu.memory_space<vmem_shared>>
        tpu.wait_indirect_dma semaphore(%run_scoped3A : memref<!tpu.dma_semaphore, #tpu.memory_space<semaphore_mem>>) src(%dma_wait3A_473 : memref<1024xf32, #tpu.memory_space<vmem>>) dst(%dma_wait3A_475 : memref<116736xf32, #tpu.memory_space<vmem_shared>>)
        tpu.yield
      }) : () -> ()
    } else {
    }
    %ge3A_405 = arith.constant 5120 : i32
    %ge3A_406 = arith.cmpi sge, %sub3A_380, %ge3A_405 : i32
    %convert_element_type3A_407 = arith.extui %ge3A_406 : i1 to i32
    %cond3A_408 = arith.constant 0 : i32
    %cond3A_409 = arith.cmpi ne, %convert_element_type3A_407, %cond3A_408 : i32
    scf.if %cond3A_409 {
      %parallel_loop3A_465 = arith.constant 0 : i32
      %parallel_loop3A_466 = arith.constant 64 : i32
      %parallel_loop3A_467 = arith.constant 1 : i32
      scf.for %parallel_loop3A_468 = %parallel_loop3A_465 to %parallel_loop3A_466 step %parallel_loop3A_467  : i32 {
        %parallel_loop3A_469 = arith.constant 16 : i32
        %parallel_loop3A_470 = arith.muli %parallel_loop3A_468, %parallel_loop3A_469 : i32
        %parallel_loop3A_471 = tpu.assume_multiple %parallel_loop3A_470, 16 : i32
        %parallel_loop3A_472 = arith.constant 5120 : i32
        %parallel_loop3A_473 = arith.addi %squeeze3A, %parallel_loop3A_472 : i32
        %parallel_loop3A_474 = arith.constant 16 : i32
        %parallel_loop3A_475 = arith.muli %parallel_loop3A_468, %parallel_loop3A_474 : i32
        %parallel_loop3A_476 = arith.addi %parallel_loop3A_473, %parallel_loop3A_475 : i32
        %parallel_loop3A_477 = vector.broadcast %parallel_loop3A_476 : i32 to vector<16xi32>
        %parallel_loop3A_478 = arith.addi %iota3A, %parallel_loop3A_477 : vector<16xi32>
        %parallel_loop3A_479 = arith.index_cast %parallel_loop3A_471 : i32 to index
        %parallel_loop3A_480 = tpu.vector_load %arg10[%parallel_loop3A_479] {strides = array<i32>} : memref<1024xi32, #tpu.memory_space<vmem>>, vector<16xi32>,
        tpu.vector_store %arg10[%parallel_loop3A_479], %parallel_loop3A_478 {strides = array<i32>} : memref<1024xi32, #tpu.memory_space<vmem>>, vector<16xi32>,
      } {sc.loop_unroll_factor = 8 : i64, sc.parallel_access}
      "tpu.region"() ({
        %run_scoped3A = tpu.sem_alloc : memref<!tpu.dma_semaphore, #tpu.memory_space<semaphore_mem>>
        %dma_start3A_468 = arith.constant 5120 : i32
        %dma_start3A_469 = tpu.memref_slice %arg9[%dma_start3A_468] : memref<16384xf32, #tpu.memory_space<vmem>> -> memref<1024xf32, #tpu.memory_space<vmem>>
        %dma_start3A_470 = arith.constant 0 : i32
        %dma_start3A_471 = tpu.memref_slice %arg11[%dma_start3A_470] : memref<116736xf32, #tpu.memory_space<vmem_shared>> -> memref<116736xf32, #tpu.memory_space<vmem_shared>>
        tpu.enqueue_indirect_dma source(%dma_start3A_469 : memref<1024xf32, #tpu.memory_space<vmem>>) target(%dma_start3A_471 : memref<116736xf32, #tpu.memory_space<vmem_shared>>) offsets(%arg10 : memref<1024xi32, #tpu.memory_space<vmem>>) semaphore(%run_scoped3A : memref<!tpu.dma_semaphore, #tpu.memory_space<semaphore_mem>>) {add = true}
        %dma_wait3A_472 = arith.constant 5120 : i32
        %dma_wait3A_473 = tpu.memref_slice %arg9[%dma_wait3A_472] : memref<16384xf32, #tpu.memory_space<vmem>> -> memref<1024xf32, #tpu.memory_space<vmem>>
        %dma_wait3A_474 = arith.constant 0 : i32
        %dma_wait3A_475 = tpu.memref_slice %arg11[%dma_wait3A_474] : memref<116736xf32, #tpu.memory_space<vmem_shared>> -> memref<116736xf32, #tpu.memory_space<vmem_shared>>
        tpu.wait_indirect_dma semaphore(%run_scoped3A : memref<!tpu.dma_semaphore, #tpu.memory_space<semaphore_mem>>) src(%dma_wait3A_473 : memref<1024xf32, #tpu.memory_space<vmem>>) dst(%dma_wait3A_475 : memref<116736xf32, #tpu.memory_space<vmem_shared>>)
        tpu.yield
      }) : () -> ()
    } else {
    }
    %ge3A_410 = arith.constant 6144 : i32
    %ge3A_411 = arith.cmpi sge, %sub3A_380, %ge3A_410 : i32
    %convert_element_type3A_412 = arith.extui %ge3A_411 : i1 to i32
    %cond3A_413 = arith.constant 0 : i32
    %cond3A_414 = arith.cmpi ne, %convert_element_type3A_412, %cond3A_413 : i32
    scf.if %cond3A_414 {
      %parallel_loop3A_465 = arith.constant 0 : i32
      %parallel_loop3A_466 = arith.constant 64 : i32
      %parallel_loop3A_467 = arith.constant 1 : i32
      scf.for %parallel_loop3A_468 = %parallel_loop3A_465 to %parallel_loop3A_466 step %parallel_loop3A_467  : i32 {
        %parallel_loop3A_469 = arith.constant 16 : i32
        %parallel_loop3A_470 = arith.muli %parallel_loop3A_468, %parallel_loop3A_469 : i32
        %parallel_loop3A_471 = tpu.assume_multiple %parallel_loop3A_470, 16 : i32
        %parallel_loop3A_472 = arith.constant 6144 : i32
        %parallel_loop3A_473 = arith.addi %squeeze3A, %parallel_loop3A_472 : i32
        %parallel_loop3A_474 = arith.constant 16 : i32
        %parallel_loop3A_475 = arith.muli %parallel_loop3A_468, %parallel_loop3A_474 : i32
        %parallel_loop3A_476 = arith.addi %parallel_loop3A_473, %parallel_loop3A_475 : i32
        %parallel_loop3A_477 = vector.broadcast %parallel_loop3A_476 : i32 to vector<16xi32>
        %parallel_loop3A_478 = arith.addi %iota3A, %parallel_loop3A_477 : vector<16xi32>
        %parallel_loop3A_479 = arith.index_cast %parallel_loop3A_471 : i32 to index
        %parallel_loop3A_480 = tpu.vector_load %arg10[%parallel_loop3A_479] {strides = array<i32>} : memref<1024xi32, #tpu.memory_space<vmem>>, vector<16xi32>,
        tpu.vector_store %arg10[%parallel_loop3A_479], %parallel_loop3A_478 {strides = array<i32>} : memref<1024xi32, #tpu.memory_space<vmem>>, vector<16xi32>,
      } {sc.loop_unroll_factor = 8 : i64, sc.parallel_access}
      "tpu.region"() ({
        %run_scoped3A = tpu.sem_alloc : memref<!tpu.dma_semaphore, #tpu.memory_space<semaphore_mem>>
        %dma_start3A_468 = arith.constant 6144 : i32
        %dma_start3A_469 = tpu.memref_slice %arg9[%dma_start3A_468] : memref<16384xf32, #tpu.memory_space<vmem>> -> memref<1024xf32, #tpu.memory_space<vmem>>
        %dma_start3A_470 = arith.constant 0 : i32
        %dma_start3A_471 = tpu.memref_slice %arg11[%dma_start3A_470] : memref<116736xf32, #tpu.memory_space<vmem_shared>> -> memref<116736xf32, #tpu.memory_space<vmem_shared>>
        tpu.enqueue_indirect_dma source(%dma_start3A_469 : memref<1024xf32, #tpu.memory_space<vmem>>) target(%dma_start3A_471 : memref<116736xf32, #tpu.memory_space<vmem_shared>>) offsets(%arg10 : memref<1024xi32, #tpu.memory_space<vmem>>) semaphore(%run_scoped3A : memref<!tpu.dma_semaphore, #tpu.memory_space<semaphore_mem>>) {add = true}
        %dma_wait3A_472 = arith.constant 6144 : i32
        %dma_wait3A_473 = tpu.memref_slice %arg9[%dma_wait3A_472] : memref<16384xf32, #tpu.memory_space<vmem>> -> memref<1024xf32, #tpu.memory_space<vmem>>
        %dma_wait3A_474 = arith.constant 0 : i32
        %dma_wait3A_475 = tpu.memref_slice %arg11[%dma_wait3A_474] : memref<116736xf32, #tpu.memory_space<vmem_shared>> -> memref<116736xf32, #tpu.memory_space<vmem_shared>>
        tpu.wait_indirect_dma semaphore(%run_scoped3A : memref<!tpu.dma_semaphore, #tpu.memory_space<semaphore_mem>>) src(%dma_wait3A_473 : memref<1024xf32, #tpu.memory_space<vmem>>) dst(%dma_wait3A_475 : memref<116736xf32, #tpu.memory_space<vmem_shared>>)
        tpu.yield
      }) : () -> ()
    } else {
    }
    %ge3A_415 = arith.constant 7168 : i32
    %ge3A_416 = arith.cmpi sge, %sub3A_380, %ge3A_415 : i32
    %convert_element_type3A_417 = arith.extui %ge3A_416 : i1 to i32
    %cond3A_418 = arith.constant 0 : i32
    %cond3A_419 = arith.cmpi ne, %convert_element_type3A_417, %cond3A_418 : i32
    scf.if %cond3A_419 {
      %parallel_loop3A_465 = arith.constant 0 : i32
      %parallel_loop3A_466 = arith.constant 64 : i32
      %parallel_loop3A_467 = arith.constant 1 : i32
      scf.for %parallel_loop3A_468 = %parallel_loop3A_465 to %parallel_loop3A_466 step %parallel_loop3A_467  : i32 {
        %parallel_loop3A_469 = arith.constant 16 : i32
        %parallel_loop3A_470 = arith.muli %parallel_loop3A_468, %parallel_loop3A_469 : i32
        %parallel_loop3A_471 = tpu.assume_multiple %parallel_loop3A_470, 16 : i32
        %parallel_loop3A_472 = arith.constant 7168 : i32
        %parallel_loop3A_473 = arith.addi %squeeze3A, %parallel_loop3A_472 : i32
        %parallel_loop3A_474 = arith.constant 16 : i32
        %parallel_loop3A_475 = arith.muli %parallel_loop3A_468, %parallel_loop3A_474 : i32
        %parallel_loop3A_476 = arith.addi %parallel_loop3A_473, %parallel_loop3A_475 : i32
        %parallel_loop3A_477 = vector.broadcast %parallel_loop3A_476 : i32 to vector<16xi32>
        %parallel_loop3A_478 = arith.addi %iota3A, %parallel_loop3A_477 : vector<16xi32>
        %parallel_loop3A_479 = arith.index_cast %parallel_loop3A_471 : i32 to index
        %parallel_loop3A_480 = tpu.vector_load %arg10[%parallel_loop3A_479] {strides = array<i32>} : memref<1024xi32, #tpu.memory_space<vmem>>, vector<16xi32>,
        tpu.vector_store %arg10[%parallel_loop3A_479], %parallel_loop3A_478 {strides = array<i32>} : memref<1024xi32, #tpu.memory_space<vmem>>, vector<16xi32>,
      } {sc.loop_unroll_factor = 8 : i64, sc.parallel_access}
      "tpu.region"() ({
        %run_scoped3A = tpu.sem_alloc : memref<!tpu.dma_semaphore, #tpu.memory_space<semaphore_mem>>
        %dma_start3A_468 = arith.constant 7168 : i32
        %dma_start3A_469 = tpu.memref_slice %arg9[%dma_start3A_468] : memref<16384xf32, #tpu.memory_space<vmem>> -> memref<1024xf32, #tpu.memory_space<vmem>>
        %dma_start3A_470 = arith.constant 0 : i32
        %dma_start3A_471 = tpu.memref_slice %arg11[%dma_start3A_470] : memref<116736xf32, #tpu.memory_space<vmem_shared>> -> memref<116736xf32, #tpu.memory_space<vmem_shared>>
        tpu.enqueue_indirect_dma source(%dma_start3A_469 : memref<1024xf32, #tpu.memory_space<vmem>>) target(%dma_start3A_471 : memref<116736xf32, #tpu.memory_space<vmem_shared>>) offsets(%arg10 : memref<1024xi32, #tpu.memory_space<vmem>>) semaphore(%run_scoped3A : memref<!tpu.dma_semaphore, #tpu.memory_space<semaphore_mem>>) {add = true}
        %dma_wait3A_472 = arith.constant 7168 : i32
        %dma_wait3A_473 = tpu.memref_slice %arg9[%dma_wait3A_472] : memref<16384xf32, #tpu.memory_space<vmem>> -> memref<1024xf32, #tpu.memory_space<vmem>>
        %dma_wait3A_474 = arith.constant 0 : i32
        %dma_wait3A_475 = tpu.memref_slice %arg11[%dma_wait3A_474] : memref<116736xf32, #tpu.memory_space<vmem_shared>> -> memref<116736xf32, #tpu.memory_space<vmem_shared>>
        tpu.wait_indirect_dma semaphore(%run_scoped3A : memref<!tpu.dma_semaphore, #tpu.memory_space<semaphore_mem>>) src(%dma_wait3A_473 : memref<1024xf32, #tpu.memory_space<vmem>>) dst(%dma_wait3A_475 : memref<116736xf32, #tpu.memory_space<vmem_shared>>)
        tpu.yield
      }) : () -> ()
    } else {
    }
    %ge3A_420 = arith.constant 8192 : i32
    %ge3A_421 = arith.cmpi sge, %sub3A_380, %ge3A_420 : i32
    %convert_element_type3A_422 = arith.extui %ge3A_421 : i1 to i32
    %cond3A_423 = arith.constant 0 : i32
    %cond3A_424 = arith.cmpi ne, %convert_element_type3A_422, %cond3A_423 : i32
    scf.if %cond3A_424 {
      %parallel_loop3A_465 = arith.constant 0 : i32
      %parallel_loop3A_466 = arith.constant 64 : i32
      %parallel_loop3A_467 = arith.constant 1 : i32
      scf.for %parallel_loop3A_468 = %parallel_loop3A_465 to %parallel_loop3A_466 step %parallel_loop3A_467  : i32 {
        %parallel_loop3A_469 = arith.constant 16 : i32
        %parallel_loop3A_470 = arith.muli %parallel_loop3A_468, %parallel_loop3A_469 : i32
        %parallel_loop3A_471 = tpu.assume_multiple %parallel_loop3A_470, 16 : i32
        %parallel_loop3A_472 = arith.constant 8192 : i32
        %parallel_loop3A_473 = arith.addi %squeeze3A, %parallel_loop3A_472 : i32
        %parallel_loop3A_474 = arith.constant 16 : i32
        %parallel_loop3A_475 = arith.muli %parallel_loop3A_468, %parallel_loop3A_474 : i32
        %parallel_loop3A_476 = arith.addi %parallel_loop3A_473, %parallel_loop3A_475 : i32
        %parallel_loop3A_477 = vector.broadcast %parallel_loop3A_476 : i32 to vector<16xi32>
        %parallel_loop3A_478 = arith.addi %iota3A, %parallel_loop3A_477 : vector<16xi32>
        %parallel_loop3A_479 = arith.index_cast %parallel_loop3A_471 : i32 to index
        %parallel_loop3A_480 = tpu.vector_load %arg10[%parallel_loop3A_479] {strides = array<i32>} : memref<1024xi32, #tpu.memory_space<vmem>>, vector<16xi32>,
        tpu.vector_store %arg10[%parallel_loop3A_479], %parallel_loop3A_478 {strides = array<i32>} : memref<1024xi32, #tpu.memory_space<vmem>>, vector<16xi32>,
      } {sc.loop_unroll_factor = 8 : i64, sc.parallel_access}
      "tpu.region"() ({
        %run_scoped3A = tpu.sem_alloc : memref<!tpu.dma_semaphore, #tpu.memory_space<semaphore_mem>>
        %dma_start3A_468 = arith.constant 8192 : i32
        %dma_start3A_469 = tpu.memref_slice %arg9[%dma_start3A_468] : memref<16384xf32, #tpu.memory_space<vmem>> -> memref<1024xf32, #tpu.memory_space<vmem>>
        %dma_start3A_470 = arith.constant 0 : i32
        %dma_start3A_471 = tpu.memref_slice %arg11[%dma_start3A_470] : memref<116736xf32, #tpu.memory_space<vmem_shared>> -> memref<116736xf32, #tpu.memory_space<vmem_shared>>
        tpu.enqueue_indirect_dma source(%dma_start3A_469 : memref<1024xf32, #tpu.memory_space<vmem>>) target(%dma_start3A_471 : memref<116736xf32, #tpu.memory_space<vmem_shared>>) offsets(%arg10 : memref<1024xi32, #tpu.memory_space<vmem>>) semaphore(%run_scoped3A : memref<!tpu.dma_semaphore, #tpu.memory_space<semaphore_mem>>) {add = true}
        %dma_wait3A_472 = arith.constant 8192 : i32
        %dma_wait3A_473 = tpu.memref_slice %arg9[%dma_wait3A_472] : memref<16384xf32, #tpu.memory_space<vmem>> -> memref<1024xf32, #tpu.memory_space<vmem>>
        %dma_wait3A_474 = arith.constant 0 : i32
        %dma_wait3A_475 = tpu.memref_slice %arg11[%dma_wait3A_474] : memref<116736xf32, #tpu.memory_space<vmem_shared>> -> memref<116736xf32, #tpu.memory_space<vmem_shared>>
        tpu.wait_indirect_dma semaphore(%run_scoped3A : memref<!tpu.dma_semaphore, #tpu.memory_space<semaphore_mem>>) src(%dma_wait3A_473 : memref<1024xf32, #tpu.memory_space<vmem>>) dst(%dma_wait3A_475 : memref<116736xf32, #tpu.memory_space<vmem_shared>>)
        tpu.yield
      }) : () -> ()
    } else {
    }
    %ge3A_425 = arith.constant 9216 : i32
    %ge3A_426 = arith.cmpi sge, %sub3A_380, %ge3A_425 : i32
    %convert_element_type3A_427 = arith.extui %ge3A_426 : i1 to i32
    %cond3A_428 = arith.constant 0 : i32
    %cond3A_429 = arith.cmpi ne, %convert_element_type3A_427, %cond3A_428 : i32
    scf.if %cond3A_429 {
      %parallel_loop3A_465 = arith.constant 0 : i32
      %parallel_loop3A_466 = arith.constant 64 : i32
      %parallel_loop3A_467 = arith.constant 1 : i32
      scf.for %parallel_loop3A_468 = %parallel_loop3A_465 to %parallel_loop3A_466 step %parallel_loop3A_467  : i32 {
        %parallel_loop3A_469 = arith.constant 16 : i32
        %parallel_loop3A_470 = arith.muli %parallel_loop3A_468, %parallel_loop3A_469 : i32
        %parallel_loop3A_471 = tpu.assume_multiple %parallel_loop3A_470, 16 : i32
        %parallel_loop3A_472 = arith.constant 9216 : i32
        %parallel_loop3A_473 = arith.addi %squeeze3A, %parallel_loop3A_472 : i32
        %parallel_loop3A_474 = arith.constant 16 : i32
        %parallel_loop3A_475 = arith.muli %parallel_loop3A_468, %parallel_loop3A_474 : i32
        %parallel_loop3A_476 = arith.addi %parallel_loop3A_473, %parallel_loop3A_475 : i32
        %parallel_loop3A_477 = vector.broadcast %parallel_loop3A_476 : i32 to vector<16xi32>
        %parallel_loop3A_478 = arith.addi %iota3A, %parallel_loop3A_477 : vector<16xi32>
        %parallel_loop3A_479 = arith.index_cast %parallel_loop3A_471 : i32 to index
        %parallel_loop3A_480 = tpu.vector_load %arg10[%parallel_loop3A_479] {strides = array<i32>} : memref<1024xi32, #tpu.memory_space<vmem>>, vector<16xi32>,
        tpu.vector_store %arg10[%parallel_loop3A_479], %parallel_loop3A_478 {strides = array<i32>} : memref<1024xi32, #tpu.memory_space<vmem>>, vector<16xi32>,
      } {sc.loop_unroll_factor = 8 : i64, sc.parallel_access}
      "tpu.region"() ({
        %run_scoped3A = tpu.sem_alloc : memref<!tpu.dma_semaphore, #tpu.memory_space<semaphore_mem>>
        %dma_start3A_468 = arith.constant 9216 : i32
        %dma_start3A_469 = tpu.memref_slice %arg9[%dma_start3A_468] : memref<16384xf32, #tpu.memory_space<vmem>> -> memref<1024xf32, #tpu.memory_space<vmem>>
        %dma_start3A_470 = arith.constant 0 : i32
        %dma_start3A_471 = tpu.memref_slice %arg11[%dma_start3A_470] : memref<116736xf32, #tpu.memory_space<vmem_shared>> -> memref<116736xf32, #tpu.memory_space<vmem_shared>>
        tpu.enqueue_indirect_dma source(%dma_start3A_469 : memref<1024xf32, #tpu.memory_space<vmem>>) target(%dma_start3A_471 : memref<116736xf32, #tpu.memory_space<vmem_shared>>) offsets(%arg10 : memref<1024xi32, #tpu.memory_space<vmem>>) semaphore(%run_scoped3A : memref<!tpu.dma_semaphore, #tpu.memory_space<semaphore_mem>>) {add = true}
        %dma_wait3A_472 = arith.constant 9216 : i32
        %dma_wait3A_473 = tpu.memref_slice %arg9[%dma_wait3A_472] : memref<16384xf32, #tpu.memory_space<vmem>> -> memref<1024xf32, #tpu.memory_space<vmem>>
        %dma_wait3A_474 = arith.constant 0 : i32
        %dma_wait3A_475 = tpu.memref_slice %arg11[%dma_wait3A_474] : memref<116736xf32, #tpu.memory_space<vmem_shared>> -> memref<116736xf32, #tpu.memory_space<vmem_shared>>
        tpu.wait_indirect_dma semaphore(%run_scoped3A : memref<!tpu.dma_semaphore, #tpu.memory_space<semaphore_mem>>) src(%dma_wait3A_473 : memref<1024xf32, #tpu.memory_space<vmem>>) dst(%dma_wait3A_475 : memref<116736xf32, #tpu.memory_space<vmem_shared>>)
        tpu.yield
      }) : () -> ()
    } else {
    }
    %ge3A_430 = arith.constant 10240 : i32
    %ge3A_431 = arith.cmpi sge, %sub3A_380, %ge3A_430 : i32
    %convert_element_type3A_432 = arith.extui %ge3A_431 : i1 to i32
    %cond3A_433 = arith.constant 0 : i32
    %cond3A_434 = arith.cmpi ne, %convert_element_type3A_432, %cond3A_433 : i32
    scf.if %cond3A_434 {
      %parallel_loop3A_465 = arith.constant 0 : i32
      %parallel_loop3A_466 = arith.constant 64 : i32
      %parallel_loop3A_467 = arith.constant 1 : i32
      scf.for %parallel_loop3A_468 = %parallel_loop3A_465 to %parallel_loop3A_466 step %parallel_loop3A_467  : i32 {
        %parallel_loop3A_469 = arith.constant 16 : i32
        %parallel_loop3A_470 = arith.muli %parallel_loop3A_468, %parallel_loop3A_469 : i32
        %parallel_loop3A_471 = tpu.assume_multiple %parallel_loop3A_470, 16 : i32
        %parallel_loop3A_472 = arith.constant 10240 : i32
        %parallel_loop3A_473 = arith.addi %squeeze3A, %parallel_loop3A_472 : i32
        %parallel_loop3A_474 = arith.constant 16 : i32
        %parallel_loop3A_475 = arith.muli %parallel_loop3A_468, %parallel_loop3A_474 : i32
        %parallel_loop3A_476 = arith.addi %parallel_loop3A_473, %parallel_loop3A_475 : i32
        %parallel_loop3A_477 = vector.broadcast %parallel_loop3A_476 : i32 to vector<16xi32>
        %parallel_loop3A_478 = arith.addi %iota3A, %parallel_loop3A_477 : vector<16xi32>
        %parallel_loop3A_479 = arith.index_cast %parallel_loop3A_471 : i32 to index
        %parallel_loop3A_480 = tpu.vector_load %arg10[%parallel_loop3A_479] {strides = array<i32>} : memref<1024xi32, #tpu.memory_space<vmem>>, vector<16xi32>,
        tpu.vector_store %arg10[%parallel_loop3A_479], %parallel_loop3A_478 {strides = array<i32>} : memref<1024xi32, #tpu.memory_space<vmem>>, vector<16xi32>,
      } {sc.loop_unroll_factor = 8 : i64, sc.parallel_access}
      "tpu.region"() ({
        %run_scoped3A = tpu.sem_alloc : memref<!tpu.dma_semaphore, #tpu.memory_space<semaphore_mem>>
        %dma_start3A_468 = arith.constant 10240 : i32
        %dma_start3A_469 = tpu.memref_slice %arg9[%dma_start3A_468] : memref<16384xf32, #tpu.memory_space<vmem>> -> memref<1024xf32, #tpu.memory_space<vmem>>
        %dma_start3A_470 = arith.constant 0 : i32
        %dma_start3A_471 = tpu.memref_slice %arg11[%dma_start3A_470] : memref<116736xf32, #tpu.memory_space<vmem_shared>> -> memref<116736xf32, #tpu.memory_space<vmem_shared>>
        tpu.enqueue_indirect_dma source(%dma_start3A_469 : memref<1024xf32, #tpu.memory_space<vmem>>) target(%dma_start3A_471 : memref<116736xf32, #tpu.memory_space<vmem_shared>>) offsets(%arg10 : memref<1024xi32, #tpu.memory_space<vmem>>) semaphore(%run_scoped3A : memref<!tpu.dma_semaphore, #tpu.memory_space<semaphore_mem>>) {add = true}
        %dma_wait3A_472 = arith.constant 10240 : i32
        %dma_wait3A_473 = tpu.memref_slice %arg9[%dma_wait3A_472] : memref<16384xf32, #tpu.memory_space<vmem>> -> memref<1024xf32, #tpu.memory_space<vmem>>
        %dma_wait3A_474 = arith.constant 0 : i32
        %dma_wait3A_475 = tpu.memref_slice %arg11[%dma_wait3A_474] : memref<116736xf32, #tpu.memory_space<vmem_shared>> -> memref<116736xf32, #tpu.memory_space<vmem_shared>>
        tpu.wait_indirect_dma semaphore(%run_scoped3A : memref<!tpu.dma_semaphore, #tpu.memory_space<semaphore_mem>>) src(%dma_wait3A_473 : memref<1024xf32, #tpu.memory_space<vmem>>) dst(%dma_wait3A_475 : memref<116736xf32, #tpu.memory_space<vmem_shared>>)
        tpu.yield
      }) : () -> ()
    } else {
    }
    %ge3A_435 = arith.constant 11264 : i32
    %ge3A_436 = arith.cmpi sge, %sub3A_380, %ge3A_435 : i32
    %convert_element_type3A_437 = arith.extui %ge3A_436 : i1 to i32
    %cond3A_438 = arith.constant 0 : i32
    %cond3A_439 = arith.cmpi ne, %convert_element_type3A_437, %cond3A_438 : i32
    scf.if %cond3A_439 {
      %parallel_loop3A_465 = arith.constant 0 : i32
      %parallel_loop3A_466 = arith.constant 64 : i32
      %parallel_loop3A_467 = arith.constant 1 : i32
      scf.for %parallel_loop3A_468 = %parallel_loop3A_465 to %parallel_loop3A_466 step %parallel_loop3A_467  : i32 {
        %parallel_loop3A_469 = arith.constant 16 : i32
        %parallel_loop3A_470 = arith.muli %parallel_loop3A_468, %parallel_loop3A_469 : i32
        %parallel_loop3A_471 = tpu.assume_multiple %parallel_loop3A_470, 16 : i32
        %parallel_loop3A_472 = arith.constant 11264 : i32
        %parallel_loop3A_473 = arith.addi %squeeze3A, %parallel_loop3A_472 : i32
        %parallel_loop3A_474 = arith.constant 16 : i32
        %parallel_loop3A_475 = arith.muli %parallel_loop3A_468, %parallel_loop3A_474 : i32
        %parallel_loop3A_476 = arith.addi %parallel_loop3A_473, %parallel_loop3A_475 : i32
        %parallel_loop3A_477 = vector.broadcast %parallel_loop3A_476 : i32 to vector<16xi32>
        %parallel_loop3A_478 = arith.addi %iota3A, %parallel_loop3A_477 : vector<16xi32>
        %parallel_loop3A_479 = arith.index_cast %parallel_loop3A_471 : i32 to index
        %parallel_loop3A_480 = tpu.vector_load %arg10[%parallel_loop3A_479] {strides = array<i32>} : memref<1024xi32, #tpu.memory_space<vmem>>, vector<16xi32>,
        tpu.vector_store %arg10[%parallel_loop3A_479], %parallel_loop3A_478 {strides = array<i32>} : memref<1024xi32, #tpu.memory_space<vmem>>, vector<16xi32>,
      } {sc.loop_unroll_factor = 8 : i64, sc.parallel_access}
      "tpu.region"() ({
        %run_scoped3A = tpu.sem_alloc : memref<!tpu.dma_semaphore, #tpu.memory_space<semaphore_mem>>
        %dma_start3A_468 = arith.constant 11264 : i32
        %dma_start3A_469 = tpu.memref_slice %arg9[%dma_start3A_468] : memref<16384xf32, #tpu.memory_space<vmem>> -> memref<1024xf32, #tpu.memory_space<vmem>>
        %dma_start3A_470 = arith.constant 0 : i32
        %dma_start3A_471 = tpu.memref_slice %arg11[%dma_start3A_470] : memref<116736xf32, #tpu.memory_space<vmem_shared>> -> memref<116736xf32, #tpu.memory_space<vmem_shared>>
        tpu.enqueue_indirect_dma source(%dma_start3A_469 : memref<1024xf32, #tpu.memory_space<vmem>>) target(%dma_start3A_471 : memref<116736xf32, #tpu.memory_space<vmem_shared>>) offsets(%arg10 : memref<1024xi32, #tpu.memory_space<vmem>>) semaphore(%run_scoped3A : memref<!tpu.dma_semaphore, #tpu.memory_space<semaphore_mem>>) {add = true}
        %dma_wait3A_472 = arith.constant 11264 : i32
        %dma_wait3A_473 = tpu.memref_slice %arg9[%dma_wait3A_472] : memref<16384xf32, #tpu.memory_space<vmem>> -> memref<1024xf32, #tpu.memory_space<vmem>>
        %dma_wait3A_474 = arith.constant 0 : i32
        %dma_wait3A_475 = tpu.memref_slice %arg11[%dma_wait3A_474] : memref<116736xf32, #tpu.memory_space<vmem_shared>> -> memref<116736xf32, #tpu.memory_space<vmem_shared>>
        tpu.wait_indirect_dma semaphore(%run_scoped3A : memref<!tpu.dma_semaphore, #tpu.memory_space<semaphore_mem>>) src(%dma_wait3A_473 : memref<1024xf32, #tpu.memory_space<vmem>>) dst(%dma_wait3A_475 : memref<116736xf32, #tpu.memory_space<vmem_shared>>)
        tpu.yield
      }) : () -> ()
    } else {
    }
    %ge3A_440 = arith.constant 12288 : i32
    %ge3A_441 = arith.cmpi sge, %sub3A_380, %ge3A_440 : i32
    %convert_element_type3A_442 = arith.extui %ge3A_441 : i1 to i32
    %cond3A_443 = arith.constant 0 : i32
    %cond3A_444 = arith.cmpi ne, %convert_element_type3A_442, %cond3A_443 : i32
    scf.if %cond3A_444 {
      %parallel_loop3A_465 = arith.constant 0 : i32
      %parallel_loop3A_466 = arith.constant 64 : i32
      %parallel_loop3A_467 = arith.constant 1 : i32
      scf.for %parallel_loop3A_468 = %parallel_loop3A_465 to %parallel_loop3A_466 step %parallel_loop3A_467  : i32 {
        %parallel_loop3A_469 = arith.constant 16 : i32
        %parallel_loop3A_470 = arith.muli %parallel_loop3A_468, %parallel_loop3A_469 : i32
        %parallel_loop3A_471 = tpu.assume_multiple %parallel_loop3A_470, 16 : i32
        %parallel_loop3A_472 = arith.constant 12288 : i32
        %parallel_loop3A_473 = arith.addi %squeeze3A, %parallel_loop3A_472 : i32
        %parallel_loop3A_474 = arith.constant 16 : i32
        %parallel_loop3A_475 = arith.muli %parallel_loop3A_468, %parallel_loop3A_474 : i32
        %parallel_loop3A_476 = arith.addi %parallel_loop3A_473, %parallel_loop3A_475 : i32
        %parallel_loop3A_477 = vector.broadcast %parallel_loop3A_476 : i32 to vector<16xi32>
        %parallel_loop3A_478 = arith.addi %iota3A, %parallel_loop3A_477 : vector<16xi32>
        %parallel_loop3A_479 = arith.index_cast %parallel_loop3A_471 : i32 to index
        %parallel_loop3A_480 = tpu.vector_load %arg10[%parallel_loop3A_479] {strides = array<i32>} : memref<1024xi32, #tpu.memory_space<vmem>>, vector<16xi32>,
        tpu.vector_store %arg10[%parallel_loop3A_479], %parallel_loop3A_478 {strides = array<i32>} : memref<1024xi32, #tpu.memory_space<vmem>>, vector<16xi32>,
      } {sc.loop_unroll_factor = 8 : i64, sc.parallel_access}
      "tpu.region"() ({
        %run_scoped3A = tpu.sem_alloc : memref<!tpu.dma_semaphore, #tpu.memory_space<semaphore_mem>>
        %dma_start3A_468 = arith.constant 12288 : i32
        %dma_start3A_469 = tpu.memref_slice %arg9[%dma_start3A_468] : memref<16384xf32, #tpu.memory_space<vmem>> -> memref<1024xf32, #tpu.memory_space<vmem>>
        %dma_start3A_470 = arith.constant 0 : i32
        %dma_start3A_471 = tpu.memref_slice %arg11[%dma_start3A_470] : memref<116736xf32, #tpu.memory_space<vmem_shared>> -> memref<116736xf32, #tpu.memory_space<vmem_shared>>
        tpu.enqueue_indirect_dma source(%dma_start3A_469 : memref<1024xf32, #tpu.memory_space<vmem>>) target(%dma_start3A_471 : memref<116736xf32, #tpu.memory_space<vmem_shared>>) offsets(%arg10 : memref<1024xi32, #tpu.memory_space<vmem>>) semaphore(%run_scoped3A : memref<!tpu.dma_semaphore, #tpu.memory_space<semaphore_mem>>) {add = true}
        %dma_wait3A_472 = arith.constant 12288 : i32
        %dma_wait3A_473 = tpu.memref_slice %arg9[%dma_wait3A_472] : memref<16384xf32, #tpu.memory_space<vmem>> -> memref<1024xf32, #tpu.memory_space<vmem>>
        %dma_wait3A_474 = arith.constant 0 : i32
        %dma_wait3A_475 = tpu.memref_slice %arg11[%dma_wait3A_474] : memref<116736xf32, #tpu.memory_space<vmem_shared>> -> memref<116736xf32, #tpu.memory_space<vmem_shared>>
        tpu.wait_indirect_dma semaphore(%run_scoped3A : memref<!tpu.dma_semaphore, #tpu.memory_space<semaphore_mem>>) src(%dma_wait3A_473 : memref<1024xf32, #tpu.memory_space<vmem>>) dst(%dma_wait3A_475 : memref<116736xf32, #tpu.memory_space<vmem_shared>>)
        tpu.yield
      }) : () -> ()
    } else {
    }
    %ge3A_445 = arith.constant 13312 : i32
    %ge3A_446 = arith.cmpi sge, %sub3A_380, %ge3A_445 : i32
    %convert_element_type3A_447 = arith.extui %ge3A_446 : i1 to i32
    %cond3A_448 = arith.constant 0 : i32
    %cond3A_449 = arith.cmpi ne, %convert_element_type3A_447, %cond3A_448 : i32
    scf.if %cond3A_449 {
      %parallel_loop3A_465 = arith.constant 0 : i32
      %parallel_loop3A_466 = arith.constant 64 : i32
      %parallel_loop3A_467 = arith.constant 1 : i32
      scf.for %parallel_loop3A_468 = %parallel_loop3A_465 to %parallel_loop3A_466 step %parallel_loop3A_467  : i32 {
        %parallel_loop3A_469 = arith.constant 16 : i32
        %parallel_loop3A_470 = arith.muli %parallel_loop3A_468, %parallel_loop3A_469 : i32
        %parallel_loop3A_471 = tpu.assume_multiple %parallel_loop3A_470, 16 : i32
        %parallel_loop3A_472 = arith.constant 13312 : i32
        %parallel_loop3A_473 = arith.addi %squeeze3A, %parallel_loop3A_472 : i32
        %parallel_loop3A_474 = arith.constant 16 : i32
        %parallel_loop3A_475 = arith.muli %parallel_loop3A_468, %parallel_loop3A_474 : i32
        %parallel_loop3A_476 = arith.addi %parallel_loop3A_473, %parallel_loop3A_475 : i32
        %parallel_loop3A_477 = vector.broadcast %parallel_loop3A_476 : i32 to vector<16xi32>
        %parallel_loop3A_478 = arith.addi %iota3A, %parallel_loop3A_477 : vector<16xi32>
        %parallel_loop3A_479 = arith.index_cast %parallel_loop3A_471 : i32 to index
        %parallel_loop3A_480 = tpu.vector_load %arg10[%parallel_loop3A_479] {strides = array<i32>} : memref<1024xi32, #tpu.memory_space<vmem>>, vector<16xi32>,
        tpu.vector_store %arg10[%parallel_loop3A_479], %parallel_loop3A_478 {strides = array<i32>} : memref<1024xi32, #tpu.memory_space<vmem>>, vector<16xi32>,
      } {sc.loop_unroll_factor = 8 : i64, sc.parallel_access}
      "tpu.region"() ({
        %run_scoped3A = tpu.sem_alloc : memref<!tpu.dma_semaphore, #tpu.memory_space<semaphore_mem>>
        %dma_start3A_468 = arith.constant 13312 : i32
        %dma_start3A_469 = tpu.memref_slice %arg9[%dma_start3A_468] : memref<16384xf32, #tpu.memory_space<vmem>> -> memref<1024xf32, #tpu.memory_space<vmem>>
        %dma_start3A_470 = arith.constant 0 : i32
        %dma_start3A_471 = tpu.memref_slice %arg11[%dma_start3A_470] : memref<116736xf32, #tpu.memory_space<vmem_shared>> -> memref<116736xf32, #tpu.memory_space<vmem_shared>>
        tpu.enqueue_indirect_dma source(%dma_start3A_469 : memref<1024xf32, #tpu.memory_space<vmem>>) target(%dma_start3A_471 : memref<116736xf32, #tpu.memory_space<vmem_shared>>) offsets(%arg10 : memref<1024xi32, #tpu.memory_space<vmem>>) semaphore(%run_scoped3A : memref<!tpu.dma_semaphore, #tpu.memory_space<semaphore_mem>>) {add = true}
        %dma_wait3A_472 = arith.constant 13312 : i32
        %dma_wait3A_473 = tpu.memref_slice %arg9[%dma_wait3A_472] : memref<16384xf32, #tpu.memory_space<vmem>> -> memref<1024xf32, #tpu.memory_space<vmem>>
        %dma_wait3A_474 = arith.constant 0 : i32
        %dma_wait3A_475 = tpu.memref_slice %arg11[%dma_wait3A_474] : memref<116736xf32, #tpu.memory_space<vmem_shared>> -> memref<116736xf32, #tpu.memory_space<vmem_shared>>
        tpu.wait_indirect_dma semaphore(%run_scoped3A : memref<!tpu.dma_semaphore, #tpu.memory_space<semaphore_mem>>) src(%dma_wait3A_473 : memref<1024xf32, #tpu.memory_space<vmem>>) dst(%dma_wait3A_475 : memref<116736xf32, #tpu.memory_space<vmem_shared>>)
        tpu.yield
      }) : () -> ()
    } else {
    }
    %ge3A_450 = arith.constant 14336 : i32
    %ge3A_451 = arith.cmpi sge, %sub3A_380, %ge3A_450 : i32
    %convert_element_type3A_452 = arith.extui %ge3A_451 : i1 to i32
    %cond3A_453 = arith.constant 0 : i32
    %cond3A_454 = arith.cmpi ne, %convert_element_type3A_452, %cond3A_453 : i32
    scf.if %cond3A_454 {
      %parallel_loop3A_465 = arith.constant 0 : i32
      %parallel_loop3A_466 = arith.constant 64 : i32
      %parallel_loop3A_467 = arith.constant 1 : i32
      scf.for %parallel_loop3A_468 = %parallel_loop3A_465 to %parallel_loop3A_466 step %parallel_loop3A_467  : i32 {
        %parallel_loop3A_469 = arith.constant 16 : i32
        %parallel_loop3A_470 = arith.muli %parallel_loop3A_468, %parallel_loop3A_469 : i32
        %parallel_loop3A_471 = tpu.assume_multiple %parallel_loop3A_470, 16 : i32
        %parallel_loop3A_472 = arith.constant 14336 : i32
        %parallel_loop3A_473 = arith.addi %squeeze3A, %parallel_loop3A_472 : i32
        %parallel_loop3A_474 = arith.constant 16 : i32
        %parallel_loop3A_475 = arith.muli %parallel_loop3A_468, %parallel_loop3A_474 : i32
        %parallel_loop3A_476 = arith.addi %parallel_loop3A_473, %parallel_loop3A_475 : i32
        %parallel_loop3A_477 = vector.broadcast %parallel_loop3A_476 : i32 to vector<16xi32>
        %parallel_loop3A_478 = arith.addi %iota3A, %parallel_loop3A_477 : vector<16xi32>
        %parallel_loop3A_479 = arith.index_cast %parallel_loop3A_471 : i32 to index
        %parallel_loop3A_480 = tpu.vector_load %arg10[%parallel_loop3A_479] {strides = array<i32>} : memref<1024xi32, #tpu.memory_space<vmem>>, vector<16xi32>,
        tpu.vector_store %arg10[%parallel_loop3A_479], %parallel_loop3A_478 {strides = array<i32>} : memref<1024xi32, #tpu.memory_space<vmem>>, vector<16xi32>,
      } {sc.loop_unroll_factor = 8 : i64, sc.parallel_access}
      "tpu.region"() ({
        %run_scoped3A = tpu.sem_alloc : memref<!tpu.dma_semaphore, #tpu.memory_space<semaphore_mem>>
        %dma_start3A_468 = arith.constant 14336 : i32
        %dma_start3A_469 = tpu.memref_slice %arg9[%dma_start3A_468] : memref<16384xf32, #tpu.memory_space<vmem>> -> memref<1024xf32, #tpu.memory_space<vmem>>
        %dma_start3A_470 = arith.constant 0 : i32
        %dma_start3A_471 = tpu.memref_slice %arg11[%dma_start3A_470] : memref<116736xf32, #tpu.memory_space<vmem_shared>> -> memref<116736xf32, #tpu.memory_space<vmem_shared>>
        tpu.enqueue_indirect_dma source(%dma_start3A_469 : memref<1024xf32, #tpu.memory_space<vmem>>) target(%dma_start3A_471 : memref<116736xf32, #tpu.memory_space<vmem_shared>>) offsets(%arg10 : memref<1024xi32, #tpu.memory_space<vmem>>) semaphore(%run_scoped3A : memref<!tpu.dma_semaphore, #tpu.memory_space<semaphore_mem>>) {add = true}
        %dma_wait3A_472 = arith.constant 14336 : i32
        %dma_wait3A_473 = tpu.memref_slice %arg9[%dma_wait3A_472] : memref<16384xf32, #tpu.memory_space<vmem>> -> memref<1024xf32, #tpu.memory_space<vmem>>
        %dma_wait3A_474 = arith.constant 0 : i32
        %dma_wait3A_475 = tpu.memref_slice %arg11[%dma_wait3A_474] : memref<116736xf32, #tpu.memory_space<vmem_shared>> -> memref<116736xf32, #tpu.memory_space<vmem_shared>>
        tpu.wait_indirect_dma semaphore(%run_scoped3A : memref<!tpu.dma_semaphore, #tpu.memory_space<semaphore_mem>>) src(%dma_wait3A_473 : memref<1024xf32, #tpu.memory_space<vmem>>) dst(%dma_wait3A_475 : memref<116736xf32, #tpu.memory_space<vmem_shared>>)
        tpu.yield
      }) : () -> ()
    } else {
    }
    %ge3A_455 = arith.constant 15360 : i32
    %ge3A_456 = arith.cmpi sge, %sub3A_380, %ge3A_455 : i32
    %convert_element_type3A_457 = arith.extui %ge3A_456 : i1 to i32
    %cond3A_458 = arith.constant 0 : i32
    %cond3A_459 = arith.cmpi ne, %convert_element_type3A_457, %cond3A_458 : i32
    scf.if %cond3A_459 {
      %parallel_loop3A_465 = arith.constant 0 : i32
      %parallel_loop3A_466 = arith.constant 64 : i32
      %parallel_loop3A_467 = arith.constant 1 : i32
      scf.for %parallel_loop3A_468 = %parallel_loop3A_465 to %parallel_loop3A_466 step %parallel_loop3A_467  : i32 {
        %parallel_loop3A_469 = arith.constant 16 : i32
        %parallel_loop3A_470 = arith.muli %parallel_loop3A_468, %parallel_loop3A_469 : i32
        %parallel_loop3A_471 = tpu.assume_multiple %parallel_loop3A_470, 16 : i32
        %parallel_loop3A_472 = arith.constant 15360 : i32
        %parallel_loop3A_473 = arith.addi %squeeze3A, %parallel_loop3A_472 : i32
        %parallel_loop3A_474 = arith.constant 16 : i32
        %parallel_loop3A_475 = arith.muli %parallel_loop3A_468, %parallel_loop3A_474 : i32
        %parallel_loop3A_476 = arith.addi %parallel_loop3A_473, %parallel_loop3A_475 : i32
        %parallel_loop3A_477 = vector.broadcast %parallel_loop3A_476 : i32 to vector<16xi32>
        %parallel_loop3A_478 = arith.addi %iota3A, %parallel_loop3A_477 : vector<16xi32>
        %parallel_loop3A_479 = arith.index_cast %parallel_loop3A_471 : i32 to index
        %parallel_loop3A_480 = tpu.vector_load %arg10[%parallel_loop3A_479] {strides = array<i32>} : memref<1024xi32, #tpu.memory_space<vmem>>, vector<16xi32>,
        tpu.vector_store %arg10[%parallel_loop3A_479], %parallel_loop3A_478 {strides = array<i32>} : memref<1024xi32, #tpu.memory_space<vmem>>, vector<16xi32>,
      } {sc.loop_unroll_factor = 8 : i64, sc.parallel_access}
      "tpu.region"() ({
        %run_scoped3A = tpu.sem_alloc : memref<!tpu.dma_semaphore, #tpu.memory_space<semaphore_mem>>
        %dma_start3A_468 = arith.constant 15360 : i32
        %dma_start3A_469 = tpu.memref_slice %arg9[%dma_start3A_468] : memref<16384xf32, #tpu.memory_space<vmem>> -> memref<1024xf32, #tpu.memory_space<vmem>>
        %dma_start3A_470 = arith.constant 0 : i32
        %dma_start3A_471 = tpu.memref_slice %arg11[%dma_start3A_470] : memref<116736xf32, #tpu.memory_space<vmem_shared>> -> memref<116736xf32, #tpu.memory_space<vmem_shared>>
        tpu.enqueue_indirect_dma source(%dma_start3A_469 : memref<1024xf32, #tpu.memory_space<vmem>>) target(%dma_start3A_471 : memref<116736xf32, #tpu.memory_space<vmem_shared>>) offsets(%arg10 : memref<1024xi32, #tpu.memory_space<vmem>>) semaphore(%run_scoped3A : memref<!tpu.dma_semaphore, #tpu.memory_space<semaphore_mem>>) {add = true}
        %dma_wait3A_472 = arith.constant 15360 : i32
        %dma_wait3A_473 = tpu.memref_slice %arg9[%dma_wait3A_472] : memref<16384xf32, #tpu.memory_space<vmem>> -> memref<1024xf32, #tpu.memory_space<vmem>>
        %dma_wait3A_474 = arith.constant 0 : i32
        %dma_wait3A_475 = tpu.memref_slice %arg11[%dma_wait3A_474] : memref<116736xf32, #tpu.memory_space<vmem_shared>> -> memref<116736xf32, #tpu.memory_space<vmem_shared>>
        tpu.wait_indirect_dma semaphore(%run_scoped3A : memref<!tpu.dma_semaphore, #tpu.memory_space<semaphore_mem>>) src(%dma_wait3A_473 : memref<1024xf32, #tpu.memory_space<vmem>>) dst(%dma_wait3A_475 : memref<116736xf32, #tpu.memory_space<vmem_shared>>)
        tpu.yield
      }) : () -> ()
    } else {
    }
    %barrier3A_460 = arith.constant 0 : index
    tpu.barrier barrier_id(%barrier3A_460)
    %mul3A_461 = arith.constant 7296 : i32
    %mul3A_462 = arith.muli %arg1, %mul3A_461 : i32
    %mul3A_463 = arith.constant 7296 : i32
    %mul3A_464 = arith.muli %arg1, %mul3A_463 : i32
    "tpu.region"() ({
      %run_scoped3A = tpu.sem_alloc : memref<!tpu.dma_semaphore, #tpu.memory_space<semaphore_mem>>
      %dma_start3A_465 = tpu.memref_slice %arg4[%arg0, %mul3A_464] : memref<2x116736xf32, #tpu.memory_space<hbm>> -> memref<1x7296xf32, #tpu.memory_space<hbm>>
      %dma_start3A_466 = tpu.memref_squeeze %dma_start3A_465 : memref<1x7296xf32, #tpu.memory_space<hbm>> -> memref<7296xf32, #tpu.memory_space<hbm>>
      %dma_start3A_467 = tpu.memref_slice %arg11[%mul3A_462] : memref<116736xf32, #tpu.memory_space<vmem_shared>> -> memref<7296xf32, #tpu.memory_space<vmem_shared>>
      tpu.enqueue_dma source(%dma_start3A_467 : memref<7296xf32, #tpu.memory_space<vmem_shared>>) target(%dma_start3A_466 : memref<7296xf32, #tpu.memory_space<hbm>>) target_semaphore(%run_scoped3A : memref<!tpu.dma_semaphore, #tpu.memory_space<semaphore_mem>>)
      %dma_wait3A_468 = tpu.memref_slice %arg4[%arg0, %mul3A_464] : memref<2x116736xf32, #tpu.memory_space<hbm>> -> memref<1x7296xf32, #tpu.memory_space<hbm>>
      %dma_wait3A_469 = tpu.memref_squeeze %dma_wait3A_468 : memref<1x7296xf32, #tpu.memory_space<hbm>> -> memref<7296xf32, #tpu.memory_space<hbm>>
      %dma_wait3A_470 = tpu.memref_slice %arg11[%mul3A_462] : memref<116736xf32, #tpu.memory_space<vmem_shared>> -> memref<7296xf32, #tpu.memory_space<vmem_shared>>
      tpu.wait_dma2 semaphore(%run_scoped3A : memref<!tpu.dma_semaphore, #tpu.memory_space<semaphore_mem>>) src(%dma_wait3A_470 : memref<7296xf32, #tpu.memory_space<vmem_shared>>) dst(%dma_wait3A_469 : memref<7296xf32, #tpu.memory_space<hbm>>)
      tpu.yield
    }) : () -> ()
    return
  }
}

module attributes {stable_mosaic.version = 14 : i64} {
  func.func @body(%arg0: memref<2x116736xf32, #tpu.memory_space<vmem>>, %arg1: memref<100000xf32, #tpu.memory_space<vmem>>) attributes {dimension_semantics = [], scalar_prefetch = 0 : i64, scratch_operands = 0 : i64, tpu.core_type = #tpu.core_type<tc>} {
    %get3A = arith.constant 0 : index
    %get3A_0 = arith.constant 0 : index
    %get3A_1 = vector.load %arg0[%get3A, %get3A_0] : memref<2x116736xf32, #tpu.memory_space<vmem>>, vector<1x100000xf32>
    %get3A_2 = vector.shape_cast %get3A_1 : vector<1x100000xf32> to vector<100000xf32>
    %get3A_3 = arith.constant 1 : index
    %get3A_4 = arith.constant 0 : index
    %get3A_5 = vector.load %arg0[%get3A_3, %get3A_4] : memref<2x116736xf32, #tpu.memory_space<vmem>>, vector<1x100000xf32>
    %get3A_6 = vector.shape_cast %get3A_5 : vector<1x100000xf32> to vector<100000xf32>
    %add3A = arith.addf %get3A_2, %get3A_6 : vector<100000xf32>
    %swap3A = arith.constant 0 : index
    %swap3A_7 = vector.load %arg1[%swap3A] : memref<100000xf32, #tpu.memory_space<vmem>>, vector<100000xf32>
    tpu.vector_store %arg1[%swap3A], %add3A {strides = array<i32>} : memref<100000xf32, #tpu.memory_space<vmem>>, vector<100000xf32>,
    return
  }
}

</mosaic_0001>

<sc_bundles>
// kernel: kernel.4.cloned.1.call-start
scs
__scs_entry_jumppad:
0x0: {  	(pc) =	sbr.rel $0x88, $3  }
0x1: {  	(tag) =	ssettag $0x0;
	lr =	simm.s32 $0x1  }
0x2: {  	[smem:$0x3F9F] =	sst lr;
	_ =	strace $0xD0000000  }
0x3: {  	_ = 	snop  }
0x4: {  	_ = 	snop  }
0x5: {  	_ = 	snop  }
0x6: {  	_ = 	snop  }
0x7: {  	_ = 	snop  }
__scs_overlays_trampoline_lowered:
0x8: {  	[smem:$0x3FAE] =	sst s0  }
0x9: {  	[smem:$0x3FAF] =	sst s1  }
0xa: {  	[smem:$0x3FB0] =	sst s2  }
0xb: {  	[smem:$0x3FB1] =	sst s3  }
0xc: {  	[smem:$0x3FB2] =	sst s4  }
0xd: {  	[smem:$0x3FB3] =	sst s5  }
0xe: {  	[smem:$0x3FB4] =	sst s6  }
0xf: {  	[smem:$0x3FB5] =	sst s7  }
0x10: {  	[smem:$0x3FB6] =	sst s8  }
0x11: {  	[smem:$0x3FB7] =	sst s9;
	s0 =	simm.s32 @!p0 $0x0  }
0x12: {  	s1 =	sld [smem:$0x3F9D];
	s0 =	simm.s32 @p0 $0x1  }
0x13: {  	[smem:$0x3FB8] =	sst s0;
	s0 =	simm.s32 @!p1 $0x0  }
0x14: {  	s2 =	sld [smem:$0x3F9C];
	s0 =	simm.s32 @p1 $0x1  }
0x15: {  	[smem:$0x3FB9] =	sst s0;
	s0 =	simm.s32 @!p2 $0x0  }
0x16: {  	s3 =	sld [smem:$0x3FDB];
	s0 =	simm.s32 @p2 $0x1  }
0x17: {  	s4 =	simm.s32 $0x1BF5;
	[smem:$0x3FBB] =	sst s0  }
0x18: {  	s0 =	sld [smem:$0x3F9E];
	_ =	swait.ge [sflag:s4], $0x0  }
0x19: {  	s7 =	sld [smem:$0x3F9F]  }
0x1a: {  	s8 =	sadd.s32 $0xFFFFE003, lr  }
0x1b: {  	s9 =	sadd.s32 $0xFFFFFEF7, lr;
	s5 =	simm.s32 $0xFFFFFFFF;
	p2 =	slt.u32 s8, $0xFFFFF086  }
0x1c: {  	p1 =	slt.u32 s9, $0xF7A;
	s5 =	simm.s32 @!p2 $0x0  }
0x1d: {  	s5 =	simm.s32 @p1 $0x1;
	p0 =	seq.s32 s7, s2  }
0x1e: {  	s7 =	smul.u32 @!p0 $0xF7A, s2;
	p2 =	seq.s32 @!p0 s5, $0x0  }
0x1f: {  	s9 =	smul.u32 $0xF7A, s1;
	s8 =	simm.s32 @!p0 $0x1BF5;
	p2 =	por !p2, p0  }
0x20: {  	[sflag:s8] =	ssyncset.s32 @!p0 $0xFFFFF086;
	s6 =	sadd.s32 @!p0 s3, s7;
	s7 =	simm.s32 @!p0 $0x108  }
0x21: {  	s3 =	sadd.s32 s3, s9;
	s6 =	sadd.s32 @!p0 $0x88, s6;
	s7 =	simm.s32 @p2 $0x1082  }
0x22: {  	[simem:s7], [sflag:s8] =	dma.local @!p0 [hbm:s6], $0xF7A  }
0x23: {  	s9 =	sor.u32 $0xD0000000, s2;
	s6 =	simm.s32 $0x108;
	_ =	swait.ge @!p0 [sflag:s8], $0x0  }
0x24: {  	s3 =	sadd.s32 $0x88, s3;
	s6 =	simm.s32 @!p1 $0x1082;
	[sflag:s4] =	ssyncset.s32 $0xFFFFF086  }
0x25: {  	[simem:s6], [sflag:s4] =	dma.local [hbm:s3], $0xF7A  }
0x26: {  	[smem:$0x3F9F] =	sst s1;
	(tag) =	ssettag s2;
	_ =	strace s9  }
0x27: {  	s1 =	sld [smem:$0x3FAF]  }
0x28: {  	s2 =	sld [smem:$0x3FB0]  }
0x29: {  	s4 =	sld [smem:$0x3FB2]  }
0x2a: {  	p0 =	seq.s32 s5, $0x0;
	s5 =	sld [smem:$0x3FB3]  }
0x2b: {  	s6 =	sld [smem:$0x3FB4]  }
0x2c: {  	s7 =	sld [smem:$0x3FB5]  }
0x2d: {  	s3 =	simm.s32 $0x108;
	s8 =	sld [smem:$0x3FB6]  }
0x2e: {  	s3 =	simm.s32 @!p0 $0x1082;
	s9 =	sld [smem:$0x3FB7]  }
0x2f: {  	lr =	sadd.s32 s0, s3;
	s0 =	sld [smem:$0x3FAE]  }
0x30: {  	s3 =	sld [smem:$0x3FB1]  }
0x31: {  	[smem:$0x3FBA] =	sst s10  }
0x32: {  	s10 =	sld [smem:$0x3FB8];
	_ =	sdelay $0x3  }
0x33: {  	p0 =	seq.s32 s10, $0x1;
	s10 =	sld [smem:$0x3FBA];
	_ =	sdelay $0x3  }
0x34: {  	[smem:$0x3FBA] =	sst s10  }
0x35: {  	s10 =	sld [smem:$0x3FB9];
	_ =	sdelay $0x3  }
0x36: {  	p1 =	seq.s32 s10, $0x1;
	s10 =	sld [smem:$0x3FBA];
	_ =	sdelay $0x3  }
0x37: {  	[smem:$0x3FBA] =	sst s10  }
0x38: {  	s10 =	sld [smem:$0x3FBB]  }
0x39: {  	_ = 	snop;
	(pc) =	sbr.ind lr, $3  }
0x3a: {  	_ = 	snop  }
0x3b: {  	_ = 	snop  }
0x3c: {  	p2 =	seq.s32 s10, $0x1;
	s10 =	sld [smem:$0x3FBA]  }
0x3d: {  	_ =	shalt  }
0x3e: {  	_ =	shalt  }
0x3f: {  	_ =	shalt  }
0x40: {  	_ =	shalt  }
0x41: {  	_ =	shalt  }
0x42: {  	_ =	shalt  }
0x43: {  	_ =	shalt  }
0x44: {  	_ =	shalt  }
0x45: {  	_ =	shalt  }
0x46: {  	_ =	shalt  }
0x47: {  	_ =	shalt  }
0x48: {  	_ =	shalt  }
0x49: {  	_ =	shalt  }
0x4a: {  	_ =	shalt  }
0x4b: {  	_ =	shalt  }
0x4c: {  	_ =	shalt  }
0x4d: {  	_ =	shalt  }
0x4e: {  	_ =	shalt  }
0x4f: {  	_ =	shalt  }
0x50: {  	_ =	shalt  }
0x51: {  	_ =	shalt  }
0x52: {  	_ =	shalt  }
0x53: {  	_ =	shalt  }
0x54: {  	_ =	shalt  }
0x55: {  	_ =	shalt  }
0x56: {  	_ =	shalt  }
0x57: {  	_ =	shalt  }
0x58: {  	_ =	shalt  }
0x59: {  	_ =	shalt  }
0x5a: {  	_ =	shalt  }
0x5b: {  	_ =	shalt  }
0x5c: {  	_ =	shalt  }
0x5d: {  	_ =	shalt  }
0x5e: {  	_ =	shalt  }
0x5f: {  	_ =	shalt  }
0x60: {  	_ =	shalt  }
0x61: {  	_ =	shalt  }
0x62: {  	_ =	shalt  }
0x63: {  	_ =	shalt  }
0x64: {  	_ =	shalt  }
0x65: {  	_ =	shalt  }
0x66: {  	_ =	shalt  }
0x67: {  	_ =	shalt  }
0x68: {  	_ =	shalt  }
0x69: {  	_ =	shalt  }
0x6a: {  	_ =	shalt  }
0x6b: {  	_ =	shalt  }
0x6c: {  	_ =	shalt  }
0x6d: {  	_ =	shalt  }
0x6e: {  	_ =	shalt  }
0x6f: {  	_ =	shalt  }
0x70: {  	_ =	shalt  }
0x71: {  	_ =	shalt  }
0x72: {  	_ =	shalt  }
0x73: {  	_ =	shalt  }
0x74: {  	_ =	shalt  }
0x75: {  	_ =	shalt  }
0x76: {  	_ =	shalt  }
0x77: {  	_ =	shalt  }
0x78: {  	_ =	shalt  }
0x79: {  	_ =	shalt  }
0x7a: {  	_ =	shalt  }
0x7b: {  	_ =	shalt  }
0x7c: {  	_ =	shalt  }
0x7d: {  	_ =	shalt  }
0x7e: {  	_ =	shalt  }
0x7f: {  	_ =	shalt  }
0x80: {  	_ =	shalt  }
0x81: {  	_ =	shalt  }
0x82: {  	_ =	shalt  }
0x83: {  	_ =	shalt  }
0x84: {  	_ =	shalt  }
0x85: {  	_ =	shalt  }
0x86: {  	_ =	shalt  }
0x87: {  	_ =	shalt  }
.Lfunc_end0:
.L_simem_size_0:
called_computation_lowered:
.L_overlay_start_0:
0x88: {  	s2 =	sld [smem:$0x3FD9]  }
0x89: {  	s3 =	sld [smem:$0x3FFE];
	_ =	sdelay $0x1  }
0x8a: {  	s1 =	srdreg.scid  }
0x8b: {  	s0 =	sand.u32 $0x1, s1  }
0x8c: {  	s17 =	sshll.u32 s0, $0xA;
	s2 =	sadd.s32 s3, s2  }
0x8d: {  	s2 =	sadd.s32 s2, s17  }
0x8e: {  	[smem:$0x3FC6] =	sst s2  }
0x8f: {  	_ = 	snop  }
0x90: {  	s2 =	sld [smem:$0x3FC9]  }
0x91: {  	s18 =	sld [smem:$0x3FC8];
	(tm) =	ssettm $0x1  }
0x92: {  	s4 =	sld [smem:$0x3FFB];
	_ =	sdelay $0x3  }
0x93: {  	_ =	strace s4  }
0x94: {  	s4 =	sld [smem:$0x3FFC];
	_ =	sdelay $0x3  }
0x95: {  	_ =	strace s4  }
0x96: {  	s4 =	sld [smem:$0x3FFD];
	_ =	sdelay $0x3  }
0x97: {  	_ =	strace s4  }
0x98: {  	_ =	strace $0x8FFFFFFF  }
0x99: {  	s19 =	sld [smem:$0x3FDB];
	_ =	sdelay $0x1  }
0x9a: {  	s5 =	simm.s32 $_scs_section_size  }
0x9b: {  	s6 =	simm.s32 $_size__tile_overlayer_lowered;
	s7 =	simm.s32 $_tile_overlayer_lowered  }
0x9c: {  	s22 =	simm.s32 $0x1BFF;
	s21 =	sshll.u32 s7, $0x1;
	s4 =	sadd.s32 s5, s19  }
0x9d: {  	s8 =	simm.s32 $0x0;
	s20 =	sshll.u32 s6, $0x1;
	s6 =	sadd.s32 s21, s4  }
0x9e: {  	[timem:s8], [sflag:s22] =	dma.local [hbm:s6], s20  }
0x9f: {  	_ =	swait.ge [sflag:s22], s20  }
0xa0: {  	s5 =	ssub.s32 $0x0, s20;
	[sflag:s22] =	ssyncset.done $0x0  }
0xa1: {  	[sflag:s22] =	ssyncadd.s32 s5;
	_ =	sdelay $0x1  }
0xa2: {  	s23 =	simm.s32 $0x1B8B  }
0xa3: {  	_ =	swait.ge [sflag:s23], $0x1  }
0xa4: {  	[sflag:s23] =	ssyncset.done $0x0  }
0xa5: {  	s25 =	simm.s32 $0x1B8E;
	s24 =	sld [smem:$0x3FFE];
	[sflag:s23] =	ssyncadd.s32 $0xFFFFFFFF  }
0xa6: {  	s26 =	simm.s32 $execute0_lowered;
	[smem:$0x3FD2] =	sst s25  }
0xa7: {  	s6 =	sshll.u32 s26, $0x1;
	_ =	strace $0x80000046;
	[dreg:$0x1] =	wrdreg $0xFFFFFFFF  }
0xa8: {  	s28 =	simm.s32 $_size_execute0_lowered;
	s4 =	sadd.s32 s4, s6;
	[dreg:$0x0] =	wrdreg $0x0  }
0xa9: {  	s6 =	sshll.u32 s28, $0x1;
	[dreg:$0x2] =	wrdreg s4  }
0xaa: {  	[dreg:$0x3] =	wrdreg s6  }
0xab: {  	[dreg:$0x4] =	wrdreg $0xC0  }
0xac: {  	_ =	task [dreg:s8], $0x5FFFF  }
0xad: {  	[dreg:$0x1] =	wrdreg $0xFFFFFFFF  }
0xae: {  	[dreg:$0x0] =	wrdreg $0x60  }
0xaf: {  	[dreg:$0x2] =	wrdreg s2  }
0xb0: {  	[dreg:$0x3] =	wrdreg s18  }
0xb1: {  	[dreg:$0x4] =	wrdreg s24  }
0xb2: {  	[dreg:$0x5] =	wrdreg $0x17E000  }
0xb3: {  	[dreg:$0x6] =	wrdreg $0x9  }
0xb4: {  	_ =	task.clear_ibuf [dreg:s8], $0x7FFFF;
	_ =	strace $0x90000046  }
0xb5: {  	s29 =	simm.s32 $0x9;
	_ =	strace $0x80000048  }
0xb6: {  	_ =	swait.ge [sflag:s29], $0x1  }
0xb7: {  	[sflag:s29] =	ssyncadd.s32 $0xFFFFFFFF  }
0xb8: {  	_ =	strace $0x90000048  }
0xb9: {  	_ =	sfence  }
0xba: {  	s30 =	sld [smem:$0x0];
	_ =	sdelay $0x2  }
0xbb: {  	s31 =	sshll.u32 s1, $0xD;
	s1 =	sshrl.u32 s1, $0x2  }
0xbc: {  	s3 =	sand.u32 $0x4000, s31;
	s1 =	sadd.s32 s1, s30  }
0xbd: {  	s0 =	sor.u32 s3, s0;
	s1 =	sshll.u32 s1, $0x11  }
0xbe: {  	s0 =	sor.u32 s1, s0  }
0xbf: {  	s0 =	sadd.s32 $0x8F2B, s0  }
0xc0: {  	[sflag:s0] =	ssyncadd.remote.s32 $0x1  }
0xc1: {  	_ =	sfence.sel $0xFFFF  }
0xc2: {  	[dreg:$0x0] =	wrdreg $0xFFFFFFFF;
	(pc) =	sbr.abs _section_cstart, $3  }
0xc3: {  	[dreg:$0x1] =	wrdreg $0xFFFFFFFF  }
0xc4: {  	_ =	task.clear_ibuf [dreg:s8], $0x2FFFF;
	_ =	strace $0x9FFFFFFF  }
0xc5: {  	(tm) =	ssettm $0x7FFFFFFF  }
tec
execute0_lowered:
.L_overlay_start_1:
0x0: {  	(tag) =	ssettag $0x1  }
0x1: {  	s0 =	rddreg [dreg:$0x0]  }
0x2: {  	s3 =	rddreg [dreg:$0x1]  }
0x3: {  	s4 =	rddreg [dreg:$0x2];
	s2 =	srdreg.scid  }
0x4: {  	s9 =	stileid.u32;
	s1 =	rddreg [dreg:$0x3];
	s28 =	simm.s32 $0x9D00  }
0x5: {  	s29 =	simm.s32 $0x13A00;
	s30 =	simm.s32 $0x3;
	s31 =	simm.s32 $0x1  }
0x6: {  	s5 =	sand.u32 $0x1, s2;
	s6 =	smul.u32 $0x3900, s9;
	s2 =	simm.s32 $0x0  }
0x7: {  	s11 =	smul.u32 $0x7200, s9;
	s7 =	sshll.u32 s5, $0x7;
	s8 =	sshll.u32 s5, $0x4  }
0x8: {  	[smem:$0x7FF] =	sst s2;
	s5 =	ssub.s32 $0x2, s5;
	s26 =	sor.u32 s9, s8  }
0x9: {  	s6 =	sor.u32 s7, s6;
	s10 =	sshrl.u32 s5, $0x1;
	s7 =	smul.u32 $0x61A8, s26  }
0xa: {  	s6 =	sshrl.u32 s6, $0x3;
	s8 =	smul.u32 $0x30D40, s26;
	s5 =	ssub.s32 s5, s10  }
0xb: {  	s4 =	sadd.s32 s6, s4;
	s6 =	sshrl.u32 s11, $0x2;
	s12 =	sadd.s32 s0, s7  }
0xc: {  	s8 =	sshrl.u32 s8, $0x3;
	s7 =	sadd.s32 s3, s7;
	[dreg:$0x5] =	wrdreg s12  }
0xd: {  	[dreg:$0x6] =	wrdreg s7;
	s13 =	sadd.s32 $0x9C4, s8;
	s15 =	sadd.s32 $0x1388, s8  }
0xe: {  	s17 =	sadd.s32 $0x1D4C, s8;
	s19 =	sadd.s32 $0x2710, s8;
	s14 =	sadd.s32 s0, s13  }
0xf: {  	s21 =	sadd.s32 $0x30D4, s8;
	s7 =	sadd.s32 s3, s13;
	[dreg:$0x7] =	wrdreg s14  }
0x10: {  	s23 =	sadd.s32 $0x3A98, s8;
	s16 =	sadd.s32 s0, s15;
	[dreg:$0x8] =	wrdreg s7  }
0x11: {  	s24 =	sadd.s32 $0x445C, s8;
	s9 =	sadd.s32 s3, s15;
	[dreg:$0x9] =	wrdreg s16  }
0x12: {  	s25 =	sadd.s32 $0x4E20, s8;
	s18 =	sadd.s32 s0, s17;
	[dreg:$0xa] =	wrdreg s9  }
0x13: {  	s26 =	sadd.s32 $0x57E4, s8;
	s20 =	sadd.s32 s0, s19;
	[dreg:$0xb] =	wrdreg s18  }
0x14: {  	s22 =	sadd.s32 s0, s21;
	s15 =	sadd.s32 s0, s23;
	[dreg:$0xd] =	wrdreg s20  }
0x15: {  	v0 =	vimm.s32 $0xFFEDCBA9;
	v1 =	vimm.s32 $0x87654321;
	s7 =	sadd.s32 s3, s17;
	s9 =	sadd.s32 s3, s19;
	[dreg:$0xf] =	wrdreg s22  }
0x16: {  	v0 =	vunpack.c.l.s4.s8 v0;
	v1 =	vunpack.c.l.s4.s8 v1;
	s16 =	sadd.s32 s3, s23;
	s17 =	sadd.s32 s0, s24;
	s19 =	sadd.s32 s3, s24  }
0x17: {  	s20 =	sadd.s32 s0, s25;
	s22 =	sadd.s32 s0, s26;
	s23 =	sadd.s32 s3, s26  }
.Ltmp0:
0x18: {  	v0 =	vunpack.c.0.s8.s32 v0;
	v1 =	vunpack.c.0.s8.s32 v1;
	s24 =	sadd.s32 s6, s1;
	s26 =	smax.u32 s5, $0x1;
	(pc) =	sbr.rel .LBB2_1-.Ltmp0, $4  }
0x19: {  	s18 =	simm.s32 $0x4E80;
	s0 =	simm.s32 $0xEB80;
	[dreg:$0xc] =	wrdreg s7  }
0x1a: {  	v0 =	vcombine.low v1, v0;
	s5 =	simm.s32 $0x0;
	[dreg:$0xe] =	wrdreg s9;
	s7 =	sadd.s32 s3, s21  }
0x1b: {  	vm0 =	vcmask $0x3F3C;
	s21 =	sadd.s32 s3, s25;
	s25 =	sadd.s32 $0x600, s4;
	[dreg:$0x10] =	wrdreg s7  }
0x1c: {  	v3 =	vlaneseq.u32;
	v1 =	vimm.f32 $0.0e+00;
	v2 =	vand.u32 $0xF, v0;
	s3 =	simm.s32 $0x2;
	s4 =	simm.s32 $0x4E20;
	_ =	strace $0x80000047  }
.LBB2_110:
0x1d: {  	[tilespmem:s6+$0x10] =	vst v5  }
0x1e: {  	[tilespmem:s6+$0x30] =	vst v4;
	s14 =	simm.s32 $0x400;
	s7 =	simm.s32 $0x17A00;
	s8 =	simm.s32 $0x17600  }
0x1f: {  	[spmem:s1] =	stream.indirect.scatter.add.f32 [tilespmem:s8], [sflag:$0x3], $0x1, s7, s14, $0xb8;
	[tilespmem:$0x19A80] =	vst v63  }
0x20: {  	_ =	swait.ge [sflag:s30], $0x400  }
0x21: {  	[sflag:s30] =	ssyncset.done $0x0  }
0x22: {  	[sflag:s30] =	ssyncadd.s32 $0xFFFFFC00  }
.LBB2_111:
0x23: {  	s6 =	stileid.u32  }
0x24: {  	[bflag:$0x0] =	sbarrier.arrive $0xFFFF;
	s7 =	sshrl.u32 s24, $0x3;
	s5 =	sadd.s32 $0x1, s5  }
0x25: {  	s8 =	simm.s32 $0x20;
	s6 =	sshll.u32 s6, $0x6;
	p0 =	sne.s32 s5, s26  }
.Ltmp1:
0x26: {  	s9 =	simm.s32 $0x10;
	s6 =	sor.u32 $0x1C03, s6;
	(pc) =	sbr.rel @!p0 .LBB2_112-.Ltmp1, $4  }
0x27: {  	[hbm:s25@s8], [sflag:s6] =	dma.strided [spmem:s7@s9], $0x390, s31, $0x10   }
0x28: {  	_ =	swait.ge [sflag:s30], $0x390  }
0x29: {  	[sflag:s30] =	ssyncset.done $0x0  }
0x2a: {  	[sflag:s30] =	ssyncadd.s32 $0xFFFFFC70  }
.LBB2_1:
0x2b: {  	s6 =	rddreg [dreg:$0x5]  }
0x2c: {  	[tilespmem:s2], [sflag:$0x1] =	stream.linear.gather [hbm4b:s6+s2], $0x4E20, $0x38;
	[tilespmem:$0x19A80] =	vst v63  }
0x2d: {  	s14 =	rddreg [dreg:$0x6];
	s6 =	simm.s32 $0x13A40  }
0x2e: {  	[tilespmem:s28], [sflag:$0x1] =	stream.linear.gather [hbm4b:s14+s2], $0x4E20, $0x38;
	[tilespmem:$0x19A80] =	vst v63  }
0x2f: {  	[tilespmem:s6+$0xFFFFFFC0] =	vst v1  }
0x30: {  	[tilespmem:s6+$0x30] =	vst v1  }
0x31: {  	[tilespmem:s6+$0x20] =	vst v1  }
0x32: {  	[tilespmem:s6+$0x10] =	vst v1  }
0x33: {  	[tilespmem:s6+$0x0] =	vst v1  }
0x34: {  	[tilespmem:s6+$0xFFFFFFF0] =	vst v1  }
0x35: {  	s7 =	simm.s32 $0x0;
	[tilespmem:s6+$0xFFFFFFE0] =	vst v1  }
.LBB2_2:
0x36: {  	s7 =	sadd.s32 $0x8, s7;
	[tilespmem:s6+$0xFFFFFFD0] =	vst v1;
	s6 =	sadd.s32 $0x80, s6  }
0x37: {  	[tilespmem:s6+$0xFFFFFFC0] =	vst v1;
	p0 =	slt.u32 s7, $0x3F8  }
0x38: {  	[tilespmem:s6+$0x30] =	vst v1  }
.Ltmp2:
0x39: {  	[tilespmem:s6+$0x20] =	vst v1;
	(pc) =	sbr.rel @p0 .LBB2_2-.Ltmp2, $4  }
0x3a: {  	[tilespmem:s6+$0x10] =	vst v1  }
0x3b: {  	[tilespmem:s6+$0x0] =	vst v1  }
0x3c: {  	[tilespmem:s6+$0xFFFFFFF0] =	vst v1  }
0x3d: {  	[tilespmem:s6+$0xFFFFFFE0] =	vst v1  }
0x3e: {  	[tilespmem:s6+$0xFFFFFFD0] =	vst v1  }
0x3f: {  	[spmem:s24] =	stream.linear.scatter [tilespmem:s29], [sflag:$0x3], $0x1C80, $0x38;
	[tilespmem:$0x19A80] =	vst v63  }
0x40: {  	_ =	swait.ge [sflag:s30], $0x1C80  }
0x41: {  	[sflag:s30] =	ssyncset.done $0x0  }
0x42: {  	[sflag:s30] =	ssyncadd.s32 $0xFFFFE380  }
0x43: {  	[bflag:$0x0] =	sbarrier.arrive $0xFFFF  }
0x44: {  	_ =	swait.ge [sflag:s31], $0x4E20  }
0x45: {  	[sflag:s31] =	ssyncset.done $0x0  }
0x46: {  	[sflag:s31] =	ssyncadd.s32 $0xFFFFB1E0  }
0x47: {  	_ =	swait.ge [sflag:s31], $0x4E20  }
0x48: {  	[sflag:s31] =	ssyncset.done $0x0  }
0x49: {  	s13 =	rddreg [dreg:$0x7];
	[sflag:s31] =	ssyncadd.s32 $0xFFFFB1E0  }
0x4a: {  	[tilespmem:s18], [sflag:$0x2] =	stream.linear.gather [hbm4b:s13+s2], $0x4E20, $0x38;
	[tilespmem:$0x19A80] =	vst v63  }
0x4b: {  	s14 =	rddreg [dreg:$0x8]  }
0x4c: {  	[tilespmem:s0], [sflag:$0x2] =	stream.linear.gather [hbm4b:s14+s2], $0x4E20, $0x38;
	[tilespmem:$0x19A80] =	vst v63  }
0x4d: {  	v4 =	vld [tilespmem:$0x9D00]  }
0x4e: {  	v5 =	vld [tilespmem:$0xEB10];
	_ =	sdelay $0x3  }
0x4f: {  	(v2sf) =	vpush v4, $0x0  }
0x50: {  	(v2sf) =	vpush v5, $0xF;
	_ =	sdelay $0xd  }
0x51: {  	s6 =	spop (v2sf)  }
0x52: {  	s7 =	spop (v2sf)  }
0x53: {  	s7 =	ssub.s32 s7, s6  }
0x54: {  	p0 =	sgt.s32 s7, $0x3FFF  }
.Ltmp3:
0x55: {  	_ = 	snop;
	(pc) =	sbr.rel @p0 .LBB2_8-.Ltmp3, $2  }
0x56: {  	_ =	sdelay $0x2  }
0x57: {  	v4 =	vbroadcast v4, $0x0  }
0x58: {  	s8 =	simm.s32 $0x30  }
0x59: {  	v5 =	vld [tilespmem:s8+$0x0];
	_ =	sdelay $0x3  }
0x5a: {  	s7 =	simm.s32 $0x9D30;
	v7 =	vld [tilespmem:s8+$0x10]  }
0x5b: {  	v6 =	vld [tilespmem:s7+$0xFFFFFFF0];
	(xrf2) =	vadd.scan.msk.f32 $0xffff, v5  }
0x5c: {  	v8 =	vld [tilespmem:s7+$0x10]  }
0x5d: {  	v13 =	vld [tilespmem:s8+$0xFFFFFFF0]  }
0x5e: {  	v10 =	vld [tilespmem:s7+$0x0]  }
0x5f: {  	v12 =	vld [tilespmem:s7+$0x20];
	(xrf2) =	vadd.scan.msk.f32 $0xffff, v7  }
0x60: {  	v16 =	vld [tilespmem:s8+$0xFFFFFFE0];
	_ =	sdelay $0x1  }
0x61: {  	v14 =	vld [tilespmem:s7+$0xFFFFFFE0];
	v6 =	vsub.s32 v6, v4;
	v8 =	vsub.s32 v8, v4;
	(xrf2) =	vadd.scan.msk.f32 $0xffff, v13  }
0x62: {  	v15 =	vld [tilespmem:s8+$0xFFFFFFD0];
	v5 =	vperm.xlane v6, v2;
	v9 =	vperm.xlane v8, v2  }
0x63: {  	v11 =	vld [tilespmem:s7+$0xFFFFFFD0];
	v12 =	vsub.s32 v12, v4;
	v13 =	vsub.s32 v10, v4  }
0x64: {  	vm1 =	vne.s32 v6, v5;
	vm3 =	vne.s32 v8, v9;
	v10 =	vperm.xlane v13, v2;
	v7, _, _ =	vpop (xrf2);
	(xrf2) =	vadd.scan.msk.f32 $0xffff, v16  }
0x65: {  	s9 =	simm.s32 $0x9D90;
	s7 =	simm.s32 $0x0;
	vm2 =	vmor vm1, vm0;
	vm1 =	vmmov vm1;
	vm4 =	vmor vm3, vm0;
	v16 =	vld [tilespmem:s8+$0x20];
	s8 =	simm.s32 $0x90  }
.LBB2_5:
0x66: {  	v17 =	vld [tilespmem:s9+$0xFFFFFFF0];
	s7 =	sadd.s32 $0x6, s7;
	vm7 =	vne.s32 v13, v10;
	v18 =	vperm.xlane v12, v2  }
0x67: {  	v20 =	vsub.s32 v14, v4;
	v19 =	vld [tilespmem:s8+$0x10];
	p0 =	slt.u32 s7, $0x4DA;
	vm10 =	vmor vm7, vm0;
	(xrf2) =	vadd.scan.msk.f32 $0xffff, v15  }
0x68: {  	v21 =	vsub.s32 v11, v4;
	v22 =	vperm.xlane v20, v2;
	v15 =	vld [tilespmem:s8+$0x0];
	vm5 =	vne.s32 v12, v18;
	v23, _, _ =	vpop (xrf2)  }
0x69: {  	v25 =	vperm.xlane v21, v2;
	v24 =	vld [tilespmem:s9+$0x10];
	vm9 =	vmor vm5, vm0  }
0x6a: {  	vm6 =	vne.s32 v20, v22;
	v27 =	vsub.f32 $0.0e+00, v23;
	v26 =	vld [tilespmem:s9+$0x0];
	(xrf2) =	vadd.scan.msk.f32 $0xffff, v16  }
0x6b: {  	vm8 =	vne.s32 v21, v25;
	vm12 =	vmor vm6, vm0;
	v11 =	vld [tilespmem:s9+$0xFFFFFFD0];
	v16, _, _ =	vpop (xrf2)  }
0x6c: {  	vm11 =	vmor vm8, vm0;
	[tilespmem:v6+s29+$0x0] =	vst.idx.add.f32.msk vm2, v16  }
0x6d: {  	v14 =	vld [tilespmem:s9+$0xFFFFFFE0];
	(xrf2) =	vadd.scan.msk.f32 $0xffff, v15  }
0x6e: {  	v28 =	vld [tilespmem:s9+$0x20];
	v29, _, _ =	vpop (xrf2)  }
0x6f: {  	v15 =	vld [tilespmem:s8+$0xFFFFFFD0]  }
0x70: {  	v6 =	vsub.s32 v17, v4;
	v17 =	vsub.f32 $0.0e+00, v29;
	v30 =	vld [tilespmem:s8+$0xFFFFFFE0]  }
0x71: {  	v32 =	vsub.f32 $0.0e+00, v7;
	v31 =	vperm.xlane v6, v2;
	[tilespmem:v8+s29+$0x0] =	vst.idx.add.f32.msk vm4, v23;
	v23, _, _ =	vpop (xrf2)  }
0x72: {  	v33 =	vsub.f32 $0.0e+00, v23;
	[tilespmem:v9+s29+$0x0] =	vst.idx.add.f32.msk vm3, v27  }
0x73: {  	v8 =	vsub.f32 $0.0e+00, v16;
	vm3 =	vne.s32 v6, v31;
	[tilespmem:v13+s29+$0x0] =	vst.idx.add.f32.msk vm10, v7  }
0x74: {  	vm2 =	vmor vm3, vm0;
	v13 =	vld [tilespmem:s8+$0xFFFFFFF0];
	v16, _, _ =	vpop (xrf2)  }
0x75: {  	[tilespmem:v5+s29+$0x0] =	vst.idx.add.f32.msk vm1, v8;
	v5 =	vmov v31;
	vm1 =	vmmov vm3  }
0x76: {  	(xrf2) =	vadd.scan.msk.f32 $0xffff, v19;
	[tilespmem:v10+s29+$0x0] =	vst.idx.add.f32.msk vm7, v32  }
0x77: {  	v8 =	vsub.s32 v24, v4;
	v7, _, _ =	vpop (xrf2);
	[tilespmem:v12+s29+$0x0] =	vst.idx.add.f32.msk vm9, v16  }
0x78: {  	v9 =	vperm.xlane v8, v2;
	[tilespmem:v20+s29+$0x0] =	vst.idx.add.f32.msk vm12, v29  }
.Ltmp4:
0x79: {  	v10 =	vsub.f32 $0.0e+00, v16;
	(xrf2) =	vadd.scan.msk.f32 $0xffff, v13;
	[tilespmem:v21+s29+$0x0] =	vst.idx.add.f32.msk vm11, v23;
	(pc) =	sbr.rel @p0 .LBB2_5-.Ltmp4, $4  }
0x7a: {  	vm3 =	vne.s32 v8, v9;
	[tilespmem:v25+s29+$0x0] =	vst.idx.add.f32.msk vm8, v33  }
0x7b: {  	v13 =	vsub.s32 v26, v4;
	vm4 =	vmor vm3, vm0;
	[tilespmem:v18+s29+$0x0] =	vst.idx.add.f32.msk vm5, v10  }
0x7c: {  	v10 =	vperm.xlane v13, v2;
	(xrf2) =	vadd.scan.msk.f32 $0xffff, v30;
	[tilespmem:v22+s29+$0x0] =	vst.idx.add.f32.msk vm6, v17  }
0x7d: {  	s9 =	sadd.s32 $0x60, s9;
	v12 =	vsub.s32 v28, v4;
	v16 =	vld [tilespmem:s8+$0x20];
	s8 =	sadd.s32 $0x60, s8  }
0x7e: {  	_ = 	snop  }
0x7f: {  	(xrf2) =	vadd.scan.msk.f32 $0xffff, v15  }
0x80: {  	vm5 =	vne.s32 v13, v10;
	v14 =	vsub.s32 v14, v4  }
0x81: {  	v11 =	vsub.s32 v11, v4;
	vm6 =	vmor vm5, vm0;
	v17 =	vperm.xlane v14, v2  }
0x82: {  	v18 =	vperm.xlane v11, v2;
	v61, _, _ =	vpop (xrf2);
	(xrf2) =	vadd.scan.msk.f32 $0xffff, v16  }
0x83: {  	v60 =	vperm.xlane v12, v2;
	vm9 =	vne.s32 v14, v17;
	v19, _, _ =	vpop (xrf2)  }
0x84: {  	v20 =	vsub.f32 $0.0e+00, v61;
	vm10 =	vmor vm9, vm0;
	[tilespmem:v6+s29+$0x0] =	vst.idx.add.f32.msk vm2, v19;
	vm2 =	vne.s32 v11, v18  }
0x85: {  	[tilespmem:v8+s29+$0x0] =	vst.idx.add.f32.msk vm4, v61;
	vm15 =	vmor vm2, vm0  }
0x86: {  	vm7 =	vne.s32 v12, v60;
	[tilespmem:v9+s29+$0x0] =	vst.idx.add.f32.msk vm3, v20;
	v6 =	vsub.f32 $0.0e+00, v19  }
0x87: {  	v63 =	vsub.f32 $0.0e+00, v7;
	vm8 =	vmor vm7, vm0;
	[tilespmem:v13+s29+$0x0] =	vst.idx.add.f32.msk vm6, v7  }
0x88: {  	v62, _, _ =	vpop (xrf2);
	[tilespmem:v5+s29+$0x0] =	vst.idx.add.f32.msk vm1, v6  }
0x89: {  	[tilespmem:v10+s29+$0x0] =	vst.idx.add.f32.msk vm5, v63;
	v7, _, _ =	vpop (xrf2)  }
0x8a: {  	[tilespmem:v14+s29+$0x0] =	vst.idx.add.f32.msk vm10, v62;
	v6 =	vsub.f32 $0.0e+00, v7  }
0x8b: {  	[tilespmem:v11+s29+$0x0] =	vst.idx.add.f32.msk vm15, v7  }
0x8c: {  	v7 =	vsub.f32 $0.0e+00, v62;
	v5, _, _ =	vpop (xrf2);
	[tilespmem:v18+s29+$0x0] =	vst.idx.add.f32.msk vm2, v6  }
0x8d: {  	[tilespmem:v12+s29+$0x0] =	vst.idx.add.f32.msk vm8, v5;
	v5 =	vsub.f32 $0.0e+00, v5  }
0x8e: {  	[tilespmem:v17+s29+$0x0] =	vst.idx.add.f32.msk vm9, v7  }
0x8f: {  	s7 =	simm.s32 $0x0;
	[tilespmem:v60+s29+$0x0] =	vst.idx.add.f32.msk vm7, v5  }
.LBB2_7:
0x90: {  	s8 =	sshra.s32 s7, $0x2  }
0x91: {  	v5 =	vld [tilespmem:s8+$0x4E00];
	_ =	sdelay $0x1  }
0x92: {  	v6 =	vld [tilespmem:s8+$0xEB00];
	_ =	sdelay $0x2  }
0x93: {  	(xrf2) =	vadd.scan.msk.f32 $0xffff, v5;
	_ =	sdelay $0x1  }
0x94: {  	v5 =	vsub.s32 v6, v4  }
0x95: {  	v6 =	vperm.xlane v5, v0;
	_ =	sdelay $0x1  }
0x96: {  	vm1 =	vne.s32 v5, v6  }
0x97: {  	vm2 =	vmor vm1, vm0;
	_ =	sdelay $0x1  }
0x98: {  	p0 =	seq.s32 s7, $0x40  }
.Ltmp5:
0x99: {  	_ = 	snop;
	(pc) =	sbr.rel @!p0 .LBB2_7-.Ltmp5, $4  }
0x9a: {  	v7, _, _ =	vpop (xrf2)  }
0x9b: {  	v8 =	vsub.f32 $0.0e+00, v7  }
0x9c: {  	[tilespmem:v5+s29+$0x0] =	vst.idx.add.f32.msk vm2, v7  }
0x9d: {  	s7 =	sadd.s32 $0x40, s7;
	[tilespmem:v6+s29+$0x0] =	vst.idx.add.f32.msk vm1, v8  }
.Ltmp6:
0x9e: {  	_ = 	snop;
	(pc) =	sbr.rel .LBB2_9-.Ltmp6, $1  }
0x9f: {  	_ =	sdelay $0x3  }
.LBB2_8:
0xa0: {  	[spmem:s1] =	stream.indirect.scatter.add.f32 [tilespmem:s2], [sflag:$0x3], $0x1, s28, s4, $0xb8;
	[tilespmem:$0x19A80] =	vst v63  }
0xa1: {  	_ =	swait.ge [sflag:s30], $0x4E20  }
0xa2: {  	[sflag:s30] =	ssyncset.done $0x0  }
0xa3: {  	[sflag:s30] =	ssyncadd.s32 $0xFFFFB1E0  }
.LBB2_9:
0xa4: {  	_ =	swait.ge [sflag:s3], $0x4E20  }
0xa5: {  	[sflag:s3] =	ssyncset.done $0x0  }
0xa6: {  	[sflag:s3] =	ssyncadd.s32 $0xFFFFB1E0  }
0xa7: {  	_ =	swait.ge [sflag:s3], $0x4E20  }
0xa8: {  	[sflag:s3] =	ssyncset.done $0x0  }
0xa9: {  	s7 =	rddreg [dreg:$0x9];
	[sflag:s3] =	ssyncadd.s32 $0xFFFFB1E0  }
0xaa: {  	[tilespmem:s2], [sflag:$0x1] =	stream.linear.gather [hbm4b:s7+s2], $0x4E20, $0x38;
	[tilespmem:$0x19A80] =	vst v63  }
0xab: {  	s13 =	rddreg [dreg:$0xa]  }
0xac: {  	[tilespmem:s28], [sflag:$0x1] =	stream.linear.gather [hbm4b:s13+s2], $0x4E20, $0x38;
	[tilespmem:$0x19A80] =	vst v63  }
0xad: {  	v5 =	vld [tilespmem:$0x13990];
	_ =	sdelay $0x4  }
0xae: {  	(v2sf) =	vpush v5, $0xF;
	_ =	sdelay $0xe  }
0xaf: {  	s14 =	spop (v2sf)  }
0xb0: {  	s7 =	ssub.s32 s14, s6  }
0xb1: {  	p0 =	sgt.s32 s7, $0x3FFF  }
.Ltmp7:
0xb2: {  	_ = 	snop;
	(pc) =	sbr.rel @p0 .LBB2_14-.Ltmp7, $1  }
0xb3: {  	_ =	sdelay $0x3  }
0xb4: {  	s8 =	simm.s32 $0x4EB0  }
0xb5: {  	v5 =	vld [tilespmem:s8+$0x0];
	_ =	sdelay $0x3  }
0xb6: {  	s7 =	simm.s32 $0xEBB0;
	v7 =	vld [tilespmem:s8+$0x10]  }
0xb7: {  	v6 =	vld [tilespmem:s7+$0xFFFFFFF0];
	(xrf2) =	vadd.scan.msk.f32 $0xffff, v5  }
0xb8: {  	v8 =	vld [tilespmem:s7+$0x10]  }
0xb9: {  	v13 =	vld [tilespmem:s8+$0xFFFFFFF0]  }
0xba: {  	v10 =	vld [tilespmem:s7+$0x0]  }
0xbb: {  	v12 =	vld [tilespmem:s7+$0x20];
	(xrf2) =	vadd.scan.msk.f32 $0xffff, v7  }
0xbc: {  	v16 =	vld [tilespmem:s8+$0xFFFFFFE0];
	_ =	sdelay $0x1  }
0xbd: {  	v14 =	vld [tilespmem:s7+$0xFFFFFFE0];
	v6 =	vsub.s32 v6, v4;
	v8 =	vsub.s32 v8, v4;
	(xrf2) =	vadd.scan.msk.f32 $0xffff, v13  }
0xbe: {  	v15 =	vld [tilespmem:s8+$0xFFFFFFD0];
	v5 =	vperm.xlane v6, v2;
	v9 =	vperm.xlane v8, v2  }
0xbf: {  	v11 =	vld [tilespmem:s7+$0xFFFFFFD0];
	v12 =	vsub.s32 v12, v4;
	v13 =	vsub.s32 v10, v4  }
0xc0: {  	vm1 =	vne.s32 v6, v5;
	vm3 =	vne.s32 v8, v9;
	v10 =	vperm.xlane v13, v2;
	v7, _, _ =	vpop (xrf2);
	(xrf2) =	vadd.scan.msk.f32 $0xffff, v16  }
0xc1: {  	s9 =	simm.s32 $0xEC10;
	s7 =	simm.s32 $0x0;
	vm2 =	vmor vm1, vm0;
	vm1 =	vmmov vm1;
	vm4 =	vmor vm3, vm0;
	v16 =	vld [tilespmem:s8+$0x20];
	s8 =	simm.s32 $0x4F10  }
.LBB2_11:
0xc2: {  	v17 =	vld [tilespmem:s9+$0xFFFFFFF0];
	s7 =	sadd.s32 $0x6, s7;
	vm7 =	vne.s32 v13, v10;
	v18 =	vperm.xlane v12, v2  }
0xc3: {  	v20 =	vsub.s32 v14, v4;
	v19 =	vld [tilespmem:s8+$0x10];
	p0 =	slt.u32 s7, $0x4DA;
	vm10 =	vmor vm7, vm0;
	(xrf2) =	vadd.scan.msk.f32 $0xffff, v15  }
0xc4: {  	v21 =	vsub.s32 v11, v4;
	v22 =	vperm.xlane v20, v2;
	v15 =	vld [tilespmem:s8+$0x0];
	vm5 =	vne.s32 v12, v18;
	v23, _, _ =	vpop (xrf2)  }
0xc5: {  	v25 =	vperm.xlane v21, v2;
	v24 =	vld [tilespmem:s9+$0x10];
	vm9 =	vmor vm5, vm0  }
0xc6: {  	vm6 =	vne.s32 v20, v22;
	v27 =	vsub.f32 $0.0e+00, v23;
	v26 =	vld [tilespmem:s9+$0x0];
	(xrf2) =	vadd.scan.msk.f32 $0xffff, v16  }
0xc7: {  	vm8 =	vne.s32 v21, v25;
	vm12 =	vmor vm6, vm0;
	v11 =	vld [tilespmem:s9+$0xFFFFFFD0];
	v16, _, _ =	vpop (xrf2)  }
0xc8: {  	vm11 =	vmor vm8, vm0;
	[tilespmem:v6+s29+$0x0] =	vst.idx.add.f32.msk vm2, v16  }
0xc9: {  	v14 =	vld [tilespmem:s9+$0xFFFFFFE0];
	(xrf2) =	vadd.scan.msk.f32 $0xffff, v15  }
0xca: {  	v28 =	vld [tilespmem:s9+$0x20];
	v29, _, _ =	vpop (xrf2)  }
0xcb: {  	v15 =	vld [tilespmem:s8+$0xFFFFFFD0]  }
0xcc: {  	v6 =	vsub.s32 v17, v4;
	v17 =	vsub.f32 $0.0e+00, v29;
	v30 =	vld [tilespmem:s8+$0xFFFFFFE0]  }
0xcd: {  	v32 =	vsub.f32 $0.0e+00, v7;
	v31 =	vperm.xlane v6, v2;
	[tilespmem:v8+s29+$0x0] =	vst.idx.add.f32.msk vm4, v23;
	v23, _, _ =	vpop (xrf2)  }
0xce: {  	v33 =	vsub.f32 $0.0e+00, v23;
	[tilespmem:v9+s29+$0x0] =	vst.idx.add.f32.msk vm3, v27  }
0xcf: {  	v8 =	vsub.f32 $0.0e+00, v16;
	vm3 =	vne.s32 v6, v31;
	[tilespmem:v13+s29+$0x0] =	vst.idx.add.f32.msk vm10, v7  }
0xd0: {  	vm2 =	vmor vm3, vm0;
	v13 =	vld [tilespmem:s8+$0xFFFFFFF0];
	v16, _, _ =	vpop (xrf2)  }
0xd1: {  	[tilespmem:v5+s29+$0x0] =	vst.idx.add.f32.msk vm1, v8;
	v5 =	vmov v31;
	vm1 =	vmmov vm3  }
0xd2: {  	(xrf2) =	vadd.scan.msk.f32 $0xffff, v19;
	[tilespmem:v10+s29+$0x0] =	vst.idx.add.f32.msk vm7, v32  }
0xd3: {  	v8 =	vsub.s32 v24, v4;
	v7, _, _ =	vpop (xrf2);
	[tilespmem:v12+s29+$0x0] =	vst.idx.add.f32.msk vm9, v16  }
0xd4: {  	v9 =	vperm.xlane v8, v2;
	[tilespmem:v20+s29+$0x0] =	vst.idx.add.f32.msk vm12, v29  }
.Ltmp8:
0xd5: {  	v10 =	vsub.f32 $0.0e+00, v16;
	(xrf2) =	vadd.scan.msk.f32 $0xffff, v13;
	[tilespmem:v21+s29+$0x0] =	vst.idx.add.f32.msk vm11, v23;
	(pc) =	sbr.rel @p0 .LBB2_11-.Ltmp8, $4  }
0xd6: {  	vm3 =	vne.s32 v8, v9;
	[tilespmem:v25+s29+$0x0] =	vst.idx.add.f32.msk vm8, v33  }
0xd7: {  	v13 =	vsub.s32 v26, v4;
	vm4 =	vmor vm3, vm0;
	[tilespmem:v18+s29+$0x0] =	vst.idx.add.f32.msk vm5, v10  }
0xd8: {  	v10 =	vperm.xlane v13, v2;
	(xrf2) =	vadd.scan.msk.f32 $0xffff, v30;
	[tilespmem:v22+s29+$0x0] =	vst.idx.add.f32.msk vm6, v17  }
0xd9: {  	s9 =	sadd.s32 $0x60, s9;
	v12 =	vsub.s32 v28, v4;
	v16 =	vld [tilespmem:s8+$0x20];
	s8 =	sadd.s32 $0x60, s8  }
0xda: {  	_ = 	snop  }
0xdb: {  	(xrf2) =	vadd.scan.msk.f32 $0xffff, v15  }
0xdc: {  	vm5 =	vne.s32 v13, v10;
	v14 =	vsub.s32 v14, v4  }
0xdd: {  	v11 =	vsub.s32 v11, v4;
	vm6 =	vmor vm5, vm0;
	v17 =	vperm.xlane v14, v2  }
0xde: {  	v18 =	vperm.xlane v11, v2;
	v61, _, _ =	vpop (xrf2);
	(xrf2) =	vadd.scan.msk.f32 $0xffff, v16  }
0xdf: {  	v60 =	vperm.xlane v12, v2;
	vm9 =	vne.s32 v14, v17;
	v19, _, _ =	vpop (xrf2)  }
0xe0: {  	v20 =	vsub.f32 $0.0e+00, v61;
	vm10 =	vmor vm9, vm0;
	[tilespmem:v6+s29+$0x0] =	vst.idx.add.f32.msk vm2, v19;
	vm2 =	vne.s32 v11, v18  }
0xe1: {  	[tilespmem:v8+s29+$0x0] =	vst.idx.add.f32.msk vm4, v61;
	vm15 =	vmor vm2, vm0  }
0xe2: {  	vm7 =	vne.s32 v12, v60;
	[tilespmem:v9+s29+$0x0] =	vst.idx.add.f32.msk vm3, v20;
	v6 =	vsub.f32 $0.0e+00, v19  }
0xe3: {  	v63 =	vsub.f32 $0.0e+00, v7;
	vm8 =	vmor vm7, vm0;
	[tilespmem:v13+s29+$0x0] =	vst.idx.add.f32.msk vm6, v7  }
0xe4: {  	v62, _, _ =	vpop (xrf2);
	[tilespmem:v5+s29+$0x0] =	vst.idx.add.f32.msk vm1, v6  }
0xe5: {  	[tilespmem:v10+s29+$0x0] =	vst.idx.add.f32.msk vm5, v63;
	v7, _, _ =	vpop (xrf2)  }
0xe6: {  	[tilespmem:v14+s29+$0x0] =	vst.idx.add.f32.msk vm10, v62;
	v6 =	vsub.f32 $0.0e+00, v7  }
0xe7: {  	[tilespmem:v11+s29+$0x0] =	vst.idx.add.f32.msk vm15, v7  }
0xe8: {  	v7 =	vsub.f32 $0.0e+00, v62;
	v5, _, _ =	vpop (xrf2);
	[tilespmem:v18+s29+$0x0] =	vst.idx.add.f32.msk vm2, v6  }
0xe9: {  	[tilespmem:v12+s29+$0x0] =	vst.idx.add.f32.msk vm8, v5;
	v5 =	vsub.f32 $0.0e+00, v5  }
0xea: {  	[tilespmem:v17+s29+$0x0] =	vst.idx.add.f32.msk vm9, v7  }
0xeb: {  	s7 =	simm.s32 $0x0;
	[tilespmem:v60+s29+$0x0] =	vst.idx.add.f32.msk vm7, v5  }
.LBB2_13:
0xec: {  	s8 =	sshra.s32 s7, $0x2  }
0xed: {  	v5 =	vld [tilespmem:s8+$0x9C80];
	_ =	sdelay $0x1  }
0xee: {  	v6 =	vld [tilespmem:s8+$0x13980];
	_ =	sdelay $0x2  }
0xef: {  	(xrf2) =	vadd.scan.msk.f32 $0xffff, v5;
	_ =	sdelay $0x1  }
0xf0: {  	v5 =	vsub.s32 v6, v4  }
0xf1: {  	v6 =	vperm.xlane v5, v0;
	_ =	sdelay $0x1  }
0xf2: {  	vm1 =	vne.s32 v5, v6  }
0xf3: {  	vm2 =	vmor vm1, vm0;
	_ =	sdelay $0x1  }
0xf4: {  	p0 =	seq.s32 s7, $0x40  }
.Ltmp9:
0xf5: {  	_ = 	snop;
	(pc) =	sbr.rel @!p0 .LBB2_13-.Ltmp9, $4  }
0xf6: {  	v7, _, _ =	vpop (xrf2)  }
0xf7: {  	v8 =	vsub.f32 $0.0e+00, v7  }
0xf8: {  	[tilespmem:v5+s29+$0x0] =	vst.idx.add.f32.msk vm2, v7  }
0xf9: {  	s7 =	sadd.s32 $0x40, s7;
	[tilespmem:v6+s29+$0x0] =	vst.idx.add.f32.msk vm1, v8  }
.Ltmp10:
0xfa: {  	_ = 	snop;
	(pc) =	sbr.rel .LBB2_15-.Ltmp10, $1  }
0xfb: {  	_ =	sdelay $0x3  }
.LBB2_14:
0xfc: {  	[spmem:s1] =	stream.indirect.scatter.add.f32 [tilespmem:s18], [sflag:$0x3], $0x1, s0, s4, $0xb8;
	[tilespmem:$0x19A80] =	vst v63  }
0xfd: {  	_ =	swait.ge [sflag:s30], $0x4E20  }
0xfe: {  	[sflag:s30] =	ssyncset.done $0x0  }
0xff: {  	[sflag:s30] =	ssyncadd.s32 $0xFFFFB1E0  }
.LBB2_15:
0x100: {  	_ =	swait.ge [sflag:s31], $0x4E20  }
0x101: {  	[sflag:s31] =	ssyncset.done $0x0  }
0x102: {  	[sflag:s31] =	ssyncadd.s32 $0xFFFFB1E0  }
0x103: {  	_ =	swait.ge [sflag:s31], $0x4E20  }
0x104: {  	[sflag:s31] =	ssyncset.done $0x0  }
0x105: {  	s7 =	rddreg [dreg:$0xb];
	[sflag:s31] =	ssyncadd.s32 $0xFFFFB1E0  }
0x106: {  	[tilespmem:s18], [sflag:$0x2] =	stream.linear.gather [hbm4b:s7+s2], $0x4E20, $0x38;
	[tilespmem:$0x19A80] =	vst v63  }
0x107: {  	s13 =	rddreg [dreg:$0xc]  }
0x108: {  	[tilespmem:s0], [sflag:$0x2] =	stream.linear.gather [hbm4b:s13+s2], $0x4E20, $0x38;
	[tilespmem:$0x19A80] =	vst v63  }
0x109: {  	v5 =	vld [tilespmem:$0xEB10];
	_ =	sdelay $0x4  }
0x10a: {  	(v2sf) =	vpush v5, $0xF;
	_ =	sdelay $0xe  }
0x10b: {  	s14 =	spop (v2sf)  }
0x10c: {  	s7 =	ssub.s32 s14, s6  }
0x10d: {  	p0 =	sgt.s32 s7, $0x3FFF  }
.Ltmp11:
0x10e: {  	_ = 	snop;
	(pc) =	sbr.rel @p0 .LBB2_20-.Ltmp11, $1  }
0x10f: {  	_ =	sdelay $0x3  }
0x110: {  	s8 =	simm.s32 $0x30  }
0x111: {  	v5 =	vld [tilespmem:s8+$0x0];
	_ =	sdelay $0x3  }
0x112: {  	s7 =	simm.s32 $0x9D30;
	v7 =	vld [tilespmem:s8+$0x10]  }
0x113: {  	v6 =	vld [tilespmem:s7+$0xFFFFFFF0];
	(xrf2) =	vadd.scan.msk.f32 $0xffff, v5  }
0x114: {  	v8 =	vld [tilespmem:s7+$0x10]  }
0x115: {  	v13 =	vld [tilespmem:s8+$0xFFFFFFF0]  }
0x116: {  	v10 =	vld [tilespmem:s7+$0x0]  }
0x117: {  	v12 =	vld [tilespmem:s7+$0x20];
	(xrf2) =	vadd.scan.msk.f32 $0xffff, v7  }
0x118: {  	v16 =	vld [tilespmem:s8+$0xFFFFFFE0];
	_ =	sdelay $0x1  }
0x119: {  	v14 =	vld [tilespmem:s7+$0xFFFFFFE0];
	v6 =	vsub.s32 v6, v4;
	v8 =	vsub.s32 v8, v4;
	(xrf2) =	vadd.scan.msk.f32 $0xffff, v13  }
0x11a: {  	v15 =	vld [tilespmem:s8+$0xFFFFFFD0];
	v5 =	vperm.xlane v6, v2;
	v9 =	vperm.xlane v8, v2  }
0x11b: {  	v11 =	vld [tilespmem:s7+$0xFFFFFFD0];
	v12 =	vsub.s32 v12, v4;
	v13 =	vsub.s32 v10, v4  }
0x11c: {  	vm1 =	vne.s32 v6, v5;
	vm3 =	vne.s32 v8, v9;
	v10 =	vperm.xlane v13, v2;
	v7, _, _ =	vpop (xrf2);
	(xrf2) =	vadd.scan.msk.f32 $0xffff, v16  }
0x11d: {  	s9 =	simm.s32 $0x9D90;
	s7 =	simm.s32 $0x0;
	vm2 =	vmor vm1, vm0;
	vm1 =	vmmov vm1;
	vm4 =	vmor vm3, vm0;
	v16 =	vld [tilespmem:s8+$0x20];
	s8 =	simm.s32 $0x90  }
.LBB2_17:
0x11e: {  	v17 =	vld [tilespmem:s9+$0xFFFFFFF0];
	s7 =	sadd.s32 $0x6, s7;
	vm7 =	vne.s32 v13, v10;
	v18 =	vperm.xlane v12, v2  }
0x11f: {  	v20 =	vsub.s32 v14, v4;
	v19 =	vld [tilespmem:s8+$0x10];
	p0 =	slt.u32 s7, $0x4DA;
	vm10 =	vmor vm7, vm0;
	(xrf2) =	vadd.scan.msk.f32 $0xffff, v15  }
0x120: {  	v21 =	vsub.s32 v11, v4;
	v22 =	vperm.xlane v20, v2;
	v15 =	vld [tilespmem:s8+$0x0];
	vm5 =	vne.s32 v12, v18;
	v23, _, _ =	vpop (xrf2)  }
0x121: {  	v25 =	vperm.xlane v21, v2;
	v24 =	vld [tilespmem:s9+$0x10];
	vm9 =	vmor vm5, vm0  }
0x122: {  	vm6 =	vne.s32 v20, v22;
	v27 =	vsub.f32 $0.0e+00, v23;
	v26 =	vld [tilespmem:s9+$0x0];
	(xrf2) =	vadd.scan.msk.f32 $0xffff, v16  }
0x123: {  	vm8 =	vne.s32 v21, v25;
	vm12 =	vmor vm6, vm0;
	v11 =	vld [tilespmem:s9+$0xFFFFFFD0];
	v16, _, _ =	vpop (xrf2)  }
0x124: {  	vm11 =	vmor vm8, vm0;
	[tilespmem:v6+s29+$0x0] =	vst.idx.add.f32.msk vm2, v16  }
0x125: {  	v14 =	vld [tilespmem:s9+$0xFFFFFFE0];
	(xrf2) =	vadd.scan.msk.f32 $0xffff, v15  }
0x126: {  	v28 =	vld [tilespmem:s9+$0x20];
	v29, _, _ =	vpop (xrf2)  }
0x127: {  	v15 =	vld [tilespmem:s8+$0xFFFFFFD0]  }
0x128: {  	v6 =	vsub.s32 v17, v4;
	v17 =	vsub.f32 $0.0e+00, v29;
	v30 =	vld [tilespmem:s8+$0xFFFFFFE0]  }
0x129: {  	v32 =	vsub.f32 $0.0e+00, v7;
	v31 =	vperm.xlane v6, v2;
	[tilespmem:v8+s29+$0x0] =	vst.idx.add.f32.msk vm4, v23;
	v23, _, _ =	vpop (xrf2)  }
0x12a: {  	v33 =	vsub.f32 $0.0e+00, v23;
	[tilespmem:v9+s29+$0x0] =	vst.idx.add.f32.msk vm3, v27  }
0x12b: {  	v8 =	vsub.f32 $0.0e+00, v16;
	vm3 =	vne.s32 v6, v31;
	[tilespmem:v13+s29+$0x0] =	vst.idx.add.f32.msk vm10, v7  }
0x12c: {  	vm2 =	vmor vm3, vm0;
	v13 =	vld [tilespmem:s8+$0xFFFFFFF0];
	v16, _, _ =	vpop (xrf2)  }
0x12d: {  	[tilespmem:v5+s29+$0x0] =	vst.idx.add.f32.msk vm1, v8;
	v5 =	vmov v31;
	vm1 =	vmmov vm3  }
0x12e: {  	(xrf2) =	vadd.scan.msk.f32 $0xffff, v19;
	[tilespmem:v10+s29+$0x0] =	vst.idx.add.f32.msk vm7, v32  }
0x12f: {  	v8 =	vsub.s32 v24, v4;
	v7, _, _ =	vpop (xrf2);
	[tilespmem:v12+s29+$0x0] =	vst.idx.add.f32.msk vm9, v16  }
0x130: {  	v9 =	vperm.xlane v8, v2;
	[tilespmem:v20+s29+$0x0] =	vst.idx.add.f32.msk vm12, v29  }
.Ltmp12:
0x131: {  	v10 =	vsub.f32 $0.0e+00, v16;
	(xrf2) =	vadd.scan.msk.f32 $0xffff, v13;
	[tilespmem:v21+s29+$0x0] =	vst.idx.add.f32.msk vm11, v23;
	(pc) =	sbr.rel @p0 .LBB2_17-.Ltmp12, $4  }
0x132: {  	vm3 =	vne.s32 v8, v9;
	[tilespmem:v25+s29+$0x0] =	vst.idx.add.f32.msk vm8, v33  }
0x133: {  	v13 =	vsub.s32 v26, v4;
	vm4 =	vmor vm3, vm0;
	[tilespmem:v18+s29+$0x0] =	vst.idx.add.f32.msk vm5, v10  }
0x134: {  	v10 =	vperm.xlane v13, v2;
	(xrf2) =	vadd.scan.msk.f32 $0xffff, v30;
	[tilespmem:v22+s29+$0x0] =	vst.idx.add.f32.msk vm6, v17  }
0x135: {  	s9 =	sadd.s32 $0x60, s9;
	v12 =	vsub.s32 v28, v4;
	v16 =	vld [tilespmem:s8+$0x20];
	s8 =	sadd.s32 $0x60, s8  }
0x136: {  	_ = 	snop  }
0x137: {  	(xrf2) =	vadd.scan.msk.f32 $0xffff, v15  }
0x138: {  	vm5 =	vne.s32 v13, v10;
	v14 =	vsub.s32 v14, v4  }
0x139: {  	v11 =	vsub.s32 v11, v4;
	vm6 =	vmor vm5, vm0;
	v17 =	vperm.xlane v14, v2  }
0x13a: {  	v18 =	vperm.xlane v11, v2;
	v61, _, _ =	vpop (xrf2);
	(xrf2) =	vadd.scan.msk.f32 $0xffff, v16  }
0x13b: {  	v60 =	vperm.xlane v12, v2;
	vm9 =	vne.s32 v14, v17;
	v19, _, _ =	vpop (xrf2)  }
0x13c: {  	v20 =	vsub.f32 $0.0e+00, v61;
	vm10 =	vmor vm9, vm0;
	[tilespmem:v6+s29+$0x0] =	vst.idx.add.f32.msk vm2, v19;
	vm2 =	vne.s32 v11, v18  }
0x13d: {  	[tilespmem:v8+s29+$0x0] =	vst.idx.add.f32.msk vm4, v61;
	vm15 =	vmor vm2, vm0  }
0x13e: {  	vm7 =	vne.s32 v12, v60;
	[tilespmem:v9+s29+$0x0] =	vst.idx.add.f32.msk vm3, v20;
	v6 =	vsub.f32 $0.0e+00, v19  }
0x13f: {  	v63 =	vsub.f32 $0.0e+00, v7;
	vm8 =	vmor vm7, vm0;
	[tilespmem:v13+s29+$0x0] =	vst.idx.add.f32.msk vm6, v7  }
0x140: {  	v62, _, _ =	vpop (xrf2);
	[tilespmem:v5+s29+$0x0] =	vst.idx.add.f32.msk vm1, v6  }
0x141: {  	[tilespmem:v10+s29+$0x0] =	vst.idx.add.f32.msk vm5, v63;
	v7, _, _ =	vpop (xrf2)  }
0x142: {  	[tilespmem:v14+s29+$0x0] =	vst.idx.add.f32.msk vm10, v62;
	v6 =	vsub.f32 $0.0e+00, v7  }
0x143: {  	[tilespmem:v11+s29+$0x0] =	vst.idx.add.f32.msk vm15, v7  }
0x144: {  	v7 =	vsub.f32 $0.0e+00, v62;
	v5, _, _ =	vpop (xrf2);
	[tilespmem:v18+s29+$0x0] =	vst.idx.add.f32.msk vm2, v6  }
0x145: {  	[tilespmem:v12+s29+$0x0] =	vst.idx.add.f32.msk vm8, v5;
	v5 =	vsub.f32 $0.0e+00, v5  }
0x146: {  	[tilespmem:v17+s29+$0x0] =	vst.idx.add.f32.msk vm9, v7  }
0x147: {  	s7 =	simm.s32 $0x0;
	[tilespmem:v60+s29+$0x0] =	vst.idx.add.f32.msk vm7, v5  }
.LBB2_19:
0x148: {  	s8 =	sshra.s32 s7, $0x2  }
0x149: {  	v5 =	vld [tilespmem:s8+$0x4E00];
	_ =	sdelay $0x1  }
0x14a: {  	v6 =	vld [tilespmem:s8+$0xEB00];
	_ =	sdelay $0x2  }
0x14b: {  	(xrf2) =	vadd.scan.msk.f32 $0xffff, v5;
	_ =	sdelay $0x1  }
0x14c: {  	v5 =	vsub.s32 v6, v4  }
0x14d: {  	v6 =	vperm.xlane v5, v0;
	_ =	sdelay $0x1  }
0x14e: {  	vm1 =	vne.s32 v5, v6  }
0x14f: {  	vm2 =	vmor vm1, vm0;
	_ =	sdelay $0x1  }
0x150: {  	p0 =	seq.s32 s7, $0x40  }
.Ltmp13:
0x151: {  	_ = 	snop;
	(pc) =	sbr.rel @!p0 .LBB2_19-.Ltmp13, $4  }
0x152: {  	v7, _, _ =	vpop (xrf2)  }
0x153: {  	v8 =	vsub.f32 $0.0e+00, v7  }
0x154: {  	[tilespmem:v5+s29+$0x0] =	vst.idx.add.f32.msk vm2, v7  }
0x155: {  	s7 =	sadd.s32 $0x40, s7;
	[tilespmem:v6+s29+$0x0] =	vst.idx.add.f32.msk vm1, v8  }
.Ltmp14:
0x156: {  	_ = 	snop;
	(pc) =	sbr.rel .LBB2_21-.Ltmp14, $1  }
0x157: {  	_ =	sdelay $0x3  }
.LBB2_20:
0x158: {  	[spmem:s1] =	stream.indirect.scatter.add.f32 [tilespmem:s2], [sflag:$0x3], $0x1, s28, s4, $0xb8;
	[tilespmem:$0x19A80] =	vst v63  }
0x159: {  	_ =	swait.ge [sflag:s30], $0x4E20  }
0x15a: {  	[sflag:s30] =	ssyncset.done $0x0  }
0x15b: {  	[sflag:s30] =	ssyncadd.s32 $0xFFFFB1E0  }
.LBB2_21:
0x15c: {  	_ =	swait.ge [sflag:s3], $0x4E20  }
0x15d: {  	[sflag:s3] =	ssyncset.done $0x0  }
0x15e: {  	[sflag:s3] =	ssyncadd.s32 $0xFFFFB1E0  }
0x15f: {  	_ =	swait.ge [sflag:s3], $0x4E20  }
0x160: {  	[sflag:s3] =	ssyncset.done $0x0  }
0x161: {  	s7 =	rddreg [dreg:$0xd];
	[sflag:s3] =	ssyncadd.s32 $0xFFFFB1E0  }
0x162: {  	[tilespmem:s2], [sflag:$0x1] =	stream.linear.gather [hbm4b:s7+s2], $0x4E20, $0x38;
	[tilespmem:$0x19A80] =	vst v63  }
0x163: {  	s13 =	rddreg [dreg:$0xe]  }
0x164: {  	[tilespmem:s28], [sflag:$0x1] =	stream.linear.gather [hbm4b:s13+s2], $0x4E20, $0x38;
	[tilespmem:$0x19A80] =	vst v63  }
0x165: {  	v5 =	vld [tilespmem:$0x13990];
	_ =	sdelay $0x4  }
0x166: {  	(v2sf) =	vpush v5, $0xF;
	_ =	sdelay $0xe  }
0x167: {  	s14 =	spop (v2sf)  }
0x168: {  	s7 =	ssub.s32 s14, s6  }
0x169: {  	p0 =	sgt.s32 s7, $0x3FFF  }
.Ltmp15:
0x16a: {  	_ = 	snop;
	(pc) =	sbr.rel @p0 .LBB2_26-.Ltmp15, $1  }
0x16b: {  	_ =	sdelay $0x3  }
0x16c: {  	s8 =	simm.s32 $0x4EB0  }
0x16d: {  	v5 =	vld [tilespmem:s8+$0x0];
	_ =	sdelay $0x3  }
0x16e: {  	s7 =	simm.s32 $0xEBB0;
	v7 =	vld [tilespmem:s8+$0x10]  }
0x16f: {  	v6 =	vld [tilespmem:s7+$0xFFFFFFF0];
	(xrf2) =	vadd.scan.msk.f32 $0xffff, v5  }
0x170: {  	v8 =	vld [tilespmem:s7+$0x10]  }
0x171: {  	v13 =	vld [tilespmem:s8+$0xFFFFFFF0]  }
0x172: {  	v10 =	vld [tilespmem:s7+$0x0]  }
0x173: {  	v12 =	vld [tilespmem:s7+$0x20];
	(xrf2) =	vadd.scan.msk.f32 $0xffff, v7  }
0x174: {  	v16 =	vld [tilespmem:s8+$0xFFFFFFE0];
	_ =	sdelay $0x1  }
0x175: {  	v14 =	vld [tilespmem:s7+$0xFFFFFFE0];
	v6 =	vsub.s32 v6, v4;
	v8 =	vsub.s32 v8, v4;
	(xrf2) =	vadd.scan.msk.f32 $0xffff, v13  }
0x176: {  	v15 =	vld [tilespmem:s8+$0xFFFFFFD0];
	v5 =	vperm.xlane v6, v2;
	v9 =	vperm.xlane v8, v2  }
0x177: {  	v11 =	vld [tilespmem:s7+$0xFFFFFFD0];
	v12 =	vsub.s32 v12, v4;
	v13 =	vsub.s32 v10, v4  }
0x178: {  	vm1 =	vne.s32 v6, v5;
	vm3 =	vne.s32 v8, v9;
	v10 =	vperm.xlane v13, v2;
	v7, _, _ =	vpop (xrf2);
	(xrf2) =	vadd.scan.msk.f32 $0xffff, v16  }
0x179: {  	s9 =	simm.s32 $0xEC10;
	s7 =	simm.s32 $0x0;
	vm2 =	vmor vm1, vm0;
	vm1 =	vmmov vm1;
	vm4 =	vmor vm3, vm0;
	v16 =	vld [tilespmem:s8+$0x20];
	s8 =	simm.s32 $0x4F10  }
.LBB2_23:
0x17a: {  	v17 =	vld [tilespmem:s9+$0xFFFFFFF0];
	s7 =	sadd.s32 $0x6, s7;
	vm7 =	vne.s32 v13, v10;
	v18 =	vperm.xlane v12, v2  }
0x17b: {  	v20 =	vsub.s32 v14, v4;
	v19 =	vld [tilespmem:s8+$0x10];
	p0 =	slt.u32 s7, $0x4DA;
	vm10 =	vmor vm7, vm0;
	(xrf2) =	vadd.scan.msk.f32 $0xffff, v15  }
0x17c: {  	v21 =	vsub.s32 v11, v4;
	v22 =	vperm.xlane v20, v2;
	v15 =	vld [tilespmem:s8+$0x0];
	vm5 =	vne.s32 v12, v18;
	v23, _, _ =	vpop (xrf2)  }
0x17d: {  	v25 =	vperm.xlane v21, v2;
	v24 =	vld [tilespmem:s9+$0x10];
	vm9 =	vmor vm5, vm0  }
0x17e: {  	vm6 =	vne.s32 v20, v22;
	v27 =	vsub.f32 $0.0e+00, v23;
	v26 =	vld [tilespmem:s9+$0x0];
	(xrf2) =	vadd.scan.msk.f32 $0xffff, v16  }
0x17f: {  	vm8 =	vne.s32 v21, v25;
	vm12 =	vmor vm6, vm0;
	v11 =	vld [tilespmem:s9+$0xFFFFFFD0];
	v16, _, _ =	vpop (xrf2)  }
0x180: {  	vm11 =	vmor vm8, vm0;
	[tilespmem:v6+s29+$0x0] =	vst.idx.add.f32.msk vm2, v16  }
0x181: {  	v14 =	vld [tilespmem:s9+$0xFFFFFFE0];
	(xrf2) =	vadd.scan.msk.f32 $0xffff, v15  }
0x182: {  	v28 =	vld [tilespmem:s9+$0x20];
	v29, _, _ =	vpop (xrf2)  }
0x183: {  	v15 =	vld [tilespmem:s8+$0xFFFFFFD0]  }
0x184: {  	v6 =	vsub.s32 v17, v4;
	v17 =	vsub.f32 $0.0e+00, v29;
	v30 =	vld [tilespmem:s8+$0xFFFFFFE0]  }
0x185: {  	v32 =	vsub.f32 $0.0e+00, v7;
	v31 =	vperm.xlane v6, v2;
	[tilespmem:v8+s29+$0x0] =	vst.idx.add.f32.msk vm4, v23;
	v23, _, _ =	vpop (xrf2)  }
0x186: {  	v33 =	vsub.f32 $0.0e+00, v23;
	[tilespmem:v9+s29+$0x0] =	vst.idx.add.f32.msk vm3, v27  }
0x187: {  	v8 =	vsub.f32 $0.0e+00, v16;
	vm3 =	vne.s32 v6, v31;
	[tilespmem:v13+s29+$0x0] =	vst.idx.add.f32.msk vm10, v7  }
0x188: {  	vm2 =	vmor vm3, vm0;
	v13 =	vld [tilespmem:s8+$0xFFFFFFF0];
	v16, _, _ =	vpop (xrf2)  }
0x189: {  	[tilespmem:v5+s29+$0x0] =	vst.idx.add.f32.msk vm1, v8;
	v5 =	vmov v31;
	vm1 =	vmmov vm3  }
0x18a: {  	(xrf2) =	vadd.scan.msk.f32 $0xffff, v19;
	[tilespmem:v10+s29+$0x0] =	vst.idx.add.f32.msk vm7, v32  }
0x18b: {  	v8 =	vsub.s32 v24, v4;
	v7, _, _ =	vpop (xrf2);
	[tilespmem:v12+s29+$0x0] =	vst.idx.add.f32.msk vm9, v16  }
0x18c: {  	v9 =	vperm.xlane v8, v2;
	[tilespmem:v20+s29+$0x0] =	vst.idx.add.f32.msk vm12, v29  }
.Ltmp16:
0x18d: {  	v10 =	vsub.f32 $0.0e+00, v16;
	(xrf2) =	vadd.scan.msk.f32 $0xffff, v13;
	[tilespmem:v21+s29+$0x0] =	vst.idx.add.f32.msk vm11, v23;
	(pc) =	sbr.rel @p0 .LBB2_23-.Ltmp16, $4  }
0x18e: {  	vm3 =	vne.s32 v8, v9;
	[tilespmem:v25+s29+$0x0] =	vst.idx.add.f32.msk vm8, v33  }
0x18f: {  	v13 =	vsub.s32 v26, v4;
	vm4 =	vmor vm3, vm0;
	[tilespmem:v18+s29+$0x0] =	vst.idx.add.f32.msk vm5, v10  }
0x190: {  	v10 =	vperm.xlane v13, v2;
	(xrf2) =	vadd.scan.msk.f32 $0xffff, v30;
	[tilespmem:v22+s29+$0x0] =	vst.idx.add.f32.msk vm6, v17  }
0x191: {  	s9 =	sadd.s32 $0x60, s9;
	v12 =	vsub.s32 v28, v4;
	v16 =	vld [tilespmem:s8+$0x20];
	s8 =	sadd.s32 $0x60, s8  }
0x192: {  	_ = 	snop  }
0x193: {  	(xrf2) =	vadd.scan.msk.f32 $0xffff, v15  }
0x194: {  	vm5 =	vne.s32 v13, v10;
	v14 =	vsub.s32 v14, v4  }
0x195: {  	v11 =	vsub.s32 v11, v4;
	vm6 =	vmor vm5, vm0;
	v17 =	vperm.xlane v14, v2  }
0x196: {  	v18 =	vperm.xlane v11, v2;
	v61, _, _ =	vpop (xrf2);
	(xrf2) =	vadd.scan.msk.f32 $0xffff, v16  }
0x197: {  	v60 =	vperm.xlane v12, v2;
	vm9 =	vne.s32 v14, v17;
	v19, _, _ =	vpop (xrf2)  }
0x198: {  	v20 =	vsub.f32 $0.0e+00, v61;
	vm10 =	vmor vm9, vm0;
	[tilespmem:v6+s29+$0x0] =	vst.idx.add.f32.msk vm2, v19;
	vm2 =	vne.s32 v11, v18  }
0x199: {  	[tilespmem:v8+s29+$0x0] =	vst.idx.add.f32.msk vm4, v61;
	vm15 =	vmor vm2, vm0  }
0x19a: {  	vm7 =	vne.s32 v12, v60;
	[tilespmem:v9+s29+$0x0] =	vst.idx.add.f32.msk vm3, v20;
	v6 =	vsub.f32 $0.0e+00, v19  }
0x19b: {  	v63 =	vsub.f32 $0.0e+00, v7;
	vm8 =	vmor vm7, vm0;
	[tilespmem:v13+s29+$0x0] =	vst.idx.add.f32.msk vm6, v7  }
0x19c: {  	v62, _, _ =	vpop (xrf2);
	[tilespmem:v5+s29+$0x0] =	vst.idx.add.f32.msk vm1, v6  }
0x19d: {  	[tilespmem:v10+s29+$0x0] =	vst.idx.add.f32.msk vm5, v63;
	v7, _, _ =	vpop (xrf2)  }
0x19e: {  	[tilespmem:v14+s29+$0x0] =	vst.idx.add.f32.msk vm10, v62;
	v6 =	vsub.f32 $0.0e+00, v7  }
0x19f: {  	[tilespmem:v11+s29+$0x0] =	vst.idx.add.f32.msk vm15, v7  }
0x1a0: {  	v7 =	vsub.f32 $0.0e+00, v62;
	v5, _, _ =	vpop (xrf2);
	[tilespmem:v18+s29+$0x0] =	vst.idx.add.f32.msk vm2, v6  }
0x1a1: {  	[tilespmem:v12+s29+$0x0] =	vst.idx.add.f32.msk vm8, v5;
	v5 =	vsub.f32 $0.0e+00, v5  }
0x1a2: {  	[tilespmem:v17+s29+$0x0] =	vst.idx.add.f32.msk vm9, v7  }
0x1a3: {  	s7 =	simm.s32 $0x0;
	[tilespmem:v60+s29+$0x0] =	vst.idx.add.f32.msk vm7, v5  }
.LBB2_25:
0x1a4: {  	s8 =	sshra.s32 s7, $0x2  }
0x1a5: {  	v5 =	vld [tilespmem:s8+$0x9C80];
	_ =	sdelay $0x1  }
0x1a6: {  	v6 =	vld [tilespmem:s8+$0x13980];
	_ =	sdelay $0x2  }
0x1a7: {  	(xrf2) =	vadd.scan.msk.f32 $0xffff, v5;
	_ =	sdelay $0x1  }
0x1a8: {  	v5 =	vsub.s32 v6, v4  }
0x1a9: {  	v6 =	vperm.xlane v5, v0;
	_ =	sdelay $0x1  }
0x1aa: {  	vm1 =	vne.s32 v5, v6  }
0x1ab: {  	vm2 =	vmor vm1, vm0;
	_ =	sdelay $0x1  }
0x1ac: {  	p0 =	seq.s32 s7, $0x40  }
.Ltmp17:
0x1ad: {  	_ = 	snop;
	(pc) =	sbr.rel @!p0 .LBB2_25-.Ltmp17, $4  }
0x1ae: {  	v7, _, _ =	vpop (xrf2)  }
0x1af: {  	v8 =	vsub.f32 $0.0e+00, v7  }
0x1b0: {  	[tilespmem:v5+s29+$0x0] =	vst.idx.add.f32.msk vm2, v7  }
0x1b1: {  	s7 =	sadd.s32 $0x40, s7;
	[tilespmem:v6+s29+$0x0] =	vst.idx.add.f32.msk vm1, v8  }
.Ltmp18:
0x1b2: {  	_ = 	snop;
	(pc) =	sbr.rel .LBB2_27-.Ltmp18, $1  }
0x1b3: {  	_ =	sdelay $0x3  }
.LBB2_26:
0x1b4: {  	[spmem:s1] =	stream.indirect.scatter.add.f32 [tilespmem:s18], [sflag:$0x3], $0x1, s0, s4, $0xb8;
	[tilespmem:$0x19A80] =	vst v63  }
0x1b5: {  	_ =	swait.ge [sflag:s30], $0x4E20  }
0x1b6: {  	[sflag:s30] =	ssyncset.done $0x0  }
0x1b7: {  	[sflag:s30] =	ssyncadd.s32 $0xFFFFB1E0  }
.LBB2_27:
0x1b8: {  	_ =	swait.ge [sflag:s31], $0x4E20  }
0x1b9: {  	[sflag:s31] =	ssyncset.done $0x0  }
0x1ba: {  	[sflag:s31] =	ssyncadd.s32 $0xFFFFB1E0  }
0x1bb: {  	_ =	swait.ge [sflag:s31], $0x4E20  }
0x1bc: {  	[sflag:s31] =	ssyncset.done $0x0  }
0x1bd: {  	s7 =	rddreg [dreg:$0xf];
	[sflag:s31] =	ssyncadd.s32 $0xFFFFB1E0  }
0x1be: {  	[tilespmem:s18], [sflag:$0x2] =	stream.linear.gather [hbm4b:s7+s2], $0x4E20, $0x38;
	[tilespmem:$0x19A80] =	vst v63  }
0x1bf: {  	s13 =	rddreg [dreg:$0x10]  }
0x1c0: {  	[tilespmem:s0], [sflag:$0x2] =	stream.linear.gather [hbm4b:s13+s2], $0x4E20, $0x38;
	[tilespmem:$0x19A80] =	vst v63  }
0x1c1: {  	v5 =	vld [tilespmem:$0xEB10];
	_ =	sdelay $0x4  }
0x1c2: {  	(v2sf) =	vpush v5, $0xF;
	_ =	sdelay $0xe  }
0x1c3: {  	s14 =	spop (v2sf)  }
0x1c4: {  	s7 =	ssub.s32 s14, s6  }
0x1c5: {  	p0 =	sgt.s32 s7, $0x3FFF  }
.Ltmp19:
0x1c6: {  	_ = 	snop;
	(pc) =	sbr.rel @p0 .LBB2_32-.Ltmp19, $1  }
0x1c7: {  	_ =	sdelay $0x3  }
0x1c8: {  	s8 =	simm.s32 $0x30  }
0x1c9: {  	v5 =	vld [tilespmem:s8+$0x0];
	_ =	sdelay $0x3  }
0x1ca: {  	s7 =	simm.s32 $0x9D30;
	v7 =	vld [tilespmem:s8+$0x10]  }
0x1cb: {  	v6 =	vld [tilespmem:s7+$0xFFFFFFF0];
	(xrf2) =	vadd.scan.msk.f32 $0xffff, v5  }
0x1cc: {  	v8 =	vld [tilespmem:s7+$0x10]  }
0x1cd: {  	v13 =	vld [tilespmem:s8+$0xFFFFFFF0]  }
0x1ce: {  	v10 =	vld [tilespmem:s7+$0x0]  }
0x1cf: {  	v12 =	vld [tilespmem:s7+$0x20];
	(xrf2) =	vadd.scan.msk.f32 $0xffff, v7  }
0x1d0: {  	v16 =	vld [tilespmem:s8+$0xFFFFFFE0];
	_ =	sdelay $0x1  }
0x1d1: {  	v14 =	vld [tilespmem:s7+$0xFFFFFFE0];
	v6 =	vsub.s32 v6, v4;
	v8 =	vsub.s32 v8, v4;
	(xrf2) =	vadd.scan.msk.f32 $0xffff, v13  }
0x1d2: {  	v15 =	vld [tilespmem:s8+$0xFFFFFFD0];
	v5 =	vperm.xlane v6, v2;
	v9 =	vperm.xlane v8, v2  }
0x1d3: {  	v11 =	vld [tilespmem:s7+$0xFFFFFFD0];
	v12 =	vsub.s32 v12, v4;
	v13 =	vsub.s32 v10, v4  }
0x1d4: {  	vm1 =	vne.s32 v6, v5;
	vm3 =	vne.s32 v8, v9;
	v10 =	vperm.xlane v13, v2;
	v7, _, _ =	vpop (xrf2);
	(xrf2) =	vadd.scan.msk.f32 $0xffff, v16  }
0x1d5: {  	s9 =	simm.s32 $0x9D90;
	s7 =	simm.s32 $0x0;
	vm2 =	vmor vm1, vm0;
	vm1 =	vmmov vm1;
	vm4 =	vmor vm3, vm0;
	v16 =	vld [tilespmem:s8+$0x20];
	s8 =	simm.s32 $0x90  }
.LBB2_29:
0x1d6: {  	v17 =	vld [tilespmem:s9+$0xFFFFFFF0];
	s7 =	sadd.s32 $0x6, s7;
	vm7 =	vne.s32 v13, v10;
	v18 =	vperm.xlane v12, v2  }
0x1d7: {  	v20 =	vsub.s32 v14, v4;
	v19 =	vld [tilespmem:s8+$0x10];
	p0 =	slt.u32 s7, $0x4DA;
	vm10 =	vmor vm7, vm0;
	(xrf2) =	vadd.scan.msk.f32 $0xffff, v15  }
0x1d8: {  	v21 =	vsub.s32 v11, v4;
	v22 =	vperm.xlane v20, v2;
	v15 =	vld [tilespmem:s8+$0x0];
	vm5 =	vne.s32 v12, v18;
	v23, _, _ =	vpop (xrf2)  }
0x1d9: {  	v25 =	vperm.xlane v21, v2;
	v24 =	vld [tilespmem:s9+$0x10];
	vm9 =	vmor vm5, vm0  }
0x1da: {  	vm6 =	vne.s32 v20, v22;
	v27 =	vsub.f32 $0.0e+00, v23;
	v26 =	vld [tilespmem:s9+$0x0];
	(xrf2) =	vadd.scan.msk.f32 $0xffff, v16  }
0x1db: {  	vm8 =	vne.s32 v21, v25;
	vm12 =	vmor vm6, vm0;
	v11 =	vld [tilespmem:s9+$0xFFFFFFD0];
	v16, _, _ =	vpop (xrf2)  }
0x1dc: {  	vm11 =	vmor vm8, vm0;
	[tilespmem:v6+s29+$0x0] =	vst.idx.add.f32.msk vm2, v16  }
0x1dd: {  	v14 =	vld [tilespmem:s9+$0xFFFFFFE0];
	(xrf2) =	vadd.scan.msk.f32 $0xffff, v15  }
0x1de: {  	v28 =	vld [tilespmem:s9+$0x20];
	v29, _, _ =	vpop (xrf2)  }
0x1df: {  	v15 =	vld [tilespmem:s8+$0xFFFFFFD0]  }
0x1e0: {  	v6 =	vsub.s32 v17, v4;
	v17 =	vsub.f32 $0.0e+00, v29;
	v30 =	vld [tilespmem:s8+$0xFFFFFFE0]  }
0x1e1: {  	v32 =	vsub.f32 $0.0e+00, v7;
	v31 =	vperm.xlane v6, v2;
	[tilespmem:v8+s29+$0x0] =	vst.idx.add.f32.msk vm4, v23;
	v23, _, _ =	vpop (xrf2)  }
0x1e2: {  	v33 =	vsub.f32 $0.0e+00, v23;
	[tilespmem:v9+s29+$0x0] =	vst.idx.add.f32.msk vm3, v27  }
0x1e3: {  	v8 =	vsub.f32 $0.0e+00, v16;
	vm3 =	vne.s32 v6, v31;
	[tilespmem:v13+s29+$0x0] =	vst.idx.add.f32.msk vm10, v7  }
0x1e4: {  	vm2 =	vmor vm3, vm0;
	v13 =	vld [tilespmem:s8+$0xFFFFFFF0];
	v16, _, _ =	vpop (xrf2)  }
0x1e5: {  	[tilespmem:v5+s29+$0x0] =	vst.idx.add.f32.msk vm1, v8;
	v5 =	vmov v31;
	vm1 =	vmmov vm3  }
0x1e6: {  	(xrf2) =	vadd.scan.msk.f32 $0xffff, v19;
	[tilespmem:v10+s29+$0x0] =	vst.idx.add.f32.msk vm7, v32  }
0x1e7: {  	v8 =	vsub.s32 v24, v4;
	v7, _, _ =	vpop (xrf2);
	[tilespmem:v12+s29+$0x0] =	vst.idx.add.f32.msk vm9, v16  }
0x1e8: {  	v9 =	vperm.xlane v8, v2;
	[tilespmem:v20+s29+$0x0] =	vst.idx.add.f32.msk vm12, v29  }
.Ltmp20:
0x1e9: {  	v10 =	vsub.f32 $0.0e+00, v16;
	(xrf2) =	vadd.scan.msk.f32 $0xffff, v13;
	[tilespmem:v21+s29+$0x0] =	vst.idx.add.f32.msk vm11, v23;
	(pc) =	sbr.rel @p0 .LBB2_29-.Ltmp20, $4  }
0x1ea: {  	vm3 =	vne.s32 v8, v9;
	[tilespmem:v25+s29+$0x0] =	vst.idx.add.f32.msk vm8, v33  }
0x1eb: {  	v13 =	vsub.s32 v26, v4;
	vm4 =	vmor vm3, vm0;
	[tilespmem:v18+s29+$0x0] =	vst.idx.add.f32.msk vm5, v10  }
0x1ec: {  	v10 =	vperm.xlane v13, v2;
	(xrf2) =	vadd.scan.msk.f32 $0xffff, v30;
	[tilespmem:v22+s29+$0x0] =	vst.idx.add.f32.msk vm6, v17  }
0x1ed: {  	s9 =	sadd.s32 $0x60, s9;
	v12 =	vsub.s32 v28, v4;
	v16 =	vld [tilespmem:s8+$0x20];
	s8 =	sadd.s32 $0x60, s8  }
0x1ee: {  	_ = 	snop  }
0x1ef: {  	(xrf2) =	vadd.scan.msk.f32 $0xffff, v15  }
0x1f0: {  	vm5 =	vne.s32 v13, v10;
	v14 =	vsub.s32 v14, v4  }
0x1f1: {  	v11 =	vsub.s32 v11, v4;
	vm6 =	vmor vm5, vm0;
	v17 =	vperm.xlane v14, v2  }
0x1f2: {  	v18 =	vperm.xlane v11, v2;
	v61, _, _ =	vpop (xrf2);
	(xrf2) =	vadd.scan.msk.f32 $0xffff, v16  }
0x1f3: {  	v60 =	vperm.xlane v12, v2;
	vm9 =	vne.s32 v14, v17;
	v19, _, _ =	vpop (xrf2)  }
0x1f4: {  	v20 =	vsub.f32 $0.0e+00, v61;
	vm10 =	vmor vm9, vm0;
	[tilespmem:v6+s29+$0x0] =	vst.idx.add.f32.msk vm2, v19;
	vm2 =	vne.s32 v11, v18  }
0x1f5: {  	[tilespmem:v8+s29+$0x0] =	vst.idx.add.f32.msk vm4, v61;
	vm15 =	vmor vm2, vm0  }
0x1f6: {  	vm7 =	vne.s32 v12, v60;
	[tilespmem:v9+s29+$0x0] =	vst.idx.add.f32.msk vm3, v20;
	v6 =	vsub.f32 $0.0e+00, v19  }
0x1f7: {  	v63 =	vsub.f32 $0.0e+00, v7;
	vm8 =	vmor vm7, vm0;
	[tilespmem:v13+s29+$0x0] =	vst.idx.add.f32.msk vm6, v7  }
0x1f8: {  	v62, _, _ =	vpop (xrf2);
	[tilespmem:v5+s29+$0x0] =	vst.idx.add.f32.msk vm1, v6  }
0x1f9: {  	[tilespmem:v10+s29+$0x0] =	vst.idx.add.f32.msk vm5, v63;
	v7, _, _ =	vpop (xrf2)  }
0x1fa: {  	[tilespmem:v14+s29+$0x0] =	vst.idx.add.f32.msk vm10, v62;
	v6 =	vsub.f32 $0.0e+00, v7  }
0x1fb: {  	[tilespmem:v11+s29+$0x0] =	vst.idx.add.f32.msk vm15, v7  }
0x1fc: {  	v7 =	vsub.f32 $0.0e+00, v62;
	v5, _, _ =	vpop (xrf2);
	[tilespmem:v18+s29+$0x0] =	vst.idx.add.f32.msk vm2, v6  }
0x1fd: {  	[tilespmem:v12+s29+$0x0] =	vst.idx.add.f32.msk vm8, v5;
	v5 =	vsub.f32 $0.0e+00, v5  }
0x1fe: {  	[tilespmem:v17+s29+$0x0] =	vst.idx.add.f32.msk vm9, v7  }
0x1ff: {  	s7 =	simm.s32 $0x0;
	[tilespmem:v60+s29+$0x0] =	vst.idx.add.f32.msk vm7, v5  }
.LBB2_31:
0x200: {  	s8 =	sshra.s32 s7, $0x2  }
0x201: {  	v5 =	vld [tilespmem:s8+$0x4E00];
	_ =	sdelay $0x1  }
0x202: {  	v6 =	vld [tilespmem:s8+$0xEB00];
	_ =	sdelay $0x2  }
0x203: {  	(xrf2) =	vadd.scan.msk.f32 $0xffff, v5;
	_ =	sdelay $0x1  }
0x204: {  	v5 =	vsub.s32 v6, v4  }
0x205: {  	v6 =	vperm.xlane v5, v0;
	_ =	sdelay $0x1  }
0x206: {  	vm1 =	vne.s32 v5, v6  }
0x207: {  	vm2 =	vmor vm1, vm0;
	_ =	sdelay $0x1  }
0x208: {  	p0 =	seq.s32 s7, $0x40  }
.Ltmp21:
0x209: {  	_ = 	snop;
	(pc) =	sbr.rel @!p0 .LBB2_31-.Ltmp21, $4  }
0x20a: {  	v7, _, _ =	vpop (xrf2)  }
0x20b: {  	v8 =	vsub.f32 $0.0e+00, v7  }
0x20c: {  	[tilespmem:v5+s29+$0x0] =	vst.idx.add.f32.msk vm2, v7  }
0x20d: {  	s7 =	sadd.s32 $0x40, s7;
	[tilespmem:v6+s29+$0x0] =	vst.idx.add.f32.msk vm1, v8  }
.Ltmp22:
0x20e: {  	_ = 	snop;
	(pc) =	sbr.rel .LBB2_33-.Ltmp22, $1  }
0x20f: {  	_ =	sdelay $0x3  }
.LBB2_32:
0x210: {  	[spmem:s1] =	stream.indirect.scatter.add.f32 [tilespmem:s2], [sflag:$0x3], $0x1, s28, s4, $0xb8;
	[tilespmem:$0x19A80] =	vst v63  }
0x211: {  	_ =	swait.ge [sflag:s30], $0x4E20  }
0x212: {  	[sflag:s30] =	ssyncset.done $0x0  }
0x213: {  	[sflag:s30] =	ssyncadd.s32 $0xFFFFB1E0  }
.LBB2_33:
0x214: {  	_ =	swait.ge [sflag:s3], $0x4E20  }
0x215: {  	[sflag:s3] =	ssyncset.done $0x0  }
0x216: {  	[sflag:s3] =	ssyncadd.s32 $0xFFFFB1E0  }
0x217: {  	_ =	swait.ge [sflag:s3], $0x4E20  }
0x218: {  	[sflag:s3] =	ssyncset.done $0x0  }
0x219: {  	[sflag:s3] =	ssyncadd.s32 $0xFFFFB1E0  }
0x21a: {  	[tilespmem:s2], [sflag:$0x1] =	stream.linear.gather [hbm4b:s15+s2], $0x4E20, $0x38;
	[tilespmem:$0x19A80] =	vst v63  }
0x21b: {  	_ = 	snop  }
0x21c: {  	[tilespmem:s28], [sflag:$0x1] =	stream.linear.gather [hbm4b:s16+s2], $0x4E20, $0x38;
	[tilespmem:$0x19A80] =	vst v63  }
0x21d: {  	v5 =	vld [tilespmem:$0x13990];
	_ =	sdelay $0x4  }
0x21e: {  	(v2sf) =	vpush v5, $0xF;
	_ =	sdelay $0xe  }
0x21f: {  	s7 =	spop (v2sf)  }
0x220: {  	s7 =	ssub.s32 s7, s6  }
0x221: {  	p0 =	sgt.s32 s7, $0x3FFF  }
.Ltmp23:
0x222: {  	_ = 	snop;
	(pc) =	sbr.rel @p0 .LBB2_38-.Ltmp23, $1  }
0x223: {  	_ =	sdelay $0x3  }
0x224: {  	s8 =	simm.s32 $0x4EB0  }
0x225: {  	v5 =	vld [tilespmem:s8+$0x0];
	_ =	sdelay $0x3  }
0x226: {  	s7 =	simm.s32 $0xEBB0;
	v7 =	vld [tilespmem:s8+$0x10]  }
0x227: {  	v6 =	vld [tilespmem:s7+$0xFFFFFFF0];
	(xrf2) =	vadd.scan.msk.f32 $0xffff, v5  }
0x228: {  	v8 =	vld [tilespmem:s7+$0x10]  }
0x229: {  	v13 =	vld [tilespmem:s8+$0xFFFFFFF0]  }
0x22a: {  	v10 =	vld [tilespmem:s7+$0x0]  }
0x22b: {  	v12 =	vld [tilespmem:s7+$0x20];
	(xrf2) =	vadd.scan.msk.f32 $0xffff, v7  }
0x22c: {  	v16 =	vld [tilespmem:s8+$0xFFFFFFE0];
	_ =	sdelay $0x1  }
0x22d: {  	v14 =	vld [tilespmem:s7+$0xFFFFFFE0];
	v6 =	vsub.s32 v6, v4;
	v8 =	vsub.s32 v8, v4;
	(xrf2) =	vadd.scan.msk.f32 $0xffff, v13  }
0x22e: {  	v15 =	vld [tilespmem:s8+$0xFFFFFFD0];
	v5 =	vperm.xlane v6, v2;
	v9 =	vperm.xlane v8, v2  }
0x22f: {  	v11 =	vld [tilespmem:s7+$0xFFFFFFD0];
	v12 =	vsub.s32 v12, v4;
	v13 =	vsub.s32 v10, v4  }
0x230: {  	vm1 =	vne.s32 v6, v5;
	vm3 =	vne.s32 v8, v9;
	v10 =	vperm.xlane v13, v2;
	v7, _, _ =	vpop (xrf2);
	(xrf2) =	vadd.scan.msk.f32 $0xffff, v16  }
0x231: {  	s9 =	simm.s32 $0xEC10;
	s7 =	simm.s32 $0x0;
	vm2 =	vmor vm1, vm0;
	vm1 =	vmmov vm1;
	vm4 =	vmor vm3, vm0;
	v16 =	vld [tilespmem:s8+$0x20];
	s8 =	simm.s32 $0x4F10  }
.LBB2_35:
0x232: {  	v17 =	vld [tilespmem:s9+$0xFFFFFFF0];
	s7 =	sadd.s32 $0x6, s7;
	vm7 =	vne.s32 v13, v10;
	v18 =	vperm.xlane v12, v2  }
0x233: {  	v20 =	vsub.s32 v14, v4;
	v19 =	vld [tilespmem:s8+$0x10];
	p0 =	slt.u32 s7, $0x4DA;
	vm10 =	vmor vm7, vm0;
	(xrf2) =	vadd.scan.msk.f32 $0xffff, v15  }
0x234: {  	v21 =	vsub.s32 v11, v4;
	v22 =	vperm.xlane v20, v2;
	v15 =	vld [tilespmem:s8+$0x0];
	vm5 =	vne.s32 v12, v18;
	v23, _, _ =	vpop (xrf2)  }
0x235: {  	v25 =	vperm.xlane v21, v2;
	v24 =	vld [tilespmem:s9+$0x10];
	vm9 =	vmor vm5, vm0  }
0x236: {  	vm6 =	vne.s32 v20, v22;
	v27 =	vsub.f32 $0.0e+00, v23;
	v26 =	vld [tilespmem:s9+$0x0];
	(xrf2) =	vadd.scan.msk.f32 $0xffff, v16  }
0x237: {  	vm8 =	vne.s32 v21, v25;
	vm12 =	vmor vm6, vm0;
	v11 =	vld [tilespmem:s9+$0xFFFFFFD0];
	v16, _, _ =	vpop (xrf2)  }
0x238: {  	vm11 =	vmor vm8, vm0;
	[tilespmem:v6+s29+$0x0] =	vst.idx.add.f32.msk vm2, v16  }
0x239: {  	v14 =	vld [tilespmem:s9+$0xFFFFFFE0];
	(xrf2) =	vadd.scan.msk.f32 $0xffff, v15  }
0x23a: {  	v28 =	vld [tilespmem:s9+$0x20];
	v29, _, _ =	vpop (xrf2)  }
0x23b: {  	v15 =	vld [tilespmem:s8+$0xFFFFFFD0]  }
0x23c: {  	v6 =	vsub.s32 v17, v4;
	v17 =	vsub.f32 $0.0e+00, v29;
	v30 =	vld [tilespmem:s8+$0xFFFFFFE0]  }
0x23d: {  	v32 =	vsub.f32 $0.0e+00, v7;
	v31 =	vperm.xlane v6, v2;
	[tilespmem:v8+s29+$0x0] =	vst.idx.add.f32.msk vm4, v23;
	v23, _, _ =	vpop (xrf2)  }
0x23e: {  	v33 =	vsub.f32 $0.0e+00, v23;
	[tilespmem:v9+s29+$0x0] =	vst.idx.add.f32.msk vm3, v27  }
0x23f: {  	v8 =	vsub.f32 $0.0e+00, v16;
	vm3 =	vne.s32 v6, v31;
	[tilespmem:v13+s29+$0x0] =	vst.idx.add.f32.msk vm10, v7  }
0x240: {  	vm2 =	vmor vm3, vm0;
	v13 =	vld [tilespmem:s8+$0xFFFFFFF0];
	v16, _, _ =	vpop (xrf2)  }
0x241: {  	[tilespmem:v5+s29+$0x0] =	vst.idx.add.f32.msk vm1, v8;
	v5 =	vmov v31;
	vm1 =	vmmov vm3  }
0x242: {  	(xrf2) =	vadd.scan.msk.f32 $0xffff, v19;
	[tilespmem:v10+s29+$0x0] =	vst.idx.add.f32.msk vm7, v32  }
0x243: {  	v8 =	vsub.s32 v24, v4;
	v7, _, _ =	vpop (xrf2);
	[tilespmem:v12+s29+$0x0] =	vst.idx.add.f32.msk vm9, v16  }
0x244: {  	v9 =	vperm.xlane v8, v2;
	[tilespmem:v20+s29+$0x0] =	vst.idx.add.f32.msk vm12, v29  }
.Ltmp24:
0x245: {  	v10 =	vsub.f32 $0.0e+00, v16;
	(xrf2) =	vadd.scan.msk.f32 $0xffff, v13;
	[tilespmem:v21+s29+$0x0] =	vst.idx.add.f32.msk vm11, v23;
	(pc) =	sbr.rel @p0 .LBB2_35-.Ltmp24, $4  }
0x246: {  	vm3 =	vne.s32 v8, v9;
	[tilespmem:v25+s29+$0x0] =	vst.idx.add.f32.msk vm8, v33  }
0x247: {  	v13 =	vsub.s32 v26, v4;
	vm4 =	vmor vm3, vm0;
	[tilespmem:v18+s29+$0x0] =	vst.idx.add.f32.msk vm5, v10  }
0x248: {  	v10 =	vperm.xlane v13, v2;
	(xrf2) =	vadd.scan.msk.f32 $0xffff, v30;
	[tilespmem:v22+s29+$0x0] =	vst.idx.add.f32.msk vm6, v17  }
0x249: {  	s9 =	sadd.s32 $0x60, s9;
	v12 =	vsub.s32 v28, v4;
	v16 =	vld [tilespmem:s8+$0x20];
	s8 =	sadd.s32 $0x60, s8  }
0x24a: {  	_ = 	snop  }
0x24b: {  	(xrf2) =	vadd.scan.msk.f32 $0xffff, v15  }
0x24c: {  	vm5 =	vne.s32 v13, v10;
	v14 =	vsub.s32 v14, v4  }
0x24d: {  	v11 =	vsub.s32 v11, v4;
	vm6 =	vmor vm5, vm0;
	v17 =	vperm.xlane v14, v2  }
0x24e: {  	v18 =	vperm.xlane v11, v2;
	v61, _, _ =	vpop (xrf2);
	(xrf2) =	vadd.scan.msk.f32 $0xffff, v16  }
0x24f: {  	v60 =	vperm.xlane v12, v2;
	vm9 =	vne.s32 v14, v17;
	v19, _, _ =	vpop (xrf2)  }
0x250: {  	v20 =	vsub.f32 $0.0e+00, v61;
	vm10 =	vmor vm9, vm0;
	[tilespmem:v6+s29+$0x0] =	vst.idx.add.f32.msk vm2, v19;
	vm2 =	vne.s32 v11, v18  }
0x251: {  	[tilespmem:v8+s29+$0x0] =	vst.idx.add.f32.msk vm4, v61;
	vm15 =	vmor vm2, vm0  }
0x252: {  	vm7 =	vne.s32 v12, v60;
	[tilespmem:v9+s29+$0x0] =	vst.idx.add.f32.msk vm3, v20;
	v6 =	vsub.f32 $0.0e+00, v19  }
0x253: {  	v63 =	vsub.f32 $0.0e+00, v7;
	vm8 =	vmor vm7, vm0;
	[tilespmem:v13+s29+$0x0] =	vst.idx.add.f32.msk vm6, v7  }
0x254: {  	v62, _, _ =	vpop (xrf2);
	[tilespmem:v5+s29+$0x0] =	vst.idx.add.f32.msk vm1, v6  }
0x255: {  	[tilespmem:v10+s29+$0x0] =	vst.idx.add.f32.msk vm5, v63;
	v7, _, _ =	vpop (xrf2)  }
0x256: {  	[tilespmem:v14+s29+$0x0] =	vst.idx.add.f32.msk vm10, v62;
	v6 =	vsub.f32 $0.0e+00, v7  }
0x257: {  	[tilespmem:v11+s29+$0x0] =	vst.idx.add.f32.msk vm15, v7  }
0x258: {  	v7 =	vsub.f32 $0.0e+00, v62;
	v5, _, _ =	vpop (xrf2);
	[tilespmem:v18+s29+$0x0] =	vst.idx.add.f32.msk vm2, v6  }
0x259: {  	[tilespmem:v12+s29+$0x0] =	vst.idx.add.f32.msk vm8, v5;
	v5 =	vsub.f32 $0.0e+00, v5  }
0x25a: {  	[tilespmem:v17+s29+$0x0] =	vst.idx.add.f32.msk vm9, v7  }
0x25b: {  	s7 =	simm.s32 $0x0;
	[tilespmem:v60+s29+$0x0] =	vst.idx.add.f32.msk vm7, v5  }
.LBB2_37:
0x25c: {  	s8 =	sshra.s32 s7, $0x2  }
0x25d: {  	v5 =	vld [tilespmem:s8+$0x9C80];
	_ =	sdelay $0x1  }
0x25e: {  	v6 =	vld [tilespmem:s8+$0x13980];
	_ =	sdelay $0x2  }
0x25f: {  	(xrf2) =	vadd.scan.msk.f32 $0xffff, v5;
	_ =	sdelay $0x1  }
0x260: {  	v5 =	vsub.s32 v6, v4  }
0x261: {  	v6 =	vperm.xlane v5, v0;
	_ =	sdelay $0x1  }
0x262: {  	vm1 =	vne.s32 v5, v6  }
0x263: {  	vm2 =	vmor vm1, vm0;
	_ =	sdelay $0x1  }
0x264: {  	p0 =	seq.s32 s7, $0x40  }
.Ltmp25:
0x265: {  	_ = 	snop;
	(pc) =	sbr.rel @!p0 .LBB2_37-.Ltmp25, $4  }
0x266: {  	v7, _, _ =	vpop (xrf2)  }
0x267: {  	v8 =	vsub.f32 $0.0e+00, v7  }
0x268: {  	[tilespmem:v5+s29+$0x0] =	vst.idx.add.f32.msk vm2, v7  }
0x269: {  	s7 =	sadd.s32 $0x40, s7;
	[tilespmem:v6+s29+$0x0] =	vst.idx.add.f32.msk vm1, v8  }
.Ltmp26:
0x26a: {  	_ = 	snop;
	(pc) =	sbr.rel .LBB2_39-.Ltmp26, $1  }
0x26b: {  	_ =	sdelay $0x3  }
.LBB2_38:
0x26c: {  	[spmem:s1] =	stream.indirect.scatter.add.f32 [tilespmem:s18], [sflag:$0x3], $0x1, s0, s4, $0xb8;
	[tilespmem:$0x19A80] =	vst v63  }
0x26d: {  	_ =	swait.ge [sflag:s30], $0x4E20  }
0x26e: {  	[sflag:s30] =	ssyncset.done $0x0  }
0x26f: {  	[sflag:s30] =	ssyncadd.s32 $0xFFFFB1E0  }
.LBB2_39:
0x270: {  	_ =	swait.ge [sflag:s31], $0x4E20  }
0x271: {  	[sflag:s31] =	ssyncset.done $0x0  }
0x272: {  	[sflag:s31] =	ssyncadd.s32 $0xFFFFB1E0  }
0x273: {  	_ =	swait.ge [sflag:s31], $0x4E20  }
0x274: {  	[sflag:s31] =	ssyncset.done $0x0  }
0x275: {  	[sflag:s31] =	ssyncadd.s32 $0xFFFFB1E0  }
0x276: {  	[tilespmem:s18], [sflag:$0x2] =	stream.linear.gather [hbm4b:s17+s2], $0x4E20, $0x38;
	[tilespmem:$0x19A80] =	vst v63  }
0x277: {  	_ = 	snop  }
0x278: {  	[tilespmem:s0], [sflag:$0x2] =	stream.linear.gather [hbm4b:s19+s2], $0x4E20, $0x38;
	[tilespmem:$0x19A80] =	vst v63  }
0x279: {  	v5 =	vld [tilespmem:$0xEB10];
	_ =	sdelay $0x4  }
0x27a: {  	(v2sf) =	vpush v5, $0xF;
	_ =	sdelay $0xe  }
0x27b: {  	s7 =	spop (v2sf)  }
0x27c: {  	s7 =	ssub.s32 s7, s6  }
0x27d: {  	p0 =	sgt.s32 s7, $0x3FFF  }
.Ltmp27:
0x27e: {  	_ = 	snop;
	(pc) =	sbr.rel @p0 .LBB2_44-.Ltmp27, $1  }
0x27f: {  	_ =	sdelay $0x3  }
0x280: {  	s8 =	simm.s32 $0x30  }
0x281: {  	v5 =	vld [tilespmem:s8+$0x0];
	_ =	sdelay $0x3  }
0x282: {  	s7 =	simm.s32 $0x9D30;
	v7 =	vld [tilespmem:s8+$0x10]  }
0x283: {  	v6 =	vld [tilespmem:s7+$0xFFFFFFF0];
	(xrf2) =	vadd.scan.msk.f32 $0xffff, v5  }
0x284: {  	v8 =	vld [tilespmem:s7+$0x10]  }
0x285: {  	v13 =	vld [tilespmem:s8+$0xFFFFFFF0]  }
0x286: {  	v10 =	vld [tilespmem:s7+$0x0]  }
0x287: {  	v12 =	vld [tilespmem:s7+$0x20];
	(xrf2) =	vadd.scan.msk.f32 $0xffff, v7  }
0x288: {  	v16 =	vld [tilespmem:s8+$0xFFFFFFE0];
	_ =	sdelay $0x1  }
0x289: {  	v14 =	vld [tilespmem:s7+$0xFFFFFFE0];
	v6 =	vsub.s32 v6, v4;
	v8 =	vsub.s32 v8, v4;
	(xrf2) =	vadd.scan.msk.f32 $0xffff, v13  }
0x28a: {  	v15 =	vld [tilespmem:s8+$0xFFFFFFD0];
	v5 =	vperm.xlane v6, v2;
	v9 =	vperm.xlane v8, v2  }
0x28b: {  	v11 =	vld [tilespmem:s7+$0xFFFFFFD0];
	v12 =	vsub.s32 v12, v4;
	v13 =	vsub.s32 v10, v4  }
0x28c: {  	vm1 =	vne.s32 v6, v5;
	vm3 =	vne.s32 v8, v9;
	v10 =	vperm.xlane v13, v2;
	v7, _, _ =	vpop (xrf2);
	(xrf2) =	vadd.scan.msk.f32 $0xffff, v16  }
0x28d: {  	s9 =	simm.s32 $0x9D90;
	s7 =	simm.s32 $0x0;
	vm2 =	vmor vm1, vm0;
	vm1 =	vmmov vm1;
	vm4 =	vmor vm3, vm0;
	v16 =	vld [tilespmem:s8+$0x20];
	s8 =	simm.s32 $0x90  }
.LBB2_41:
0x28e: {  	v17 =	vld [tilespmem:s9+$0xFFFFFFF0];
	s7 =	sadd.s32 $0x6, s7;
	vm7 =	vne.s32 v13, v10;
	v18 =	vperm.xlane v12, v2  }
0x28f: {  	v20 =	vsub.s32 v14, v4;
	v19 =	vld [tilespmem:s8+$0x10];
	p0 =	slt.u32 s7, $0x4DA;
	vm10 =	vmor vm7, vm0;
	(xrf2) =	vadd.scan.msk.f32 $0xffff, v15  }
0x290: {  	v21 =	vsub.s32 v11, v4;
	v22 =	vperm.xlane v20, v2;
	v15 =	vld [tilespmem:s8+$0x0];
	vm5 =	vne.s32 v12, v18;
	v23, _, _ =	vpop (xrf2)  }
0x291: {  	v25 =	vperm.xlane v21, v2;
	v24 =	vld [tilespmem:s9+$0x10];
	vm9 =	vmor vm5, vm0  }
0x292: {  	vm6 =	vne.s32 v20, v22;
	v27 =	vsub.f32 $0.0e+00, v23;
	v26 =	vld [tilespmem:s9+$0x0];
	(xrf2) =	vadd.scan.msk.f32 $0xffff, v16  }
0x293: {  	vm8 =	vne.s32 v21, v25;
	vm12 =	vmor vm6, vm0;
	v11 =	vld [tilespmem:s9+$0xFFFFFFD0];
	v16, _, _ =	vpop (xrf2)  }
0x294: {  	vm11 =	vmor vm8, vm0;
	[tilespmem:v6+s29+$0x0] =	vst.idx.add.f32.msk vm2, v16  }
0x295: {  	v14 =	vld [tilespmem:s9+$0xFFFFFFE0];
	(xrf2) =	vadd.scan.msk.f32 $0xffff, v15  }
0x296: {  	v28 =	vld [tilespmem:s9+$0x20];
	v29, _, _ =	vpop (xrf2)  }
0x297: {  	v15 =	vld [tilespmem:s8+$0xFFFFFFD0]  }
0x298: {  	v6 =	vsub.s32 v17, v4;
	v17 =	vsub.f32 $0.0e+00, v29;
	v30 =	vld [tilespmem:s8+$0xFFFFFFE0]  }
0x299: {  	v32 =	vsub.f32 $0.0e+00, v7;
	v31 =	vperm.xlane v6, v2;
	[tilespmem:v8+s29+$0x0] =	vst.idx.add.f32.msk vm4, v23;
	v23, _, _ =	vpop (xrf2)  }
0x29a: {  	v33 =	vsub.f32 $0.0e+00, v23;
	[tilespmem:v9+s29+$0x0] =	vst.idx.add.f32.msk vm3, v27  }
0x29b: {  	v8 =	vsub.f32 $0.0e+00, v16;
	vm3 =	vne.s32 v6, v31;
	[tilespmem:v13+s29+$0x0] =	vst.idx.add.f32.msk vm10, v7  }
0x29c: {  	vm2 =	vmor vm3, vm0;
	v13 =	vld [tilespmem:s8+$0xFFFFFFF0];
	v16, _, _ =	vpop (xrf2)  }
0x29d: {  	[tilespmem:v5+s29+$0x0] =	vst.idx.add.f32.msk vm1, v8;
	v5 =	vmov v31;
	vm1 =	vmmov vm3  }
0x29e: {  	(xrf2) =	vadd.scan.msk.f32 $0xffff, v19;
	[tilespmem:v10+s29+$0x0] =	vst.idx.add.f32.msk vm7, v32  }
0x29f: {  	v8 =	vsub.s32 v24, v4;
	v7, _, _ =	vpop (xrf2);
	[tilespmem:v12+s29+$0x0] =	vst.idx.add.f32.msk vm9, v16  }
0x2a0: {  	v9 =	vperm.xlane v8, v2;
	[tilespmem:v20+s29+$0x0] =	vst.idx.add.f32.msk vm12, v29  }
.Ltmp28:
0x2a1: {  	v10 =	vsub.f32 $0.0e+00, v16;
	(xrf2) =	vadd.scan.msk.f32 $0xffff, v13;
	[tilespmem:v21+s29+$0x0] =	vst.idx.add.f32.msk vm11, v23;
	(pc) =	sbr.rel @p0 .LBB2_41-.Ltmp28, $4  }
0x2a2: {  	vm3 =	vne.s32 v8, v9;
	[tilespmem:v25+s29+$0x0] =	vst.idx.add.f32.msk vm8, v33  }
0x2a3: {  	v13 =	vsub.s32 v26, v4;
	vm4 =	vmor vm3, vm0;
	[tilespmem:v18+s29+$0x0] =	vst.idx.add.f32.msk vm5, v10  }
0x2a4: {  	v10 =	vperm.xlane v13, v2;
	(xrf2) =	vadd.scan.msk.f32 $0xffff, v30;
	[tilespmem:v22+s29+$0x0] =	vst.idx.add.f32.msk vm6, v17  }
0x2a5: {  	s9 =	sadd.s32 $0x60, s9;
	v12 =	vsub.s32 v28, v4;
	v16 =	vld [tilespmem:s8+$0x20];
	s8 =	sadd.s32 $0x60, s8  }
0x2a6: {  	_ = 	snop  }
0x2a7: {  	(xrf2) =	vadd.scan.msk.f32 $0xffff, v15  }
0x2a8: {  	vm5 =	vne.s32 v13, v10;
	v14 =	vsub.s32 v14, v4  }
0x2a9: {  	v11 =	vsub.s32 v11, v4;
	vm6 =	vmor vm5, vm0;
	v17 =	vperm.xlane v14, v2  }
0x2aa: {  	v18 =	vperm.xlane v11, v2;
	v61, _, _ =	vpop (xrf2);
	(xrf2) =	vadd.scan.msk.f32 $0xffff, v16  }
0x2ab: {  	v60 =	vperm.xlane v12, v2;
	vm9 =	vne.s32 v14, v17;
	v19, _, _ =	vpop (xrf2)  }
0x2ac: {  	v20 =	vsub.f32 $0.0e+00, v61;
	vm10 =	vmor vm9, vm0;
	[tilespmem:v6+s29+$0x0] =	vst.idx.add.f32.msk vm2, v19;
	vm2 =	vne.s32 v11, v18  }
0x2ad: {  	[tilespmem:v8+s29+$0x0] =	vst.idx.add.f32.msk vm4, v61;
	vm15 =	vmor vm2, vm0  }
0x2ae: {  	vm7 =	vne.s32 v12, v60;
	[tilespmem:v9+s29+$0x0] =	vst.idx.add.f32.msk vm3, v20;
	v6 =	vsub.f32 $0.0e+00, v19  }
0x2af: {  	v63 =	vsub.f32 $0.0e+00, v7;
	vm8 =	vmor vm7, vm0;
	[tilespmem:v13+s29+$0x0] =	vst.idx.add.f32.msk vm6, v7  }
0x2b0: {  	v62, _, _ =	vpop (xrf2);
	[tilespmem:v5+s29+$0x0] =	vst.idx.add.f32.msk vm1, v6  }
0x2b1: {  	[tilespmem:v10+s29+$0x0] =	vst.idx.add.f32.msk vm5, v63;
	v7, _, _ =	vpop (xrf2)  }
0x2b2: {  	[tilespmem:v14+s29+$0x0] =	vst.idx.add.f32.msk vm10, v62;
	v6 =	vsub.f32 $0.0e+00, v7  }
0x2b3: {  	[tilespmem:v11+s29+$0x0] =	vst.idx.add.f32.msk vm15, v7  }
0x2b4: {  	v7 =	vsub.f32 $0.0e+00, v62;
	v5, _, _ =	vpop (xrf2);
	[tilespmem:v18+s29+$0x0] =	vst.idx.add.f32.msk vm2, v6  }
0x2b5: {  	[tilespmem:v12+s29+$0x0] =	vst.idx.add.f32.msk vm8, v5;
	v5 =	vsub.f32 $0.0e+00, v5  }
0x2b6: {  	[tilespmem:v17+s29+$0x0] =	vst.idx.add.f32.msk vm9, v7  }
0x2b7: {  	s7 =	simm.s32 $0x0;
	[tilespmem:v60+s29+$0x0] =	vst.idx.add.f32.msk vm7, v5  }
.LBB2_43:
0x2b8: {  	s8 =	sshra.s32 s7, $0x2  }
0x2b9: {  	v5 =	vld [tilespmem:s8+$0x4E00];
	_ =	sdelay $0x1  }
0x2ba: {  	v6 =	vld [tilespmem:s8+$0xEB00];
	_ =	sdelay $0x2  }
0x2bb: {  	(xrf2) =	vadd.scan.msk.f32 $0xffff, v5;
	_ =	sdelay $0x1  }
0x2bc: {  	v5 =	vsub.s32 v6, v4  }
0x2bd: {  	v6 =	vperm.xlane v5, v0;
	_ =	sdelay $0x1  }
0x2be: {  	vm1 =	vne.s32 v5, v6  }
0x2bf: {  	vm2 =	vmor vm1, vm0;
	_ =	sdelay $0x1  }
0x2c0: {  	p0 =	seq.s32 s7, $0x40  }
.Ltmp29:
0x2c1: {  	_ = 	snop;
	(pc) =	sbr.rel @!p0 .LBB2_43-.Ltmp29, $4  }
0x2c2: {  	v7, _, _ =	vpop (xrf2)  }
0x2c3: {  	v8 =	vsub.f32 $0.0e+00, v7  }
0x2c4: {  	[tilespmem:v5+s29+$0x0] =	vst.idx.add.f32.msk vm2, v7  }
0x2c5: {  	s7 =	sadd.s32 $0x40, s7;
	[tilespmem:v6+s29+$0x0] =	vst.idx.add.f32.msk vm1, v8  }
.Ltmp30:
0x2c6: {  	_ = 	snop;
	(pc) =	sbr.rel .LBB2_45-.Ltmp30, $1  }
0x2c7: {  	_ =	sdelay $0x3  }
.LBB2_44:
0x2c8: {  	[spmem:s1] =	stream.indirect.scatter.add.f32 [tilespmem:s2], [sflag:$0x3], $0x1, s28, s4, $0xb8;
	[tilespmem:$0x19A80] =	vst v63  }
0x2c9: {  	_ =	swait.ge [sflag:s30], $0x4E20  }
0x2ca: {  	[sflag:s30] =	ssyncset.done $0x0  }
0x2cb: {  	[sflag:s30] =	ssyncadd.s32 $0xFFFFB1E0  }
.LBB2_45:
0x2cc: {  	_ =	swait.ge [sflag:s3], $0x4E20  }
0x2cd: {  	[sflag:s3] =	ssyncset.done $0x0  }
0x2ce: {  	[sflag:s3] =	ssyncadd.s32 $0xFFFFB1E0  }
0x2cf: {  	_ =	swait.ge [sflag:s3], $0x4E20  }
0x2d0: {  	[sflag:s3] =	ssyncset.done $0x0  }
0x2d1: {  	[sflag:s3] =	ssyncadd.s32 $0xFFFFB1E0  }
0x2d2: {  	[tilespmem:s2], [sflag:$0x1] =	stream.linear.gather [hbm4b:s20+s2], $0x4E20, $0x38;
	[tilespmem:$0x19A80] =	vst v63  }
0x2d3: {  	_ = 	snop  }
0x2d4: {  	[tilespmem:s28], [sflag:$0x1] =	stream.linear.gather [hbm4b:s21+s2], $0x4E20, $0x38;
	[tilespmem:$0x19A80] =	vst v63  }
0x2d5: {  	v5 =	vld [tilespmem:$0x13990];
	_ =	sdelay $0x4  }
0x2d6: {  	(v2sf) =	vpush v5, $0xF;
	_ =	sdelay $0xe  }
0x2d7: {  	s7 =	spop (v2sf)  }
0x2d8: {  	s7 =	ssub.s32 s7, s6  }
0x2d9: {  	p0 =	sgt.s32 s7, $0x3FFF  }
.Ltmp31:
0x2da: {  	_ = 	snop;
	(pc) =	sbr.rel @p0 .LBB2_50-.Ltmp31, $1  }
0x2db: {  	_ =	sdelay $0x3  }
0x2dc: {  	s8 =	simm.s32 $0x4EB0  }
0x2dd: {  	v5 =	vld [tilespmem:s8+$0x0];
	_ =	sdelay $0x3  }
0x2de: {  	s7 =	simm.s32 $0xEBB0;
	v7 =	vld [tilespmem:s8+$0x10]  }
0x2df: {  	v6 =	vld [tilespmem:s7+$0xFFFFFFF0];
	(xrf2) =	vadd.scan.msk.f32 $0xffff, v5  }
0x2e0: {  	v8 =	vld [tilespmem:s7+$0x10]  }
0x2e1: {  	v13 =	vld [tilespmem:s8+$0xFFFFFFF0]  }
0x2e2: {  	v10 =	vld [tilespmem:s7+$0x0]  }
0x2e3: {  	v12 =	vld [tilespmem:s7+$0x20];
	(xrf2) =	vadd.scan.msk.f32 $0xffff, v7  }
0x2e4: {  	v16 =	vld [tilespmem:s8+$0xFFFFFFE0];
	_ =	sdelay $0x1  }
0x2e5: {  	v14 =	vld [tilespmem:s7+$0xFFFFFFE0];
	v6 =	vsub.s32 v6, v4;
	v8 =	vsub.s32 v8, v4;
	(xrf2) =	vadd.scan.msk.f32 $0xffff, v13  }
0x2e6: {  	v15 =	vld [tilespmem:s8+$0xFFFFFFD0];
	v5 =	vperm.xlane v6, v2;
	v9 =	vperm.xlane v8, v2  }
0x2e7: {  	v11 =	vld [tilespmem:s7+$0xFFFFFFD0];
	v12 =	vsub.s32 v12, v4;
	v13 =	vsub.s32 v10, v4  }
0x2e8: {  	vm1 =	vne.s32 v6, v5;
	vm3 =	vne.s32 v8, v9;
	v10 =	vperm.xlane v13, v2;
	v7, _, _ =	vpop (xrf2);
	(xrf2) =	vadd.scan.msk.f32 $0xffff, v16  }
0x2e9: {  	s9 =	simm.s32 $0xEC10;
	s7 =	simm.s32 $0x0;
	vm2 =	vmor vm1, vm0;
	vm1 =	vmmov vm1;
	vm4 =	vmor vm3, vm0;
	v16 =	vld [tilespmem:s8+$0x20];
	s8 =	simm.s32 $0x4F10  }
.LBB2_47:
0x2ea: {  	v17 =	vld [tilespmem:s9+$0xFFFFFFF0];
	s7 =	sadd.s32 $0x6, s7;
	vm7 =	vne.s32 v13, v10;
	v18 =	vperm.xlane v12, v2  }
0x2eb: {  	v20 =	vsub.s32 v14, v4;
	v19 =	vld [tilespmem:s8+$0x10];
	p0 =	slt.u32 s7, $0x4DA;
	vm10 =	vmor vm7, vm0;
	(xrf2) =	vadd.scan.msk.f32 $0xffff, v15  }
0x2ec: {  	v21 =	vsub.s32 v11, v4;
	v22 =	vperm.xlane v20, v2;
	v15 =	vld [tilespmem:s8+$0x0];
	vm5 =	vne.s32 v12, v18;
	v23, _, _ =	vpop (xrf2)  }
0x2ed: {  	v25 =	vperm.xlane v21, v2;
	v24 =	vld [tilespmem:s9+$0x10];
	vm9 =	vmor vm5, vm0  }
0x2ee: {  	vm6 =	vne.s32 v20, v22;
	v27 =	vsub.f32 $0.0e+00, v23;
	v26 =	vld [tilespmem:s9+$0x0];
	(xrf2) =	vadd.scan.msk.f32 $0xffff, v16  }
0x2ef: {  	vm8 =	vne.s32 v21, v25;
	vm12 =	vmor vm6, vm0;
	v11 =	vld [tilespmem:s9+$0xFFFFFFD0];
	v16, _, _ =	vpop (xrf2)  }
0x2f0: {  	vm11 =	vmor vm8, vm0;
	[tilespmem:v6+s29+$0x0] =	vst.idx.add.f32.msk vm2, v16  }
0x2f1: {  	v14 =	vld [tilespmem:s9+$0xFFFFFFE0];
	(xrf2) =	vadd.scan.msk.f32 $0xffff, v15  }
0x2f2: {  	v28 =	vld [tilespmem:s9+$0x20];
	v29, _, _ =	vpop (xrf2)  }
0x2f3: {  	v15 =	vld [tilespmem:s8+$0xFFFFFFD0]  }
0x2f4: {  	v6 =	vsub.s32 v17, v4;
	v17 =	vsub.f32 $0.0e+00, v29;
	v30 =	vld [tilespmem:s8+$0xFFFFFFE0]  }
0x2f5: {  	v32 =	vsub.f32 $0.0e+00, v7;
	v31 =	vperm.xlane v6, v2;
	[tilespmem:v8+s29+$0x0] =	vst.idx.add.f32.msk vm4, v23;
	v23, _, _ =	vpop (xrf2)  }
0x2f6: {  	v33 =	vsub.f32 $0.0e+00, v23;
	[tilespmem:v9+s29+$0x0] =	vst.idx.add.f32.msk vm3, v27  }
0x2f7: {  	v8 =	vsub.f32 $0.0e+00, v16;
	vm3 =	vne.s32 v6, v31;
	[tilespmem:v13+s29+$0x0] =	vst.idx.add.f32.msk vm10, v7  }
0x2f8: {  	vm2 =	vmor vm3, vm0;
	v13 =	vld [tilespmem:s8+$0xFFFFFFF0];
	v16, _, _ =	vpop (xrf2)  }
0x2f9: {  	[tilespmem:v5+s29+$0x0] =	vst.idx.add.f32.msk vm1, v8;
	v5 =	vmov v31;
	vm1 =	vmmov vm3  }
0x2fa: {  	(xrf2) =	vadd.scan.msk.f32 $0xffff, v19;
	[tilespmem:v10+s29+$0x0] =	vst.idx.add.f32.msk vm7, v32  }
0x2fb: {  	v8 =	vsub.s32 v24, v4;
	v7, _, _ =	vpop (xrf2);
	[tilespmem:v12+s29+$0x0] =	vst.idx.add.f32.msk vm9, v16  }
0x2fc: {  	v9 =	vperm.xlane v8, v2;
	[tilespmem:v20+s29+$0x0] =	vst.idx.add.f32.msk vm12, v29  }
.Ltmp32:
0x2fd: {  	v10 =	vsub.f32 $0.0e+00, v16;
	(xrf2) =	vadd.scan.msk.f32 $0xffff, v13;
	[tilespmem:v21+s29+$0x0] =	vst.idx.add.f32.msk vm11, v23;
	(pc) =	sbr.rel @p0 .LBB2_47-.Ltmp32, $4  }
0x2fe: {  	vm3 =	vne.s32 v8, v9;
	[tilespmem:v25+s29+$0x0] =	vst.idx.add.f32.msk vm8, v33  }
0x2ff: {  	v13 =	vsub.s32 v26, v4;
	vm4 =	vmor vm3, vm0;
	[tilespmem:v18+s29+$0x0] =	vst.idx.add.f32.msk vm5, v10  }
0x300: {  	v10 =	vperm.xlane v13, v2;
	(xrf2) =	vadd.scan.msk.f32 $0xffff, v30;
	[tilespmem:v22+s29+$0x0] =	vst.idx.add.f32.msk vm6, v17  }
0x301: {  	s9 =	sadd.s32 $0x60, s9;
	v12 =	vsub.s32 v28, v4;
	v16 =	vld [tilespmem:s8+$0x20];
	s8 =	sadd.s32 $0x60, s8  }
0x302: {  	_ = 	snop  }
0x303: {  	(xrf2) =	vadd.scan.msk.f32 $0xffff, v15  }
0x304: {  	vm5 =	vne.s32 v13, v10;
	v14 =	vsub.s32 v14, v4  }
0x305: {  	v11 =	vsub.s32 v11, v4;
	vm6 =	vmor vm5, vm0;
	v17 =	vperm.xlane v14, v2  }
0x306: {  	v18 =	vperm.xlane v11, v2;
	v61, _, _ =	vpop (xrf2);
	(xrf2) =	vadd.scan.msk.f32 $0xffff, v16  }
0x307: {  	v60 =	vperm.xlane v12, v2;
	vm9 =	vne.s32 v14, v17;
	v19, _, _ =	vpop (xrf2)  }
0x308: {  	v20 =	vsub.f32 $0.0e+00, v61;
	vm10 =	vmor vm9, vm0;
	[tilespmem:v6+s29+$0x0] =	vst.idx.add.f32.msk vm2, v19;
	vm2 =	vne.s32 v11, v18  }
0x309: {  	[tilespmem:v8+s29+$0x0] =	vst.idx.add.f32.msk vm4, v61;
	vm15 =	vmor vm2, vm0  }
0x30a: {  	vm7 =	vne.s32 v12, v60;
	[tilespmem:v9+s29+$0x0] =	vst.idx.add.f32.msk vm3, v20;
	v6 =	vsub.f32 $0.0e+00, v19  }
0x30b: {  	v63 =	vsub.f32 $0.0e+00, v7;
	vm8 =	vmor vm7, vm0;
	[tilespmem:v13+s29+$0x0] =	vst.idx.add.f32.msk vm6, v7  }
0x30c: {  	v62, _, _ =	vpop (xrf2);
	[tilespmem:v5+s29+$0x0] =	vst.idx.add.f32.msk vm1, v6  }
0x30d: {  	[tilespmem:v10+s29+$0x0] =	vst.idx.add.f32.msk vm5, v63;
	v7, _, _ =	vpop (xrf2)  }
0x30e: {  	[tilespmem:v14+s29+$0x0] =	vst.idx.add.f32.msk vm10, v62;
	v6 =	vsub.f32 $0.0e+00, v7  }
0x30f: {  	[tilespmem:v11+s29+$0x0] =	vst.idx.add.f32.msk vm15, v7  }
0x310: {  	v7 =	vsub.f32 $0.0e+00, v62;
	v5, _, _ =	vpop (xrf2);
	[tilespmem:v18+s29+$0x0] =	vst.idx.add.f32.msk vm2, v6  }
0x311: {  	[tilespmem:v12+s29+$0x0] =	vst.idx.add.f32.msk vm8, v5;
	v5 =	vsub.f32 $0.0e+00, v5  }
0x312: {  	[tilespmem:v17+s29+$0x0] =	vst.idx.add.f32.msk vm9, v7  }
0x313: {  	s7 =	simm.s32 $0x0;
	[tilespmem:v60+s29+$0x0] =	vst.idx.add.f32.msk vm7, v5  }
.LBB2_49:
0x314: {  	s8 =	sshra.s32 s7, $0x2  }
0x315: {  	v5 =	vld [tilespmem:s8+$0x9C80];
	_ =	sdelay $0x1  }
0x316: {  	v6 =	vld [tilespmem:s8+$0x13980];
	_ =	sdelay $0x2  }
0x317: {  	(xrf2) =	vadd.scan.msk.f32 $0xffff, v5;
	_ =	sdelay $0x1  }
0x318: {  	v5 =	vsub.s32 v6, v4  }
0x319: {  	v6 =	vperm.xlane v5, v0;
	_ =	sdelay $0x1  }
0x31a: {  	vm1 =	vne.s32 v5, v6  }
0x31b: {  	vm2 =	vmor vm1, vm0;
	_ =	sdelay $0x1  }
0x31c: {  	p0 =	seq.s32 s7, $0x40  }
.Ltmp33:
0x31d: {  	_ = 	snop;
	(pc) =	sbr.rel @!p0 .LBB2_49-.Ltmp33, $4  }
0x31e: {  	v7, _, _ =	vpop (xrf2)  }
0x31f: {  	v8 =	vsub.f32 $0.0e+00, v7  }
0x320: {  	[tilespmem:v5+s29+$0x0] =	vst.idx.add.f32.msk vm2, v7  }
0x321: {  	s7 =	sadd.s32 $0x40, s7;
	[tilespmem:v6+s29+$0x0] =	vst.idx.add.f32.msk vm1, v8  }
.Ltmp34:
0x322: {  	_ = 	snop;
	(pc) =	sbr.rel .LBB2_51-.Ltmp34, $1  }
0x323: {  	_ =	sdelay $0x3  }
.LBB2_50:
0x324: {  	[spmem:s1] =	stream.indirect.scatter.add.f32 [tilespmem:s18], [sflag:$0x3], $0x1, s0, s4, $0xb8;
	[tilespmem:$0x19A80] =	vst v63  }
0x325: {  	_ =	swait.ge [sflag:s30], $0x4E20  }
0x326: {  	[sflag:s30] =	ssyncset.done $0x0  }
0x327: {  	[sflag:s30] =	ssyncadd.s32 $0xFFFFB1E0  }
.LBB2_51:
0x328: {  	_ =	swait.ge [sflag:s31], $0x4E20  }
0x329: {  	[sflag:s31] =	ssyncset.done $0x0  }
0x32a: {  	[sflag:s31] =	ssyncadd.s32 $0xFFFFB1E0  }
0x32b: {  	_ =	swait.ge [sflag:s31], $0x4E20  }
0x32c: {  	[sflag:s31] =	ssyncset.done $0x0  }
0x32d: {  	[sflag:s31] =	ssyncadd.s32 $0xFFFFB1E0  }
0x32e: {  	[tilespmem:s18], [sflag:$0x2] =	stream.linear.gather [hbm4b:s22+s2], $0x4E20, $0x38;
	[tilespmem:$0x19A80] =	vst v63  }
0x32f: {  	_ = 	snop  }
0x330: {  	[tilespmem:s0], [sflag:$0x2] =	stream.linear.gather [hbm4b:s23+s2], $0x4E20, $0x38;
	[tilespmem:$0x19A80] =	vst v63  }
0x331: {  	v5 =	vld [tilespmem:$0xEB10];
	_ =	sdelay $0x4  }
0x332: {  	(v2sf) =	vpush v5, $0xF;
	_ =	sdelay $0xe  }
0x333: {  	s7 =	spop (v2sf)  }
0x334: {  	s7 =	ssub.s32 s7, s6  }
0x335: {  	p0 =	sgt.s32 s7, $0x3FFF  }
.Ltmp35:
0x336: {  	_ = 	snop;
	(pc) =	sbr.rel @p0 .LBB2_56-.Ltmp35, $1  }
0x337: {  	_ =	sdelay $0x3  }
0x338: {  	s8 =	simm.s32 $0x30  }
0x339: {  	v5 =	vld [tilespmem:s8+$0x0];
	_ =	sdelay $0x3  }
0x33a: {  	s7 =	simm.s32 $0x9D30;
	v7 =	vld [tilespmem:s8+$0x10]  }
0x33b: {  	v6 =	vld [tilespmem:s7+$0xFFFFFFF0];
	(xrf2) =	vadd.scan.msk.f32 $0xffff, v5  }
0x33c: {  	v8 =	vld [tilespmem:s7+$0x10]  }
0x33d: {  	v13 =	vld [tilespmem:s8+$0xFFFFFFF0]  }
0x33e: {  	v10 =	vld [tilespmem:s7+$0x0]  }
0x33f: {  	v12 =	vld [tilespmem:s7+$0x20];
	(xrf2) =	vadd.scan.msk.f32 $0xffff, v7  }
0x340: {  	v16 =	vld [tilespmem:s8+$0xFFFFFFE0];
	_ =	sdelay $0x1  }
0x341: {  	v14 =	vld [tilespmem:s7+$0xFFFFFFE0];
	v6 =	vsub.s32 v6, v4;
	v8 =	vsub.s32 v8, v4;
	(xrf2) =	vadd.scan.msk.f32 $0xffff, v13  }
0x342: {  	v15 =	vld [tilespmem:s8+$0xFFFFFFD0];
	v5 =	vperm.xlane v6, v2;
	v9 =	vperm.xlane v8, v2  }
0x343: {  	v11 =	vld [tilespmem:s7+$0xFFFFFFD0];
	v12 =	vsub.s32 v12, v4;
	v13 =	vsub.s32 v10, v4  }
0x344: {  	vm1 =	vne.s32 v6, v5;
	vm3 =	vne.s32 v8, v9;
	v10 =	vperm.xlane v13, v2;
	v7, _, _ =	vpop (xrf2);
	(xrf2) =	vadd.scan.msk.f32 $0xffff, v16  }
0x345: {  	s9 =	simm.s32 $0x9D90;
	s7 =	simm.s32 $0x0;
	vm2 =	vmor vm1, vm0;
	vm1 =	vmmov vm1;
	vm4 =	vmor vm3, vm0;
	v16 =	vld [tilespmem:s8+$0x20];
	s8 =	simm.s32 $0x90  }
.LBB2_53:
0x346: {  	v17 =	vld [tilespmem:s9+$0xFFFFFFF0];
	s7 =	sadd.s32 $0x6, s7;
	vm7 =	vne.s32 v13, v10;
	v18 =	vperm.xlane v12, v2  }
0x347: {  	v20 =	vsub.s32 v14, v4;
	v19 =	vld [tilespmem:s8+$0x10];
	p0 =	slt.u32 s7, $0x4DA;
	vm10 =	vmor vm7, vm0;
	(xrf2) =	vadd.scan.msk.f32 $0xffff, v15  }
0x348: {  	v21 =	vsub.s32 v11, v4;
	v22 =	vperm.xlane v20, v2;
	v15 =	vld [tilespmem:s8+$0x0];
	vm5 =	vne.s32 v12, v18;
	v23, _, _ =	vpop (xrf2)  }
0x349: {  	v25 =	vperm.xlane v21, v2;
	v24 =	vld [tilespmem:s9+$0x10];
	vm9 =	vmor vm5, vm0  }
0x34a: {  	vm6 =	vne.s32 v20, v22;
	v27 =	vsub.f32 $0.0e+00, v23;
	v26 =	vld [tilespmem:s9+$0x0];
	(xrf2) =	vadd.scan.msk.f32 $0xffff, v16  }
0x34b: {  	vm8 =	vne.s32 v21, v25;
	vm12 =	vmor vm6, vm0;
	v11 =	vld [tilespmem:s9+$0xFFFFFFD0];
	v16, _, _ =	vpop (xrf2)  }
0x34c: {  	vm11 =	vmor vm8, vm0;
	[tilespmem:v6+s29+$0x0] =	vst.idx.add.f32.msk vm2, v16  }
0x34d: {  	v14 =	vld [tilespmem:s9+$0xFFFFFFE0];
	(xrf2) =	vadd.scan.msk.f32 $0xffff, v15  }
0x34e: {  	v28 =	vld [tilespmem:s9+$0x20];
	v29, _, _ =	vpop (xrf2)  }
0x34f: {  	v15 =	vld [tilespmem:s8+$0xFFFFFFD0]  }
0x350: {  	v6 =	vsub.s32 v17, v4;
	v17 =	vsub.f32 $0.0e+00, v29;
	v30 =	vld [tilespmem:s8+$0xFFFFFFE0]  }
0x351: {  	v32 =	vsub.f32 $0.0e+00, v7;
	v31 =	vperm.xlane v6, v2;
	[tilespmem:v8+s29+$0x0] =	vst.idx.add.f32.msk vm4, v23;
	v23, _, _ =	vpop (xrf2)  }
0x352: {  	v33 =	vsub.f32 $0.0e+00, v23;
	[tilespmem:v9+s29+$0x0] =	vst.idx.add.f32.msk vm3, v27  }
0x353: {  	v8 =	vsub.f32 $0.0e+00, v16;
	vm3 =	vne.s32 v6, v31;
	[tilespmem:v13+s29+$0x0] =	vst.idx.add.f32.msk vm10, v7  }
0x354: {  	vm2 =	vmor vm3, vm0;
	v13 =	vld [tilespmem:s8+$0xFFFFFFF0];
	v16, _, _ =	vpop (xrf2)  }
0x355: {  	[tilespmem:v5+s29+$0x0] =	vst.idx.add.f32.msk vm1, v8;
	v5 =	vmov v31;
	vm1 =	vmmov vm3  }
0x356: {  	(xrf2) =	vadd.scan.msk.f32 $0xffff, v19;
	[tilespmem:v10+s29+$0x0] =	vst.idx.add.f32.msk vm7, v32  }
0x357: {  	v8 =	vsub.s32 v24, v4;
	v7, _, _ =	vpop (xrf2);
	[tilespmem:v12+s29+$0x0] =	vst.idx.add.f32.msk vm9, v16  }
0x358: {  	v9 =	vperm.xlane v8, v2;
	[tilespmem:v20+s29+$0x0] =	vst.idx.add.f32.msk vm12, v29  }
.Ltmp36:
0x359: {  	v10 =	vsub.f32 $0.0e+00, v16;
	(xrf2) =	vadd.scan.msk.f32 $0xffff, v13;
	[tilespmem:v21+s29+$0x0] =	vst.idx.add.f32.msk vm11, v23;
	(pc) =	sbr.rel @p0 .LBB2_53-.Ltmp36, $4  }
0x35a: {  	vm3 =	vne.s32 v8, v9;
	[tilespmem:v25+s29+$0x0] =	vst.idx.add.f32.msk vm8, v33  }
0x35b: {  	v13 =	vsub.s32 v26, v4;
	vm4 =	vmor vm3, vm0;
	[tilespmem:v18+s29+$0x0] =	vst.idx.add.f32.msk vm5, v10  }
0x35c: {  	v10 =	vperm.xlane v13, v2;
	(xrf2) =	vadd.scan.msk.f32 $0xffff, v30;
	[tilespmem:v22+s29+$0x0] =	vst.idx.add.f32.msk vm6, v17  }
0x35d: {  	s9 =	sadd.s32 $0x60, s9;
	v12 =	vsub.s32 v28, v4;
	v16 =	vld [tilespmem:s8+$0x20];
	s8 =	sadd.s32 $0x60, s8  }
0x35e: {  	_ = 	snop  }
0x35f: {  	(xrf2) =	vadd.scan.msk.f32 $0xffff, v15  }
0x360: {  	vm5 =	vne.s32 v13, v10;
	v14 =	vsub.s32 v14, v4  }
0x361: {  	v11 =	vsub.s32 v11, v4;
	vm6 =	vmor vm5, vm0;
	v17 =	vperm.xlane v14, v2  }
0x362: {  	v18 =	vperm.xlane v11, v2;
	v61, _, _ =	vpop (xrf2);
	(xrf2) =	vadd.scan.msk.f32 $0xffff, v16  }
0x363: {  	v60 =	vperm.xlane v12, v2;
	vm9 =	vne.s32 v14, v17;
	v19, _, _ =	vpop (xrf2)  }
0x364: {  	v20 =	vsub.f32 $0.0e+00, v61;
	vm10 =	vmor vm9, vm0;
	[tilespmem:v6+s29+$0x0] =	vst.idx.add.f32.msk vm2, v19;
	vm2 =	vne.s32 v11, v18  }
0x365: {  	[tilespmem:v8+s29+$0x0] =	vst.idx.add.f32.msk vm4, v61;
	vm15 =	vmor vm2, vm0  }
0x366: {  	vm7 =	vne.s32 v12, v60;
	[tilespmem:v9+s29+$0x0] =	vst.idx.add.f32.msk vm3, v20;
	v6 =	vsub.f32 $0.0e+00, v19  }
0x367: {  	v63 =	vsub.f32 $0.0e+00, v7;
	vm8 =	vmor vm7, vm0;
	[tilespmem:v13+s29+$0x0] =	vst.idx.add.f32.msk vm6, v7  }
0x368: {  	v62, _, _ =	vpop (xrf2);
	[tilespmem:v5+s29+$0x0] =	vst.idx.add.f32.msk vm1, v6  }
0x369: {  	[tilespmem:v10+s29+$0x0] =	vst.idx.add.f32.msk vm5, v63;
	v7, _, _ =	vpop (xrf2)  }
0x36a: {  	[tilespmem:v14+s29+$0x0] =	vst.idx.add.f32.msk vm10, v62;
	v6 =	vsub.f32 $0.0e+00, v7  }
0x36b: {  	[tilespmem:v11+s29+$0x0] =	vst.idx.add.f32.msk vm15, v7  }
0x36c: {  	v7 =	vsub.f32 $0.0e+00, v62;
	v5, _, _ =	vpop (xrf2);
	[tilespmem:v18+s29+$0x0] =	vst.idx.add.f32.msk vm2, v6  }
0x36d: {  	[tilespmem:v12+s29+$0x0] =	vst.idx.add.f32.msk vm8, v5;
	v5 =	vsub.f32 $0.0e+00, v5  }
0x36e: {  	[tilespmem:v17+s29+$0x0] =	vst.idx.add.f32.msk vm9, v7  }
0x36f: {  	s7 =	simm.s32 $0x0;
	[tilespmem:v60+s29+$0x0] =	vst.idx.add.f32.msk vm7, v5  }
.LBB2_55:
0x370: {  	s8 =	sshra.s32 s7, $0x2  }
0x371: {  	v5 =	vld [tilespmem:s8+$0x4E00];
	_ =	sdelay $0x1  }
0x372: {  	v6 =	vld [tilespmem:s8+$0xEB00];
	_ =	sdelay $0x2  }
0x373: {  	(xrf2) =	vadd.scan.msk.f32 $0xffff, v5;
	_ =	sdelay $0x1  }
0x374: {  	v5 =	vsub.s32 v6, v4  }
0x375: {  	v6 =	vperm.xlane v5, v0;
	_ =	sdelay $0x1  }
0x376: {  	vm1 =	vne.s32 v5, v6  }
0x377: {  	vm2 =	vmor vm1, vm0;
	_ =	sdelay $0x1  }
0x378: {  	p0 =	seq.s32 s7, $0x40  }
.Ltmp37:
0x379: {  	_ = 	snop;
	(pc) =	sbr.rel @!p0 .LBB2_55-.Ltmp37, $4  }
0x37a: {  	v7, _, _ =	vpop (xrf2)  }
0x37b: {  	v8 =	vsub.f32 $0.0e+00, v7  }
0x37c: {  	[tilespmem:v5+s29+$0x0] =	vst.idx.add.f32.msk vm2, v7  }
0x37d: {  	s7 =	sadd.s32 $0x40, s7;
	[tilespmem:v6+s29+$0x0] =	vst.idx.add.f32.msk vm1, v8  }
.Ltmp38:
0x37e: {  	_ = 	snop;
	(pc) =	sbr.rel .LBB2_57-.Ltmp38, $1  }
0x37f: {  	_ =	sdelay $0x3  }
.LBB2_56:
0x380: {  	[spmem:s1] =	stream.indirect.scatter.add.f32 [tilespmem:s2], [sflag:$0x3], $0x1, s28, s4, $0xb8;
	[tilespmem:$0x19A80] =	vst v63  }
0x381: {  	_ =	swait.ge [sflag:s30], $0x4E20  }
0x382: {  	[sflag:s30] =	ssyncset.done $0x0  }
0x383: {  	[sflag:s30] =	ssyncadd.s32 $0xFFFFB1E0  }
.LBB2_57:
0x384: {  	_ =	swait.ge [sflag:s3], $0x4E20  }
0x385: {  	[sflag:s3] =	ssyncset.done $0x0  }
0x386: {  	[sflag:s3] =	ssyncadd.s32 $0xFFFFB1E0  }
0x387: {  	_ =	swait.ge [sflag:s3], $0x4E20  }
0x388: {  	[sflag:s3] =	ssyncset.done $0x0  }
0x389: {  	[sflag:s3] =	ssyncadd.s32 $0xFFFFB1E0  }
0x38a: {  	v5 =	vld [tilespmem:$0x13990];
	_ =	sdelay $0x4  }
0x38b: {  	(v2sf) =	vpush v5, $0xF;
	_ =	sdelay $0xe  }
0x38c: {  	s7 =	spop (v2sf)  }
0x38d: {  	s7 =	ssub.s32 s7, s6  }
0x38e: {  	p0 =	sgt.s32 s7, $0x3FFF  }
.Ltmp39:
0x38f: {  	_ = 	snop;
	(pc) =	sbr.rel @p0 .LBB2_113-.Ltmp39, $1  }
0x390: {  	_ =	sdelay $0x3  }
0x391: {  	s9 =	simm.s32 $0x4EB0  }
0x392: {  	v5 =	vld [tilespmem:s9+$0x0];
	_ =	sdelay $0x3  }
0x393: {  	s8 =	simm.s32 $0xEBB0;
	v7 =	vld [tilespmem:s9+$0x10]  }
0x394: {  	v6 =	vld [tilespmem:s8+$0xFFFFFFF0];
	(xrf2) =	vadd.scan.msk.f32 $0xffff, v5  }
0x395: {  	v8 =	vld [tilespmem:s8+$0x10]  }
0x396: {  	v13 =	vld [tilespmem:s9+$0xFFFFFFF0]  }
0x397: {  	v10 =	vld [tilespmem:s8+$0x0]  }
0x398: {  	v12 =	vld [tilespmem:s8+$0x20];
	(xrf2) =	vadd.scan.msk.f32 $0xffff, v7  }
0x399: {  	v16 =	vld [tilespmem:s9+$0xFFFFFFE0];
	_ =	sdelay $0x1  }
0x39a: {  	v14 =	vld [tilespmem:s8+$0xFFFFFFE0];
	v6 =	vsub.s32 v6, v4;
	v8 =	vsub.s32 v8, v4;
	(xrf2) =	vadd.scan.msk.f32 $0xffff, v13  }
0x39b: {  	v15 =	vld [tilespmem:s9+$0xFFFFFFD0];
	v5 =	vperm.xlane v6, v2;
	v9 =	vperm.xlane v8, v2  }
0x39c: {  	v11 =	vld [tilespmem:s8+$0xFFFFFFD0];
	v12 =	vsub.s32 v12, v4;
	v13 =	vsub.s32 v10, v4  }
0x39d: {  	vm1 =	vne.s32 v6, v5;
	vm3 =	vne.s32 v8, v9;
	v10 =	vperm.xlane v13, v2;
	v7, _, _ =	vpop (xrf2);
	(xrf2) =	vadd.scan.msk.f32 $0xffff, v16  }
0x39e: {  	s10 =	simm.s32 $0xEC10;
	s8 =	simm.s32 $0x0;
	vm2 =	vmor vm1, vm0;
	vm1 =	vmmov vm1;
	vm4 =	vmor vm3, vm0;
	v16 =	vld [tilespmem:s9+$0x20];
	s9 =	simm.s32 $0x4F10  }
.LBB2_59:
0x39f: {  	v17 =	vld [tilespmem:s10+$0xFFFFFFF0];
	s8 =	sadd.s32 $0x6, s8;
	vm7 =	vne.s32 v13, v10;
	v18 =	vperm.xlane v12, v2  }
0x3a0: {  	v20 =	vsub.s32 v14, v4;
	v19 =	vld [tilespmem:s9+$0x10];
	p0 =	slt.u32 s8, $0x4DA;
	vm10 =	vmor vm7, vm0;
	(xrf2) =	vadd.scan.msk.f32 $0xffff, v15  }
0x3a1: {  	v21 =	vsub.s32 v11, v4;
	v22 =	vperm.xlane v20, v2;
	v15 =	vld [tilespmem:s9+$0x0];
	vm5 =	vne.s32 v12, v18;
	v23, _, _ =	vpop (xrf2)  }
0x3a2: {  	v25 =	vperm.xlane v21, v2;
	v24 =	vld [tilespmem:s10+$0x10];
	vm9 =	vmor vm5, vm0  }
0x3a3: {  	vm6 =	vne.s32 v20, v22;
	v27 =	vsub.f32 $0.0e+00, v23;
	v26 =	vld [tilespmem:s10+$0x0];
	(xrf2) =	vadd.scan.msk.f32 $0xffff, v16  }
0x3a4: {  	vm8 =	vne.s32 v21, v25;
	vm12 =	vmor vm6, vm0;
	v11 =	vld [tilespmem:s10+$0xFFFFFFD0];
	v16, _, _ =	vpop (xrf2)  }
0x3a5: {  	vm11 =	vmor vm8, vm0;
	[tilespmem:v6+s29+$0x0] =	vst.idx.add.f32.msk vm2, v16  }
0x3a6: {  	v14 =	vld [tilespmem:s10+$0xFFFFFFE0];
	(xrf2) =	vadd.scan.msk.f32 $0xffff, v15  }
0x3a7: {  	v28 =	vld [tilespmem:s10+$0x20];
	v29, _, _ =	vpop (xrf2)  }
0x3a8: {  	v15 =	vld [tilespmem:s9+$0xFFFFFFD0]  }
0x3a9: {  	v6 =	vsub.s32 v17, v4;
	v17 =	vsub.f32 $0.0e+00, v29;
	v30 =	vld [tilespmem:s9+$0xFFFFFFE0]  }
0x3aa: {  	v32 =	vsub.f32 $0.0e+00, v7;
	v31 =	vperm.xlane v6, v2;
	[tilespmem:v8+s29+$0x0] =	vst.idx.add.f32.msk vm4, v23;
	v23, _, _ =	vpop (xrf2)  }
0x3ab: {  	v33 =	vsub.f32 $0.0e+00, v23;
	[tilespmem:v9+s29+$0x0] =	vst.idx.add.f32.msk vm3, v27  }
0x3ac: {  	v8 =	vsub.f32 $0.0e+00, v16;
	vm3 =	vne.s32 v6, v31;
	[tilespmem:v13+s29+$0x0] =	vst.idx.add.f32.msk vm10, v7  }
0x3ad: {  	vm2 =	vmor vm3, vm0;
	v13 =	vld [tilespmem:s9+$0xFFFFFFF0];
	v16, _, _ =	vpop (xrf2)  }
0x3ae: {  	[tilespmem:v5+s29+$0x0] =	vst.idx.add.f32.msk vm1, v8;
	v5 =	vmov v31;
	vm1 =	vmmov vm3  }
0x3af: {  	(xrf2) =	vadd.scan.msk.f32 $0xffff, v19;
	[tilespmem:v10+s29+$0x0] =	vst.idx.add.f32.msk vm7, v32  }
0x3b0: {  	v8 =	vsub.s32 v24, v4;
	v7, _, _ =	vpop (xrf2);
	[tilespmem:v12+s29+$0x0] =	vst.idx.add.f32.msk vm9, v16  }
0x3b1: {  	v9 =	vperm.xlane v8, v2;
	[tilespmem:v20+s29+$0x0] =	vst.idx.add.f32.msk vm12, v29  }
.Ltmp40:
0x3b2: {  	v10 =	vsub.f32 $0.0e+00, v16;
	(xrf2) =	vadd.scan.msk.f32 $0xffff, v13;
	[tilespmem:v21+s29+$0x0] =	vst.idx.add.f32.msk vm11, v23;
	(pc) =	sbr.rel @p0 .LBB2_59-.Ltmp40, $4  }
0x3b3: {  	vm3 =	vne.s32 v8, v9;
	[tilespmem:v25+s29+$0x0] =	vst.idx.add.f32.msk vm8, v33  }
0x3b4: {  	v13 =	vsub.s32 v26, v4;
	vm4 =	vmor vm3, vm0;
	[tilespmem:v18+s29+$0x0] =	vst.idx.add.f32.msk vm5, v10  }
0x3b5: {  	v10 =	vperm.xlane v13, v2;
	(xrf2) =	vadd.scan.msk.f32 $0xffff, v30;
	[tilespmem:v22+s29+$0x0] =	vst.idx.add.f32.msk vm6, v17  }
0x3b6: {  	s10 =	sadd.s32 $0x60, s10;
	v12 =	vsub.s32 v28, v4;
	v16 =	vld [tilespmem:s9+$0x20];
	s9 =	sadd.s32 $0x60, s9  }
0x3b7: {  	_ = 	snop  }
0x3b8: {  	(xrf2) =	vadd.scan.msk.f32 $0xffff, v15  }
0x3b9: {  	vm5 =	vne.s32 v13, v10;
	v14 =	vsub.s32 v14, v4  }
0x3ba: {  	v11 =	vsub.s32 v11, v4;
	vm6 =	vmor vm5, vm0;
	v17 =	vperm.xlane v14, v2  }
0x3bb: {  	v18 =	vperm.xlane v11, v2;
	v61, _, _ =	vpop (xrf2);
	(xrf2) =	vadd.scan.msk.f32 $0xffff, v16  }
0x3bc: {  	v60 =	vperm.xlane v12, v2;
	vm9 =	vne.s32 v14, v17;
	v19, _, _ =	vpop (xrf2)  }
0x3bd: {  	v20 =	vsub.f32 $0.0e+00, v61;
	vm10 =	vmor vm9, vm0;
	[tilespmem:v6+s29+$0x0] =	vst.idx.add.f32.msk vm2, v19;
	vm2 =	vne.s32 v11, v18  }
0x3be: {  	[tilespmem:v8+s29+$0x0] =	vst.idx.add.f32.msk vm4, v61;
	vm15 =	vmor vm2, vm0  }
0x3bf: {  	vm7 =	vne.s32 v12, v60;
	[tilespmem:v9+s29+$0x0] =	vst.idx.add.f32.msk vm3, v20;
	v6 =	vsub.f32 $0.0e+00, v19  }
0x3c0: {  	v63 =	vsub.f32 $0.0e+00, v7;
	vm8 =	vmor vm7, vm0;
	[tilespmem:v13+s29+$0x0] =	vst.idx.add.f32.msk vm6, v7  }
0x3c1: {  	v62, _, _ =	vpop (xrf2);
	[tilespmem:v5+s29+$0x0] =	vst.idx.add.f32.msk vm1, v6  }
0x3c2: {  	[tilespmem:v10+s29+$0x0] =	vst.idx.add.f32.msk vm5, v63;
	v7, _, _ =	vpop (xrf2)  }
0x3c3: {  	[tilespmem:v14+s29+$0x0] =	vst.idx.add.f32.msk vm10, v62;
	v6 =	vsub.f32 $0.0e+00, v7  }
0x3c4: {  	[tilespmem:v11+s29+$0x0] =	vst.idx.add.f32.msk vm15, v7  }
0x3c5: {  	v7 =	vsub.f32 $0.0e+00, v62;
	v5, _, _ =	vpop (xrf2);
	[tilespmem:v18+s29+$0x0] =	vst.idx.add.f32.msk vm2, v6  }
0x3c6: {  	[tilespmem:v12+s29+$0x0] =	vst.idx.add.f32.msk vm8, v5;
	v5 =	vsub.f32 $0.0e+00, v5  }
0x3c7: {  	[tilespmem:v17+s29+$0x0] =	vst.idx.add.f32.msk vm9, v7  }
0x3c8: {  	s8 =	simm.s32 $0x0;
	[tilespmem:v60+s29+$0x0] =	vst.idx.add.f32.msk vm7, v5  }
.LBB2_61:
0x3c9: {  	s9 =	sshra.s32 s8, $0x2  }
0x3ca: {  	v5 =	vld [tilespmem:s9+$0x9C80];
	_ =	sdelay $0x1  }
0x3cb: {  	v6 =	vld [tilespmem:s9+$0x13980];
	_ =	sdelay $0x2  }
0x3cc: {  	(xrf2) =	vadd.scan.msk.f32 $0xffff, v5;
	_ =	sdelay $0x1  }
0x3cd: {  	v5 =	vsub.s32 v6, v4  }
0x3ce: {  	v6 =	vperm.xlane v5, v0;
	_ =	sdelay $0x1  }
0x3cf: {  	vm1 =	vne.s32 v5, v6  }
0x3d0: {  	vm2 =	vmor vm1, vm0;
	_ =	sdelay $0x1  }
0x3d1: {  	p0 =	seq.s32 s8, $0x40  }
.Ltmp41:
0x3d2: {  	_ = 	snop;
	(pc) =	sbr.rel @!p0 .LBB2_61-.Ltmp41, $4  }
0x3d3: {  	v7, _, _ =	vpop (xrf2)  }
0x3d4: {  	v8 =	vsub.f32 $0.0e+00, v7  }
0x3d5: {  	[tilespmem:v5+s29+$0x0] =	vst.idx.add.f32.msk vm2, v7  }
0x3d6: {  	s8 =	sadd.s32 $0x40, s8;
	[tilespmem:v6+s29+$0x0] =	vst.idx.add.f32.msk vm1, v8  }
0x3d7: {  	p0 =	slt.s32 s7, $0x0  }
.Ltmp42:
0x3d8: {  	_ = 	snop;
	(pc) =	sbr.rel @!p0 .LBB2_63-.Ltmp42, $4  }
.Ltmp43:
0x3d9: {  	_ = 	snop;
	(pc) =	sbr.rel @p0 .LBB2_111-.Ltmp43, $4  }
0x3da: {  	_ = 	snop  }
0x3db: {  	_ = 	snop  }
0x3dc: {  	_ = 	snop  }
0x3dd: {  	_ = 	snop  }
.LBB2_113:
0x3de: {  	[spmem:s1] =	stream.indirect.scatter.add.f32 [tilespmem:s18], [sflag:$0x3], $0x1, s0, s4, $0xb8;
	[tilespmem:$0x19A80] =	vst v63  }
0x3df: {  	_ =	swait.ge [sflag:s30], $0x4E20  }
0x3e0: {  	[sflag:s30] =	ssyncset.done $0x0  }
0x3e1: {  	[sflag:s30] =	ssyncadd.s32 $0xFFFFB1E0  }
.LBB2_63:
0x3e2: {  	s10 =	sadd.s32 $0x70, s6  }
0x3e3: {  	s9 =	sadd.s32 $0xFFFFFFF0, s10  }
0x3e4: {  	s8 =	simm.s32 $0x17A40;
	s11 =	sadd.s32 $0xFFFFFFA0, s10;
	v4 =	vadd.s32 s9, v3  }
0x3e5: {  	s13 =	sadd.s32 $0xFFFFFFD0, s10;
	v5 =	vadd.s32 s11, v3;
	[tilespmem:s8+$0x20] =	vst v4  }
0x3e6: {  	s14 =	sadd.s32 $0xFFFFFFB0, s10;
	v6 =	vadd.s32 s13, v3;
	[tilespmem:s8+$0xFFFFFFD0] =	vst v5  }
0x3e7: {  	s11 =	sadd.s32 $0xFFFFFF90, s10;
	v4 =	vadd.s32 s14, v3;
	[tilespmem:s8+$0x0] =	vst v6  }
0x3e8: {  	s12 =	sadd.s32 $0xFFFFFFC0, s10;
	v5 =	vadd.s32 s11, v3;
	[tilespmem:s8+$0xFFFFFFE0] =	vst v4  }
0x3e9: {  	s14 =	sadd.s32 $0xFFFFFFE0, s10;
	v4 =	vadd.s32 s12, v3;
	[tilespmem:s8+$0xFFFFFFC0] =	vst v5  }
0x3ea: {  	s9 =	simm.s32 $0x0;
	v5 =	vadd.s32 s14, v3;
	[tilespmem:s8+$0xFFFFFFF0] =	vst v4;
	v4 =	vadd.s32 s10, v3;
	s10 =	sadd.s32 $0x80, s10  }
.LBB2_64:
0x3eb: {  	s11 =	sadd.s32 $0xFFFFFFA0, s10;
	s12 =	sadd.s32 $0xFFFFFFF0, s10;
	v6 =	vadd.s32 s10, v3;
	s9 =	sadd.s32 $0x8, s9;
	[tilespmem:s8+$0x10] =	vst v5  }
0x3ec: {  	v5 =	vadd.s32 s11, v3;
	s11 =	sadd.s32 $0xFFFFFFB0, s10;
	v7 =	vadd.s32 s12, v3;
	p0 =	slt.u32 s9, $0x38;
	[tilespmem:s8+$0x30] =	vst v4;
	s8 =	sadd.s32 $0x80, s8;
	v4 =	vmov v6  }
0x3ed: {  	s13 =	sadd.s32 $0xFFFFFFE0, s10;
	s12 =	sadd.s32 $0xFFFFFFD0, s10;
	v6 =	vadd.s32 s11, v3;
	s11 =	sadd.s32 $0xFFFFFFC0, s10;
	[tilespmem:s8+$0x20] =	vst v7  }
.Ltmp44:
0x3ee: {  	s14 =	sadd.s32 $0xFFFFFF90, s10;
	v8 =	vadd.s32 s12, v3;
	[tilespmem:s8+$0xFFFFFFD0] =	vst v5;
	v7 =	vadd.s32 s11, v3;
	v5 =	vadd.s32 s13, v3;
	(pc) =	sbr.rel @p0 .LBB2_64-.Ltmp44, $4  }
0x3ef: {  	v9 =	vadd.s32 s14, v3;
	[tilespmem:s8+$0xFFFFFFE0] =	vst v6  }
0x3f0: {  	[tilespmem:s8+$0xFFFFFFC0] =	vst v9  }
0x3f1: {  	[tilespmem:s8+$0xFFFFFFF0] =	vst v7  }
0x3f2: {  	s10 =	sadd.s32 $0x80, s10;
	[tilespmem:s8+$0x0] =	vst v8  }
0x3f3: {  	[tilespmem:s8+$0x10] =	vst v5;
	p0 =	slt.u32 s7, $0x400  }
.Ltmp45:
0x3f4: {  	[tilespmem:s8+$0x30] =	vst v4;
	s14 =	simm.s32 $0x400;
	s9 =	simm.s32 $0x17A00;
	(pc) =	sbr.rel @p0 .LBB2_111-.Ltmp45, $4  }
0x3f5: {  	[spmem:s1] =	stream.indirect.scatter.add.f32 [tilespmem:s29], [sflag:$0x3], $0x1, s9, s14, $0xb8;
	[tilespmem:$0x19A80] =	vst v63  }
0x3f6: {  	_ =	swait.ge [sflag:s30], $0x400  }
0x3f7: {  	[sflag:s30] =	ssyncset.done $0x0  }
0x3f8: {  	[sflag:s30] =	ssyncadd.s32 $0xFFFFFC00  }
0x3f9: {  	s10 =	sadd.s32 $0x470, s6  }
0x3fa: {  	s9 =	sadd.s32 $0xFFFFFFF0, s10  }
0x3fb: {  	s8 =	simm.s32 $0x17A40;
	s11 =	sadd.s32 $0xFFFFFFA0, s10;
	v4 =	vadd.s32 s9, v3  }
0x3fc: {  	s13 =	sadd.s32 $0xFFFFFFD0, s10;
	v5 =	vadd.s32 s11, v3;
	[tilespmem:s8+$0x20] =	vst v4  }
0x3fd: {  	s14 =	sadd.s32 $0xFFFFFFB0, s10;
	v6 =	vadd.s32 s13, v3;
	[tilespmem:s8+$0xFFFFFFD0] =	vst v5  }
0x3fe: {  	s11 =	sadd.s32 $0xFFFFFF90, s10;
	v4 =	vadd.s32 s14, v3;
	[tilespmem:s8+$0x0] =	vst v6  }
0x3ff: {  	s12 =	sadd.s32 $0xFFFFFFC0, s10;
	v5 =	vadd.s32 s11, v3;
	[tilespmem:s8+$0xFFFFFFE0] =	vst v4  }
0x400: {  	s14 =	sadd.s32 $0xFFFFFFE0, s10;
	v4 =	vadd.s32 s12, v3;
	[tilespmem:s8+$0xFFFFFFC0] =	vst v5  }
0x401: {  	s9 =	simm.s32 $0x0;
	v5 =	vadd.s32 s14, v3;
	[tilespmem:s8+$0xFFFFFFF0] =	vst v4;
	v4 =	vadd.s32 s10, v3;
	s10 =	sadd.s32 $0x80, s10  }
.LBB2_67:
0x402: {  	s11 =	sadd.s32 $0xFFFFFFA0, s10;
	s12 =	sadd.s32 $0xFFFFFFF0, s10;
	v6 =	vadd.s32 s10, v3;
	s9 =	sadd.s32 $0x8, s9;
	[tilespmem:s8+$0x10] =	vst v5  }
0x403: {  	v5 =	vadd.s32 s11, v3;
	s11 =	sadd.s32 $0xFFFFFFB0, s10;
	v7 =	vadd.s32 s12, v3;
	p0 =	slt.u32 s9, $0x38;
	[tilespmem:s8+$0x30] =	vst v4;
	s8 =	sadd.s32 $0x80, s8;
	v4 =	vmov v6  }
0x404: {  	s13 =	sadd.s32 $0xFFFFFFE0, s10;
	s12 =	sadd.s32 $0xFFFFFFD0, s10;
	v6 =	vadd.s32 s11, v3;
	s11 =	sadd.s32 $0xFFFFFFC0, s10;
	[tilespmem:s8+$0x20] =	vst v7  }
.Ltmp46:
0x405: {  	s14 =	sadd.s32 $0xFFFFFF90, s10;
	v8 =	vadd.s32 s12, v3;
	[tilespmem:s8+$0xFFFFFFD0] =	vst v5;
	v7 =	vadd.s32 s11, v3;
	v5 =	vadd.s32 s13, v3;
	(pc) =	sbr.rel @p0 .LBB2_67-.Ltmp46, $4  }
0x406: {  	v9 =	vadd.s32 s14, v3;
	[tilespmem:s8+$0xFFFFFFE0] =	vst v6  }
0x407: {  	[tilespmem:s8+$0xFFFFFFC0] =	vst v9  }
0x408: {  	[tilespmem:s8+$0xFFFFFFF0] =	vst v7  }
0x409: {  	s10 =	sadd.s32 $0x80, s10;
	[tilespmem:s8+$0x0] =	vst v8  }
0x40a: {  	[tilespmem:s8+$0x10] =	vst v5;
	s14 =	simm.s32 $0x400;
	p0 =	slt.u32 s7, $0x800  }
.Ltmp47:
0x40b: {  	[tilespmem:s8+$0x30] =	vst v4;
	s9 =	simm.s32 $0x17A00;
	s10 =	simm.s32 $0x13E00;
	(pc) =	sbr.rel @p0 .LBB2_111-.Ltmp47, $4  }
0x40c: {  	[spmem:s1] =	stream.indirect.scatter.add.f32 [tilespmem:s10], [sflag:$0x3], $0x1, s9, s14, $0xb8;
	[tilespmem:$0x19A80] =	vst v63  }
0x40d: {  	_ =	swait.ge [sflag:s30], $0x400  }
0x40e: {  	[sflag:s30] =	ssyncset.done $0x0  }
0x40f: {  	[sflag:s30] =	ssyncadd.s32 $0xFFFFFC00  }
0x410: {  	s10 =	sadd.s32 $0x870, s6  }
0x411: {  	s9 =	sadd.s32 $0xFFFFFFF0, s10  }
0x412: {  	s8 =	simm.s32 $0x17A40;
	s11 =	sadd.s32 $0xFFFFFFA0, s10;
	v4 =	vadd.s32 s9, v3  }
0x413: {  	s13 =	sadd.s32 $0xFFFFFFD0, s10;
	v5 =	vadd.s32 s11, v3;
	[tilespmem:s8+$0x20] =	vst v4  }
0x414: {  	s14 =	sadd.s32 $0xFFFFFFB0, s10;
	v6 =	vadd.s32 s13, v3;
	[tilespmem:s8+$0xFFFFFFD0] =	vst v5  }
0x415: {  	s11 =	sadd.s32 $0xFFFFFF90, s10;
	v4 =	vadd.s32 s14, v3;
	[tilespmem:s8+$0x0] =	vst v6  }
0x416: {  	s12 =	sadd.s32 $0xFFFFFFC0, s10;
	v5 =	vadd.s32 s11, v3;
	[tilespmem:s8+$0xFFFFFFE0] =	vst v4  }
0x417: {  	s14 =	sadd.s32 $0xFFFFFFE0, s10;
	v4 =	vadd.s32 s12, v3;
	[tilespmem:s8+$0xFFFFFFC0] =	vst v5  }
0x418: {  	s9 =	simm.s32 $0x0;
	v5 =	vadd.s32 s14, v3;
	[tilespmem:s8+$0xFFFFFFF0] =	vst v4;
	v4 =	vadd.s32 s10, v3;
	s10 =	sadd.s32 $0x80, s10  }
.LBB2_70:
0x419: {  	s11 =	sadd.s32 $0xFFFFFFA0, s10;
	s12 =	sadd.s32 $0xFFFFFFF0, s10;
	v6 =	vadd.s32 s10, v3;
	s9 =	sadd.s32 $0x8, s9;
	[tilespmem:s8+$0x10] =	vst v5  }
0x41a: {  	v5 =	vadd.s32 s11, v3;
	s11 =	sadd.s32 $0xFFFFFFB0, s10;
	v7 =	vadd.s32 s12, v3;
	p0 =	slt.u32 s9, $0x38;
	[tilespmem:s8+$0x30] =	vst v4;
	s8 =	sadd.s32 $0x80, s8;
	v4 =	vmov v6  }
0x41b: {  	s13 =	sadd.s32 $0xFFFFFFE0, s10;
	s12 =	sadd.s32 $0xFFFFFFD0, s10;
	v6 =	vadd.s32 s11, v3;
	s11 =	sadd.s32 $0xFFFFFFC0, s10;
	[tilespmem:s8+$0x20] =	vst v7  }
.Ltmp48:
0x41c: {  	s14 =	sadd.s32 $0xFFFFFF90, s10;
	v8 =	vadd.s32 s12, v3;
	[tilespmem:s8+$0xFFFFFFD0] =	vst v5;
	v7 =	vadd.s32 s11, v3;
	v5 =	vadd.s32 s13, v3;
	(pc) =	sbr.rel @p0 .LBB2_70-.Ltmp48, $4  }
0x41d: {  	v9 =	vadd.s32 s14, v3;
	[tilespmem:s8+$0xFFFFFFE0] =	vst v6  }
0x41e: {  	[tilespmem:s8+$0xFFFFFFC0] =	vst v9  }
0x41f: {  	[tilespmem:s8+$0xFFFFFFF0] =	vst v7  }
0x420: {  	s10 =	sadd.s32 $0x80, s10;
	[tilespmem:s8+$0x0] =	vst v8  }
0x421: {  	[tilespmem:s8+$0x10] =	vst v5;
	s14 =	simm.s32 $0x400;
	p0 =	slt.u32 s7, $0xC00  }
.Ltmp49:
0x422: {  	[tilespmem:s8+$0x30] =	vst v4;
	s9 =	simm.s32 $0x17A00;
	s10 =	simm.s32 $0x14200;
	(pc) =	sbr.rel @p0 .LBB2_111-.Ltmp49, $4  }
0x423: {  	[spmem:s1] =	stream.indirect.scatter.add.f32 [tilespmem:s10], [sflag:$0x3], $0x1, s9, s14, $0xb8;
	[tilespmem:$0x19A80] =	vst v63  }
0x424: {  	_ =	swait.ge [sflag:s30], $0x400  }
0x425: {  	[sflag:s30] =	ssyncset.done $0x0  }
0x426: {  	[sflag:s30] =	ssyncadd.s32 $0xFFFFFC00  }
0x427: {  	s10 =	sadd.s32 $0xC70, s6  }
0x428: {  	s9 =	sadd.s32 $0xFFFFFFF0, s10  }
0x429: {  	s8 =	simm.s32 $0x17A40;
	s11 =	sadd.s32 $0xFFFFFFA0, s10;
	v4 =	vadd.s32 s9, v3  }
0x42a: {  	s13 =	sadd.s32 $0xFFFFFFD0, s10;
	v5 =	vadd.s32 s11, v3;
	[tilespmem:s8+$0x20] =	vst v4  }
0x42b: {  	s14 =	sadd.s32 $0xFFFFFFB0, s10;
	v6 =	vadd.s32 s13, v3;
	[tilespmem:s8+$0xFFFFFFD0] =	vst v5  }
0x42c: {  	s11 =	sadd.s32 $0xFFFFFF90, s10;
	v4 =	vadd.s32 s14, v3;
	[tilespmem:s8+$0x0] =	vst v6  }
0x42d: {  	s12 =	sadd.s32 $0xFFFFFFC0, s10;
	v5 =	vadd.s32 s11, v3;
	[tilespmem:s8+$0xFFFFFFE0] =	vst v4  }
0x42e: {  	s14 =	sadd.s32 $0xFFFFFFE0, s10;
	v4 =	vadd.s32 s12, v3;
	[tilespmem:s8+$0xFFFFFFC0] =	vst v5  }
0x42f: {  	s9 =	simm.s32 $0x0;
	v5 =	vadd.s32 s14, v3;
	[tilespmem:s8+$0xFFFFFFF0] =	vst v4;
	v4 =	vadd.s32 s10, v3;
	s10 =	sadd.s32 $0x80, s10  }
.LBB2_73:
0x430: {  	s11 =	sadd.s32 $0xFFFFFFA0, s10;
	s12 =	sadd.s32 $0xFFFFFFF0, s10;
	v6 =	vadd.s32 s10, v3;
	s9 =	sadd.s32 $0x8, s9;
	[tilespmem:s8+$0x10] =	vst v5  }
0x431: {  	v5 =	vadd.s32 s11, v3;
	s11 =	sadd.s32 $0xFFFFFFB0, s10;
	v7 =	vadd.s32 s12, v3;
	p0 =	slt.u32 s9, $0x38;
	[tilespmem:s8+$0x30] =	vst v4;
	s8 =	sadd.s32 $0x80, s8;
	v4 =	vmov v6  }
0x432: {  	s13 =	sadd.s32 $0xFFFFFFE0, s10;
	s12 =	sadd.s32 $0xFFFFFFD0, s10;
	v6 =	vadd.s32 s11, v3;
	s11 =	sadd.s32 $0xFFFFFFC0, s10;
	[tilespmem:s8+$0x20] =	vst v7  }
.Ltmp50:
0x433: {  	s14 =	sadd.s32 $0xFFFFFF90, s10;
	v8 =	vadd.s32 s12, v3;
	[tilespmem:s8+$0xFFFFFFD0] =	vst v5;
	v7 =	vadd.s32 s11, v3;
	v5 =	vadd.s32 s13, v3;
	(pc) =	sbr.rel @p0 .LBB2_73-.Ltmp50, $4  }
0x434: {  	v9 =	vadd.s32 s14, v3;
	[tilespmem:s8+$0xFFFFFFE0] =	vst v6  }
0x435: {  	[tilespmem:s8+$0xFFFFFFC0] =	vst v9  }
0x436: {  	[tilespmem:s8+$0xFFFFFFF0] =	vst v7  }
0x437: {  	s10 =	sadd.s32 $0x80, s10;
	[tilespmem:s8+$0x0] =	vst v8  }
0x438: {  	[tilespmem:s8+$0x10] =	vst v5;
	s14 =	simm.s32 $0x400;
	p0 =	slt.u32 s7, $0x1000  }
.Ltmp51:
0x439: {  	[tilespmem:s8+$0x30] =	vst v4;
	s9 =	simm.s32 $0x17A00;
	s10 =	simm.s32 $0x14600;
	(pc) =	sbr.rel @p0 .LBB2_111-.Ltmp51, $4  }
0x43a: {  	[spmem:s1] =	stream.indirect.scatter.add.f32 [tilespmem:s10], [sflag:$0x3], $0x1, s9, s14, $0xb8;
	[tilespmem:$0x19A80] =	vst v63  }
0x43b: {  	_ =	swait.ge [sflag:s30], $0x400  }
0x43c: {  	[sflag:s30] =	ssyncset.done $0x0  }
0x43d: {  	[sflag:s30] =	ssyncadd.s32 $0xFFFFFC00  }
0x43e: {  	s10 =	sadd.s32 $0x1070, s6  }
0x43f: {  	s9 =	sadd.s32 $0xFFFFFFF0, s10  }
0x440: {  	s8 =	simm.s32 $0x17A40;
	s11 =	sadd.s32 $0xFFFFFFA0, s10;
	v4 =	vadd.s32 s9, v3  }
0x441: {  	s13 =	sadd.s32 $0xFFFFFFD0, s10;
	v5 =	vadd.s32 s11, v3;
	[tilespmem:s8+$0x20] =	vst v4  }
0x442: {  	s14 =	sadd.s32 $0xFFFFFFB0, s10;
	v6 =	vadd.s32 s13, v3;
	[tilespmem:s8+$0xFFFFFFD0] =	vst v5  }
0x443: {  	s11 =	sadd.s32 $0xFFFFFF90, s10;
	v4 =	vadd.s32 s14, v3;
	[tilespmem:s8+$0x0] =	vst v6  }
0x444: {  	s12 =	sadd.s32 $0xFFFFFFC0, s10;
	v5 =	vadd.s32 s11, v3;
	[tilespmem:s8+$0xFFFFFFE0] =	vst v4  }
0x445: {  	s14 =	sadd.s32 $0xFFFFFFE0, s10;
	v4 =	vadd.s32 s12, v3;
	[tilespmem:s8+$0xFFFFFFC0] =	vst v5  }
0x446: {  	s9 =	simm.s32 $0x0;
	v5 =	vadd.s32 s14, v3;
	[tilespmem:s8+$0xFFFFFFF0] =	vst v4;
	v4 =	vadd.s32 s10, v3;
	s10 =	sadd.s32 $0x80, s10  }
.LBB2_76:
0x447: {  	s11 =	sadd.s32 $0xFFFFFFA0, s10;
	s12 =	sadd.s32 $0xFFFFFFF0, s10;
	v6 =	vadd.s32 s10, v3;
	s9 =	sadd.s32 $0x8, s9;
	[tilespmem:s8+$0x10] =	vst v5  }
0x448: {  	v5 =	vadd.s32 s11, v3;
	s11 =	sadd.s32 $0xFFFFFFB0, s10;
	v7 =	vadd.s32 s12, v3;
	p0 =	slt.u32 s9, $0x38;
	[tilespmem:s8+$0x30] =	vst v4;
	s8 =	sadd.s32 $0x80, s8;
	v4 =	vmov v6  }
0x449: {  	s13 =	sadd.s32 $0xFFFFFFE0, s10;
	s12 =	sadd.s32 $0xFFFFFFD0, s10;
	v6 =	vadd.s32 s11, v3;
	s11 =	sadd.s32 $0xFFFFFFC0, s10;
	[tilespmem:s8+$0x20] =	vst v7  }
.Ltmp52:
0x44a: {  	s14 =	sadd.s32 $0xFFFFFF90, s10;
	v8 =	vadd.s32 s12, v3;
	[tilespmem:s8+$0xFFFFFFD0] =	vst v5;
	v7 =	vadd.s32 s11, v3;
	v5 =	vadd.s32 s13, v3;
	(pc) =	sbr.rel @p0 .LBB2_76-.Ltmp52, $4  }
0x44b: {  	v9 =	vadd.s32 s14, v3;
	[tilespmem:s8+$0xFFFFFFE0] =	vst v6  }
0x44c: {  	[tilespmem:s8+$0xFFFFFFC0] =	vst v9  }
0x44d: {  	[tilespmem:s8+$0xFFFFFFF0] =	vst v7  }
0x44e: {  	s10 =	sadd.s32 $0x80, s10;
	[tilespmem:s8+$0x0] =	vst v8  }
0x44f: {  	[tilespmem:s8+$0x10] =	vst v5;
	s14 =	simm.s32 $0x400;
	p0 =	slt.u32 s7, $0x1400  }
.Ltmp53:
0x450: {  	[tilespmem:s8+$0x30] =	vst v4;
	s9 =	simm.s32 $0x17A00;
	s10 =	simm.s32 $0x14A00;
	(pc) =	sbr.rel @p0 .LBB2_111-.Ltmp53, $4  }
0x451: {  	[spmem:s1] =	stream.indirect.scatter.add.f32 [tilespmem:s10], [sflag:$0x3], $0x1, s9, s14, $0xb8;
	[tilespmem:$0x19A80] =	vst v63  }
0x452: {  	_ =	swait.ge [sflag:s30], $0x400  }
0x453: {  	[sflag:s30] =	ssyncset.done $0x0  }
0x454: {  	[sflag:s30] =	ssyncadd.s32 $0xFFFFFC00  }
0x455: {  	s10 =	sadd.s32 $0x1470, s6  }
0x456: {  	s9 =	sadd.s32 $0xFFFFFFF0, s10  }
0x457: {  	s8 =	simm.s32 $0x17A40;
	s11 =	sadd.s32 $0xFFFFFFA0, s10;
	v4 =	vadd.s32 s9, v3  }
0x458: {  	s13 =	sadd.s32 $0xFFFFFFD0, s10;
	v5 =	vadd.s32 s11, v3;
	[tilespmem:s8+$0x20] =	vst v4  }
0x459: {  	s14 =	sadd.s32 $0xFFFFFFB0, s10;
	v6 =	vadd.s32 s13, v3;
	[tilespmem:s8+$0xFFFFFFD0] =	vst v5  }
0x45a: {  	s11 =	sadd.s32 $0xFFFFFF90, s10;
	v4 =	vadd.s32 s14, v3;
	[tilespmem:s8+$0x0] =	vst v6  }
0x45b: {  	s12 =	sadd.s32 $0xFFFFFFC0, s10;
	v5 =	vadd.s32 s11, v3;
	[tilespmem:s8+$0xFFFFFFE0] =	vst v4  }
0x45c: {  	s14 =	sadd.s32 $0xFFFFFFE0, s10;
	v4 =	vadd.s32 s12, v3;
	[tilespmem:s8+$0xFFFFFFC0] =	vst v5  }
0x45d: {  	s9 =	simm.s32 $0x0;
	v5 =	vadd.s32 s14, v3;
	[tilespmem:s8+$0xFFFFFFF0] =	vst v4;
	v4 =	vadd.s32 s10, v3;
	s10 =	sadd.s32 $0x80, s10  }
.LBB2_79:
0x45e: {  	s11 =	sadd.s32 $0xFFFFFFA0, s10;
	s12 =	sadd.s32 $0xFFFFFFF0, s10;
	v6 =	vadd.s32 s10, v3;
	s9 =	sadd.s32 $0x8, s9;
	[tilespmem:s8+$0x10] =	vst v5  }
0x45f: {  	v5 =	vadd.s32 s11, v3;
	s11 =	sadd.s32 $0xFFFFFFB0, s10;
	v7 =	vadd.s32 s12, v3;
	p0 =	slt.u32 s9, $0x38;
	[tilespmem:s8+$0x30] =	vst v4;
	s8 =	sadd.s32 $0x80, s8;
	v4 =	vmov v6  }
0x460: {  	s13 =	sadd.s32 $0xFFFFFFE0, s10;
	s12 =	sadd.s32 $0xFFFFFFD0, s10;
	v6 =	vadd.s32 s11, v3;
	s11 =	sadd.s32 $0xFFFFFFC0, s10;
	[tilespmem:s8+$0x20] =	vst v7  }
.Ltmp54:
0x461: {  	s14 =	sadd.s32 $0xFFFFFF90, s10;
	v8 =	vadd.s32 s12, v3;
	[tilespmem:s8+$0xFFFFFFD0] =	vst v5;
	v7 =	vadd.s32 s11, v3;
	v5 =	vadd.s32 s13, v3;
	(pc) =	sbr.rel @p0 .LBB2_79-.Ltmp54, $4  }
0x462: {  	v9 =	vadd.s32 s14, v3;
	[tilespmem:s8+$0xFFFFFFE0] =	vst v6  }
0x463: {  	[tilespmem:s8+$0xFFFFFFC0] =	vst v9  }
0x464: {  	[tilespmem:s8+$0xFFFFFFF0] =	vst v7  }
0x465: {  	s10 =	sadd.s32 $0x80, s10;
	[tilespmem:s8+$0x0] =	vst v8  }
0x466: {  	[tilespmem:s8+$0x10] =	vst v5;
	s14 =	simm.s32 $0x400;
	p0 =	slt.u32 s7, $0x1800  }
.Ltmp55:
0x467: {  	[tilespmem:s8+$0x30] =	vst v4;
	s9 =	simm.s32 $0x17A00;
	s10 =	simm.s32 $0x14E00;
	(pc) =	sbr.rel @p0 .LBB2_111-.Ltmp55, $4  }
0x468: {  	[spmem:s1] =	stream.indirect.scatter.add.f32 [tilespmem:s10], [sflag:$0x3], $0x1, s9, s14, $0xb8;
	[tilespmem:$0x19A80] =	vst v63  }
0x469: {  	_ =	swait.ge [sflag:s30], $0x400  }
0x46a: {  	[sflag:s30] =	ssyncset.done $0x0  }
0x46b: {  	[sflag:s30] =	ssyncadd.s32 $0xFFFFFC00  }
0x46c: {  	s10 =	sadd.s32 $0x1870, s6  }
0x46d: {  	s9 =	sadd.s32 $0xFFFFFFF0, s10  }
0x46e: {  	s8 =	simm.s32 $0x17A40;
	s11 =	sadd.s32 $0xFFFFFFA0, s10;
	v4 =	vadd.s32 s9, v3  }
0x46f: {  	s13 =	sadd.s32 $0xFFFFFFD0, s10;
	v5 =	vadd.s32 s11, v3;
	[tilespmem:s8+$0x20] =	vst v4  }
0x470: {  	s14 =	sadd.s32 $0xFFFFFFB0, s10;
	v6 =	vadd.s32 s13, v3;
	[tilespmem:s8+$0xFFFFFFD0] =	vst v5  }
0x471: {  	s11 =	sadd.s32 $0xFFFFFF90, s10;
	v4 =	vadd.s32 s14, v3;
	[tilespmem:s8+$0x0] =	vst v6  }
0x472: {  	s12 =	sadd.s32 $0xFFFFFFC0, s10;
	v5 =	vadd.s32 s11, v3;
	[tilespmem:s8+$0xFFFFFFE0] =	vst v4  }
0x473: {  	s14 =	sadd.s32 $0xFFFFFFE0, s10;
	v4 =	vadd.s32 s12, v3;
	[tilespmem:s8+$0xFFFFFFC0] =	vst v5  }
0x474: {  	s9 =	simm.s32 $0x0;
	v5 =	vadd.s32 s14, v3;
	[tilespmem:s8+$0xFFFFFFF0] =	vst v4;
	v4 =	vadd.s32 s10, v3;
	s10 =	sadd.s32 $0x80, s10  }
.LBB2_82:
0x475: {  	s11 =	sadd.s32 $0xFFFFFFA0, s10;
	s12 =	sadd.s32 $0xFFFFFFF0, s10;
	v6 =	vadd.s32 s10, v3;
	s9 =	sadd.s32 $0x8, s9;
	[tilespmem:s8+$0x10] =	vst v5  }
0x476: {  	v5 =	vadd.s32 s11, v3;
	s11 =	sadd.s32 $0xFFFFFFB0, s10;
	v7 =	vadd.s32 s12, v3;
	p0 =	slt.u32 s9, $0x38;
	[tilespmem:s8+$0x30] =	vst v4;
	s8 =	sadd.s32 $0x80, s8;
	v4 =	vmov v6  }
0x477: {  	s13 =	sadd.s32 $0xFFFFFFE0, s10;
	s12 =	sadd.s32 $0xFFFFFFD0, s10;
	v6 =	vadd.s32 s11, v3;
	s11 =	sadd.s32 $0xFFFFFFC0, s10;
	[tilespmem:s8+$0x20] =	vst v7  }
.Ltmp56:
0x478: {  	s14 =	sadd.s32 $0xFFFFFF90, s10;
	v8 =	vadd.s32 s12, v3;
	[tilespmem:s8+$0xFFFFFFD0] =	vst v5;
	v7 =	vadd.s32 s11, v3;
	v5 =	vadd.s32 s13, v3;
	(pc) =	sbr.rel @p0 .LBB2_82-.Ltmp56, $4  }
0x479: {  	v9 =	vadd.s32 s14, v3;
	[tilespmem:s8+$0xFFFFFFE0] =	vst v6  }
0x47a: {  	[tilespmem:s8+$0xFFFFFFC0] =	vst v9  }
0x47b: {  	[tilespmem:s8+$0xFFFFFFF0] =	vst v7  }
0x47c: {  	s10 =	sadd.s32 $0x80, s10;
	[tilespmem:s8+$0x0] =	vst v8  }
0x47d: {  	[tilespmem:s8+$0x10] =	vst v5;
	s14 =	simm.s32 $0x400;
	p0 =	slt.u32 s7, $0x1C00  }
.Ltmp57:
0x47e: {  	[tilespmem:s8+$0x30] =	vst v4;
	s9 =	simm.s32 $0x17A00;
	s10 =	simm.s32 $0x15200;
	(pc) =	sbr.rel @p0 .LBB2_111-.Ltmp57, $4  }
0x47f: {  	[spmem:s1] =	stream.indirect.scatter.add.f32 [tilespmem:s10], [sflag:$0x3], $0x1, s9, s14, $0xb8;
	[tilespmem:$0x19A80] =	vst v63  }
0x480: {  	_ =	swait.ge [sflag:s30], $0x400  }
0x481: {  	[sflag:s30] =	ssyncset.done $0x0  }
0x482: {  	[sflag:s30] =	ssyncadd.s32 $0xFFFFFC00  }
0x483: {  	s10 =	sadd.s32 $0x1C70, s6  }
0x484: {  	s9 =	sadd.s32 $0xFFFFFFF0, s10  }
0x485: {  	s8 =	simm.s32 $0x17A40;
	s11 =	sadd.s32 $0xFFFFFFA0, s10;
	v4 =	vadd.s32 s9, v3  }
0x486: {  	s13 =	sadd.s32 $0xFFFFFFD0, s10;
	v5 =	vadd.s32 s11, v3;
	[tilespmem:s8+$0x20] =	vst v4  }
0x487: {  	s14 =	sadd.s32 $0xFFFFFFB0, s10;
	v6 =	vadd.s32 s13, v3;
	[tilespmem:s8+$0xFFFFFFD0] =	vst v5  }
0x488: {  	s11 =	sadd.s32 $0xFFFFFF90, s10;
	v4 =	vadd.s32 s14, v3;
	[tilespmem:s8+$0x0] =	vst v6  }
0x489: {  	s12 =	sadd.s32 $0xFFFFFFC0, s10;
	v5 =	vadd.s32 s11, v3;
	[tilespmem:s8+$0xFFFFFFE0] =	vst v4  }
0x48a: {  	s14 =	sadd.s32 $0xFFFFFFE0, s10;
	v4 =	vadd.s32 s12, v3;
	[tilespmem:s8+$0xFFFFFFC0] =	vst v5  }
0x48b: {  	s9 =	simm.s32 $0x0;
	v5 =	vadd.s32 s14, v3;
	[tilespmem:s8+$0xFFFFFFF0] =	vst v4;
	v4 =	vadd.s32 s10, v3;
	s10 =	sadd.s32 $0x80, s10  }
.LBB2_85:
0x48c: {  	s11 =	sadd.s32 $0xFFFFFFA0, s10;
	s12 =	sadd.s32 $0xFFFFFFF0, s10;
	v6 =	vadd.s32 s10, v3;
	s9 =	sadd.s32 $0x8, s9;
	[tilespmem:s8+$0x10] =	vst v5  }
0x48d: {  	v5 =	vadd.s32 s11, v3;
	s11 =	sadd.s32 $0xFFFFFFB0, s10;
	v7 =	vadd.s32 s12, v3;
	p0 =	slt.u32 s9, $0x38;
	[tilespmem:s8+$0x30] =	vst v4;
	s8 =	sadd.s32 $0x80, s8;
	v4 =	vmov v6  }
0x48e: {  	s13 =	sadd.s32 $0xFFFFFFE0, s10;
	s12 =	sadd.s32 $0xFFFFFFD0, s10;
	v6 =	vadd.s32 s11, v3;
	s11 =	sadd.s32 $0xFFFFFFC0, s10;
	[tilespmem:s8+$0x20] =	vst v7  }
.Ltmp58:
0x48f: {  	s14 =	sadd.s32 $0xFFFFFF90, s10;
	v8 =	vadd.s32 s12, v3;
	[tilespmem:s8+$0xFFFFFFD0] =	vst v5;
	v7 =	vadd.s32 s11, v3;
	v5 =	vadd.s32 s13, v3;
	(pc) =	sbr.rel @p0 .LBB2_85-.Ltmp58, $4  }
0x490: {  	v9 =	vadd.s32 s14, v3;
	[tilespmem:s8+$0xFFFFFFE0] =	vst v6  }
0x491: {  	[tilespmem:s8+$0xFFFFFFC0] =	vst v9  }
0x492: {  	[tilespmem:s8+$0xFFFFFFF0] =	vst v7  }
0x493: {  	s10 =	sadd.s32 $0x80, s10;
	[tilespmem:s8+$0x0] =	vst v8  }
0x494: {  	[tilespmem:s8+$0x10] =	vst v5;
	s14 =	simm.s32 $0x400;
	p0 =	slt.u32 s7, $0x2000  }
.Ltmp59:
0x495: {  	[tilespmem:s8+$0x30] =	vst v4;
	s9 =	simm.s32 $0x17A00;
	s10 =	simm.s32 $0x15600;
	(pc) =	sbr.rel @p0 .LBB2_111-.Ltmp59, $4  }
0x496: {  	[spmem:s1] =	stream.indirect.scatter.add.f32 [tilespmem:s10], [sflag:$0x3], $0x1, s9, s14, $0xb8;
	[tilespmem:$0x19A80] =	vst v63  }
0x497: {  	_ =	swait.ge [sflag:s30], $0x400  }
0x498: {  	[sflag:s30] =	ssyncset.done $0x0  }
0x499: {  	[sflag:s30] =	ssyncadd.s32 $0xFFFFFC00  }
0x49a: {  	s10 =	sadd.s32 $0x2070, s6  }
0x49b: {  	s9 =	sadd.s32 $0xFFFFFFF0, s10  }
0x49c: {  	s8 =	simm.s32 $0x17A40;
	s11 =	sadd.s32 $0xFFFFFFA0, s10;
	v4 =	vadd.s32 s9, v3  }
0x49d: {  	s13 =	sadd.s32 $0xFFFFFFD0, s10;
	v5 =	vadd.s32 s11, v3;
	[tilespmem:s8+$0x20] =	vst v4  }
0x49e: {  	s14 =	sadd.s32 $0xFFFFFFB0, s10;
	v6 =	vadd.s32 s13, v3;
	[tilespmem:s8+$0xFFFFFFD0] =	vst v5  }
0x49f: {  	s11 =	sadd.s32 $0xFFFFFF90, s10;
	v4 =	vadd.s32 s14, v3;
	[tilespmem:s8+$0x0] =	vst v6  }
0x4a0: {  	s12 =	sadd.s32 $0xFFFFFFC0, s10;
	v5 =	vadd.s32 s11, v3;
	[tilespmem:s8+$0xFFFFFFE0] =	vst v4  }
0x4a1: {  	s14 =	sadd.s32 $0xFFFFFFE0, s10;
	v4 =	vadd.s32 s12, v3;
	[tilespmem:s8+$0xFFFFFFC0] =	vst v5  }
0x4a2: {  	s9 =	simm.s32 $0x0;
	v5 =	vadd.s32 s14, v3;
	[tilespmem:s8+$0xFFFFFFF0] =	vst v4;
	v4 =	vadd.s32 s10, v3;
	s10 =	sadd.s32 $0x80, s10  }
.LBB2_88:
0x4a3: {  	s11 =	sadd.s32 $0xFFFFFFA0, s10;
	s12 =	sadd.s32 $0xFFFFFFF0, s10;
	v6 =	vadd.s32 s10, v3;
	s9 =	sadd.s32 $0x8, s9;
	[tilespmem:s8+$0x10] =	vst v5  }
0x4a4: {  	v5 =	vadd.s32 s11, v3;
	s11 =	sadd.s32 $0xFFFFFFB0, s10;
	v7 =	vadd.s32 s12, v3;
	p0 =	slt.u32 s9, $0x38;
	[tilespmem:s8+$0x30] =	vst v4;
	s8 =	sadd.s32 $0x80, s8;
	v4 =	vmov v6  }
0x4a5: {  	s13 =	sadd.s32 $0xFFFFFFE0, s10;
	s12 =	sadd.s32 $0xFFFFFFD0, s10;
	v6 =	vadd.s32 s11, v3;
	s11 =	sadd.s32 $0xFFFFFFC0, s10;
	[tilespmem:s8+$0x20] =	vst v7  }
.Ltmp60:
0x4a6: {  	s14 =	sadd.s32 $0xFFFFFF90, s10;
	v8 =	vadd.s32 s12, v3;
	[tilespmem:s8+$0xFFFFFFD0] =	vst v5;
	v7 =	vadd.s32 s11, v3;
	v5 =	vadd.s32 s13, v3;
	(pc) =	sbr.rel @p0 .LBB2_88-.Ltmp60, $4  }
0x4a7: {  	v9 =	vadd.s32 s14, v3;
	[tilespmem:s8+$0xFFFFFFE0] =	vst v6  }
0x4a8: {  	[tilespmem:s8+$0xFFFFFFC0] =	vst v9  }
0x4a9: {  	[tilespmem:s8+$0xFFFFFFF0] =	vst v7  }
0x4aa: {  	s10 =	sadd.s32 $0x80, s10;
	[tilespmem:s8+$0x0] =	vst v8  }
0x4ab: {  	[tilespmem:s8+$0x10] =	vst v5;
	s14 =	simm.s32 $0x400;
	p0 =	slt.u32 s7, $0x2400  }
.Ltmp61:
0x4ac: {  	[tilespmem:s8+$0x30] =	vst v4;
	s9 =	simm.s32 $0x17A00;
	s10 =	simm.s32 $0x15A00;
	(pc) =	sbr.rel @p0 .LBB2_111-.Ltmp61, $4  }
0x4ad: {  	[spmem:s1] =	stream.indirect.scatter.add.f32 [tilespmem:s10], [sflag:$0x3], $0x1, s9, s14, $0xb8;
	[tilespmem:$0x19A80] =	vst v63  }
0x4ae: {  	_ =	swait.ge [sflag:s30], $0x400  }
0x4af: {  	[sflag:s30] =	ssyncset.done $0x0  }
0x4b0: {  	[sflag:s30] =	ssyncadd.s32 $0xFFFFFC00  }
0x4b1: {  	s10 =	sadd.s32 $0x2470, s6  }
0x4b2: {  	s9 =	sadd.s32 $0xFFFFFFF0, s10  }
0x4b3: {  	s8 =	simm.s32 $0x17A40;
	s11 =	sadd.s32 $0xFFFFFFA0, s10;
	v4 =	vadd.s32 s9, v3  }
0x4b4: {  	s13 =	sadd.s32 $0xFFFFFFD0, s10;
	v5 =	vadd.s32 s11, v3;
	[tilespmem:s8+$0x20] =	vst v4  }
0x4b5: {  	s14 =	sadd.s32 $0xFFFFFFB0, s10;
	v6 =	vadd.s32 s13, v3;
	[tilespmem:s8+$0xFFFFFFD0] =	vst v5  }
0x4b6: {  	s11 =	sadd.s32 $0xFFFFFF90, s10;
	v4 =	vadd.s32 s14, v3;
	[tilespmem:s8+$0x0] =	vst v6  }
0x4b7: {  	s12 =	sadd.s32 $0xFFFFFFC0, s10;
	v5 =	vadd.s32 s11, v3;
	[tilespmem:s8+$0xFFFFFFE0] =	vst v4  }
0x4b8: {  	s14 =	sadd.s32 $0xFFFFFFE0, s10;
	v4 =	vadd.s32 s12, v3;
	[tilespmem:s8+$0xFFFFFFC0] =	vst v5  }
0x4b9: {  	s9 =	simm.s32 $0x0;
	v5 =	vadd.s32 s14, v3;
	[tilespmem:s8+$0xFFFFFFF0] =	vst v4;
	v4 =	vadd.s32 s10, v3;
	s10 =	sadd.s32 $0x80, s10  }
.LBB2_91:
0x4ba: {  	s11 =	sadd.s32 $0xFFFFFFA0, s10;
	s12 =	sadd.s32 $0xFFFFFFF0, s10;
	v6 =	vadd.s32 s10, v3;
	s9 =	sadd.s32 $0x8, s9;
	[tilespmem:s8+$0x10] =	vst v5  }
0x4bb: {  	v5 =	vadd.s32 s11, v3;
	s11 =	sadd.s32 $0xFFFFFFB0, s10;
	v7 =	vadd.s32 s12, v3;
	p0 =	slt.u32 s9, $0x38;
	[tilespmem:s8+$0x30] =	vst v4;
	s8 =	sadd.s32 $0x80, s8;
	v4 =	vmov v6  }
0x4bc: {  	s13 =	sadd.s32 $0xFFFFFFE0, s10;
	s12 =	sadd.s32 $0xFFFFFFD0, s10;
	v6 =	vadd.s32 s11, v3;
	s11 =	sadd.s32 $0xFFFFFFC0, s10;
	[tilespmem:s8+$0x20] =	vst v7  }
.Ltmp62:
0x4bd: {  	s14 =	sadd.s32 $0xFFFFFF90, s10;
	v8 =	vadd.s32 s12, v3;
	[tilespmem:s8+$0xFFFFFFD0] =	vst v5;
	v7 =	vadd.s32 s11, v3;
	v5 =	vadd.s32 s13, v3;
	(pc) =	sbr.rel @p0 .LBB2_91-.Ltmp62, $4  }
0x4be: {  	v9 =	vadd.s32 s14, v3;
	[tilespmem:s8+$0xFFFFFFE0] =	vst v6  }
0x4bf: {  	[tilespmem:s8+$0xFFFFFFC0] =	vst v9  }
0x4c0: {  	[tilespmem:s8+$0xFFFFFFF0] =	vst v7  }
0x4c1: {  	s10 =	sadd.s32 $0x80, s10;
	[tilespmem:s8+$0x0] =	vst v8  }
0x4c2: {  	[tilespmem:s8+$0x10] =	vst v5;
	s14 =	simm.s32 $0x400;
	p0 =	slt.u32 s7, $0x2800  }
.Ltmp63:
0x4c3: {  	[tilespmem:s8+$0x30] =	vst v4;
	s9 =	simm.s32 $0x17A00;
	s10 =	simm.s32 $0x15E00;
	(pc) =	sbr.rel @p0 .LBB2_111-.Ltmp63, $4  }
0x4c4: {  	[spmem:s1] =	stream.indirect.scatter.add.f32 [tilespmem:s10], [sflag:$0x3], $0x1, s9, s14, $0xb8;
	[tilespmem:$0x19A80] =	vst v63  }
0x4c5: {  	_ =	swait.ge [sflag:s30], $0x400  }
0x4c6: {  	[sflag:s30] =	ssyncset.done $0x0  }
0x4c7: {  	[sflag:s30] =	ssyncadd.s32 $0xFFFFFC00  }
0x4c8: {  	s10 =	sadd.s32 $0x2870, s6  }
0x4c9: {  	s9 =	sadd.s32 $0xFFFFFFF0, s10  }
0x4ca: {  	s8 =	simm.s32 $0x17A40;
	s11 =	sadd.s32 $0xFFFFFFA0, s10;
	v4 =	vadd.s32 s9, v3  }
0x4cb: {  	s13 =	sadd.s32 $0xFFFFFFD0, s10;
	v5 =	vadd.s32 s11, v3;
	[tilespmem:s8+$0x20] =	vst v4  }
0x4cc: {  	s14 =	sadd.s32 $0xFFFFFFB0, s10;
	v6 =	vadd.s32 s13, v3;
	[tilespmem:s8+$0xFFFFFFD0] =	vst v5  }
0x4cd: {  	s11 =	sadd.s32 $0xFFFFFF90, s10;
	v4 =	vadd.s32 s14, v3;
	[tilespmem:s8+$0x0] =	vst v6  }
0x4ce: {  	s12 =	sadd.s32 $0xFFFFFFC0, s10;
	v5 =	vadd.s32 s11, v3;
	[tilespmem:s8+$0xFFFFFFE0] =	vst v4  }
0x4cf: {  	s14 =	sadd.s32 $0xFFFFFFE0, s10;
	v4 =	vadd.s32 s12, v3;
	[tilespmem:s8+$0xFFFFFFC0] =	vst v5  }
0x4d0: {  	s9 =	simm.s32 $0x0;
	v5 =	vadd.s32 s14, v3;
	[tilespmem:s8+$0xFFFFFFF0] =	vst v4;
	v4 =	vadd.s32 s10, v3;
	s10 =	sadd.s32 $0x80, s10  }
.LBB2_94:
0x4d1: {  	s11 =	sadd.s32 $0xFFFFFFA0, s10;
	s12 =	sadd.s32 $0xFFFFFFF0, s10;
	v6 =	vadd.s32 s10, v3;
	s9 =	sadd.s32 $0x8, s9;
	[tilespmem:s8+$0x10] =	vst v5  }
0x4d2: {  	v5 =	vadd.s32 s11, v3;
	s11 =	sadd.s32 $0xFFFFFFB0, s10;
	v7 =	vadd.s32 s12, v3;
	p0 =	slt.u32 s9, $0x38;
	[tilespmem:s8+$0x30] =	vst v4;
	s8 =	sadd.s32 $0x80, s8;
	v4 =	vmov v6  }
0x4d3: {  	s13 =	sadd.s32 $0xFFFFFFE0, s10;
	s12 =	sadd.s32 $0xFFFFFFD0, s10;
	v6 =	vadd.s32 s11, v3;
	s11 =	sadd.s32 $0xFFFFFFC0, s10;
	[tilespmem:s8+$0x20] =	vst v7  }
.Ltmp64:
0x4d4: {  	s14 =	sadd.s32 $0xFFFFFF90, s10;
	v8 =	vadd.s32 s12, v3;
	[tilespmem:s8+$0xFFFFFFD0] =	vst v5;
	v7 =	vadd.s32 s11, v3;
	v5 =	vadd.s32 s13, v3;
	(pc) =	sbr.rel @p0 .LBB2_94-.Ltmp64, $4  }
0x4d5: {  	v9 =	vadd.s32 s14, v3;
	[tilespmem:s8+$0xFFFFFFE0] =	vst v6  }
0x4d6: {  	[tilespmem:s8+$0xFFFFFFC0] =	vst v9  }
0x4d7: {  	[tilespmem:s8+$0xFFFFFFF0] =	vst v7  }
0x4d8: {  	s10 =	sadd.s32 $0x80, s10;
	[tilespmem:s8+$0x0] =	vst v8  }
0x4d9: {  	[tilespmem:s8+$0x10] =	vst v5;
	s14 =	simm.s32 $0x400;
	p0 =	slt.u32 s7, $0x2C00  }
.Ltmp65:
0x4da: {  	[tilespmem:s8+$0x30] =	vst v4;
	s9 =	simm.s32 $0x17A00;
	s10 =	simm.s32 $0x16200;
	(pc) =	sbr.rel @p0 .LBB2_111-.Ltmp65, $4  }
0x4db: {  	[spmem:s1] =	stream.indirect.scatter.add.f32 [tilespmem:s10], [sflag:$0x3], $0x1, s9, s14, $0xb8;
	[tilespmem:$0x19A80] =	vst v63  }
0x4dc: {  	_ =	swait.ge [sflag:s30], $0x400  }
0x4dd: {  	[sflag:s30] =	ssyncset.done $0x0  }
0x4de: {  	[sflag:s30] =	ssyncadd.s32 $0xFFFFFC00  }
0x4df: {  	s10 =	sadd.s32 $0x2C70, s6  }
0x4e0: {  	s9 =	sadd.s32 $0xFFFFFFF0, s10  }
0x4e1: {  	s8 =	simm.s32 $0x17A40;
	s11 =	sadd.s32 $0xFFFFFFA0, s10;
	v4 =	vadd.s32 s9, v3  }
0x4e2: {  	s13 =	sadd.s32 $0xFFFFFFD0, s10;
	v5 =	vadd.s32 s11, v3;
	[tilespmem:s8+$0x20] =	vst v4  }
0x4e3: {  	s14 =	sadd.s32 $0xFFFFFFB0, s10;
	v6 =	vadd.s32 s13, v3;
	[tilespmem:s8+$0xFFFFFFD0] =	vst v5  }
0x4e4: {  	s11 =	sadd.s32 $0xFFFFFF90, s10;
	v4 =	vadd.s32 s14, v3;
	[tilespmem:s8+$0x0] =	vst v6  }
0x4e5: {  	s12 =	sadd.s32 $0xFFFFFFC0, s10;
	v5 =	vadd.s32 s11, v3;
	[tilespmem:s8+$0xFFFFFFE0] =	vst v4  }
0x4e6: {  	s14 =	sadd.s32 $0xFFFFFFE0, s10;
	v4 =	vadd.s32 s12, v3;
	[tilespmem:s8+$0xFFFFFFC0] =	vst v5  }
0x4e7: {  	s9 =	simm.s32 $0x0;
	v5 =	vadd.s32 s14, v3;
	[tilespmem:s8+$0xFFFFFFF0] =	vst v4;
	v4 =	vadd.s32 s10, v3;
	s10 =	sadd.s32 $0x80, s10  }
.LBB2_97:
0x4e8: {  	s11 =	sadd.s32 $0xFFFFFFA0, s10;
	s12 =	sadd.s32 $0xFFFFFFF0, s10;
	v6 =	vadd.s32 s10, v3;
	s9 =	sadd.s32 $0x8, s9;
	[tilespmem:s8+$0x10] =	vst v5  }
0x4e9: {  	v5 =	vadd.s32 s11, v3;
	s11 =	sadd.s32 $0xFFFFFFB0, s10;
	v7 =	vadd.s32 s12, v3;
	p0 =	slt.u32 s9, $0x38;
	[tilespmem:s8+$0x30] =	vst v4;
	s8 =	sadd.s32 $0x80, s8;
	v4 =	vmov v6  }
0x4ea: {  	s13 =	sadd.s32 $0xFFFFFFE0, s10;
	s12 =	sadd.s32 $0xFFFFFFD0, s10;
	v6 =	vadd.s32 s11, v3;
	s11 =	sadd.s32 $0xFFFFFFC0, s10;
	[tilespmem:s8+$0x20] =	vst v7  }
.Ltmp66:
0x4eb: {  	s14 =	sadd.s32 $0xFFFFFF90, s10;
	v8 =	vadd.s32 s12, v3;
	[tilespmem:s8+$0xFFFFFFD0] =	vst v5;
	v7 =	vadd.s32 s11, v3;
	v5 =	vadd.s32 s13, v3;
	(pc) =	sbr.rel @p0 .LBB2_97-.Ltmp66, $4  }
0x4ec: {  	v9 =	vadd.s32 s14, v3;
	[tilespmem:s8+$0xFFFFFFE0] =	vst v6  }
0x4ed: {  	[tilespmem:s8+$0xFFFFFFC0] =	vst v9  }
0x4ee: {  	[tilespmem:s8+$0xFFFFFFF0] =	vst v7  }
0x4ef: {  	s10 =	sadd.s32 $0x80, s10;
	[tilespmem:s8+$0x0] =	vst v8  }
0x4f0: {  	[tilespmem:s8+$0x10] =	vst v5;
	s14 =	simm.s32 $0x400;
	p0 =	slt.u32 s7, $0x3000  }
.Ltmp67:
0x4f1: {  	[tilespmem:s8+$0x30] =	vst v4;
	s9 =	simm.s32 $0x17A00;
	s10 =	simm.s32 $0x16600;
	(pc) =	sbr.rel @p0 .LBB2_111-.Ltmp67, $4  }
0x4f2: {  	[spmem:s1] =	stream.indirect.scatter.add.f32 [tilespmem:s10], [sflag:$0x3], $0x1, s9, s14, $0xb8;
	[tilespmem:$0x19A80] =	vst v63  }
0x4f3: {  	_ =	swait.ge [sflag:s30], $0x400  }
0x4f4: {  	[sflag:s30] =	ssyncset.done $0x0  }
0x4f5: {  	[sflag:s30] =	ssyncadd.s32 $0xFFFFFC00  }
0x4f6: {  	s10 =	sadd.s32 $0x3070, s6  }
0x4f7: {  	s9 =	sadd.s32 $0xFFFFFFF0, s10  }
0x4f8: {  	s8 =	simm.s32 $0x17A40;
	s11 =	sadd.s32 $0xFFFFFFA0, s10;
	v4 =	vadd.s32 s9, v3  }
0x4f9: {  	s13 =	sadd.s32 $0xFFFFFFD0, s10;
	v5 =	vadd.s32 s11, v3;
	[tilespmem:s8+$0x20] =	vst v4  }
0x4fa: {  	s14 =	sadd.s32 $0xFFFFFFB0, s10;
	v6 =	vadd.s32 s13, v3;
	[tilespmem:s8+$0xFFFFFFD0] =	vst v5  }
0x4fb: {  	s11 =	sadd.s32 $0xFFFFFF90, s10;
	v4 =	vadd.s32 s14, v3;
	[tilespmem:s8+$0x0] =	vst v6  }
0x4fc: {  	s12 =	sadd.s32 $0xFFFFFFC0, s10;
	v5 =	vadd.s32 s11, v3;
	[tilespmem:s8+$0xFFFFFFE0] =	vst v4  }
0x4fd: {  	s14 =	sadd.s32 $0xFFFFFFE0, s10;
	v4 =	vadd.s32 s12, v3;
	[tilespmem:s8+$0xFFFFFFC0] =	vst v5  }
0x4fe: {  	s9 =	simm.s32 $0x0;
	v5 =	vadd.s32 s14, v3;
	[tilespmem:s8+$0xFFFFFFF0] =	vst v4;
	v4 =	vadd.s32 s10, v3;
	s10 =	sadd.s32 $0x80, s10  }
.LBB2_100:
0x4ff: {  	s11 =	sadd.s32 $0xFFFFFFA0, s10;
	s12 =	sadd.s32 $0xFFFFFFF0, s10;
	v6 =	vadd.s32 s10, v3;
	s9 =	sadd.s32 $0x8, s9;
	[tilespmem:s8+$0x10] =	vst v5  }
0x500: {  	v5 =	vadd.s32 s11, v3;
	s11 =	sadd.s32 $0xFFFFFFB0, s10;
	v7 =	vadd.s32 s12, v3;
	p0 =	slt.u32 s9, $0x38;
	[tilespmem:s8+$0x30] =	vst v4;
	s8 =	sadd.s32 $0x80, s8;
	v4 =	vmov v6  }
0x501: {  	s13 =	sadd.s32 $0xFFFFFFE0, s10;
	s12 =	sadd.s32 $0xFFFFFFD0, s10;
	v6 =	vadd.s32 s11, v3;
	s11 =	sadd.s32 $0xFFFFFFC0, s10;
	[tilespmem:s8+$0x20] =	vst v7  }
.Ltmp68:
0x502: {  	s14 =	sadd.s32 $0xFFFFFF90, s10;
	v8 =	vadd.s32 s12, v3;
	[tilespmem:s8+$0xFFFFFFD0] =	vst v5;
	v7 =	vadd.s32 s11, v3;
	v5 =	vadd.s32 s13, v3;
	(pc) =	sbr.rel @p0 .LBB2_100-.Ltmp68, $4  }
0x503: {  	v9 =	vadd.s32 s14, v3;
	[tilespmem:s8+$0xFFFFFFE0] =	vst v6  }
0x504: {  	[tilespmem:s8+$0xFFFFFFC0] =	vst v9  }
0x505: {  	[tilespmem:s8+$0xFFFFFFF0] =	vst v7  }
0x506: {  	s10 =	sadd.s32 $0x80, s10;
	[tilespmem:s8+$0x0] =	vst v8  }
0x507: {  	[tilespmem:s8+$0x10] =	vst v5;
	s14 =	simm.s32 $0x400;
	p0 =	slt.u32 s7, $0x3400  }
.Ltmp69:
0x508: {  	[tilespmem:s8+$0x30] =	vst v4;
	s9 =	simm.s32 $0x17A00;
	s10 =	simm.s32 $0x16A00;
	(pc) =	sbr.rel @p0 .LBB2_111-.Ltmp69, $4  }
0x509: {  	[spmem:s1] =	stream.indirect.scatter.add.f32 [tilespmem:s10], [sflag:$0x3], $0x1, s9, s14, $0xb8;
	[tilespmem:$0x19A80] =	vst v63  }
0x50a: {  	_ =	swait.ge [sflag:s30], $0x400  }
0x50b: {  	[sflag:s30] =	ssyncset.done $0x0  }
0x50c: {  	[sflag:s30] =	ssyncadd.s32 $0xFFFFFC00  }
0x50d: {  	s10 =	sadd.s32 $0x3470, s6  }
0x50e: {  	s9 =	sadd.s32 $0xFFFFFFF0, s10  }
0x50f: {  	s8 =	simm.s32 $0x17A40;
	s11 =	sadd.s32 $0xFFFFFFA0, s10;
	v4 =	vadd.s32 s9, v3  }
0x510: {  	s13 =	sadd.s32 $0xFFFFFFD0, s10;
	v5 =	vadd.s32 s11, v3;
	[tilespmem:s8+$0x20] =	vst v4  }
0x511: {  	s14 =	sadd.s32 $0xFFFFFFB0, s10;
	v6 =	vadd.s32 s13, v3;
	[tilespmem:s8+$0xFFFFFFD0] =	vst v5  }
0x512: {  	s11 =	sadd.s32 $0xFFFFFF90, s10;
	v4 =	vadd.s32 s14, v3;
	[tilespmem:s8+$0x0] =	vst v6  }
0x513: {  	s12 =	sadd.s32 $0xFFFFFFC0, s10;
	v5 =	vadd.s32 s11, v3;
	[tilespmem:s8+$0xFFFFFFE0] =	vst v4  }
0x514: {  	s14 =	sadd.s32 $0xFFFFFFE0, s10;
	v4 =	vadd.s32 s12, v3;
	[tilespmem:s8+$0xFFFFFFC0] =	vst v5  }
0x515: {  	s9 =	simm.s32 $0x0;
	v5 =	vadd.s32 s14, v3;
	[tilespmem:s8+$0xFFFFFFF0] =	vst v4;
	v4 =	vadd.s32 s10, v3;
	s10 =	sadd.s32 $0x80, s10  }
.LBB2_103:
0x516: {  	s11 =	sadd.s32 $0xFFFFFFA0, s10;
	s12 =	sadd.s32 $0xFFFFFFF0, s10;
	v6 =	vadd.s32 s10, v3;
	s9 =	sadd.s32 $0x8, s9;
	[tilespmem:s8+$0x10] =	vst v5  }
0x517: {  	v5 =	vadd.s32 s11, v3;
	s11 =	sadd.s32 $0xFFFFFFB0, s10;
	v7 =	vadd.s32 s12, v3;
	p0 =	slt.u32 s9, $0x38;
	[tilespmem:s8+$0x30] =	vst v4;
	s8 =	sadd.s32 $0x80, s8;
	v4 =	vmov v6  }
0x518: {  	s13 =	sadd.s32 $0xFFFFFFE0, s10;
	s12 =	sadd.s32 $0xFFFFFFD0, s10;
	v6 =	vadd.s32 s11, v3;
	s11 =	sadd.s32 $0xFFFFFFC0, s10;
	[tilespmem:s8+$0x20] =	vst v7  }
.Ltmp70:
0x519: {  	s14 =	sadd.s32 $0xFFFFFF90, s10;
	v8 =	vadd.s32 s12, v3;
	[tilespmem:s8+$0xFFFFFFD0] =	vst v5;
	v7 =	vadd.s32 s11, v3;
	v5 =	vadd.s32 s13, v3;
	(pc) =	sbr.rel @p0 .LBB2_103-.Ltmp70, $4  }
0x51a: {  	v9 =	vadd.s32 s14, v3;
	[tilespmem:s8+$0xFFFFFFE0] =	vst v6  }
0x51b: {  	[tilespmem:s8+$0xFFFFFFC0] =	vst v9  }
0x51c: {  	[tilespmem:s8+$0xFFFFFFF0] =	vst v7  }
0x51d: {  	s10 =	sadd.s32 $0x80, s10;
	[tilespmem:s8+$0x0] =	vst v8  }
0x51e: {  	[tilespmem:s8+$0x10] =	vst v5;
	s14 =	simm.s32 $0x400;
	p0 =	slt.u32 s7, $0x3800  }
.Ltmp71:
0x51f: {  	[tilespmem:s8+$0x30] =	vst v4;
	s9 =	simm.s32 $0x17A00;
	s10 =	simm.s32 $0x16E00;
	(pc) =	sbr.rel @p0 .LBB2_111-.Ltmp71, $4  }
0x520: {  	[spmem:s1] =	stream.indirect.scatter.add.f32 [tilespmem:s10], [sflag:$0x3], $0x1, s9, s14, $0xb8;
	[tilespmem:$0x19A80] =	vst v63  }
0x521: {  	_ =	swait.ge [sflag:s30], $0x400  }
0x522: {  	[sflag:s30] =	ssyncset.done $0x0  }
0x523: {  	[sflag:s30] =	ssyncadd.s32 $0xFFFFFC00  }
0x524: {  	s10 =	sadd.s32 $0x3870, s6  }
0x525: {  	s9 =	sadd.s32 $0xFFFFFFF0, s10  }
0x526: {  	s8 =	simm.s32 $0x17A40;
	s11 =	sadd.s32 $0xFFFFFFA0, s10;
	v4 =	vadd.s32 s9, v3  }
0x527: {  	s13 =	sadd.s32 $0xFFFFFFD0, s10;
	v5 =	vadd.s32 s11, v3;
	[tilespmem:s8+$0x20] =	vst v4  }
0x528: {  	s14 =	sadd.s32 $0xFFFFFFB0, s10;
	v6 =	vadd.s32 s13, v3;
	[tilespmem:s8+$0xFFFFFFD0] =	vst v5  }
0x529: {  	s11 =	sadd.s32 $0xFFFFFF90, s10;
	v4 =	vadd.s32 s14, v3;
	[tilespmem:s8+$0x0] =	vst v6  }
0x52a: {  	s12 =	sadd.s32 $0xFFFFFFC0, s10;
	v5 =	vadd.s32 s11, v3;
	[tilespmem:s8+$0xFFFFFFE0] =	vst v4  }
0x52b: {  	s14 =	sadd.s32 $0xFFFFFFE0, s10;
	v4 =	vadd.s32 s12, v3;
	[tilespmem:s8+$0xFFFFFFC0] =	vst v5  }
0x52c: {  	s9 =	simm.s32 $0x0;
	v5 =	vadd.s32 s14, v3;
	[tilespmem:s8+$0xFFFFFFF0] =	vst v4;
	v4 =	vadd.s32 s10, v3;
	s10 =	sadd.s32 $0x80, s10  }
.LBB2_106:
0x52d: {  	s11 =	sadd.s32 $0xFFFFFFA0, s10;
	s12 =	sadd.s32 $0xFFFFFFF0, s10;
	v6 =	vadd.s32 s10, v3;
	s9 =	sadd.s32 $0x8, s9;
	[tilespmem:s8+$0x10] =	vst v5  }
0x52e: {  	v5 =	vadd.s32 s11, v3;
	s11 =	sadd.s32 $0xFFFFFFB0, s10;
	v7 =	vadd.s32 s12, v3;
	p0 =	slt.u32 s9, $0x38;
	[tilespmem:s8+$0x30] =	vst v4;
	s8 =	sadd.s32 $0x80, s8;
	v4 =	vmov v6  }
0x52f: {  	s13 =	sadd.s32 $0xFFFFFFE0, s10;
	s12 =	sadd.s32 $0xFFFFFFD0, s10;
	v6 =	vadd.s32 s11, v3;
	s11 =	sadd.s32 $0xFFFFFFC0, s10;
	[tilespmem:s8+$0x20] =	vst v7  }
.Ltmp72:
0x530: {  	s14 =	sadd.s32 $0xFFFFFF90, s10;
	v8 =	vadd.s32 s12, v3;
	[tilespmem:s8+$0xFFFFFFD0] =	vst v5;
	v7 =	vadd.s32 s11, v3;
	v5 =	vadd.s32 s13, v3;
	(pc) =	sbr.rel @p0 .LBB2_106-.Ltmp72, $4  }
0x531: {  	v9 =	vadd.s32 s14, v3;
	[tilespmem:s8+$0xFFFFFFE0] =	vst v6  }
0x532: {  	[tilespmem:s8+$0xFFFFFFC0] =	vst v9  }
0x533: {  	[tilespmem:s8+$0xFFFFFFF0] =	vst v7  }
0x534: {  	s10 =	sadd.s32 $0x80, s10;
	[tilespmem:s8+$0x0] =	vst v8  }
0x535: {  	[tilespmem:s8+$0x10] =	vst v5;
	s14 =	simm.s32 $0x400;
	p0 =	slt.u32 s7, $0x3C00  }
.Ltmp73:
0x536: {  	[tilespmem:s8+$0x30] =	vst v4;
	s9 =	simm.s32 $0x17A00;
	s10 =	simm.s32 $0x17200;
	(pc) =	sbr.rel @p0 .LBB2_111-.Ltmp73, $4  }
0x537: {  	[spmem:s1] =	stream.indirect.scatter.add.f32 [tilespmem:s10], [sflag:$0x3], $0x1, s9, s14, $0xb8;
	[tilespmem:$0x19A80] =	vst v63  }
0x538: {  	_ =	swait.ge [sflag:s30], $0x400  }
0x539: {  	[sflag:s30] =	ssyncset.done $0x0  }
0x53a: {  	[sflag:s30] =	ssyncadd.s32 $0xFFFFFC00  }
0x53b: {  	s8 =	sadd.s32 $0x3C70, s6  }
0x53c: {  	s7 =	sadd.s32 $0xFFFFFFF0, s8  }
0x53d: {  	s6 =	simm.s32 $0x17A40;
	s9 =	sadd.s32 $0xFFFFFFA0, s8;
	v4 =	vadd.s32 s7, v3  }
0x53e: {  	s13 =	sadd.s32 $0xFFFFFFD0, s8;
	v5 =	vadd.s32 s9, v3;
	[tilespmem:s6+$0x20] =	vst v4  }
0x53f: {  	s10 =	sadd.s32 $0xFFFFFFB0, s8;
	v6 =	vadd.s32 s13, v3;
	[tilespmem:s6+$0xFFFFFFD0] =	vst v5  }
0x540: {  	s11 =	sadd.s32 $0xFFFFFF90, s8;
	v4 =	vadd.s32 s10, v3;
	[tilespmem:s6+$0x0] =	vst v6  }
0x541: {  	s12 =	sadd.s32 $0xFFFFFFC0, s8;
	v5 =	vadd.s32 s11, v3;
	[tilespmem:s6+$0xFFFFFFE0] =	vst v4  }
0x542: {  	s14 =	sadd.s32 $0xFFFFFFE0, s8;
	v4 =	vadd.s32 s12, v3;
	[tilespmem:s6+$0xFFFFFFC0] =	vst v5  }
0x543: {  	s7 =	simm.s32 $0x0;
	v5 =	vadd.s32 s14, v3;
	[tilespmem:s6+$0xFFFFFFF0] =	vst v4;
	v4 =	vadd.s32 s8, v3;
	s8 =	sadd.s32 $0x80, s8  }
.LBB2_109:
0x544: {  	s9 =	sadd.s32 $0xFFFFFFA0, s8;
	s10 =	sadd.s32 $0xFFFFFFF0, s8;
	v6 =	vadd.s32 s8, v3;
	s7 =	sadd.s32 $0x8, s7;
	[tilespmem:s6+$0x10] =	vst v5  }
0x545: {  	v5 =	vadd.s32 s9, v3;
	s9 =	sadd.s32 $0xFFFFFFB0, s8;
	v7 =	vadd.s32 s10, v3;
	p0 =	slt.u32 s7, $0x38;
	[tilespmem:s6+$0x30] =	vst v4;
	s6 =	sadd.s32 $0x80, s6;
	v4 =	vmov v6  }
0x546: {  	s11 =	sadd.s32 $0xFFFFFFE0, s8;
	s10 =	sadd.s32 $0xFFFFFFD0, s8;
	v6 =	vadd.s32 s9, v3;
	s9 =	sadd.s32 $0xFFFFFFC0, s8;
	[tilespmem:s6+$0x20] =	vst v7  }
.Ltmp74:
0x547: {  	s12 =	sadd.s32 $0xFFFFFF90, s8;
	v8 =	vadd.s32 s10, v3;
	[tilespmem:s6+$0xFFFFFFD0] =	vst v5;
	v7 =	vadd.s32 s9, v3;
	v5 =	vadd.s32 s11, v3;
	(pc) =	sbr.rel @p0 .LBB2_109-.Ltmp74, $4  }
0x548: {  	v9 =	vadd.s32 s12, v3;
	[tilespmem:s6+$0xFFFFFFE0] =	vst v6  }
0x549: {  	[tilespmem:s6+$0xFFFFFFC0] =	vst v9  }
0x54a: {  	[tilespmem:s6+$0xFFFFFFF0] =	vst v7  }
0x54b: {  	s8 =	sadd.s32 $0x80, s8;
	[tilespmem:s6+$0x0] =	vst v8  }
.Ltmp75:
0x54c: {  	_ = 	snop;
	(pc) =	sbr.rel .LBB2_110-.Ltmp75, $1  }
0x54d: {  	_ =	sdelay $0x3  }
.LBB2_112:
0x54e: {  	_ =	sfence.sel $0x180000  }
0x54f: {  	[bflag:$0x0] =	sbarrier.arrive $0xFFFF  }
0x550: {  	_ =	strace $0x90000047  }
0x551: {  	s0 =	stileid.u32;
	[bflag:$0x2] =	sbarrier.arrive $0xFFFF  }
0x552: {  	p0 =	sne.s32 s0, $0x0;
	s0 =	rddreg [dreg:$0x4]  }
0x553: {  	s0 =	sadd.s32 @!p0 $0x100000, s0  }
0x554: {  	[sflag:s0] =	ssyncadd.tile.s32 @!p0 $0x1;
	_ =	shalt  }
.Lfunc_end2:
_tile_overlayer_lowered:
.L_overlay_start_2:
0x555: {  	(tag) =	ssettag $0x2  }
0x556: {  	s0 =	rddreg [dreg:$0x0];
	s2 =	stileid.u32  }
0x557: {  	s1 =	rddreg [dreg:$0x1];
	p0 =	sne.s32 s2, $0x0  }
0x558: {  	s3 =	rddreg [dreg:$0x2];
	[bflag:$0x3] =	sbarrier.arrive $0xFFFF;
	s2 =	simm.s32 @!p0 $0x1C03  }
0x559: {  	[timem:s3], [sflag:s2] =	dma.local @!p0 [hbm:s0], s1  }
0x55a: {  	s0 =	simm.s32 @!p0 $0x3  }
0x55b: {  	_ =	swait.ge @!p0 [sflag:s0], s1  }
0x55c: {  	s1 =	ssub.s32 @!p0 $0x0, s1;
	[sflag:s0] =	ssyncset.done @!p0 $0x0  }
0x55d: {  	[sflag:s0] =	ssyncadd.s32 @!p0 s1  }
0x55e: {  	[bflag:$0x3] =	sbarrier.arrive $0xFFFF  }
0x55f: {  	_ =	shalt  }

</sc_bundles>
